<compile_context>
chip_gen: v7x
topology: tpu7x:2x2x1
jax: 0.10.2.dev20260603
libtpu: 0.0.44.dev20260713+nightly
codegen_flags: <defaults>
</compile_context>

<pallas_src>
import functools

import jax
import jax.numpy as jnp
from jax import lax
from jax.experimental import pallas as pl
from jax.experimental.pallas import tpu as pltpu
from jax.experimental.pallas import tpu_sc as plsc

N = 10000
E = 320000
D = 128
NC = 2
NS = 16
NW = NC * NS
K = 80
NB = E // (NW * K)
CB = 5
CHUNK = CB * K
NCH = NB // CB
ZR = 624


def _sc_body(x_hbm, src_hbm, dst_hbm, w_hbm, out_hbm,
             srcs, dsts, ws, rowsb, rows, acc, sg, ss, si):
    cid = lax.axis_index("c")
    sid = lax.axis_index("s")
    wid = cid * NS + sid
    ebase = wid * (NB * K)

    zv = jnp.zeros((16,), jnp.float32)

    @plsc.parallel_loop(0, K)
    def _(i):
        for jj in range(D // 16):
            rows[0, i, pl.ds(jj * 16, 16)] = zv

    zb = sid * 625
    for q in range(625 // K):
        pltpu.sync_copy(rows.at[0], acc.at[pl.ds(zb + q * K, K)])
    if 625 % K:
        pltpu.sync_copy(rows.at[0, pl.ds(0, 625 % K)],
                        acc.at[pl.ds(zb + (625 // K) * K, 625 % K)])

    def start_chunk(c):
        s = lax.rem(c, 2)
        eb = ebase + c * CHUNK
        pltpu.async_copy(src_hbm.at[pl.ds(eb, CHUNK)],
                         srcs.at[pl.ds(s * CHUNK, CHUNK)], si)
        pltpu.async_copy(dst_hbm.at[pl.ds(eb, CHUNK)],
                         dsts.at[pl.ds(s * CHUNK, CHUNK)], si)
        pltpu.async_copy(w_hbm.at[pl.ds(eb, CHUNK)],
                         ws.at[pl.ds(s * CHUNK, CHUNK)], si)

    def wait_chunk(s):
        pltpu.make_async_copy(src_hbm.at[pl.ds(0, CHUNK)],
                              srcs.at[pl.ds(s * CHUNK, CHUNK)], si).wait()
        pltpu.make_async_copy(dst_hbm.at[pl.ds(0, CHUNK)],
                              dsts.at[pl.ds(s * CHUNK, CHUNK)], si).wait()
        pltpu.make_async_copy(w_hbm.at[pl.ds(0, CHUNK)],
                              ws.at[pl.ds(s * CHUNK, CHUNK)], si).wait()

    def start_gather(s, jc, b):
        pltpu.async_copy(x_hbm.at[srcs.at[pl.ds(s * CHUNK + jc * K, K)]],
                         rowsb.at[b], sg.at[b])

    def wait_gather(b):
        pltpu.make_async_copy(x_hbm.at[pl.ds(0, K)], rowsb.at[b],
                              sg.at[b]).wait()

    def start_scatter(s, jc, b2):
        pltpu.async_copy(rows.at[b2],
                         acc.at[dsts.at[pl.ds(s * CHUNK + jc * K, K)]],
                         ss.at[b2], add=True)

    def wait_scatter(b2):
        pltpu.make_async_copy(rows.at[b2], acc.at[pl.ds(0, K)],
                              ss.at[b2]).wait()

    def multiply(s, jc, b, b2):
        def splat(w16, e):
            return lax.gather(
                w16,
                jnp.full((16, 1), e, jnp.int32),
                lax.GatherDimensionNumbers(
                    offset_dims=(), collapsed_slice_dims=(0,),
                    start_index_map=(0,)),
                slice_sizes=(1,),
                mode=lax.GatherScatterMode.PROMISE_IN_BOUNDS,
            )

        def load_pair(g, p):
            r0 = g * 16 + 2 * p
            va = [rowsb[b, r0, pl.ds(jj * 16, 16)] for jj in range(D // 32)]
            vb = [rowsb[b, r0 + 1, pl.ds(jj * 16, 16)]
                  for jj in range(D // 32)]
            return va, vb

        def cvt(x):
            lo = lax.bitcast_convert_type(lax.shift_left(x, 16),
                                          jnp.float32)
            hi = lax.bitcast_convert_type(jnp.bitwise_and(x, jnp.int32(-65536)),
                                          jnp.float32)
            return lo, hi

        def mul_pair(w16, p, va, vb):
            wb0 = splat(w16, 2 * p)
            wb1 = splat(w16, 2 * p + 1)
            ua = [cvt(x) for x in va]
            ub = [cvt(x) for x in vb]
            pa = [(lo * wb0, hi * wb0) for (lo, hi) in ua]
            pb = [(lo * wb1, hi * wb1) for (lo, hi) in ub]
            return pa, pb

        def store_pair(g, p, pa, pb):
            r0 = g * 16 + 2 * p
            for jj in range(D // 32):
                rows[b2, r0, pl.ds(jj * 32, 16)] = pa[jj][0]
                rows[b2, r0, pl.ds(jj * 32 + 16, 16)] = pa[jj][1]
            for jj in range(D // 32):
                rows[b2, r0 + 1, pl.ds(jj * 32, 16)] = pb[jj][0]
                rows[b2, r0 + 1, pl.ds(jj * 32 + 16, 16)] = pb[jj][1]

        @plsc.parallel_loop(0, K // 16, unroll=2)
        def _(g):
            w16 = ws[pl.ds(s * CHUNK + jc * K + g * 16, 16)]
            va, vb = load_pair(g, 0)
            pa, pb = mul_pair(w16, 0, va, vb)
            for p in range(1, 8):
                va, vb = load_pair(g, p)
                store_pair(g, p - 1, pa, pb)
                pa, pb = mul_pair(w16, p, va, vb)
            store_pair(g, 7, pa, pb)

    start_chunk(0)
    plsc.subcore_barrier()
    wait_chunk(0)
    start_gather(0, 0, 0)
    start_gather(0, 1, 1)

    def batch_body(j, _):
        b = lax.rem(j, 3)
        b2 = lax.rem(j, 2)
        c = lax.div(j, CB)
        jc = j - c * CB
        s = lax.rem(c, 2)
        wait_gather(b)
        multiply(s, jc, b, b2)

        @pl.when(j > 0)
        def _():
            wait_scatter(lax.rem(j + 1, 2))

        @pl.when((jc == 1) & (c + 1 < NCH))
        def _():
            start_chunk(c + 1)

        @pl.when(j + 2 < NB)
        def _():
            j2 = j + 2
            c2 = lax.div(j2, CB)
            jc2 = j2 - c2 * CB

            @pl.when((jc2 == 0) & (c2 >= 1))
            def _():
                wait_chunk(lax.rem(c2, 2))

            start_gather(lax.rem(c2, 2), jc2, lax.rem(j2, 3))

        start_scatter(s, jc, b2)
        return 0

    lax.fori_loop(0, NB, batch_body, 0)
    wait_scatter(lax.rem(NB - 1, 2))
    plsc.subcore_barrier()

    @pl.when(sid < NS - 1)
    def _():
        pltpu.sync_copy(acc.at[pl.ds(sid * ZR, ZR)],
                        out_hbm.at[cid, pl.ds(sid * ZR, ZR)])

    @pl.when(sid == NS - 1)
    def _():
        pltpu.sync_copy(acc.at[pl.ds((NS - 1) * ZR, N - (NS - 1) * ZR)],
                        out_hbm.at[cid, pl.ds((NS - 1) * ZR, N - (NS - 1) * ZR)])


_sc_aggregate = pl.kernel(
    _sc_body,
    out_type=jax.ShapeDtypeStruct((NC, N, D), jnp.float32),
    mesh=plsc.VectorSubcoreMesh(core_axis_name="c", subcore_axis_name="s"),
    compiler_params=pltpu.CompilerParams(use_tc_tiling_on_sc=False),
    scratch_types=[
        pltpu.VMEM((2 * CHUNK,), jnp.int32),
        pltpu.VMEM((2 * CHUNK,), jnp.int32),
        pltpu.VMEM((2 * CHUNK,), jnp.float32),
        pltpu.VMEM((3, K, D // 2), jnp.int32),
        pltpu.VMEM((2, K, D), jnp.float32),
        pltpu.VMEM_SHARED((N, D), jnp.float32),
        pltpu.SemaphoreType.DMA((3,)),
        pltpu.SemaphoreType.DMA((2,)),
        pltpu.SemaphoreType.DMA,
    ],
)


def _mm_body(pa_ref, pb_ref, w_ref, b_ref, o_ref):
    acc = pa_ref[...] + pb_ref[...]
    o_ref[...] = (
        jnp.dot(acc, w_ref[...], preferred_element_type=jnp.float32)
        + b_ref[...]
    )


_BM = 1000


def _tc_matmul(parts, weights, bias2d):
    return pl.pallas_call(
        _mm_body,
        out_shape=jax.ShapeDtypeStruct((N, D), jnp.float32),
        grid=(N // _BM,),
        in_specs=[
            pl.BlockSpec((_BM, D), lambda i: (i, 0)),
            pl.BlockSpec((_BM, D), lambda i: (i, 0)),
            pl.BlockSpec((D, D), lambda i: (0, 0)),
            pl.BlockSpec((1, D), lambda i: (0, 0)),
        ],
        out_specs=pl.BlockSpec((_BM, D), lambda i: (i, 0)),
    )(parts[0], parts[1], weights, bias2d)


def kernel(feature_map, edge_index, edge_weight, weights, bias):
    src = edge_index[0].astype(jnp.int32)
    dst = edge_index[1].astype(jnp.int32)
    xp = (feature_map.reshape(N, D // 32, 2, 16).swapaxes(2, 3)
          .reshape(N, D).astype(jnp.bfloat16))
    xi = lax.bitcast_convert_type(xp.reshape(N, D // 2, 2), jnp.int32)
    parts = _sc_aggregate(xi, src, dst, edge_weight)
    return _tc_matmul(parts, weights, bias.reshape(1, D))

# --- scband reference (transcript-rebuilt; emitter-appended) ---
"""Pipeline reference for scband-graph-block-39926015983819 (READ-ONLY COPY).

The authoritative reference and input builder live on the scoring server;
editing this copy changes nothing except your own understanding.
"""

import jax, jax.numpy as jnp
import numpy as np

N_NODES = 10000
N_EDGES = 320000
D_IN = 128
D_OUT = 128

def setup_inputs(seed: int = 0) -> dict:
    key = jax.random.key(seed)
    k1, k2, k3, k4, k5 = jax.random.split(key, 5)
    feature_map = jax.random.normal(k1, (N_NODES, D_IN), dtype=jnp.float32)
    edge_index = jax.random.randint(k2, (2, N_EDGES), 0, N_NODES, dtype=jnp.int64)
    edge_weight = jax.random.uniform(k3, (N_EDGES,), dtype=jnp.float32)
    stdv = 1.0 / np.sqrt(D_OUT)
    weights = jax.random.uniform(k4, (D_IN, D_OUT), dtype=jnp.float32, minval=-stdv, maxval=stdv)
    bias = jax.random.uniform(k5, (D_OUT,), dtype=jnp.float32, minval=-stdv, maxval=stdv)
    return {"feature_map": feature_map, "edge_index": edge_index, "edge_weight": edge_weight, "weights": weights, "bias": bias}

def reference(feature_map, edge_index, edge_weight, weights, bias):
    # new_feature_map = feature_map @ W
    h = jnp.dot(feature_map, weights)
    # spmm(adjacency, h): gather source rows, scale by edge weight, scatter-add to dst
    src = edge_index[0]
    dst = edge_index[1]
    msgs = jnp.take(h, src, axis=0) * edge_weight[:, None]
    out = jax.ops.segment_sum(msgs, dst, num_segments=N_NODES)
    out = out + bias
    return out

if __name__ == "__main__":
    import jax
    _d = setup_inputs()
    print(jax.jit(kernel)(*tuple(_d.values())))

</pallas_src>

<mosaic_0001>
#map = affine_map<(d0, d1) -> (0, 0)>
#map1 = affine_map<(d0, d1) -> (0)>
#map2 = affine_map<(d0, d1) -> (0, 0, 0)>
module attributes {stable_mosaic.version = 14 : i64} {
  func.func @_sc_body(%arg0: i32, %arg1: i32, %arg2: memref<10000x64xi32, #tpu.memory_space<hbm>>, %arg3: memref<320000xi32, #tpu.memory_space<hbm>>, %arg4: memref<320000xi32, #tpu.memory_space<hbm>>, %arg5: memref<320000xf32, #tpu.memory_space<hbm>>, %arg6: memref<2x10000x128xf32, #tpu.memory_space<hbm>>, %arg7: memref<800xi32, #tpu.memory_space<vmem>>, %arg8: memref<800xi32, #tpu.memory_space<vmem>>, %arg9: memref<800xf32, #tpu.memory_space<vmem>>, %arg10: memref<3x80x64xi32, #tpu.memory_space<vmem>>, %arg11: memref<2x80x128xf32, #tpu.memory_space<vmem>>, %arg12: memref<10000x128xf32, #tpu.memory_space<vmem_shared>>, %arg13: memref<3x!tpu.dma_semaphore, #tpu.memory_space<semaphore_mem>>, %arg14: memref<2x!tpu.dma_semaphore, #tpu.memory_space<semaphore_mem>>, %arg15: memref<!tpu.dma_semaphore, #tpu.memory_space<semaphore_mem>>) attributes {dimension_semantics = [#tpu.dimension_semantics<core_parallel>, #tpu.dimension_semantics<subcore_parallel>], iteration_bounds = array<i64: 2, 16>, scalar_prefetch = 0 : i64, scratch_operands = 9 : i64, tpu.core_type = #tpu.core_type<sc_vector_subcore>, window_params = [{transform_indices = #map}, {transform_indices = #map1}, {transform_indices = #map1}, {transform_indices = #map1}, {transform_indices = #map2}]} {
    %mul3A = arith.constant 16 : i32
    %mul3A_0 = arith.muli %arg0, %mul3A : i32
    %add3A = arith.addi %mul3A_0, %arg1 : i32
    %mul3A_1 = arith.constant 10000 : i32
    %mul3A_2 = arith.muli %add3A, %mul3A_1 : i32
    %broadcast_in_dim3A = arith.constant 0.000000e+00 : f32
    %broadcast_in_dim3A_3 = vector.broadcast %broadcast_in_dim3A : f32 to vector<16xf32>
    %parallel_loop3A = arith.constant 0 : i32
    %parallel_loop3A_4 = arith.constant 80 : i32
    %parallel_loop3A_5 = arith.constant 1 : i32
    scf.for %parallel_loop3A_133 = %parallel_loop3A to %parallel_loop3A_4 step %parallel_loop3A_5  : i32 {
      %parallel_loop3A_134 = arith.constant 0 : i32
      %parallel_loop3A_135 = arith.index_cast %parallel_loop3A_134 : i32 to index
      %parallel_loop3A_136 = arith.index_cast %parallel_loop3A_133 : i32 to index
      %parallel_loop3A_137 = arith.constant 0 : index
      %parallel_loop3A_138 = tpu.vector_load %arg11[%parallel_loop3A_135, %parallel_loop3A_136, %parallel_loop3A_137] {strides = array<i32>} : memref<2x80x128xf32, #tpu.memory_space<vmem>>, vector<1x1x16xf32>,
      %parallel_loop3A_139 = vector.shape_cast %parallel_loop3A_138 : vector<1x1x16xf32> to vector<16xf32>
      %parallel_loop3A_140 = vector.shape_cast %broadcast_in_dim3A_3 : vector<16xf32> to vector<1x1x16xf32>
      tpu.vector_store %arg11[%parallel_loop3A_135, %parallel_loop3A_136, %parallel_loop3A_137], %parallel_loop3A_140 {strides = array<i32>} : memref<2x80x128xf32, #tpu.memory_space<vmem>>, vector<1x1x16xf32>,
      %parallel_loop3A_141 = arith.constant 0 : i32
      %parallel_loop3A_142 = arith.index_cast %parallel_loop3A_141 : i32 to index
      %parallel_loop3A_143 = arith.index_cast %parallel_loop3A_133 : i32 to index
      %parallel_loop3A_144 = arith.constant 16 : index
      %parallel_loop3A_145 = tpu.vector_load %arg11[%parallel_loop3A_142, %parallel_loop3A_143, %parallel_loop3A_144] {strides = array<i32>} : memref<2x80x128xf32, #tpu.memory_space<vmem>>, vector<1x1x16xf32>,
      %parallel_loop3A_146 = vector.shape_cast %parallel_loop3A_145 : vector<1x1x16xf32> to vector<16xf32>
      %parallel_loop3A_147 = vector.shape_cast %broadcast_in_dim3A_3 : vector<16xf32> to vector<1x1x16xf32>
      tpu.vector_store %arg11[%parallel_loop3A_142, %parallel_loop3A_143, %parallel_loop3A_144], %parallel_loop3A_147 {strides = array<i32>} : memref<2x80x128xf32, #tpu.memory_space<vmem>>, vector<1x1x16xf32>,
      %parallel_loop3A_148 = arith.constant 0 : i32
      %parallel_loop3A_149 = arith.index_cast %parallel_loop3A_148 : i32 to index
      %parallel_loop3A_150 = arith.index_cast %parallel_loop3A_133 : i32 to index
      %parallel_loop3A_151 = arith.constant 32 : index
      %parallel_loop3A_152 = tpu.vector_load %arg11[%parallel_loop3A_149, %parallel_loop3A_150, %parallel_loop3A_151] {strides = array<i32>} : memref<2x80x128xf32, #tpu.memory_space<vmem>>, vector<1x1x16xf32>,
      %parallel_loop3A_153 = vector.shape_cast %parallel_loop3A_152 : vector<1x1x16xf32> to vector<16xf32>
      %parallel_loop3A_154 = vector.shape_cast %broadcast_in_dim3A_3 : vector<16xf32> to vector<1x1x16xf32>
      tpu.vector_store %arg11[%parallel_loop3A_149, %parallel_loop3A_150, %parallel_loop3A_151], %parallel_loop3A_154 {strides = array<i32>} : memref<2x80x128xf32, #tpu.memory_space<vmem>>, vector<1x1x16xf32>,
      %parallel_loop3A_155 = arith.constant 0 : i32
      %parallel_loop3A_156 = arith.index_cast %parallel_loop3A_155 : i32 to index
      %parallel_loop3A_157 = arith.index_cast %parallel_loop3A_133 : i32 to index
      %parallel_loop3A_158 = arith.constant 48 : index
      %parallel_loop3A_159 = tpu.vector_load %arg11[%parallel_loop3A_156, %parallel_loop3A_157, %parallel_loop3A_158] {strides = array<i32>} : memref<2x80x128xf32, #tpu.memory_space<vmem>>, vector<1x1x16xf32>,
      %parallel_loop3A_160 = vector.shape_cast %parallel_loop3A_159 : vector<1x1x16xf32> to vector<16xf32>
      %parallel_loop3A_161 = vector.shape_cast %broadcast_in_dim3A_3 : vector<16xf32> to vector<1x1x16xf32>
      tpu.vector_store %arg11[%parallel_loop3A_156, %parallel_loop3A_157, %parallel_loop3A_158], %parallel_loop3A_161 {strides = array<i32>} : memref<2x80x128xf32, #tpu.memory_space<vmem>>, vector<1x1x16xf32>,
      %parallel_loop3A_162 = arith.constant 0 : i32
      %parallel_loop3A_163 = arith.index_cast %parallel_loop3A_162 : i32 to index
      %parallel_loop3A_164 = arith.index_cast %parallel_loop3A_133 : i32 to index
      %parallel_loop3A_165 = arith.constant 64 : index
      %parallel_loop3A_166 = tpu.vector_load %arg11[%parallel_loop3A_163, %parallel_loop3A_164, %parallel_loop3A_165] {strides = array<i32>} : memref<2x80x128xf32, #tpu.memory_space<vmem>>, vector<1x1x16xf32>,
      %parallel_loop3A_167 = vector.shape_cast %parallel_loop3A_166 : vector<1x1x16xf32> to vector<16xf32>
      %parallel_loop3A_168 = vector.shape_cast %broadcast_in_dim3A_3 : vector<16xf32> to vector<1x1x16xf32>
      tpu.vector_store %arg11[%parallel_loop3A_163, %parallel_loop3A_164, %parallel_loop3A_165], %parallel_loop3A_168 {strides = array<i32>} : memref<2x80x128xf32, #tpu.memory_space<vmem>>, vector<1x1x16xf32>,
      %parallel_loop3A_169 = arith.constant 0 : i32
      %parallel_loop3A_170 = arith.index_cast %parallel_loop3A_169 : i32 to index
      %parallel_loop3A_171 = arith.index_cast %parallel_loop3A_133 : i32 to index
      %parallel_loop3A_172 = arith.constant 80 : index
      %parallel_loop3A_173 = tpu.vector_load %arg11[%parallel_loop3A_170, %parallel_loop3A_171, %parallel_loop3A_172] {strides = array<i32>} : memref<2x80x128xf32, #tpu.memory_space<vmem>>, vector<1x1x16xf32>,
      %parallel_loop3A_174 = vector.shape_cast %parallel_loop3A_173 : vector<1x1x16xf32> to vector<16xf32>
      %parallel_loop3A_175 = vector.shape_cast %broadcast_in_dim3A_3 : vector<16xf32> to vector<1x1x16xf32>
      tpu.vector_store %arg11[%parallel_loop3A_170, %parallel_loop3A_171, %parallel_loop3A_172], %parallel_loop3A_175 {strides = array<i32>} : memref<2x80x128xf32, #tpu.memory_space<vmem>>, vector<1x1x16xf32>,
      %parallel_loop3A_176 = arith.constant 0 : i32
      %parallel_loop3A_177 = arith.index_cast %parallel_loop3A_176 : i32 to index
      %parallel_loop3A_178 = arith.index_cast %parallel_loop3A_133 : i32 to index
      %parallel_loop3A_179 = arith.constant 96 : index
      %parallel_loop3A_180 = tpu.vector_load %arg11[%parallel_loop3A_177, %parallel_loop3A_178, %parallel_loop3A_179] {strides = array<i32>} : memref<2x80x128xf32, #tpu.memory_space<vmem>>, vector<1x1x16xf32>,
      %parallel_loop3A_181 = vector.shape_cast %parallel_loop3A_180 : vector<1x1x16xf32> to vector<16xf32>
      %parallel_loop3A_182 = vector.shape_cast %broadcast_in_dim3A_3 : vector<16xf32> to vector<1x1x16xf32>
      tpu.vector_store %arg11[%parallel_loop3A_177, %parallel_loop3A_178, %parallel_loop3A_179], %parallel_loop3A_182 {strides = array<i32>} : memref<2x80x128xf32, #tpu.memory_space<vmem>>, vector<1x1x16xf32>,
      %parallel_loop3A_183 = arith.constant 0 : i32
      %parallel_loop3A_184 = arith.index_cast %parallel_loop3A_183 : i32 to index
      %parallel_loop3A_185 = arith.index_cast %parallel_loop3A_133 : i32 to index
      %parallel_loop3A_186 = arith.constant 112 : index
      %parallel_loop3A_187 = tpu.vector_load %arg11[%parallel_loop3A_184, %parallel_loop3A_185, %parallel_loop3A_186] {strides = array<i32>} : memref<2x80x128xf32, #tpu.memory_space<vmem>>, vector<1x1x16xf32>,
      %parallel_loop3A_188 = vector.shape_cast %parallel_loop3A_187 : vector<1x1x16xf32> to vector<16xf32>
      %parallel_loop3A_189 = vector.shape_cast %broadcast_in_dim3A_3 : vector<16xf32> to vector<1x1x16xf32>
      tpu.vector_store %arg11[%parallel_loop3A_184, %parallel_loop3A_185, %parallel_loop3A_186], %parallel_loop3A_189 {strides = array<i32>} : memref<2x80x128xf32, #tpu.memory_space<vmem>>, vector<1x1x16xf32>,
    } {sc.loop_unroll_factor = 1 : i64, sc.parallel_access}
    %mul3A_6 = arith.constant 625 : i32
    %mul3A_7 = arith.muli %arg1, %mul3A_6 : i32
    %add3A_8 = arith.constant 0 : i32
    %add3A_9 = arith.addi %mul3A_7, %add3A_8 : i32
    %run_scoped3A = arith.constant 0 : i32
    "tpu.region"() ({
      %run_scoped3A_133 = tpu.sem_alloc : memref<!tpu.dma_semaphore, #tpu.memory_space<semaphore_mem>>
      %dma_start3A_134 = arith.constant 0 : i32
      %dma_start3A_135 = arith.constant 0 : i32
      %dma_start3A_136 = tpu.memref_slice %arg11[%run_scoped3A, %dma_start3A_134, %dma_start3A_135] : memref<2x80x128xf32, #tpu.memory_space<vmem>> -> memref<1x80x128xf32, #tpu.memory_space<vmem>>
      %dma_start3A_137 = tpu.memref_squeeze %dma_start3A_136 : memref<1x80x128xf32, #tpu.memory_space<vmem>> -> memref<80x128xf32, #tpu.memory_space<vmem>>
      %dma_start3A_138 = arith.constant 0 : i32
      %dma_start3A_139 = tpu.memref_slice %arg12[%add3A_9, %dma_start3A_138] : memref<10000x128xf32, #tpu.memory_space<vmem_shared>> -> memref<80x128xf32, #tpu.memory_space<vmem_shared>>
      %dma_start3A_140 = arith.constant 0 : i32
      %dma_start3A_141 = tpu.memref_slice %arg12[%add3A_9, %dma_start3A_140] : memref<10000x128xf32, #tpu.memory_space<vmem_shared>> -> memref<80x128xf32, #tpu.memory_space<vmem_shared>>
      %dma_start3A_142 = arith.constant 0 : i32
      %dma_start3A_143 = arith.constant 0 : i32
      %dma_start3A_144 = tpu.memref_slice %arg11[%run_scoped3A, %dma_start3A_142, %dma_start3A_143] : memref<2x80x128xf32, #tpu.memory_space<vmem>> -> memref<1x80x128xf32, #tpu.memory_space<vmem>>
      %dma_start3A_145 = tpu.memref_squeeze %dma_start3A_144 : memref<1x80x128xf32, #tpu.memory_space<vmem>> -> memref<80x128xf32, #tpu.memory_space<vmem>>
      tpu.enqueue_dma source(%dma_start3A_145 : memref<80x128xf32, #tpu.memory_space<vmem>>) target(%dma_start3A_141 : memref<80x128xf32, #tpu.memory_space<vmem_shared>>) target_semaphore(%run_scoped3A_133 : memref<!tpu.dma_semaphore, #tpu.memory_space<semaphore_mem>>)
      %dma_wait3A_146 = arith.constant 0 : i32
      %dma_wait3A_147 = arith.constant 0 : i32
      %dma_wait3A_148 = tpu.memref_slice %arg11[%run_scoped3A, %dma_wait3A_146, %dma_wait3A_147] : memref<2x80x128xf32, #tpu.memory_space<vmem>> -> memref<1x80x128xf32, #tpu.memory_space<vmem>>
      %dma_wait3A_149 = tpu.memref_squeeze %dma_wait3A_148 : memref<1x80x128xf32, #tpu.memory_space<vmem>> -> memref<80x128xf32, #tpu.memory_space<vmem>>
      %dma_wait3A_150 = arith.constant 0 : i32
      %dma_wait3A_151 = tpu.memref_slice %arg12[%add3A_9, %dma_wait3A_150] : memref<10000x128xf32, #tpu.memory_space<vmem_shared>> -> memref<80x128xf32, #tpu.memory_space<vmem_shared>>
      %dma_wait3A_152 = arith.constant 0 : i32
      %dma_wait3A_153 = tpu.memref_slice %arg12[%add3A_9, %dma_wait3A_152] : memref<10000x128xf32, #tpu.memory_space<vmem_shared>> -> memref<80x128xf32, #tpu.memory_space<vmem_shared>>
      %dma_wait3A_154 = arith.constant 0 : i32
      %dma_wait3A_155 = arith.constant 0 : i32
      %dma_wait3A_156 = tpu.memref_slice %arg11[%run_scoped3A, %dma_wait3A_154, %dma_wait3A_155] : memref<2x80x128xf32, #tpu.memory_space<vmem>> -> memref<1x80x128xf32, #tpu.memory_space<vmem>>
      %dma_wait3A_157 = tpu.memref_squeeze %dma_wait3A_156 : memref<1x80x128xf32, #tpu.memory_space<vmem>> -> memref<80x128xf32, #tpu.memory_space<vmem>>
      tpu.wait_dma2 semaphore(%run_scoped3A_133 : memref<!tpu.dma_semaphore, #tpu.memory_space<semaphore_mem>>) src(%dma_wait3A_157 : memref<80x128xf32, #tpu.memory_space<vmem>>) dst(%dma_wait3A_153 : memref<80x128xf32, #tpu.memory_space<vmem_shared>>)
      tpu.yield
    }) : () -> ()
    %add3A_10 = arith.constant 80 : i32
    %add3A_11 = arith.addi %mul3A_7, %add3A_10 : i32
    %run_scoped3A_12 = arith.constant 0 : i32
    "tpu.region"() ({
      %run_scoped3A_133 = tpu.sem_alloc : memref<!tpu.dma_semaphore, #tpu.memory_space<semaphore_mem>>
      %dma_start3A_134 = arith.constant 0 : i32
      %dma_start3A_135 = arith.constant 0 : i32
      %dma_start3A_136 = tpu.memref_slice %arg11[%run_scoped3A_12, %dma_start3A_134, %dma_start3A_135] : memref<2x80x128xf32, #tpu.memory_space<vmem>> -> memref<1x80x128xf32, #tpu.memory_space<vmem>>
      %dma_start3A_137 = tpu.memref_squeeze %dma_start3A_136 : memref<1x80x128xf32, #tpu.memory_space<vmem>> -> memref<80x128xf32, #tpu.memory_space<vmem>>
      %dma_start3A_138 = arith.constant 0 : i32
      %dma_start3A_139 = tpu.memref_slice %arg12[%add3A_11, %dma_start3A_138] : memref<10000x128xf32, #tpu.memory_space<vmem_shared>> -> memref<80x128xf32, #tpu.memory_space<vmem_shared>>
      %dma_start3A_140 = arith.constant 0 : i32
      %dma_start3A_141 = tpu.memref_slice %arg12[%add3A_11, %dma_start3A_140] : memref<10000x128xf32, #tpu.memory_space<vmem_shared>> -> memref<80x128xf32, #tpu.memory_space<vmem_shared>>
      %dma_start3A_142 = arith.constant 0 : i32
      %dma_start3A_143 = arith.constant 0 : i32
      %dma_start3A_144 = tpu.memref_slice %arg11[%run_scoped3A_12, %dma_start3A_142, %dma_start3A_143] : memref<2x80x128xf32, #tpu.memory_space<vmem>> -> memref<1x80x128xf32, #tpu.memory_space<vmem>>
      %dma_start3A_145 = tpu.memref_squeeze %dma_start3A_144 : memref<1x80x128xf32, #tpu.memory_space<vmem>> -> memref<80x128xf32, #tpu.memory_space<vmem>>
      tpu.enqueue_dma source(%dma_start3A_145 : memref<80x128xf32, #tpu.memory_space<vmem>>) target(%dma_start3A_141 : memref<80x128xf32, #tpu.memory_space<vmem_shared>>) target_semaphore(%run_scoped3A_133 : memref<!tpu.dma_semaphore, #tpu.memory_space<semaphore_mem>>)
      %dma_wait3A_146 = arith.constant 0 : i32
      %dma_wait3A_147 = arith.constant 0 : i32
      %dma_wait3A_148 = tpu.memref_slice %arg11[%run_scoped3A_12, %dma_wait3A_146, %dma_wait3A_147] : memref<2x80x128xf32, #tpu.memory_space<vmem>> -> memref<1x80x128xf32, #tpu.memory_space<vmem>>
      %dma_wait3A_149 = tpu.memref_squeeze %dma_wait3A_148 : memref<1x80x128xf32, #tpu.memory_space<vmem>> -> memref<80x128xf32, #tpu.memory_space<vmem>>
      %dma_wait3A_150 = arith.constant 0 : i32
      %dma_wait3A_151 = tpu.memref_slice %arg12[%add3A_11, %dma_wait3A_150] : memref<10000x128xf32, #tpu.memory_space<vmem_shared>> -> memref<80x128xf32, #tpu.memory_space<vmem_shared>>
      %dma_wait3A_152 = arith.constant 0 : i32
      %dma_wait3A_153 = tpu.memref_slice %arg12[%add3A_11, %dma_wait3A_152] : memref<10000x128xf32, #tpu.memory_space<vmem_shared>> -> memref<80x128xf32, #tpu.memory_space<vmem_shared>>
      %dma_wait3A_154 = arith.constant 0 : i32
      %dma_wait3A_155 = arith.constant 0 : i32
      %dma_wait3A_156 = tpu.memref_slice %arg11[%run_scoped3A_12, %dma_wait3A_154, %dma_wait3A_155] : memref<2x80x128xf32, #tpu.memory_space<vmem>> -> memref<1x80x128xf32, #tpu.memory_space<vmem>>
      %dma_wait3A_157 = tpu.memref_squeeze %dma_wait3A_156 : memref<1x80x128xf32, #tpu.memory_space<vmem>> -> memref<80x128xf32, #tpu.memory_space<vmem>>
      tpu.wait_dma2 semaphore(%run_scoped3A_133 : memref<!tpu.dma_semaphore, #tpu.memory_space<semaphore_mem>>) src(%dma_wait3A_157 : memref<80x128xf32, #tpu.memory_space<vmem>>) dst(%dma_wait3A_153 : memref<80x128xf32, #tpu.memory_space<vmem_shared>>)
      tpu.yield
    }) : () -> ()
    %add3A_13 = arith.constant 160 : i32
    %add3A_14 = arith.addi %mul3A_7, %add3A_13 : i32
    %run_scoped3A_15 = arith.constant 0 : i32
    "tpu.region"() ({
      %run_scoped3A_133 = tpu.sem_alloc : memref<!tpu.dma_semaphore, #tpu.memory_space<semaphore_mem>>
      %dma_start3A_134 = arith.constant 0 : i32
      %dma_start3A_135 = arith.constant 0 : i32
      %dma_start3A_136 = tpu.memref_slice %arg11[%run_scoped3A_15, %dma_start3A_134, %dma_start3A_135] : memref<2x80x128xf32, #tpu.memory_space<vmem>> -> memref<1x80x128xf32, #tpu.memory_space<vmem>>
      %dma_start3A_137 = tpu.memref_squeeze %dma_start3A_136 : memref<1x80x128xf32, #tpu.memory_space<vmem>> -> memref<80x128xf32, #tpu.memory_space<vmem>>
      %dma_start3A_138 = arith.constant 0 : i32
      %dma_start3A_139 = tpu.memref_slice %arg12[%add3A_14, %dma_start3A_138] : memref<10000x128xf32, #tpu.memory_space<vmem_shared>> -> memref<80x128xf32, #tpu.memory_space<vmem_shared>>
      %dma_start3A_140 = arith.constant 0 : i32
      %dma_start3A_141 = tpu.memref_slice %arg12[%add3A_14, %dma_start3A_140] : memref<10000x128xf32, #tpu.memory_space<vmem_shared>> -> memref<80x128xf32, #tpu.memory_space<vmem_shared>>
      %dma_start3A_142 = arith.constant 0 : i32
      %dma_start3A_143 = arith.constant 0 : i32
      %dma_start3A_144 = tpu.memref_slice %arg11[%run_scoped3A_15, %dma_start3A_142, %dma_start3A_143] : memref<2x80x128xf32, #tpu.memory_space<vmem>> -> memref<1x80x128xf32, #tpu.memory_space<vmem>>
      %dma_start3A_145 = tpu.memref_squeeze %dma_start3A_144 : memref<1x80x128xf32, #tpu.memory_space<vmem>> -> memref<80x128xf32, #tpu.memory_space<vmem>>
      tpu.enqueue_dma source(%dma_start3A_145 : memref<80x128xf32, #tpu.memory_space<vmem>>) target(%dma_start3A_141 : memref<80x128xf32, #tpu.memory_space<vmem_shared>>) target_semaphore(%run_scoped3A_133 : memref<!tpu.dma_semaphore, #tpu.memory_space<semaphore_mem>>)
      %dma_wait3A_146 = arith.constant 0 : i32
      %dma_wait3A_147 = arith.constant 0 : i32
      %dma_wait3A_148 = tpu.memref_slice %arg11[%run_scoped3A_15, %dma_wait3A_146, %dma_wait3A_147] : memref<2x80x128xf32, #tpu.memory_space<vmem>> -> memref<1x80x128xf32, #tpu.memory_space<vmem>>
      %dma_wait3A_149 = tpu.memref_squeeze %dma_wait3A_148 : memref<1x80x128xf32, #tpu.memory_space<vmem>> -> memref<80x128xf32, #tpu.memory_space<vmem>>
      %dma_wait3A_150 = arith.constant 0 : i32
      %dma_wait3A_151 = tpu.memref_slice %arg12[%add3A_14, %dma_wait3A_150] : memref<10000x128xf32, #tpu.memory_space<vmem_shared>> -> memref<80x128xf32, #tpu.memory_space<vmem_shared>>
      %dma_wait3A_152 = arith.constant 0 : i32
      %dma_wait3A_153 = tpu.memref_slice %arg12[%add3A_14, %dma_wait3A_152] : memref<10000x128xf32, #tpu.memory_space<vmem_shared>> -> memref<80x128xf32, #tpu.memory_space<vmem_shared>>
      %dma_wait3A_154 = arith.constant 0 : i32
      %dma_wait3A_155 = arith.constant 0 : i32
      %dma_wait3A_156 = tpu.memref_slice %arg11[%run_scoped3A_15, %dma_wait3A_154, %dma_wait3A_155] : memref<2x80x128xf32, #tpu.memory_space<vmem>> -> memref<1x80x128xf32, #tpu.memory_space<vmem>>
      %dma_wait3A_157 = tpu.memref_squeeze %dma_wait3A_156 : memref<1x80x128xf32, #tpu.memory_space<vmem>> -> memref<80x128xf32, #tpu.memory_space<vmem>>
      tpu.wait_dma2 semaphore(%run_scoped3A_133 : memref<!tpu.dma_semaphore, #tpu.memory_space<semaphore_mem>>) src(%dma_wait3A_157 : memref<80x128xf32, #tpu.memory_space<vmem>>) dst(%dma_wait3A_153 : memref<80x128xf32, #tpu.memory_space<vmem_shared>>)
      tpu.yield
    }) : () -> ()
    %add3A_16 = arith.constant 240 : i32
    %add3A_17 = arith.addi %mul3A_7, %add3A_16 : i32
    %run_scoped3A_18 = arith.constant 0 : i32
    "tpu.region"() ({
      %run_scoped3A_133 = tpu.sem_alloc : memref<!tpu.dma_semaphore, #tpu.memory_space<semaphore_mem>>
      %dma_start3A_134 = arith.constant 0 : i32
      %dma_start3A_135 = arith.constant 0 : i32
      %dma_start3A_136 = tpu.memref_slice %arg11[%run_scoped3A_18, %dma_start3A_134, %dma_start3A_135] : memref<2x80x128xf32, #tpu.memory_space<vmem>> -> memref<1x80x128xf32, #tpu.memory_space<vmem>>
      %dma_start3A_137 = tpu.memref_squeeze %dma_start3A_136 : memref<1x80x128xf32, #tpu.memory_space<vmem>> -> memref<80x128xf32, #tpu.memory_space<vmem>>
      %dma_start3A_138 = arith.constant 0 : i32
      %dma_start3A_139 = tpu.memref_slice %arg12[%add3A_17, %dma_start3A_138] : memref<10000x128xf32, #tpu.memory_space<vmem_shared>> -> memref<80x128xf32, #tpu.memory_space<vmem_shared>>
      %dma_start3A_140 = arith.constant 0 : i32
      %dma_start3A_141 = tpu.memref_slice %arg12[%add3A_17, %dma_start3A_140] : memref<10000x128xf32, #tpu.memory_space<vmem_shared>> -> memref<80x128xf32, #tpu.memory_space<vmem_shared>>
      %dma_start3A_142 = arith.constant 0 : i32
      %dma_start3A_143 = arith.constant 0 : i32
      %dma_start3A_144 = tpu.memref_slice %arg11[%run_scoped3A_18, %dma_start3A_142, %dma_start3A_143] : memref<2x80x128xf32, #tpu.memory_space<vmem>> -> memref<1x80x128xf32, #tpu.memory_space<vmem>>
      %dma_start3A_145 = tpu.memref_squeeze %dma_start3A_144 : memref<1x80x128xf32, #tpu.memory_space<vmem>> -> memref<80x128xf32, #tpu.memory_space<vmem>>
      tpu.enqueue_dma source(%dma_start3A_145 : memref<80x128xf32, #tpu.memory_space<vmem>>) target(%dma_start3A_141 : memref<80x128xf32, #tpu.memory_space<vmem_shared>>) target_semaphore(%run_scoped3A_133 : memref<!tpu.dma_semaphore, #tpu.memory_space<semaphore_mem>>)
      %dma_wait3A_146 = arith.constant 0 : i32
      %dma_wait3A_147 = arith.constant 0 : i32
      %dma_wait3A_148 = tpu.memref_slice %arg11[%run_scoped3A_18, %dma_wait3A_146, %dma_wait3A_147] : memref<2x80x128xf32, #tpu.memory_space<vmem>> -> memref<1x80x128xf32, #tpu.memory_space<vmem>>
      %dma_wait3A_149 = tpu.memref_squeeze %dma_wait3A_148 : memref<1x80x128xf32, #tpu.memory_space<vmem>> -> memref<80x128xf32, #tpu.memory_space<vmem>>
      %dma_wait3A_150 = arith.constant 0 : i32
      %dma_wait3A_151 = tpu.memref_slice %arg12[%add3A_17, %dma_wait3A_150] : memref<10000x128xf32, #tpu.memory_space<vmem_shared>> -> memref<80x128xf32, #tpu.memory_space<vmem_shared>>
      %dma_wait3A_152 = arith.constant 0 : i32
      %dma_wait3A_153 = tpu.memref_slice %arg12[%add3A_17, %dma_wait3A_152] : memref<10000x128xf32, #tpu.memory_space<vmem_shared>> -> memref<80x128xf32, #tpu.memory_space<vmem_shared>>
      %dma_wait3A_154 = arith.constant 0 : i32
      %dma_wait3A_155 = arith.constant 0 : i32
      %dma_wait3A_156 = tpu.memref_slice %arg11[%run_scoped3A_18, %dma_wait3A_154, %dma_wait3A_155] : memref<2x80x128xf32, #tpu.memory_space<vmem>> -> memref<1x80x128xf32, #tpu.memory_space<vmem>>
      %dma_wait3A_157 = tpu.memref_squeeze %dma_wait3A_156 : memref<1x80x128xf32, #tpu.memory_space<vmem>> -> memref<80x128xf32, #tpu.memory_space<vmem>>
      tpu.wait_dma2 semaphore(%run_scoped3A_133 : memref<!tpu.dma_semaphore, #tpu.memory_space<semaphore_mem>>) src(%dma_wait3A_157 : memref<80x128xf32, #tpu.memory_space<vmem>>) dst(%dma_wait3A_153 : memref<80x128xf32, #tpu.memory_space<vmem_shared>>)
      tpu.yield
    }) : () -> ()
    %add3A_19 = arith.constant 320 : i32
    %add3A_20 = arith.addi %mul3A_7, %add3A_19 : i32
    %run_scoped3A_21 = arith.constant 0 : i32
    "tpu.region"() ({
      %run_scoped3A_133 = tpu.sem_alloc : memref<!tpu.dma_semaphore, #tpu.memory_space<semaphore_mem>>
      %dma_start3A_134 = arith.constant 0 : i32
      %dma_start3A_135 = arith.constant 0 : i32
      %dma_start3A_136 = tpu.memref_slice %arg11[%run_scoped3A_21, %dma_start3A_134, %dma_start3A_135] : memref<2x80x128xf32, #tpu.memory_space<vmem>> -> memref<1x80x128xf32, #tpu.memory_space<vmem>>
      %dma_start3A_137 = tpu.memref_squeeze %dma_start3A_136 : memref<1x80x128xf32, #tpu.memory_space<vmem>> -> memref<80x128xf32, #tpu.memory_space<vmem>>
      %dma_start3A_138 = arith.constant 0 : i32
      %dma_start3A_139 = tpu.memref_slice %arg12[%add3A_20, %dma_start3A_138] : memref<10000x128xf32, #tpu.memory_space<vmem_shared>> -> memref<80x128xf32, #tpu.memory_space<vmem_shared>>
      %dma_start3A_140 = arith.constant 0 : i32
      %dma_start3A_141 = tpu.memref_slice %arg12[%add3A_20, %dma_start3A_140] : memref<10000x128xf32, #tpu.memory_space<vmem_shared>> -> memref<80x128xf32, #tpu.memory_space<vmem_shared>>
      %dma_start3A_142 = arith.constant 0 : i32
      %dma_start3A_143 = arith.constant 0 : i32
      %dma_start3A_144 = tpu.memref_slice %arg11[%run_scoped3A_21, %dma_start3A_142, %dma_start3A_143] : memref<2x80x128xf32, #tpu.memory_space<vmem>> -> memref<1x80x128xf32, #tpu.memory_space<vmem>>
      %dma_start3A_145 = tpu.memref_squeeze %dma_start3A_144 : memref<1x80x128xf32, #tpu.memory_space<vmem>> -> memref<80x128xf32, #tpu.memory_space<vmem>>
      tpu.enqueue_dma source(%dma_start3A_145 : memref<80x128xf32, #tpu.memory_space<vmem>>) target(%dma_start3A_141 : memref<80x128xf32, #tpu.memory_space<vmem_shared>>) target_semaphore(%run_scoped3A_133 : memref<!tpu.dma_semaphore, #tpu.memory_space<semaphore_mem>>)
      %dma_wait3A_146 = arith.constant 0 : i32
      %dma_wait3A_147 = arith.constant 0 : i32
      %dma_wait3A_148 = tpu.memref_slice %arg11[%run_scoped3A_21, %dma_wait3A_146, %dma_wait3A_147] : memref<2x80x128xf32, #tpu.memory_space<vmem>> -> memref<1x80x128xf32, #tpu.memory_space<vmem>>
      %dma_wait3A_149 = tpu.memref_squeeze %dma_wait3A_148 : memref<1x80x128xf32, #tpu.memory_space<vmem>> -> memref<80x128xf32, #tpu.memory_space<vmem>>
      %dma_wait3A_150 = arith.constant 0 : i32
      %dma_wait3A_151 = tpu.memref_slice %arg12[%add3A_20, %dma_wait3A_150] : memref<10000x128xf32, #tpu.memory_space<vmem_shared>> -> memref<80x128xf32, #tpu.memory_space<vmem_shared>>
      %dma_wait3A_152 = arith.constant 0 : i32
      %dma_wait3A_153 = tpu.memref_slice %arg12[%add3A_20, %dma_wait3A_152] : memref<10000x128xf32, #tpu.memory_space<vmem_shared>> -> memref<80x128xf32, #tpu.memory_space<vmem_shared>>
      %dma_wait3A_154 = arith.constant 0 : i32
      %dma_wait3A_155 = arith.constant 0 : i32
      %dma_wait3A_156 = tpu.memref_slice %arg11[%run_scoped3A_21, %dma_wait3A_154, %dma_wait3A_155] : memref<2x80x128xf32, #tpu.memory_space<vmem>> -> memref<1x80x128xf32, #tpu.memory_space<vmem>>
      %dma_wait3A_157 = tpu.memref_squeeze %dma_wait3A_156 : memref<1x80x128xf32, #tpu.memory_space<vmem>> -> memref<80x128xf32, #tpu.memory_space<vmem>>
      tpu.wait_dma2 semaphore(%run_scoped3A_133 : memref<!tpu.dma_semaphore, #tpu.memory_space<semaphore_mem>>) src(%dma_wait3A_157 : memref<80x128xf32, #tpu.memory_space<vmem>>) dst(%dma_wait3A_153 : memref<80x128xf32, #tpu.memory_space<vmem_shared>>)
      tpu.yield
    }) : () -> ()
    %add3A_22 = arith.constant 400 : i32
    %add3A_23 = arith.addi %mul3A_7, %add3A_22 : i32
    %run_scoped3A_24 = arith.constant 0 : i32
    "tpu.region"() ({
      %run_scoped3A_133 = tpu.sem_alloc : memref<!tpu.dma_semaphore, #tpu.memory_space<semaphore_mem>>
      %dma_start3A_134 = arith.constant 0 : i32
      %dma_start3A_135 = arith.constant 0 : i32
      %dma_start3A_136 = tpu.memref_slice %arg11[%run_scoped3A_24, %dma_start3A_134, %dma_start3A_135] : memref<2x80x128xf32, #tpu.memory_space<vmem>> -> memref<1x80x128xf32, #tpu.memory_space<vmem>>
      %dma_start3A_137 = tpu.memref_squeeze %dma_start3A_136 : memref<1x80x128xf32, #tpu.memory_space<vmem>> -> memref<80x128xf32, #tpu.memory_space<vmem>>
      %dma_start3A_138 = arith.constant 0 : i32
      %dma_start3A_139 = tpu.memref_slice %arg12[%add3A_23, %dma_start3A_138] : memref<10000x128xf32, #tpu.memory_space<vmem_shared>> -> memref<80x128xf32, #tpu.memory_space<vmem_shared>>
      %dma_start3A_140 = arith.constant 0 : i32
      %dma_start3A_141 = tpu.memref_slice %arg12[%add3A_23, %dma_start3A_140] : memref<10000x128xf32, #tpu.memory_space<vmem_shared>> -> memref<80x128xf32, #tpu.memory_space<vmem_shared>>
      %dma_start3A_142 = arith.constant 0 : i32
      %dma_start3A_143 = arith.constant 0 : i32
      %dma_start3A_144 = tpu.memref_slice %arg11[%run_scoped3A_24, %dma_start3A_142, %dma_start3A_143] : memref<2x80x128xf32, #tpu.memory_space<vmem>> -> memref<1x80x128xf32, #tpu.memory_space<vmem>>
      %dma_start3A_145 = tpu.memref_squeeze %dma_start3A_144 : memref<1x80x128xf32, #tpu.memory_space<vmem>> -> memref<80x128xf32, #tpu.memory_space<vmem>>
      tpu.enqueue_dma source(%dma_start3A_145 : memref<80x128xf32, #tpu.memory_space<vmem>>) target(%dma_start3A_141 : memref<80x128xf32, #tpu.memory_space<vmem_shared>>) target_semaphore(%run_scoped3A_133 : memref<!tpu.dma_semaphore, #tpu.memory_space<semaphore_mem>>)
      %dma_wait3A_146 = arith.constant 0 : i32
      %dma_wait3A_147 = arith.constant 0 : i32
      %dma_wait3A_148 = tpu.memref_slice %arg11[%run_scoped3A_24, %dma_wait3A_146, %dma_wait3A_147] : memref<2x80x128xf32, #tpu.memory_space<vmem>> -> memref<1x80x128xf32, #tpu.memory_space<vmem>>
      %dma_wait3A_149 = tpu.memref_squeeze %dma_wait3A_148 : memref<1x80x128xf32, #tpu.memory_space<vmem>> -> memref<80x128xf32, #tpu.memory_space<vmem>>
      %dma_wait3A_150 = arith.constant 0 : i32
      %dma_wait3A_151 = tpu.memref_slice %arg12[%add3A_23, %dma_wait3A_150] : memref<10000x128xf32, #tpu.memory_space<vmem_shared>> -> memref<80x128xf32, #tpu.memory_space<vmem_shared>>
      %dma_wait3A_152 = arith.constant 0 : i32
      %dma_wait3A_153 = tpu.memref_slice %arg12[%add3A_23, %dma_wait3A_152] : memref<10000x128xf32, #tpu.memory_space<vmem_shared>> -> memref<80x128xf32, #tpu.memory_space<vmem_shared>>
      %dma_wait3A_154 = arith.constant 0 : i32
      %dma_wait3A_155 = arith.constant 0 : i32
      %dma_wait3A_156 = tpu.memref_slice %arg11[%run_scoped3A_24, %dma_wait3A_154, %dma_wait3A_155] : memref<2x80x128xf32, #tpu.memory_space<vmem>> -> memref<1x80x128xf32, #tpu.memory_space<vmem>>
      %dma_wait3A_157 = tpu.memref_squeeze %dma_wait3A_156 : memref<1x80x128xf32, #tpu.memory_space<vmem>> -> memref<80x128xf32, #tpu.memory_space<vmem>>
      tpu.wait_dma2 semaphore(%run_scoped3A_133 : memref<!tpu.dma_semaphore, #tpu.memory_space<semaphore_mem>>) src(%dma_wait3A_157 : memref<80x128xf32, #tpu.memory_space<vmem>>) dst(%dma_wait3A_153 : memref<80x128xf32, #tpu.memory_space<vmem_shared>>)
      tpu.yield
    }) : () -> ()
    %add3A_25 = arith.constant 480 : i32
    %add3A_26 = arith.addi %mul3A_7, %add3A_25 : i32
    %run_scoped3A_27 = arith.constant 0 : i32
    "tpu.region"() ({
      %run_scoped3A_133 = tpu.sem_alloc : memref<!tpu.dma_semaphore, #tpu.memory_space<semaphore_mem>>
      %dma_start3A_134 = arith.constant 0 : i32
      %dma_start3A_135 = arith.constant 0 : i32
      %dma_start3A_136 = tpu.memref_slice %arg11[%run_scoped3A_27, %dma_start3A_134, %dma_start3A_135] : memref<2x80x128xf32, #tpu.memory_space<vmem>> -> memref<1x80x128xf32, #tpu.memory_space<vmem>>
      %dma_start3A_137 = tpu.memref_squeeze %dma_start3A_136 : memref<1x80x128xf32, #tpu.memory_space<vmem>> -> memref<80x128xf32, #tpu.memory_space<vmem>>
      %dma_start3A_138 = arith.constant 0 : i32
      %dma_start3A_139 = tpu.memref_slice %arg12[%add3A_26, %dma_start3A_138] : memref<10000x128xf32, #tpu.memory_space<vmem_shared>> -> memref<80x128xf32, #tpu.memory_space<vmem_shared>>
      %dma_start3A_140 = arith.constant 0 : i32
      %dma_start3A_141 = tpu.memref_slice %arg12[%add3A_26, %dma_start3A_140] : memref<10000x128xf32, #tpu.memory_space<vmem_shared>> -> memref<80x128xf32, #tpu.memory_space<vmem_shared>>
      %dma_start3A_142 = arith.constant 0 : i32
      %dma_start3A_143 = arith.constant 0 : i32
      %dma_start3A_144 = tpu.memref_slice %arg11[%run_scoped3A_27, %dma_start3A_142, %dma_start3A_143] : memref<2x80x128xf32, #tpu.memory_space<vmem>> -> memref<1x80x128xf32, #tpu.memory_space<vmem>>
      %dma_start3A_145 = tpu.memref_squeeze %dma_start3A_144 : memref<1x80x128xf32, #tpu.memory_space<vmem>> -> memref<80x128xf32, #tpu.memory_space<vmem>>
      tpu.enqueue_dma source(%dma_start3A_145 : memref<80x128xf32, #tpu.memory_space<vmem>>) target(%dma_start3A_141 : memref<80x128xf32, #tpu.memory_space<vmem_shared>>) target_semaphore(%run_scoped3A_133 : memref<!tpu.dma_semaphore, #tpu.memory_space<semaphore_mem>>)
      %dma_wait3A_146 = arith.constant 0 : i32
      %dma_wait3A_147 = arith.constant 0 : i32
      %dma_wait3A_148 = tpu.memref_slice %arg11[%run_scoped3A_27, %dma_wait3A_146, %dma_wait3A_147] : memref<2x80x128xf32, #tpu.memory_space<vmem>> -> memref<1x80x128xf32, #tpu.memory_space<vmem>>
      %dma_wait3A_149 = tpu.memref_squeeze %dma_wait3A_148 : memref<1x80x128xf32, #tpu.memory_space<vmem>> -> memref<80x128xf32, #tpu.memory_space<vmem>>
      %dma_wait3A_150 = arith.constant 0 : i32
      %dma_wait3A_151 = tpu.memref_slice %arg12[%add3A_26, %dma_wait3A_150] : memref<10000x128xf32, #tpu.memory_space<vmem_shared>> -> memref<80x128xf32, #tpu.memory_space<vmem_shared>>
      %dma_wait3A_152 = arith.constant 0 : i32
      %dma_wait3A_153 = tpu.memref_slice %arg12[%add3A_26, %dma_wait3A_152] : memref<10000x128xf32, #tpu.memory_space<vmem_shared>> -> memref<80x128xf32, #tpu.memory_space<vmem_shared>>
      %dma_wait3A_154 = arith.constant 0 : i32
      %dma_wait3A_155 = arith.constant 0 : i32
      %dma_wait3A_156 = tpu.memref_slice %arg11[%run_scoped3A_27, %dma_wait3A_154, %dma_wait3A_155] : memref<2x80x128xf32, #tpu.memory_space<vmem>> -> memref<1x80x128xf32, #tpu.memory_space<vmem>>
      %dma_wait3A_157 = tpu.memref_squeeze %dma_wait3A_156 : memref<1x80x128xf32, #tpu.memory_space<vmem>> -> memref<80x128xf32, #tpu.memory_space<vmem>>
      tpu.wait_dma2 semaphore(%run_scoped3A_133 : memref<!tpu.dma_semaphore, #tpu.memory_space<semaphore_mem>>) src(%dma_wait3A_157 : memref<80x128xf32, #tpu.memory_space<vmem>>) dst(%dma_wait3A_153 : memref<80x128xf32, #tpu.memory_space<vmem_shared>>)
      tpu.yield
    }) : () -> ()
    %add3A_28 = arith.constant 560 : i32
    %add3A_29 = arith.addi %mul3A_7, %add3A_28 : i32
    %run_scoped3A_30 = arith.constant 0 : i32
    "tpu.region"() ({
      %run_scoped3A_133 = tpu.sem_alloc : memref<!tpu.dma_semaphore, #tpu.memory_space<semaphore_mem>>
      %dma_start3A_134 = arith.constant 0 : i32
      %dma_start3A_135 = arith.constant 0 : i32
      %dma_start3A_136 = tpu.memref_slice %arg11[%run_scoped3A_30, %dma_start3A_134, %dma_start3A_135] : memref<2x80x128xf32, #tpu.memory_space<vmem>> -> memref<1x65x128xf32, #tpu.memory_space<vmem>>
      %dma_start3A_137 = tpu.memref_squeeze %dma_start3A_136 : memref<1x65x128xf32, #tpu.memory_space<vmem>> -> memref<65x128xf32, #tpu.memory_space<vmem>>
      %dma_start3A_138 = arith.constant 0 : i32
      %dma_start3A_139 = tpu.memref_slice %arg12[%add3A_29, %dma_start3A_138] : memref<10000x128xf32, #tpu.memory_space<vmem_shared>> -> memref<65x128xf32, #tpu.memory_space<vmem_shared>>
      %dma_start3A_140 = arith.constant 0 : i32
      %dma_start3A_141 = tpu.memref_slice %arg12[%add3A_29, %dma_start3A_140] : memref<10000x128xf32, #tpu.memory_space<vmem_shared>> -> memref<65x128xf32, #tpu.memory_space<vmem_shared>>
      %dma_start3A_142 = arith.constant 0 : i32
      %dma_start3A_143 = arith.constant 0 : i32
      %dma_start3A_144 = tpu.memref_slice %arg11[%run_scoped3A_30, %dma_start3A_142, %dma_start3A_143] : memref<2x80x128xf32, #tpu.memory_space<vmem>> -> memref<1x65x128xf32, #tpu.memory_space<vmem>>
      %dma_start3A_145 = tpu.memref_squeeze %dma_start3A_144 : memref<1x65x128xf32, #tpu.memory_space<vmem>> -> memref<65x128xf32, #tpu.memory_space<vmem>>
      tpu.enqueue_dma source(%dma_start3A_145 : memref<65x128xf32, #tpu.memory_space<vmem>>) target(%dma_start3A_141 : memref<65x128xf32, #tpu.memory_space<vmem_shared>>) target_semaphore(%run_scoped3A_133 : memref<!tpu.dma_semaphore, #tpu.memory_space<semaphore_mem>>)
      %dma_wait3A_146 = arith.constant 0 : i32
      %dma_wait3A_147 = arith.constant 0 : i32
      %dma_wait3A_148 = tpu.memref_slice %arg11[%run_scoped3A_30, %dma_wait3A_146, %dma_wait3A_147] : memref<2x80x128xf32, #tpu.memory_space<vmem>> -> memref<1x65x128xf32, #tpu.memory_space<vmem>>
      %dma_wait3A_149 = tpu.memref_squeeze %dma_wait3A_148 : memref<1x65x128xf32, #tpu.memory_space<vmem>> -> memref<65x128xf32, #tpu.memory_space<vmem>>
      %dma_wait3A_150 = arith.constant 0 : i32
      %dma_wait3A_151 = tpu.memref_slice %arg12[%add3A_29, %dma_wait3A_150] : memref<10000x128xf32, #tpu.memory_space<vmem_shared>> -> memref<65x128xf32, #tpu.memory_space<vmem_shared>>
      %dma_wait3A_152 = arith.constant 0 : i32
      %dma_wait3A_153 = tpu.memref_slice %arg12[%add3A_29, %dma_wait3A_152] : memref<10000x128xf32, #tpu.memory_space<vmem_shared>> -> memref<65x128xf32, #tpu.memory_space<vmem_shared>>
      %dma_wait3A_154 = arith.constant 0 : i32
      %dma_wait3A_155 = arith.constant 0 : i32
      %dma_wait3A_156 = tpu.memref_slice %arg11[%run_scoped3A_30, %dma_wait3A_154, %dma_wait3A_155] : memref<2x80x128xf32, #tpu.memory_space<vmem>> -> memref<1x65x128xf32, #tpu.memory_space<vmem>>
      %dma_wait3A_157 = tpu.memref_squeeze %dma_wait3A_156 : memref<1x65x128xf32, #tpu.memory_space<vmem>> -> memref<65x128xf32, #tpu.memory_space<vmem>>
      tpu.wait_dma2 semaphore(%run_scoped3A_133 : memref<!tpu.dma_semaphore, #tpu.memory_space<semaphore_mem>>) src(%dma_wait3A_157 : memref<65x128xf32, #tpu.memory_space<vmem>>) dst(%dma_wait3A_153 : memref<65x128xf32, #tpu.memory_space<vmem_shared>>)
      tpu.yield
    }) : () -> ()
    %rem3A = arith.constant 0 : i32
    %rem3A_31 = arith.constant 2 : i32
    %rem3A_32 = arith.remsi %rem3A, %rem3A_31 : i32
    %add3A_33 = arith.constant 0 : i32
    %add3A_34 = arith.addi %mul3A_2, %add3A_33 : i32
    %mul3A_35 = arith.constant 400 : i32
    %mul3A_36 = arith.muli %rem3A_32, %mul3A_35 : i32
    %dma_start3A = tpu.memref_slice %arg7[%mul3A_36] : memref<800xi32, #tpu.memory_space<vmem>> -> memref<400xi32, #tpu.memory_space<vmem>>
    %dma_start3A_37 = tpu.memref_slice %arg3[%add3A_34] : memref<320000xi32, #tpu.memory_space<hbm>> -> memref<400xi32, #tpu.memory_space<hbm>>
    %dma_start3A_38 = tpu.memref_slice %arg7[%mul3A_36] : memref<800xi32, #tpu.memory_space<vmem>> -> memref<400xi32, #tpu.memory_space<vmem>>
    %dma_start3A_39 = tpu.memref_slice %arg3[%add3A_34] : memref<320000xi32, #tpu.memory_space<hbm>> -> memref<400xi32, #tpu.memory_space<hbm>>
    tpu.enqueue_dma source(%dma_start3A_39 : memref<400xi32, #tpu.memory_space<hbm>>) target(%dma_start3A_38 : memref<400xi32, #tpu.memory_space<vmem>>) target_semaphore(%arg15 : memref<!tpu.dma_semaphore, #tpu.memory_space<semaphore_mem>>)
    %mul3A_40 = arith.constant 400 : i32
    %mul3A_41 = arith.muli %rem3A_32, %mul3A_40 : i32
    %dma_start3A_42 = tpu.memref_slice %arg8[%mul3A_41] : memref<800xi32, #tpu.memory_space<vmem>> -> memref<400xi32, #tpu.memory_space<vmem>>
    %dma_start3A_43 = tpu.memref_slice %arg4[%add3A_34] : memref<320000xi32, #tpu.memory_space<hbm>> -> memref<400xi32, #tpu.memory_space<hbm>>
    %dma_start3A_44 = tpu.memref_slice %arg8[%mul3A_41] : memref<800xi32, #tpu.memory_space<vmem>> -> memref<400xi32, #tpu.memory_space<vmem>>
    %dma_start3A_45 = tpu.memref_slice %arg4[%add3A_34] : memref<320000xi32, #tpu.memory_space<hbm>> -> memref<400xi32, #tpu.memory_space<hbm>>
    tpu.enqueue_dma source(%dma_start3A_45 : memref<400xi32, #tpu.memory_space<hbm>>) target(%dma_start3A_44 : memref<400xi32, #tpu.memory_space<vmem>>) target_semaphore(%arg15 : memref<!tpu.dma_semaphore, #tpu.memory_space<semaphore_mem>>)
    %mul3A_46 = arith.constant 400 : i32
    %mul3A_47 = arith.muli %rem3A_32, %mul3A_46 : i32
    %dma_start3A_48 = tpu.memref_slice %arg9[%mul3A_47] : memref<800xf32, #tpu.memory_space<vmem>> -> memref<400xf32, #tpu.memory_space<vmem>>
    %dma_start3A_49 = tpu.memref_slice %arg5[%add3A_34] : memref<320000xf32, #tpu.memory_space<hbm>> -> memref<400xf32, #tpu.memory_space<hbm>>
    %dma_start3A_50 = tpu.memref_slice %arg9[%mul3A_47] : memref<800xf32, #tpu.memory_space<vmem>> -> memref<400xf32, #tpu.memory_space<vmem>>
    %dma_start3A_51 = tpu.memref_slice %arg5[%add3A_34] : memref<320000xf32, #tpu.memory_space<hbm>> -> memref<400xf32, #tpu.memory_space<hbm>>
    tpu.enqueue_dma source(%dma_start3A_51 : memref<400xf32, #tpu.memory_space<hbm>>) target(%dma_start3A_50 : memref<400xf32, #tpu.memory_space<vmem>>) target_semaphore(%arg15 : memref<!tpu.dma_semaphore, #tpu.memory_space<semaphore_mem>>)
    %barrier3A = arith.constant 0 : index
    tpu.barrier barrier_id(%barrier3A)
    %dma_wait3A = arith.constant 0 : i32
    %dma_wait3A_52 = tpu.memref_slice %arg7[%dma_wait3A] : memref<800xi32, #tpu.memory_space<vmem>> -> memref<400xi32, #tpu.memory_space<vmem>>
    %dma_wait3A_53 = arith.constant 0 : i32
    %dma_wait3A_54 = tpu.memref_slice %arg3[%dma_wait3A_53] : memref<320000xi32, #tpu.memory_space<hbm>> -> memref<400xi32, #tpu.memory_space<hbm>>
    %dma_wait3A_55 = arith.constant 0 : i32
    %dma_wait3A_56 = tpu.memref_slice %arg7[%dma_wait3A_55] : memref<800xi32, #tpu.memory_space<vmem>> -> memref<400xi32, #tpu.memory_space<vmem>>
    %dma_wait3A_57 = arith.constant 0 : i32
    %dma_wait3A_58 = tpu.memref_slice %arg3[%dma_wait3A_57] : memref<320000xi32, #tpu.memory_space<hbm>> -> memref<400xi32, #tpu.memory_space<hbm>>
    tpu.wait_dma2 semaphore(%arg15 : memref<!tpu.dma_semaphore, #tpu.memory_space<semaphore_mem>>) src(%dma_wait3A_58 : memref<400xi32, #tpu.memory_space<hbm>>) dst(%dma_wait3A_56 : memref<400xi32, #tpu.memory_space<vmem>>)
    %dma_wait3A_59 = arith.constant 0 : i32
    %dma_wait3A_60 = tpu.memref_slice %arg8[%dma_wait3A_59] : memref<800xi32, #tpu.memory_space<vmem>> -> memref<400xi32, #tpu.memory_space<vmem>>
    %dma_wait3A_61 = arith.constant 0 : i32
    %dma_wait3A_62 = tpu.memref_slice %arg4[%dma_wait3A_61] : memref<320000xi32, #tpu.memory_space<hbm>> -> memref<400xi32, #tpu.memory_space<hbm>>
    %dma_wait3A_63 = arith.constant 0 : i32
    %dma_wait3A_64 = tpu.memref_slice %arg8[%dma_wait3A_63] : memref<800xi32, #tpu.memory_space<vmem>> -> memref<400xi32, #tpu.memory_space<vmem>>
    %dma_wait3A_65 = arith.constant 0 : i32
    %dma_wait3A_66 = tpu.memref_slice %arg4[%dma_wait3A_65] : memref<320000xi32, #tpu.memory_space<hbm>> -> memref<400xi32, #tpu.memory_space<hbm>>
    tpu.wait_dma2 semaphore(%arg15 : memref<!tpu.dma_semaphore, #tpu.memory_space<semaphore_mem>>) src(%dma_wait3A_66 : memref<400xi32, #tpu.memory_space<hbm>>) dst(%dma_wait3A_64 : memref<400xi32, #tpu.memory_space<vmem>>)
    %dma_wait3A_67 = arith.constant 0 : i32
    %dma_wait3A_68 = tpu.memref_slice %arg9[%dma_wait3A_67] : memref<800xf32, #tpu.memory_space<vmem>> -> memref<400xf32, #tpu.memory_space<vmem>>
    %dma_wait3A_69 = arith.constant 0 : i32
    %dma_wait3A_70 = tpu.memref_slice %arg5[%dma_wait3A_69] : memref<320000xf32, #tpu.memory_space<hbm>> -> memref<400xf32, #tpu.memory_space<hbm>>
    %dma_wait3A_71 = arith.constant 0 : i32
    %dma_wait3A_72 = tpu.memref_slice %arg9[%dma_wait3A_71] : memref<800xf32, #tpu.memory_space<vmem>> -> memref<400xf32, #tpu.memory_space<vmem>>
    %dma_wait3A_73 = arith.constant 0 : i32
    %dma_wait3A_74 = tpu.memref_slice %arg5[%dma_wait3A_73] : memref<320000xf32, #tpu.memory_space<hbm>> -> memref<400xf32, #tpu.memory_space<hbm>>
    tpu.wait_dma2 semaphore(%arg15 : memref<!tpu.dma_semaphore, #tpu.memory_space<semaphore_mem>>) src(%dma_wait3A_74 : memref<400xf32, #tpu.memory_space<hbm>>) dst(%dma_wait3A_72 : memref<400xf32, #tpu.memory_space<vmem>>)
    %dma_start3A_75 = arith.constant 0 : i32
    %dma_start3A_76 = arith.constant 0 : i32
    %dma_start3A_77 = arith.constant 0 : i32
    %dma_start3A_78 = arith.constant 0 : i32
    %dma_start3A_79 = tpu.memref_slice %arg10[%dma_start3A_75, %dma_start3A_77, %dma_start3A_78] : memref<3x80x64xi32, #tpu.memory_space<vmem>> -> memref<1x80x64xi32, #tpu.memory_space<vmem>>
    %dma_start3A_80 = tpu.memref_squeeze %dma_start3A_79 : memref<1x80x64xi32, #tpu.memory_space<vmem>> -> memref<80x64xi32, #tpu.memory_space<vmem>>
    %dma_start3A_81 = arith.constant 0 : i32
    %dma_start3A_82 = tpu.memref_slice %arg7[%dma_start3A_81] : memref<800xi32, #tpu.memory_space<vmem>> -> memref<80xi32, #tpu.memory_space<vmem>>
    %dma_start3A_83 = arith.constant 0 : i32
    %dma_start3A_84 = arith.constant 0 : i32
    %dma_start3A_85 = tpu.memref_slice %arg2[%dma_start3A_83, %dma_start3A_84] : memref<10000x64xi32, #tpu.memory_space<hbm>> -> memref<10000x64xi32, #tpu.memory_space<hbm>>
    %dma_start3A_86 = tpu.memref_slice %arg13[%dma_start3A_76] : memref<3x!tpu.dma_semaphore, #tpu.memory_space<semaphore_mem>> -> memref<1x!tpu.dma_semaphore, #tpu.memory_space<semaphore_mem>>
    %dma_start3A_87 = tpu.memref_squeeze %dma_start3A_86 : memref<1x!tpu.dma_semaphore, #tpu.memory_space<semaphore_mem>> -> memref<!tpu.dma_semaphore, #tpu.memory_space<semaphore_mem>>
    tpu.enqueue_indirect_dma source(%dma_start3A_85 : memref<10000x64xi32, #tpu.memory_space<hbm>>) target(%dma_start3A_80 : memref<80x64xi32, #tpu.memory_space<vmem>>) offsets(%dma_start3A_82 : memref<80xi32, #tpu.memory_space<vmem>>) semaphore(%dma_start3A_87 : memref<!tpu.dma_semaphore, #tpu.memory_space<semaphore_mem>>)
    %dma_start3A_88 = arith.constant 1 : i32
    %dma_start3A_89 = arith.constant 1 : i32
    %dma_start3A_90 = arith.constant 0 : i32
    %dma_start3A_91 = arith.constant 0 : i32
    %dma_start3A_92 = tpu.memref_slice %arg10[%dma_start3A_88, %dma_start3A_90, %dma_start3A_91] : memref<3x80x64xi32, #tpu.memory_space<vmem>> -> memref<1x80x64xi32, #tpu.memory_space<vmem>>
    %dma_start3A_93 = tpu.memref_squeeze %dma_start3A_92 : memref<1x80x64xi32, #tpu.memory_space<vmem>> -> memref<80x64xi32, #tpu.memory_space<vmem>>
    %dma_start3A_94 = arith.constant 80 : i32
    %dma_start3A_95 = tpu.memref_slice %arg7[%dma_start3A_94] : memref<800xi32, #tpu.memory_space<vmem>> -> memref<80xi32, #tpu.memory_space<vmem>>
    %dma_start3A_96 = arith.constant 0 : i32
    %dma_start3A_97 = arith.constant 0 : i32
    %dma_start3A_98 = tpu.memref_slice %arg2[%dma_start3A_96, %dma_start3A_97] : memref<10000x64xi32, #tpu.memory_space<hbm>> -> memref<10000x64xi32, #tpu.memory_space<hbm>>
    %dma_start3A_99 = tpu.memref_slice %arg13[%dma_start3A_89] : memref<3x!tpu.dma_semaphore, #tpu.memory_space<semaphore_mem>> -> memref<1x!tpu.dma_semaphore, #tpu.memory_space<semaphore_mem>>
    %dma_start3A_100 = tpu.memref_squeeze %dma_start3A_99 : memref<1x!tpu.dma_semaphore, #tpu.memory_space<semaphore_mem>> -> memref<!tpu.dma_semaphore, #tpu.memory_space<semaphore_mem>>
    tpu.enqueue_indirect_dma source(%dma_start3A_98 : memref<10000x64xi32, #tpu.memory_space<hbm>>) target(%dma_start3A_93 : memref<80x64xi32, #tpu.memory_space<vmem>>) offsets(%dma_start3A_95 : memref<80xi32, #tpu.memory_space<vmem>>) semaphore(%dma_start3A_100 : memref<!tpu.dma_semaphore, #tpu.memory_space<semaphore_mem>>)
    %scan3A = arith.constant 0 : i32
    %scan3A_101 = arith.constant 0 : i32
    %scan3A_102 = arith.constant 125 : i32
    %scan3A_103 = arith.addi %scan3A_101, %scan3A_102 : i32
    %scan3A_104 = arith.constant 1 : i32
    %scan3A_105 = scf.for %scan3A_133 = %scan3A_101 to %scan3A_103 step %scan3A_104 iter_args(%scan3A_134 = %scan3A) -> (i32)  : i32 {
      %rem3A_135 = arith.constant 3 : i32
      %rem3A_136 = arith.remsi %scan3A_133, %rem3A_135 : i32
      %rem3A_137 = arith.constant 2 : i32
      %rem3A_138 = arith.remsi %scan3A_133, %rem3A_137 : i32
      %div3A = arith.constant 5 : i32
      %div3A_139 = arith.divsi %scan3A_133, %div3A : i32
      %mul3A_140 = arith.constant 5 : i32
      %mul3A_141 = arith.muli %div3A_139, %mul3A_140 : i32
      %sub3A = arith.subi %scan3A_133, %mul3A_141 : i32
      %rem3A_142 = arith.constant 2 : i32
      %rem3A_143 = arith.remsi %div3A_139, %rem3A_142 : i32
      %dma_wait3A_144 = arith.constant 0 : i32
      %dma_wait3A_145 = arith.constant 0 : i32
      %dma_wait3A_146 = tpu.memref_slice %arg10[%rem3A_136, %dma_wait3A_144, %dma_wait3A_145] : memref<3x80x64xi32, #tpu.memory_space<vmem>> -> memref<1x80x64xi32, #tpu.memory_space<vmem>>
      %dma_wait3A_147 = tpu.memref_squeeze %dma_wait3A_146 : memref<1x80x64xi32, #tpu.memory_space<vmem>> -> memref<80x64xi32, #tpu.memory_space<vmem>>
      %dma_wait3A_148 = arith.constant 0 : i32
      %dma_wait3A_149 = arith.constant 0 : i32
      %dma_wait3A_150 = tpu.memref_slice %arg2[%dma_wait3A_148, %dma_wait3A_149] : memref<10000x64xi32, #tpu.memory_space<hbm>> -> memref<80x64xi32, #tpu.memory_space<hbm>>
      %dma_wait3A_151 = tpu.memref_slice %arg13[%rem3A_136] : memref<3x!tpu.dma_semaphore, #tpu.memory_space<semaphore_mem>> -> memref<1x!tpu.dma_semaphore, #tpu.memory_space<semaphore_mem>>
      %dma_wait3A_152 = tpu.memref_squeeze %dma_wait3A_151 : memref<1x!tpu.dma_semaphore, #tpu.memory_space<semaphore_mem>> -> memref<!tpu.dma_semaphore, #tpu.memory_space<semaphore_mem>>
      %dma_wait3A_153 = arith.constant 0 : i32
      %dma_wait3A_154 = arith.constant 0 : i32
      %dma_wait3A_155 = tpu.memref_slice %arg10[%rem3A_136, %dma_wait3A_153, %dma_wait3A_154] : memref<3x80x64xi32, #tpu.memory_space<vmem>> -> memref<1x80x64xi32, #tpu.memory_space<vmem>>
      %dma_wait3A_156 = tpu.memref_squeeze %dma_wait3A_155 : memref<1x80x64xi32, #tpu.memory_space<vmem>> -> memref<80x64xi32, #tpu.memory_space<vmem>>
      %dma_wait3A_157 = arith.constant 0 : i32
      %dma_wait3A_158 = arith.constant 0 : i32
      %dma_wait3A_159 = tpu.memref_slice %arg2[%dma_wait3A_157, %dma_wait3A_158] : memref<10000x64xi32, #tpu.memory_space<hbm>> -> memref<80x64xi32, #tpu.memory_space<hbm>>
      tpu.wait_dma2 semaphore(%dma_wait3A_152 : memref<!tpu.dma_semaphore, #tpu.memory_space<semaphore_mem>>) src(%dma_wait3A_159 : memref<80x64xi32, #tpu.memory_space<hbm>>) dst(%dma_wait3A_156 : memref<80x64xi32, #tpu.memory_space<vmem>>)
      %parallel_loop3A_160 = arith.constant 0 : i32
      %parallel_loop3A_161 = arith.constant 5 : i32
      %parallel_loop3A_162 = arith.constant 1 : i32
      scf.for %parallel_loop3A_199 = %parallel_loop3A_160 to %parallel_loop3A_161 step %parallel_loop3A_162  : i32 {
        %parallel_loop3A_200 = arith.constant 400 : i32
        %parallel_loop3A_201 = arith.muli %rem3A_143, %parallel_loop3A_200 : i32
        %parallel_loop3A_202 = arith.constant 80 : i32
        %parallel_loop3A_203 = arith.muli %sub3A, %parallel_loop3A_202 : i32
        %parallel_loop3A_204 = arith.addi %parallel_loop3A_201, %parallel_loop3A_203 : i32
        %parallel_loop3A_205 = arith.constant 16 : i32
        %parallel_loop3A_206 = arith.muli %parallel_loop3A_199, %parallel_loop3A_205 : i32
        %parallel_loop3A_207 = arith.addi %parallel_loop3A_204, %parallel_loop3A_206 : i32
        %parallel_loop3A_208 = arith.index_cast %parallel_loop3A_207 : i32 to index
        %parallel_loop3A_209 = tpu.vector_load %arg9[%parallel_loop3A_208] {strides = array<i32>} : memref<800xf32, #tpu.memory_space<vmem>>, vector<16xf32>,
        %parallel_loop3A_210 = vector.shape_cast %parallel_loop3A_209 : vector<16xf32> to vector<16xf32>
        %parallel_loop3A_211 = arith.constant 16 : i32
        %parallel_loop3A_212 = arith.muli %parallel_loop3A_199, %parallel_loop3A_211 : i32
        %parallel_loop3A_213 = arith.constant 0 : i32
        %parallel_loop3A_214 = arith.addi %parallel_loop3A_212, %parallel_loop3A_213 : i32
        %parallel_loop3A_215 = arith.index_cast %rem3A_136 : i32 to index
        %parallel_loop3A_216 = arith.index_cast %parallel_loop3A_214 : i32 to index
        %parallel_loop3A_217 = arith.constant 0 : index
        %parallel_loop3A_218 = tpu.vector_load %arg10[%parallel_loop3A_215, %parallel_loop3A_216, %parallel_loop3A_217] {strides = array<i32>} : memref<3x80x64xi32, #tpu.memory_space<vmem>>, vector<1x1x16xi32>,
        %parallel_loop3A_219 = vector.shape_cast %parallel_loop3A_218 : vector<1x1x16xi32> to vector<16xi32>
        %parallel_loop3A_220 = arith.index_cast %rem3A_136 : i32 to index
        %parallel_loop3A_221 = arith.index_cast %parallel_loop3A_214 : i32 to index
        %parallel_loop3A_222 = arith.constant 16 : index
        %parallel_loop3A_223 = tpu.vector_load %arg10[%parallel_loop3A_220, %parallel_loop3A_221, %parallel_loop3A_222] {strides = array<i32>} : memref<3x80x64xi32, #tpu.memory_space<vmem>>, vector<1x1x16xi32>,
        %parallel_loop3A_224 = vector.shape_cast %parallel_loop3A_223 : vector<1x1x16xi32> to vector<16xi32>
        %parallel_loop3A_225 = arith.index_cast %rem3A_136 : i32 to index
        %parallel_loop3A_226 = arith.index_cast %parallel_loop3A_214 : i32 to index
        %parallel_loop3A_227 = arith.constant 32 : index
        %parallel_loop3A_228 = tpu.vector_load %arg10[%parallel_loop3A_225, %parallel_loop3A_226, %parallel_loop3A_227] {strides = array<i32>} : memref<3x80x64xi32, #tpu.memory_space<vmem>>, vector<1x1x16xi32>,
        %parallel_loop3A_229 = vector.shape_cast %parallel_loop3A_228 : vector<1x1x16xi32> to vector<16xi32>
        %parallel_loop3A_230 = arith.index_cast %rem3A_136 : i32 to index
        %parallel_loop3A_231 = arith.index_cast %parallel_loop3A_214 : i32 to index
        %parallel_loop3A_232 = arith.constant 48 : index
        %parallel_loop3A_233 = tpu.vector_load %arg10[%parallel_loop3A_230, %parallel_loop3A_231, %parallel_loop3A_232] {strides = array<i32>} : memref<3x80x64xi32, #tpu.memory_space<vmem>>, vector<1x1x16xi32>,
        %parallel_loop3A_234 = vector.shape_cast %parallel_loop3A_233 : vector<1x1x16xi32> to vector<16xi32>
        %parallel_loop3A_235 = arith.constant 1 : i32
        %parallel_loop3A_236 = arith.addi %parallel_loop3A_214, %parallel_loop3A_235 : i32
        %parallel_loop3A_237 = arith.index_cast %rem3A_136 : i32 to index
        %parallel_loop3A_238 = arith.index_cast %parallel_loop3A_236 : i32 to index
        %parallel_loop3A_239 = arith.constant 0 : index
        %parallel_loop3A_240 = tpu.vector_load %arg10[%parallel_loop3A_237, %parallel_loop3A_238, %parallel_loop3A_239] {strides = array<i32>} : memref<3x80x64xi32, #tpu.memory_space<vmem>>, vector<1x1x16xi32>,
        %parallel_loop3A_241 = vector.shape_cast %parallel_loop3A_240 : vector<1x1x16xi32> to vector<16xi32>
        %parallel_loop3A_242 = arith.constant 1 : i32
        %parallel_loop3A_243 = arith.addi %parallel_loop3A_214, %parallel_loop3A_242 : i32
        %parallel_loop3A_244 = arith.index_cast %rem3A_136 : i32 to index
        %parallel_loop3A_245 = arith.index_cast %parallel_loop3A_243 : i32 to index
        %parallel_loop3A_246 = arith.constant 16 : index
        %parallel_loop3A_247 = tpu.vector_load %arg10[%parallel_loop3A_244, %parallel_loop3A_245, %parallel_loop3A_246] {strides = array<i32>} : memref<3x80x64xi32, #tpu.memory_space<vmem>>, vector<1x1x16xi32>,
        %parallel_loop3A_248 = vector.shape_cast %parallel_loop3A_247 : vector<1x1x16xi32> to vector<16xi32>
        %parallel_loop3A_249 = arith.constant 1 : i32
        %parallel_loop3A_250 = arith.addi %parallel_loop3A_214, %parallel_loop3A_249 : i32
        %parallel_loop3A_251 = arith.index_cast %rem3A_136 : i32 to index
        %parallel_loop3A_252 = arith.index_cast %parallel_loop3A_250 : i32 to index
        %parallel_loop3A_253 = arith.constant 32 : index
        %parallel_loop3A_254 = tpu.vector_load %arg10[%parallel_loop3A_251, %parallel_loop3A_252, %parallel_loop3A_253] {strides = array<i32>} : memref<3x80x64xi32, #tpu.memory_space<vmem>>, vector<1x1x16xi32>,
        %parallel_loop3A_255 = vector.shape_cast %parallel_loop3A_254 : vector<1x1x16xi32> to vector<16xi32>
        %parallel_loop3A_256 = arith.constant 1 : i32
        %parallel_loop3A_257 = arith.addi %parallel_loop3A_214, %parallel_loop3A_256 : i32
        %parallel_loop3A_258 = arith.index_cast %rem3A_136 : i32 to index
        %parallel_loop3A_259 = arith.index_cast %parallel_loop3A_257 : i32 to index
        %parallel_loop3A_260 = arith.constant 48 : index
        %parallel_loop3A_261 = tpu.vector_load %arg10[%parallel_loop3A_258, %parallel_loop3A_259, %parallel_loop3A_260] {strides = array<i32>} : memref<3x80x64xi32, #tpu.memory_space<vmem>>, vector<1x1x16xi32>,
        %parallel_loop3A_262 = vector.shape_cast %parallel_loop3A_261 : vector<1x1x16xi32> to vector<16xi32>
        %parallel_loop3A_263 = arith.constant 0 : i32
        %parallel_loop3A_264 = vector.broadcast %parallel_loop3A_263 : i32 to vector<16x1xi32>
        %parallel_loop3A_265 = vector.shape_cast %parallel_loop3A_264 : vector<16x1xi32> to vector<16xi32>
        %parallel_loop3A_266 = tpu.dynamic_gather %parallel_loop3A_210[%parallel_loop3A_265] in [0] : vector<16xf32>, vector<16xi32> -> vector<16xf32>
        %parallel_loop3A_267 = arith.constant 1 : i32
        %parallel_loop3A_268 = vector.broadcast %parallel_loop3A_267 : i32 to vector<16x1xi32>
        %parallel_loop3A_269 = vector.shape_cast %parallel_loop3A_268 : vector<16x1xi32> to vector<16xi32>
        %parallel_loop3A_270 = tpu.dynamic_gather %parallel_loop3A_210[%parallel_loop3A_269] in [0] : vector<16xf32>, vector<16xi32> -> vector<16xf32>
        %parallel_loop3A_271 = arith.constant 16 : i32
        %parallel_loop3A_272 = vector.broadcast %parallel_loop3A_271 : i32 to vector<16xi32>
        %parallel_loop3A_273 = arith.shli %parallel_loop3A_219, %parallel_loop3A_272 : vector<16xi32>
        %parallel_loop3A_274 = tpu.bitcast %parallel_loop3A_273 : vector<16xi32> -> vector<16xf32>
        %parallel_loop3A_275 = arith.constant -65536 : i32
        %parallel_loop3A_276 = vector.broadcast %parallel_loop3A_275 : i32 to vector<16xi32>
        %parallel_loop3A_277 = arith.andi %parallel_loop3A_219, %parallel_loop3A_276 : vector<16xi32>
        %parallel_loop3A_278 = tpu.bitcast %parallel_loop3A_277 : vector<16xi32> -> vector<16xf32>
        %parallel_loop3A_279 = arith.constant 16 : i32
        %parallel_loop3A_280 = vector.broadcast %parallel_loop3A_279 : i32 to vector<16xi32>
        %parallel_loop3A_281 = arith.shli %parallel_loop3A_224, %parallel_loop3A_280 : vector<16xi32>
        %parallel_loop3A_282 = tpu.bitcast %parallel_loop3A_281 : vector<16xi32> -> vector<16xf32>
        %parallel_loop3A_283 = arith.constant -65536 : i32
        %parallel_loop3A_284 = vector.broadcast %parallel_loop3A_283 : i32 to vector<16xi32>
        %parallel_loop3A_285 = arith.andi %parallel_loop3A_224, %parallel_loop3A_284 : vector<16xi32>
        %parallel_loop3A_286 = tpu.bitcast %parallel_loop3A_285 : vector<16xi32> -> vector<16xf32>
        %parallel_loop3A_287 = arith.constant 16 : i32
        %parallel_loop3A_288 = vector.broadcast %parallel_loop3A_287 : i32 to vector<16xi32>
        %parallel_loop3A_289 = arith.shli %parallel_loop3A_229, %parallel_loop3A_288 : vector<16xi32>
        %parallel_loop3A_290 = tpu.bitcast %parallel_loop3A_289 : vector<16xi32> -> vector<16xf32>
        %parallel_loop3A_291 = arith.constant -65536 : i32
        %parallel_loop3A_292 = vector.broadcast %parallel_loop3A_291 : i32 to vector<16xi32>
        %parallel_loop3A_293 = arith.andi %parallel_loop3A_229, %parallel_loop3A_292 : vector<16xi32>
        %parallel_loop3A_294 = tpu.bitcast %parallel_loop3A_293 : vector<16xi32> -> vector<16xf32>
        %parallel_loop3A_295 = arith.constant 16 : i32
        %parallel_loop3A_296 = vector.broadcast %parallel_loop3A_295 : i32 to vector<16xi32>
        %parallel_loop3A_297 = arith.shli %parallel_loop3A_234, %parallel_loop3A_296 : vector<16xi32>
        %parallel_loop3A_298 = tpu.bitcast %parallel_loop3A_297 : vector<16xi32> -> vector<16xf32>
        %parallel_loop3A_299 = arith.constant -65536 : i32
        %parallel_loop3A_300 = vector.broadcast %parallel_loop3A_299 : i32 to vector<16xi32>
        %parallel_loop3A_301 = arith.andi %parallel_loop3A_234, %parallel_loop3A_300 : vector<16xi32>
        %parallel_loop3A_302 = tpu.bitcast %parallel_loop3A_301 : vector<16xi32> -> vector<16xf32>
        %parallel_loop3A_303 = arith.constant 16 : i32
        %parallel_loop3A_304 = vector.broadcast %parallel_loop3A_303 : i32 to vector<16xi32>
        %parallel_loop3A_305 = arith.shli %parallel_loop3A_241, %parallel_loop3A_304 : vector<16xi32>
        %parallel_loop3A_306 = tpu.bitcast %parallel_loop3A_305 : vector<16xi32> -> vector<16xf32>
        %parallel_loop3A_307 = arith.constant -65536 : i32
        %parallel_loop3A_308 = vector.broadcast %parallel_loop3A_307 : i32 to vector<16xi32>
        %parallel_loop3A_309 = arith.andi %parallel_loop3A_241, %parallel_loop3A_308 : vector<16xi32>
        %parallel_loop3A_310 = tpu.bitcast %parallel_loop3A_309 : vector<16xi32> -> vector<16xf32>
        %parallel_loop3A_311 = arith.constant 16 : i32
        %parallel_loop3A_312 = vector.broadcast %parallel_loop3A_311 : i32 to vector<16xi32>
        %parallel_loop3A_313 = arith.shli %parallel_loop3A_248, %parallel_loop3A_312 : vector<16xi32>
        %parallel_loop3A_314 = tpu.bitcast %parallel_loop3A_313 : vector<16xi32> -> vector<16xf32>
        %parallel_loop3A_315 = arith.constant -65536 : i32
        %parallel_loop3A_316 = vector.broadcast %parallel_loop3A_315 : i32 to vector<16xi32>
        %parallel_loop3A_317 = arith.andi %parallel_loop3A_248, %parallel_loop3A_316 : vector<16xi32>
        %parallel_loop3A_318 = tpu.bitcast %parallel_loop3A_317 : vector<16xi32> -> vector<16xf32>
        %parallel_loop3A_319 = arith.constant 16 : i32
        %parallel_loop3A_320 = vector.broadcast %parallel_loop3A_319 : i32 to vector<16xi32>
        %parallel_loop3A_321 = arith.shli %parallel_loop3A_255, %parallel_loop3A_320 : vector<16xi32>
        %parallel_loop3A_322 = tpu.bitcast %parallel_loop3A_321 : vector<16xi32> -> vector<16xf32>
        %parallel_loop3A_323 = arith.constant -65536 : i32
        %parallel_loop3A_324 = vector.broadcast %parallel_loop3A_323 : i32 to vector<16xi32>
        %parallel_loop3A_325 = arith.andi %parallel_loop3A_255, %parallel_loop3A_324 : vector<16xi32>
        %parallel_loop3A_326 = tpu.bitcast %parallel_loop3A_325 : vector<16xi32> -> vector<16xf32>
        %parallel_loop3A_327 = arith.constant 16 : i32
        %parallel_loop3A_328 = vector.broadcast %parallel_loop3A_327 : i32 to vector<16xi32>
        %parallel_loop3A_329 = arith.shli %parallel_loop3A_262, %parallel_loop3A_328 : vector<16xi32>
        %parallel_loop3A_330 = tpu.bitcast %parallel_loop3A_329 : vector<16xi32> -> vector<16xf32>
        %parallel_loop3A_331 = arith.constant -65536 : i32
        %parallel_loop3A_332 = vector.broadcast %parallel_loop3A_331 : i32 to vector<16xi32>
        %parallel_loop3A_333 = arith.andi %parallel_loop3A_262, %parallel_loop3A_332 : vector<16xi32>
        %parallel_loop3A_334 = tpu.bitcast %parallel_loop3A_333 : vector<16xi32> -> vector<16xf32>
        %parallel_loop3A_335 = arith.mulf %parallel_loop3A_274, %parallel_loop3A_266 : vector<16xf32>
        %parallel_loop3A_336 = arith.mulf %parallel_loop3A_278, %parallel_loop3A_266 : vector<16xf32>
        %parallel_loop3A_337 = arith.mulf %parallel_loop3A_282, %parallel_loop3A_266 : vector<16xf32>
        %parallel_loop3A_338 = arith.mulf %parallel_loop3A_286, %parallel_loop3A_266 : vector<16xf32>
        %parallel_loop3A_339 = arith.mulf %parallel_loop3A_290, %parallel_loop3A_266 : vector<16xf32>
        %parallel_loop3A_340 = arith.mulf %parallel_loop3A_294, %parallel_loop3A_266 : vector<16xf32>
        %parallel_loop3A_341 = arith.mulf %parallel_loop3A_298, %parallel_loop3A_266 : vector<16xf32>
        %parallel_loop3A_342 = arith.mulf %parallel_loop3A_302, %parallel_loop3A_266 : vector<16xf32>
        %parallel_loop3A_343 = arith.mulf %parallel_loop3A_306, %parallel_loop3A_270 : vector<16xf32>
        %parallel_loop3A_344 = arith.mulf %parallel_loop3A_310, %parallel_loop3A_270 : vector<16xf32>
        %parallel_loop3A_345 = arith.mulf %parallel_loop3A_314, %parallel_loop3A_270 : vector<16xf32>
        %parallel_loop3A_346 = arith.mulf %parallel_loop3A_318, %parallel_loop3A_270 : vector<16xf32>
        %parallel_loop3A_347 = arith.mulf %parallel_loop3A_322, %parallel_loop3A_270 : vector<16xf32>
        %parallel_loop3A_348 = arith.mulf %parallel_loop3A_326, %parallel_loop3A_270 : vector<16xf32>
        %parallel_loop3A_349 = arith.mulf %parallel_loop3A_330, %parallel_loop3A_270 : vector<16xf32>
        %parallel_loop3A_350 = arith.mulf %parallel_loop3A_334, %parallel_loop3A_270 : vector<16xf32>
        %parallel_loop3A_351 = arith.constant 16 : i32
        %parallel_loop3A_352 = arith.muli %parallel_loop3A_199, %parallel_loop3A_351 : i32
        %parallel_loop3A_353 = arith.constant 2 : i32
        %parallel_loop3A_354 = arith.addi %parallel_loop3A_352, %parallel_loop3A_353 : i32
        %parallel_loop3A_355 = arith.index_cast %rem3A_136 : i32 to index
        %parallel_loop3A_356 = arith.index_cast %parallel_loop3A_354 : i32 to index
        %parallel_loop3A_357 = arith.constant 0 : index
        %parallel_loop3A_358 = tpu.vector_load %arg10[%parallel_loop3A_355, %parallel_loop3A_356, %parallel_loop3A_357] {strides = array<i32>} : memref<3x80x64xi32, #tpu.memory_space<vmem>>, vector<1x1x16xi32>,
        %parallel_loop3A_359 = vector.shape_cast %parallel_loop3A_358 : vector<1x1x16xi32> to vector<16xi32>
        %parallel_loop3A_360 = arith.index_cast %rem3A_136 : i32 to index
        %parallel_loop3A_361 = arith.index_cast %parallel_loop3A_354 : i32 to index
        %parallel_loop3A_362 = arith.constant 16 : index
        %parallel_loop3A_363 = tpu.vector_load %arg10[%parallel_loop3A_360, %parallel_loop3A_361, %parallel_loop3A_362] {strides = array<i32>} : memref<3x80x64xi32, #tpu.memory_space<vmem>>, vector<1x1x16xi32>,
        %parallel_loop3A_364 = vector.shape_cast %parallel_loop3A_363 : vector<1x1x16xi32> to vector<16xi32>
        %parallel_loop3A_365 = arith.index_cast %rem3A_136 : i32 to index
        %parallel_loop3A_366 = arith.index_cast %parallel_loop3A_354 : i32 to index
        %parallel_loop3A_367 = arith.constant 32 : index
        %parallel_loop3A_368 = tpu.vector_load %arg10[%parallel_loop3A_365, %parallel_loop3A_366, %parallel_loop3A_367] {strides = array<i32>} : memref<3x80x64xi32, #tpu.memory_space<vmem>>, vector<1x1x16xi32>,
        %parallel_loop3A_369 = vector.shape_cast %parallel_loop3A_368 : vector<1x1x16xi32> to vector<16xi32>
        %parallel_loop3A_370 = arith.index_cast %rem3A_136 : i32 to index
        %parallel_loop3A_371 = arith.index_cast %parallel_loop3A_354 : i32 to index
        %parallel_loop3A_372 = arith.constant 48 : index
        %parallel_loop3A_373 = tpu.vector_load %arg10[%parallel_loop3A_370, %parallel_loop3A_371, %parallel_loop3A_372] {strides = array<i32>} : memref<3x80x64xi32, #tpu.memory_space<vmem>>, vector<1x1x16xi32>,
        %parallel_loop3A_374 = vector.shape_cast %parallel_loop3A_373 : vector<1x1x16xi32> to vector<16xi32>
        %parallel_loop3A_375 = arith.constant 1 : i32
        %parallel_loop3A_376 = arith.addi %parallel_loop3A_354, %parallel_loop3A_375 : i32
        %parallel_loop3A_377 = arith.index_cast %rem3A_136 : i32 to index
        %parallel_loop3A_378 = arith.index_cast %parallel_loop3A_376 : i32 to index
        %parallel_loop3A_379 = arith.constant 0 : index
        %parallel_loop3A_380 = tpu.vector_load %arg10[%parallel_loop3A_377, %parallel_loop3A_378, %parallel_loop3A_379] {strides = array<i32>} : memref<3x80x64xi32, #tpu.memory_space<vmem>>, vector<1x1x16xi32>,
        %parallel_loop3A_381 = vector.shape_cast %parallel_loop3A_380 : vector<1x1x16xi32> to vector<16xi32>
        %parallel_loop3A_382 = arith.constant 1 : i32
        %parallel_loop3A_383 = arith.addi %parallel_loop3A_354, %parallel_loop3A_382 : i32
        %parallel_loop3A_384 = arith.index_cast %rem3A_136 : i32 to index
        %parallel_loop3A_385 = arith.index_cast %parallel_loop3A_383 : i32 to index
        %parallel_loop3A_386 = arith.constant 16 : index
        %parallel_loop3A_387 = tpu.vector_load %arg10[%parallel_loop3A_384, %parallel_loop3A_385, %parallel_loop3A_386] {strides = array<i32>} : memref<3x80x64xi32, #tpu.memory_space<vmem>>, vector<1x1x16xi32>,
        %parallel_loop3A_388 = vector.shape_cast %parallel_loop3A_387 : vector<1x1x16xi32> to vector<16xi32>
        %parallel_loop3A_389 = arith.constant 1 : i32
        %parallel_loop3A_390 = arith.addi %parallel_loop3A_354, %parallel_loop3A_389 : i32
        %parallel_loop3A_391 = arith.index_cast %rem3A_136 : i32 to index
        %parallel_loop3A_392 = arith.index_cast %parallel_loop3A_390 : i32 to index
        %parallel_loop3A_393 = arith.constant 32 : index
        %parallel_loop3A_394 = tpu.vector_load %arg10[%parallel_loop3A_391, %parallel_loop3A_392, %parallel_loop3A_393] {strides = array<i32>} : memref<3x80x64xi32, #tpu.memory_space<vmem>>, vector<1x1x16xi32>,
        %parallel_loop3A_395 = vector.shape_cast %parallel_loop3A_394 : vector<1x1x16xi32> to vector<16xi32>
        %parallel_loop3A_396 = arith.constant 1 : i32
        %parallel_loop3A_397 = arith.addi %parallel_loop3A_354, %parallel_loop3A_396 : i32
        %parallel_loop3A_398 = arith.index_cast %rem3A_136 : i32 to index
        %parallel_loop3A_399 = arith.index_cast %parallel_loop3A_397 : i32 to index
        %parallel_loop3A_400 = arith.constant 48 : index
        %parallel_loop3A_401 = tpu.vector_load %arg10[%parallel_loop3A_398, %parallel_loop3A_399, %parallel_loop3A_400] {strides = array<i32>} : memref<3x80x64xi32, #tpu.memory_space<vmem>>, vector<1x1x16xi32>,
        %parallel_loop3A_402 = vector.shape_cast %parallel_loop3A_401 : vector<1x1x16xi32> to vector<16xi32>
        %parallel_loop3A_403 = arith.constant 16 : i32
        %parallel_loop3A_404 = arith.muli %parallel_loop3A_199, %parallel_loop3A_403 : i32
        %parallel_loop3A_405 = arith.constant 0 : i32
        %parallel_loop3A_406 = arith.addi %parallel_loop3A_404, %parallel_loop3A_405 : i32
        %parallel_loop3A_407 = arith.index_cast %rem3A_138 : i32 to index
        %parallel_loop3A_408 = arith.index_cast %parallel_loop3A_406 : i32 to index
        %parallel_loop3A_409 = arith.constant 0 : index
        %parallel_loop3A_410 = tpu.vector_load %arg11[%parallel_loop3A_407, %parallel_loop3A_408, %parallel_loop3A_409] {strides = array<i32>} : memref<2x80x128xf32, #tpu.memory_space<vmem>>, vector<1x1x16xf32>,
        %parallel_loop3A_411 = vector.shape_cast %parallel_loop3A_410 : vector<1x1x16xf32> to vector<16xf32>
        %parallel_loop3A_412 = vector.shape_cast %parallel_loop3A_335 : vector<16xf32> to vector<1x1x16xf32>
        tpu.vector_store %arg11[%parallel_loop3A_407, %parallel_loop3A_408, %parallel_loop3A_409], %parallel_loop3A_412 {strides = array<i32>} : memref<2x80x128xf32, #tpu.memory_space<vmem>>, vector<1x1x16xf32>,
        %parallel_loop3A_413 = arith.index_cast %rem3A_138 : i32 to index
        %parallel_loop3A_414 = arith.index_cast %parallel_loop3A_406 : i32 to index
        %parallel_loop3A_415 = arith.constant 16 : index
        %parallel_loop3A_416 = tpu.vector_load %arg11[%parallel_loop3A_413, %parallel_loop3A_414, %parallel_loop3A_415] {strides = array<i32>} : memref<2x80x128xf32, #tpu.memory_space<vmem>>, vector<1x1x16xf32>,
        %parallel_loop3A_417 = vector.shape_cast %parallel_loop3A_416 : vector<1x1x16xf32> to vector<16xf32>
        %parallel_loop3A_418 = vector.shape_cast %parallel_loop3A_336 : vector<16xf32> to vector<1x1x16xf32>
        tpu.vector_store %arg11[%parallel_loop3A_413, %parallel_loop3A_414, %parallel_loop3A_415], %parallel_loop3A_418 {strides = array<i32>} : memref<2x80x128xf32, #tpu.memory_space<vmem>>, vector<1x1x16xf32>,
        %parallel_loop3A_419 = arith.index_cast %rem3A_138 : i32 to index
        %parallel_loop3A_420 = arith.index_cast %parallel_loop3A_406 : i32 to index
        %parallel_loop3A_421 = arith.constant 32 : index
        %parallel_loop3A_422 = tpu.vector_load %arg11[%parallel_loop3A_419, %parallel_loop3A_420, %parallel_loop3A_421] {strides = array<i32>} : memref<2x80x128xf32, #tpu.memory_space<vmem>>, vector<1x1x16xf32>,
        %parallel_loop3A_423 = vector.shape_cast %parallel_loop3A_422 : vector<1x1x16xf32> to vector<16xf32>
        %parallel_loop3A_424 = vector.shape_cast %parallel_loop3A_337 : vector<16xf32> to vector<1x1x16xf32>
        tpu.vector_store %arg11[%parallel_loop3A_419, %parallel_loop3A_420, %parallel_loop3A_421], %parallel_loop3A_424 {strides = array<i32>} : memref<2x80x128xf32, #tpu.memory_space<vmem>>, vector<1x1x16xf32>,
        %parallel_loop3A_425 = arith.index_cast %rem3A_138 : i32 to index
        %parallel_loop3A_426 = arith.index_cast %parallel_loop3A_406 : i32 to index
        %parallel_loop3A_427 = arith.constant 48 : index
        %parallel_loop3A_428 = tpu.vector_load %arg11[%parallel_loop3A_425, %parallel_loop3A_426, %parallel_loop3A_427] {strides = array<i32>} : memref<2x80x128xf32, #tpu.memory_space<vmem>>, vector<1x1x16xf32>,
        %parallel_loop3A_429 = vector.shape_cast %parallel_loop3A_428 : vector<1x1x16xf32> to vector<16xf32>
        %parallel_loop3A_430 = vector.shape_cast %parallel_loop3A_338 : vector<16xf32> to vector<1x1x16xf32>
        tpu.vector_store %arg11[%parallel_loop3A_425, %parallel_loop3A_426, %parallel_loop3A_427], %parallel_loop3A_430 {strides = array<i32>} : memref<2x80x128xf32, #tpu.memory_space<vmem>>, vector<1x1x16xf32>,
        %parallel_loop3A_431 = arith.index_cast %rem3A_138 : i32 to index
        %parallel_loop3A_432 = arith.index_cast %parallel_loop3A_406 : i32 to index
        %parallel_loop3A_433 = arith.constant 64 : index
        %parallel_loop3A_434 = tpu.vector_load %arg11[%parallel_loop3A_431, %parallel_loop3A_432, %parallel_loop3A_433] {strides = array<i32>} : memref<2x80x128xf32, #tpu.memory_space<vmem>>, vector<1x1x16xf32>,
        %parallel_loop3A_435 = vector.shape_cast %parallel_loop3A_434 : vector<1x1x16xf32> to vector<16xf32>
        %parallel_loop3A_436 = vector.shape_cast %parallel_loop3A_339 : vector<16xf32> to vector<1x1x16xf32>
        tpu.vector_store %arg11[%parallel_loop3A_431, %parallel_loop3A_432, %parallel_loop3A_433], %parallel_loop3A_436 {strides = array<i32>} : memref<2x80x128xf32, #tpu.memory_space<vmem>>, vector<1x1x16xf32>,
        %parallel_loop3A_437 = arith.index_cast %rem3A_138 : i32 to index
        %parallel_loop3A_438 = arith.index_cast %parallel_loop3A_406 : i32 to index
        %parallel_loop3A_439 = arith.constant 80 : index
        %parallel_loop3A_440 = tpu.vector_load %arg11[%parallel_loop3A_437, %parallel_loop3A_438, %parallel_loop3A_439] {strides = array<i32>} : memref<2x80x128xf32, #tpu.memory_space<vmem>>, vector<1x1x16xf32>,
        %parallel_loop3A_441 = vector.shape_cast %parallel_loop3A_440 : vector<1x1x16xf32> to vector<16xf32>
        %parallel_loop3A_442 = vector.shape_cast %parallel_loop3A_340 : vector<16xf32> to vector<1x1x16xf32>
        tpu.vector_store %arg11[%parallel_loop3A_437, %parallel_loop3A_438, %parallel_loop3A_439], %parallel_loop3A_442 {strides = array<i32>} : memref<2x80x128xf32, #tpu.memory_space<vmem>>, vector<1x1x16xf32>,
        %parallel_loop3A_443 = arith.index_cast %rem3A_138 : i32 to index
        %parallel_loop3A_444 = arith.index_cast %parallel_loop3A_406 : i32 to index
        %parallel_loop3A_445 = arith.constant 96 : index
        %parallel_loop3A_446 = tpu.vector_load %arg11[%parallel_loop3A_443, %parallel_loop3A_444, %parallel_loop3A_445] {strides = array<i32>} : memref<2x80x128xf32, #tpu.memory_space<vmem>>, vector<1x1x16xf32>,
        %parallel_loop3A_447 = vector.shape_cast %parallel_loop3A_446 : vector<1x1x16xf32> to vector<16xf32>
        %parallel_loop3A_448 = vector.shape_cast %parallel_loop3A_341 : vector<16xf32> to vector<1x1x16xf32>
        tpu.vector_store %arg11[%parallel_loop3A_443, %parallel_loop3A_444, %parallel_loop3A_445], %parallel_loop3A_448 {strides = array<i32>} : memref<2x80x128xf32, #tpu.memory_space<vmem>>, vector<1x1x16xf32>,
        %parallel_loop3A_449 = arith.index_cast %rem3A_138 : i32 to index
        %parallel_loop3A_450 = arith.index_cast %parallel_loop3A_406 : i32 to index
        %parallel_loop3A_451 = arith.constant 112 : index
        %parallel_loop3A_452 = tpu.vector_load %arg11[%parallel_loop3A_449, %parallel_loop3A_450, %parallel_loop3A_451] {strides = array<i32>} : memref<2x80x128xf32, #tpu.memory_space<vmem>>, vector<1x1x16xf32>,
        %parallel_loop3A_453 = vector.shape_cast %parallel_loop3A_452 : vector<1x1x16xf32> to vector<16xf32>
        %parallel_loop3A_454 = vector.shape_cast %parallel_loop3A_342 : vector<16xf32> to vector<1x1x16xf32>
        tpu.vector_store %arg11[%parallel_loop3A_449, %parallel_loop3A_450, %parallel_loop3A_451], %parallel_loop3A_454 {strides = array<i32>} : memref<2x80x128xf32, #tpu.memory_space<vmem>>, vector<1x1x16xf32>,
        %parallel_loop3A_455 = arith.constant 1 : i32
        %parallel_loop3A_456 = arith.addi %parallel_loop3A_406, %parallel_loop3A_455 : i32
        %parallel_loop3A_457 = arith.index_cast %rem3A_138 : i32 to index
        %parallel_loop3A_458 = arith.index_cast %parallel_loop3A_456 : i32 to index
        %parallel_loop3A_459 = arith.constant 0 : index
        %parallel_loop3A_460 = tpu.vector_load %arg11[%parallel_loop3A_457, %parallel_loop3A_458, %parallel_loop3A_459] {strides = array<i32>} : memref<2x80x128xf32, #tpu.memory_space<vmem>>, vector<1x1x16xf32>,
        %parallel_loop3A_461 = vector.shape_cast %parallel_loop3A_460 : vector<1x1x16xf32> to vector<16xf32>
        %parallel_loop3A_462 = vector.shape_cast %parallel_loop3A_343 : vector<16xf32> to vector<1x1x16xf32>
        tpu.vector_store %arg11[%parallel_loop3A_457, %parallel_loop3A_458, %parallel_loop3A_459], %parallel_loop3A_462 {strides = array<i32>} : memref<2x80x128xf32, #tpu.memory_space<vmem>>, vector<1x1x16xf32>,
        %parallel_loop3A_463 = arith.constant 1 : i32
        %parallel_loop3A_464 = arith.addi %parallel_loop3A_406, %parallel_loop3A_463 : i32
        %parallel_loop3A_465 = arith.index_cast %rem3A_138 : i32 to index
        %parallel_loop3A_466 = arith.index_cast %parallel_loop3A_464 : i32 to index
        %parallel_loop3A_467 = arith.constant 16 : index
        %parallel_loop3A_468 = tpu.vector_load %arg11[%parallel_loop3A_465, %parallel_loop3A_466, %parallel_loop3A_467] {strides = array<i32>} : memref<2x80x128xf32, #tpu.memory_space<vmem>>, vector<1x1x16xf32>,
        %parallel_loop3A_469 = vector.shape_cast %parallel_loop3A_468 : vector<1x1x16xf32> to vector<16xf32>
        %parallel_loop3A_470 = vector.shape_cast %parallel_loop3A_344 : vector<16xf32> to vector<1x1x16xf32>
        tpu.vector_store %arg11[%parallel_loop3A_465, %parallel_loop3A_466, %parallel_loop3A_467], %parallel_loop3A_470 {strides = array<i32>} : memref<2x80x128xf32, #tpu.memory_space<vmem>>, vector<1x1x16xf32>,
        %parallel_loop3A_471 = arith.constant 1 : i32
        %parallel_loop3A_472 = arith.addi %parallel_loop3A_406, %parallel_loop3A_471 : i32
        %parallel_loop3A_473 = arith.index_cast %rem3A_138 : i32 to index
        %parallel_loop3A_474 = arith.index_cast %parallel_loop3A_472 : i32 to index
        %parallel_loop3A_475 = arith.constant 32 : index
        %parallel_loop3A_476 = tpu.vector_load %arg11[%parallel_loop3A_473, %parallel_loop3A_474, %parallel_loop3A_475] {strides = array<i32>} : memref<2x80x128xf32, #tpu.memory_space<vmem>>, vector<1x1x16xf32>,
        %parallel_loop3A_477 = vector.shape_cast %parallel_loop3A_476 : vector<1x1x16xf32> to vector<16xf32>
        %parallel_loop3A_478 = vector.shape_cast %parallel_loop3A_345 : vector<16xf32> to vector<1x1x16xf32>
        tpu.vector_store %arg11[%parallel_loop3A_473, %parallel_loop3A_474, %parallel_loop3A_475], %parallel_loop3A_478 {strides = array<i32>} : memref<2x80x128xf32, #tpu.memory_space<vmem>>, vector<1x1x16xf32>,
        %parallel_loop3A_479 = arith.constant 1 : i32
        %parallel_loop3A_480 = arith.addi %parallel_loop3A_406, %parallel_loop3A_479 : i32
        %parallel_loop3A_481 = arith.index_cast %rem3A_138 : i32 to index
        %parallel_loop3A_482 = arith.index_cast %parallel_loop3A_480 : i32 to index
        %parallel_loop3A_483 = arith.constant 48 : index
        %parallel_loop3A_484 = tpu.vector_load %arg11[%parallel_loop3A_481, %parallel_loop3A_482, %parallel_loop3A_483] {strides = array<i32>} : memref<2x80x128xf32, #tpu.memory_space<vmem>>, vector<1x1x16xf32>,
        %parallel_loop3A_485 = vector.shape_cast %parallel_loop3A_484 : vector<1x1x16xf32> to vector<16xf32>
        %parallel_loop3A_486 = vector.shape_cast %parallel_loop3A_346 : vector<16xf32> to vector<1x1x16xf32>
        tpu.vector_store %arg11[%parallel_loop3A_481, %parallel_loop3A_482, %parallel_loop3A_483], %parallel_loop3A_486 {strides = array<i32>} : memref<2x80x128xf32, #tpu.memory_space<vmem>>, vector<1x1x16xf32>,
        %parallel_loop3A_487 = arith.constant 1 : i32
        %parallel_loop3A_488 = arith.addi %parallel_loop3A_406, %parallel_loop3A_487 : i32
        %parallel_loop3A_489 = arith.index_cast %rem3A_138 : i32 to index
        %parallel_loop3A_490 = arith.index_cast %parallel_loop3A_488 : i32 to index
        %parallel_loop3A_491 = arith.constant 64 : index
        %parallel_loop3A_492 = tpu.vector_load %arg11[%parallel_loop3A_489, %parallel_loop3A_490, %parallel_loop3A_491] {strides = array<i32>} : memref<2x80x128xf32, #tpu.memory_space<vmem>>, vector<1x1x16xf32>,
        %parallel_loop3A_493 = vector.shape_cast %parallel_loop3A_492 : vector<1x1x16xf32> to vector<16xf32>
        %parallel_loop3A_494 = vector.shape_cast %parallel_loop3A_347 : vector<16xf32> to vector<1x1x16xf32>
        tpu.vector_store %arg11[%parallel_loop3A_489, %parallel_loop3A_490, %parallel_loop3A_491], %parallel_loop3A_494 {strides = array<i32>} : memref<2x80x128xf32, #tpu.memory_space<vmem>>, vector<1x1x16xf32>,
        %parallel_loop3A_495 = arith.constant 1 : i32
        %parallel_loop3A_496 = arith.addi %parallel_loop3A_406, %parallel_loop3A_495 : i32
        %parallel_loop3A_497 = arith.index_cast %rem3A_138 : i32 to index
        %parallel_loop3A_498 = arith.index_cast %parallel_loop3A_496 : i32 to index
        %parallel_loop3A_499 = arith.constant 80 : index
        %parallel_loop3A_500 = tpu.vector_load %arg11[%parallel_loop3A_497, %parallel_loop3A_498, %parallel_loop3A_499] {strides = array<i32>} : memref<2x80x128xf32, #tpu.memory_space<vmem>>, vector<1x1x16xf32>,
        %parallel_loop3A_501 = vector.shape_cast %parallel_loop3A_500 : vector<1x1x16xf32> to vector<16xf32>
        %parallel_loop3A_502 = vector.shape_cast %parallel_loop3A_348 : vector<16xf32> to vector<1x1x16xf32>
        tpu.vector_store %arg11[%parallel_loop3A_497, %parallel_loop3A_498, %parallel_loop3A_499], %parallel_loop3A_502 {strides = array<i32>} : memref<2x80x128xf32, #tpu.memory_space<vmem>>, vector<1x1x16xf32>,
        %parallel_loop3A_503 = arith.constant 1 : i32
        %parallel_loop3A_504 = arith.addi %parallel_loop3A_406, %parallel_loop3A_503 : i32
        %parallel_loop3A_505 = arith.index_cast %rem3A_138 : i32 to index
        %parallel_loop3A_506 = arith.index_cast %parallel_loop3A_504 : i32 to index
        %parallel_loop3A_507 = arith.constant 96 : index
        %parallel_loop3A_508 = tpu.vector_load %arg11[%parallel_loop3A_505, %parallel_loop3A_506, %parallel_loop3A_507] {strides = array<i32>} : memref<2x80x128xf32, #tpu.memory_space<vmem>>, vector<1x1x16xf32>,
        %parallel_loop3A_509 = vector.shape_cast %parallel_loop3A_508 : vector<1x1x16xf32> to vector<16xf32>
        %parallel_loop3A_510 = vector.shape_cast %parallel_loop3A_349 : vector<16xf32> to vector<1x1x16xf32>
        tpu.vector_store %arg11[%parallel_loop3A_505, %parallel_loop3A_506, %parallel_loop3A_507], %parallel_loop3A_510 {strides = array<i32>} : memref<2x80x128xf32, #tpu.memory_space<vmem>>, vector<1x1x16xf32>,
        %parallel_loop3A_511 = arith.constant 1 : i32
        %parallel_loop3A_512 = arith.addi %parallel_loop3A_406, %parallel_loop3A_511 : i32
        %parallel_loop3A_513 = arith.index_cast %rem3A_138 : i32 to index
        %parallel_loop3A_514 = arith.index_cast %parallel_loop3A_512 : i32 to index
        %parallel_loop3A_515 = arith.constant 112 : index
        %parallel_loop3A_516 = tpu.vector_load %arg11[%parallel_loop3A_513, %parallel_loop3A_514, %parallel_loop3A_515] {strides = array<i32>} : memref<2x80x128xf32, #tpu.memory_space<vmem>>, vector<1x1x16xf32>,
        %parallel_loop3A_517 = vector.shape_cast %parallel_loop3A_516 : vector<1x1x16xf32> to vector<16xf32>
        %parallel_loop3A_518 = vector.shape_cast %parallel_loop3A_350 : vector<16xf32> to vector<1x1x16xf32>
        tpu.vector_store %arg11[%parallel_loop3A_513, %parallel_loop3A_514, %parallel_loop3A_515], %parallel_loop3A_518 {strides = array<i32>} : memref<2x80x128xf32, #tpu.memory_space<vmem>>, vector<1x1x16xf32>,
        %parallel_loop3A_519 = arith.constant 2 : i32
        %parallel_loop3A_520 = vector.broadcast %parallel_loop3A_519 : i32 to vector<16x1xi32>
        %parallel_loop3A_521 = vector.shape_cast %parallel_loop3A_520 : vector<16x1xi32> to vector<16xi32>
        %parallel_loop3A_522 = tpu.dynamic_gather %parallel_loop3A_210[%parallel_loop3A_521] in [0] : vector<16xf32>, vector<16xi32> -> vector<16xf32>
        %parallel_loop3A_523 = arith.constant 3 : i32
        %parallel_loop3A_524 = vector.broadcast %parallel_loop3A_523 : i32 to vector<16x1xi32>
        %parallel_loop3A_525 = vector.shape_cast %parallel_loop3A_524 : vector<16x1xi32> to vector<16xi32>
        %parallel_loop3A_526 = tpu.dynamic_gather %parallel_loop3A_210[%parallel_loop3A_525] in [0] : vector<16xf32>, vector<16xi32> -> vector<16xf32>
        %parallel_loop3A_527 = arith.constant 16 : i32
        %parallel_loop3A_528 = vector.broadcast %parallel_loop3A_527 : i32 to vector<16xi32>
        %parallel_loop3A_529 = arith.shli %parallel_loop3A_359, %parallel_loop3A_528 : vector<16xi32>
        %parallel_loop3A_530 = tpu.bitcast %parallel_loop3A_529 : vector<16xi32> -> vector<16xf32>
        %parallel_loop3A_531 = arith.constant -65536 : i32
        %parallel_loop3A_532 = vector.broadcast %parallel_loop3A_531 : i32 to vector<16xi32>
        %parallel_loop3A_533 = arith.andi %parallel_loop3A_359, %parallel_loop3A_532 : vector<16xi32>
        %parallel_loop3A_534 = tpu.bitcast %parallel_loop3A_533 : vector<16xi32> -> vector<16xf32>
        %parallel_loop3A_535 = arith.constant 16 : i32
        %parallel_loop3A_536 = vector.broadcast %parallel_loop3A_535 : i32 to vector<16xi32>
        %parallel_loop3A_537 = arith.shli %parallel_loop3A_364, %parallel_loop3A_536 : vector<16xi32>
        %parallel_loop3A_538 = tpu.bitcast %parallel_loop3A_537 : vector<16xi32> -> vector<16xf32>
        %parallel_loop3A_539 = arith.constant -65536 : i32
        %parallel_loop3A_540 = vector.broadcast %parallel_loop3A_539 : i32 to vector<16xi32>
        %parallel_loop3A_541 = arith.andi %parallel_loop3A_364, %parallel_loop3A_540 : vector<16xi32>
        %parallel_loop3A_542 = tpu.bitcast %parallel_loop3A_541 : vector<16xi32> -> vector<16xf32>
        %parallel_loop3A_543 = arith.constant 16 : i32
        %parallel_loop3A_544 = vector.broadcast %parallel_loop3A_543 : i32 to vector<16xi32>
        %parallel_loop3A_545 = arith.shli %parallel_loop3A_369, %parallel_loop3A_544 : vector<16xi32>
        %parallel_loop3A_546 = tpu.bitcast %parallel_loop3A_545 : vector<16xi32> -> vector<16xf32>
        %parallel_loop3A_547 = arith.constant -65536 : i32
        %parallel_loop3A_548 = vector.broadcast %parallel_loop3A_547 : i32 to vector<16xi32>
        %parallel_loop3A_549 = arith.andi %parallel_loop3A_369, %parallel_loop3A_548 : vector<16xi32>
        %parallel_loop3A_550 = tpu.bitcast %parallel_loop3A_549 : vector<16xi32> -> vector<16xf32>
        %parallel_loop3A_551 = arith.constant 16 : i32
        %parallel_loop3A_552 = vector.broadcast %parallel_loop3A_551 : i32 to vector<16xi32>
        %parallel_loop3A_553 = arith.shli %parallel_loop3A_374, %parallel_loop3A_552 : vector<16xi32>
        %parallel_loop3A_554 = tpu.bitcast %parallel_loop3A_553 : vector<16xi32> -> vector<16xf32>
        %parallel_loop3A_555 = arith.constant -65536 : i32
        %parallel_loop3A_556 = vector.broadcast %parallel_loop3A_555 : i32 to vector<16xi32>
        %parallel_loop3A_557 = arith.andi %parallel_loop3A_374, %parallel_loop3A_556 : vector<16xi32>
        %parallel_loop3A_558 = tpu.bitcast %parallel_loop3A_557 : vector<16xi32> -> vector<16xf32>
        %parallel_loop3A_559 = arith.constant 16 : i32
        %parallel_loop3A_560 = vector.broadcast %parallel_loop3A_559 : i32 to vector<16xi32>
        %parallel_loop3A_561 = arith.shli %parallel_loop3A_381, %parallel_loop3A_560 : vector<16xi32>
        %parallel_loop3A_562 = tpu.bitcast %parallel_loop3A_561 : vector<16xi32> -> vector<16xf32>
        %parallel_loop3A_563 = arith.constant -65536 : i32
        %parallel_loop3A_564 = vector.broadcast %parallel_loop3A_563 : i32 to vector<16xi32>
        %parallel_loop3A_565 = arith.andi %parallel_loop3A_381, %parallel_loop3A_564 : vector<16xi32>
        %parallel_loop3A_566 = tpu.bitcast %parallel_loop3A_565 : vector<16xi32> -> vector<16xf32>
        %parallel_loop3A_567 = arith.constant 16 : i32
        %parallel_loop3A_568 = vector.broadcast %parallel_loop3A_567 : i32 to vector<16xi32>
        %parallel_loop3A_569 = arith.shli %parallel_loop3A_388, %parallel_loop3A_568 : vector<16xi32>
        %parallel_loop3A_570 = tpu.bitcast %parallel_loop3A_569 : vector<16xi32> -> vector<16xf32>
        %parallel_loop3A_571 = arith.constant -65536 : i32
        %parallel_loop3A_572 = vector.broadcast %parallel_loop3A_571 : i32 to vector<16xi32>
        %parallel_loop3A_573 = arith.andi %parallel_loop3A_388, %parallel_loop3A_572 : vector<16xi32>
        %parallel_loop3A_574 = tpu.bitcast %parallel_loop3A_573 : vector<16xi32> -> vector<16xf32>
        %parallel_loop3A_575 = arith.constant 16 : i32
        %parallel_loop3A_576 = vector.broadcast %parallel_loop3A_575 : i32 to vector<16xi32>
        %parallel_loop3A_577 = arith.shli %parallel_loop3A_395, %parallel_loop3A_576 : vector<16xi32>
        %parallel_loop3A_578 = tpu.bitcast %parallel_loop3A_577 : vector<16xi32> -> vector<16xf32>
        %parallel_loop3A_579 = arith.constant -65536 : i32
        %parallel_loop3A_580 = vector.broadcast %parallel_loop3A_579 : i32 to vector<16xi32>
        %parallel_loop3A_581 = arith.andi %parallel_loop3A_395, %parallel_loop3A_580 : vector<16xi32>
        %parallel_loop3A_582 = tpu.bitcast %parallel_loop3A_581 : vector<16xi32> -> vector<16xf32>
        %parallel_loop3A_583 = arith.constant 16 : i32
        %parallel_loop3A_584 = vector.broadcast %parallel_loop3A_583 : i32 to vector<16xi32>
        %parallel_loop3A_585 = arith.shli %parallel_loop3A_402, %parallel_loop3A_584 : vector<16xi32>
        %parallel_loop3A_586 = tpu.bitcast %parallel_loop3A_585 : vector<16xi32> -> vector<16xf32>
        %parallel_loop3A_587 = arith.constant -65536 : i32
        %parallel_loop3A_588 = vector.broadcast %parallel_loop3A_587 : i32 to vector<16xi32>
        %parallel_loop3A_589 = arith.andi %parallel_loop3A_402, %parallel_loop3A_588 : vector<16xi32>
        %parallel_loop3A_590 = tpu.bitcast %parallel_loop3A_589 : vector<16xi32> -> vector<16xf32>
        %parallel_loop3A_591 = arith.mulf %parallel_loop3A_530, %parallel_loop3A_522 : vector<16xf32>
        %parallel_loop3A_592 = arith.mulf %parallel_loop3A_534, %parallel_loop3A_522 : vector<16xf32>
        %parallel_loop3A_593 = arith.mulf %parallel_loop3A_538, %parallel_loop3A_522 : vector<16xf32>
        %parallel_loop3A_594 = arith.mulf %parallel_loop3A_542, %parallel_loop3A_522 : vector<16xf32>
        %parallel_loop3A_595 = arith.mulf %parallel_loop3A_546, %parallel_loop3A_522 : vector<16xf32>
        %parallel_loop3A_596 = arith.mulf %parallel_loop3A_550, %parallel_loop3A_522 : vector<16xf32>
        %parallel_loop3A_597 = arith.mulf %parallel_loop3A_554, %parallel_loop3A_522 : vector<16xf32>
        %parallel_loop3A_598 = arith.mulf %parallel_loop3A_558, %parallel_loop3A_522 : vector<16xf32>
        %parallel_loop3A_599 = arith.mulf %parallel_loop3A_562, %parallel_loop3A_526 : vector<16xf32>
        %parallel_loop3A_600 = arith.mulf %parallel_loop3A_566, %parallel_loop3A_526 : vector<16xf32>
        %parallel_loop3A_601 = arith.mulf %parallel_loop3A_570, %parallel_loop3A_526 : vector<16xf32>
        %parallel_loop3A_602 = arith.mulf %parallel_loop3A_574, %parallel_loop3A_526 : vector<16xf32>
        %parallel_loop3A_603 = arith.mulf %parallel_loop3A_578, %parallel_loop3A_526 : vector<16xf32>
        %parallel_loop3A_604 = arith.mulf %parallel_loop3A_582, %parallel_loop3A_526 : vector<16xf32>
        %parallel_loop3A_605 = arith.mulf %parallel_loop3A_586, %parallel_loop3A_526 : vector<16xf32>
        %parallel_loop3A_606 = arith.mulf %parallel_loop3A_590, %parallel_loop3A_526 : vector<16xf32>
        %parallel_loop3A_607 = arith.constant 16 : i32
        %parallel_loop3A_608 = arith.muli %parallel_loop3A_199, %parallel_loop3A_607 : i32
        %parallel_loop3A_609 = arith.constant 4 : i32
        %parallel_loop3A_610 = arith.addi %parallel_loop3A_608, %parallel_loop3A_609 : i32
        %parallel_loop3A_611 = arith.index_cast %rem3A_136 : i32 to index
        %parallel_loop3A_612 = arith.index_cast %parallel_loop3A_610 : i32 to index
        %parallel_loop3A_613 = arith.constant 0 : index
        %parallel_loop3A_614 = tpu.vector_load %arg10[%parallel_loop3A_611, %parallel_loop3A_612, %parallel_loop3A_613] {strides = array<i32>} : memref<3x80x64xi32, #tpu.memory_space<vmem>>, vector<1x1x16xi32>,
        %parallel_loop3A_615 = vector.shape_cast %parallel_loop3A_614 : vector<1x1x16xi32> to vector<16xi32>
        %parallel_loop3A_616 = arith.index_cast %rem3A_136 : i32 to index
        %parallel_loop3A_617 = arith.index_cast %parallel_loop3A_610 : i32 to index
        %parallel_loop3A_618 = arith.constant 16 : index
        %parallel_loop3A_619 = tpu.vector_load %arg10[%parallel_loop3A_616, %parallel_loop3A_617, %parallel_loop3A_618] {strides = array<i32>} : memref<3x80x64xi32, #tpu.memory_space<vmem>>, vector<1x1x16xi32>,
        %parallel_loop3A_620 = vector.shape_cast %parallel_loop3A_619 : vector<1x1x16xi32> to vector<16xi32>
        %parallel_loop3A_621 = arith.index_cast %rem3A_136 : i32 to index
        %parallel_loop3A_622 = arith.index_cast %parallel_loop3A_610 : i32 to index
        %parallel_loop3A_623 = arith.constant 32 : index
        %parallel_loop3A_624 = tpu.vector_load %arg10[%parallel_loop3A_621, %parallel_loop3A_622, %parallel_loop3A_623] {strides = array<i32>} : memref<3x80x64xi32, #tpu.memory_space<vmem>>, vector<1x1x16xi32>,
        %parallel_loop3A_625 = vector.shape_cast %parallel_loop3A_624 : vector<1x1x16xi32> to vector<16xi32>
        %parallel_loop3A_626 = arith.index_cast %rem3A_136 : i32 to index
        %parallel_loop3A_627 = arith.index_cast %parallel_loop3A_610 : i32 to index
        %parallel_loop3A_628 = arith.constant 48 : index
        %parallel_loop3A_629 = tpu.vector_load %arg10[%parallel_loop3A_626, %parallel_loop3A_627, %parallel_loop3A_628] {strides = array<i32>} : memref<3x80x64xi32, #tpu.memory_space<vmem>>, vector<1x1x16xi32>,
        %parallel_loop3A_630 = vector.shape_cast %parallel_loop3A_629 : vector<1x1x16xi32> to vector<16xi32>
        %parallel_loop3A_631 = arith.constant 1 : i32
        %parallel_loop3A_632 = arith.addi %parallel_loop3A_610, %parallel_loop3A_631 : i32
        %parallel_loop3A_633 = arith.index_cast %rem3A_136 : i32 to index
        %parallel_loop3A_634 = arith.index_cast %parallel_loop3A_632 : i32 to index
        %parallel_loop3A_635 = arith.constant 0 : index
        %parallel_loop3A_636 = tpu.vector_load %arg10[%parallel_loop3A_633, %parallel_loop3A_634, %parallel_loop3A_635] {strides = array<i32>} : memref<3x80x64xi32, #tpu.memory_space<vmem>>, vector<1x1x16xi32>,
        %parallel_loop3A_637 = vector.shape_cast %parallel_loop3A_636 : vector<1x1x16xi32> to vector<16xi32>
        %parallel_loop3A_638 = arith.constant 1 : i32
        %parallel_loop3A_639 = arith.addi %parallel_loop3A_610, %parallel_loop3A_638 : i32
        %parallel_loop3A_640 = arith.index_cast %rem3A_136 : i32 to index
        %parallel_loop3A_641 = arith.index_cast %parallel_loop3A_639 : i32 to index
        %parallel_loop3A_642 = arith.constant 16 : index
        %parallel_loop3A_643 = tpu.vector_load %arg10[%parallel_loop3A_640, %parallel_loop3A_641, %parallel_loop3A_642] {strides = array<i32>} : memref<3x80x64xi32, #tpu.memory_space<vmem>>, vector<1x1x16xi32>,
        %parallel_loop3A_644 = vector.shape_cast %parallel_loop3A_643 : vector<1x1x16xi32> to vector<16xi32>
        %parallel_loop3A_645 = arith.constant 1 : i32
        %parallel_loop3A_646 = arith.addi %parallel_loop3A_610, %parallel_loop3A_645 : i32
        %parallel_loop3A_647 = arith.index_cast %rem3A_136 : i32 to index
        %parallel_loop3A_648 = arith.index_cast %parallel_loop3A_646 : i32 to index
        %parallel_loop3A_649 = arith.constant 32 : index
        %parallel_loop3A_650 = tpu.vector_load %arg10[%parallel_loop3A_647, %parallel_loop3A_648, %parallel_loop3A_649] {strides = array<i32>} : memref<3x80x64xi32, #tpu.memory_space<vmem>>, vector<1x1x16xi32>,
        %parallel_loop3A_651 = vector.shape_cast %parallel_loop3A_650 : vector<1x1x16xi32> to vector<16xi32>
        %parallel_loop3A_652 = arith.constant 1 : i32
        %parallel_loop3A_653 = arith.addi %parallel_loop3A_610, %parallel_loop3A_652 : i32
        %parallel_loop3A_654 = arith.index_cast %rem3A_136 : i32 to index
        %parallel_loop3A_655 = arith.index_cast %parallel_loop3A_653 : i32 to index
        %parallel_loop3A_656 = arith.constant 48 : index
        %parallel_loop3A_657 = tpu.vector_load %arg10[%parallel_loop3A_654, %parallel_loop3A_655, %parallel_loop3A_656] {strides = array<i32>} : memref<3x80x64xi32, #tpu.memory_space<vmem>>, vector<1x1x16xi32>,
        %parallel_loop3A_658 = vector.shape_cast %parallel_loop3A_657 : vector<1x1x16xi32> to vector<16xi32>
        %parallel_loop3A_659 = arith.constant 16 : i32
        %parallel_loop3A_660 = arith.muli %parallel_loop3A_199, %parallel_loop3A_659 : i32
        %parallel_loop3A_661 = arith.constant 2 : i32
        %parallel_loop3A_662 = arith.addi %parallel_loop3A_660, %parallel_loop3A_661 : i32
        %parallel_loop3A_663 = arith.index_cast %rem3A_138 : i32 to index
        %parallel_loop3A_664 = arith.index_cast %parallel_loop3A_662 : i32 to index
        %parallel_loop3A_665 = arith.constant 0 : index
        %parallel_loop3A_666 = tpu.vector_load %arg11[%parallel_loop3A_663, %parallel_loop3A_664, %parallel_loop3A_665] {strides = array<i32>} : memref<2x80x128xf32, #tpu.memory_space<vmem>>, vector<1x1x16xf32>,
        %parallel_loop3A_667 = vector.shape_cast %parallel_loop3A_666 : vector<1x1x16xf32> to vector<16xf32>
        %parallel_loop3A_668 = vector.shape_cast %parallel_loop3A_591 : vector<16xf32> to vector<1x1x16xf32>
        tpu.vector_store %arg11[%parallel_loop3A_663, %parallel_loop3A_664, %parallel_loop3A_665], %parallel_loop3A_668 {strides = array<i32>} : memref<2x80x128xf32, #tpu.memory_space<vmem>>, vector<1x1x16xf32>,
        %parallel_loop3A_669 = arith.index_cast %rem3A_138 : i32 to index
        %parallel_loop3A_670 = arith.index_cast %parallel_loop3A_662 : i32 to index
        %parallel_loop3A_671 = arith.constant 16 : index
        %parallel_loop3A_672 = tpu.vector_load %arg11[%parallel_loop3A_669, %parallel_loop3A_670, %parallel_loop3A_671] {strides = array<i32>} : memref<2x80x128xf32, #tpu.memory_space<vmem>>, vector<1x1x16xf32>,
        %parallel_loop3A_673 = vector.shape_cast %parallel_loop3A_672 : vector<1x1x16xf32> to vector<16xf32>
        %parallel_loop3A_674 = vector.shape_cast %parallel_loop3A_592 : vector<16xf32> to vector<1x1x16xf32>
        tpu.vector_store %arg11[%parallel_loop3A_669, %parallel_loop3A_670, %parallel_loop3A_671], %parallel_loop3A_674 {strides = array<i32>} : memref<2x80x128xf32, #tpu.memory_space<vmem>>, vector<1x1x16xf32>,
        %parallel_loop3A_675 = arith.index_cast %rem3A_138 : i32 to index
        %parallel_loop3A_676 = arith.index_cast %parallel_loop3A_662 : i32 to index
        %parallel_loop3A_677 = arith.constant 32 : index
        %parallel_loop3A_678 = tpu.vector_load %arg11[%parallel_loop3A_675, %parallel_loop3A_676, %parallel_loop3A_677] {strides = array<i32>} : memref<2x80x128xf32, #tpu.memory_space<vmem>>, vector<1x1x16xf32>,
        %parallel_loop3A_679 = vector.shape_cast %parallel_loop3A_678 : vector<1x1x16xf32> to vector<16xf32>
        %parallel_loop3A_680 = vector.shape_cast %parallel_loop3A_593 : vector<16xf32> to vector<1x1x16xf32>
        tpu.vector_store %arg11[%parallel_loop3A_675, %parallel_loop3A_676, %parallel_loop3A_677], %parallel_loop3A_680 {strides = array<i32>} : memref<2x80x128xf32, #tpu.memory_space<vmem>>, vector<1x1x16xf32>,
        %parallel_loop3A_681 = arith.index_cast %rem3A_138 : i32 to index
        %parallel_loop3A_682 = arith.index_cast %parallel_loop3A_662 : i32 to index
        %parallel_loop3A_683 = arith.constant 48 : index
        %parallel_loop3A_684 = tpu.vector_load %arg11[%parallel_loop3A_681, %parallel_loop3A_682, %parallel_loop3A_683] {strides = array<i32>} : memref<2x80x128xf32, #tpu.memory_space<vmem>>, vector<1x1x16xf32>,
        %parallel_loop3A_685 = vector.shape_cast %parallel_loop3A_684 : vector<1x1x16xf32> to vector<16xf32>
        %parallel_loop3A_686 = vector.shape_cast %parallel_loop3A_594 : vector<16xf32> to vector<1x1x16xf32>
        tpu.vector_store %arg11[%parallel_loop3A_681, %parallel_loop3A_682, %parallel_loop3A_683], %parallel_loop3A_686 {strides = array<i32>} : memref<2x80x128xf32, #tpu.memory_space<vmem>>, vector<1x1x16xf32>,
        %parallel_loop3A_687 = arith.index_cast %rem3A_138 : i32 to index
        %parallel_loop3A_688 = arith.index_cast %parallel_loop3A_662 : i32 to index
        %parallel_loop3A_689 = arith.constant 64 : index
        %parallel_loop3A_690 = tpu.vector_load %arg11[%parallel_loop3A_687, %parallel_loop3A_688, %parallel_loop3A_689] {strides = array<i32>} : memref<2x80x128xf32, #tpu.memory_space<vmem>>, vector<1x1x16xf32>,
        %parallel_loop3A_691 = vector.shape_cast %parallel_loop3A_690 : vector<1x1x16xf32> to vector<16xf32>
        %parallel_loop3A_692 = vector.shape_cast %parallel_loop3A_595 : vector<16xf32> to vector<1x1x16xf32>
        tpu.vector_store %arg11[%parallel_loop3A_687, %parallel_loop3A_688, %parallel_loop3A_689], %parallel_loop3A_692 {strides = array<i32>} : memref<2x80x128xf32, #tpu.memory_space<vmem>>, vector<1x1x16xf32>,
        %parallel_loop3A_693 = arith.index_cast %rem3A_138 : i32 to index
        %parallel_loop3A_694 = arith.index_cast %parallel_loop3A_662 : i32 to index
        %parallel_loop3A_695 = arith.constant 80 : index
        %parallel_loop3A_696 = tpu.vector_load %arg11[%parallel_loop3A_693, %parallel_loop3A_694, %parallel_loop3A_695] {strides = array<i32>} : memref<2x80x128xf32, #tpu.memory_space<vmem>>, vector<1x1x16xf32>,
        %parallel_loop3A_697 = vector.shape_cast %parallel_loop3A_696 : vector<1x1x16xf32> to vector<16xf32>
        %parallel_loop3A_698 = vector.shape_cast %parallel_loop3A_596 : vector<16xf32> to vector<1x1x16xf32>
        tpu.vector_store %arg11[%parallel_loop3A_693, %parallel_loop3A_694, %parallel_loop3A_695], %parallel_loop3A_698 {strides = array<i32>} : memref<2x80x128xf32, #tpu.memory_space<vmem>>, vector<1x1x16xf32>,
        %parallel_loop3A_699 = arith.index_cast %rem3A_138 : i32 to index
        %parallel_loop3A_700 = arith.index_cast %parallel_loop3A_662 : i32 to index
        %parallel_loop3A_701 = arith.constant 96 : index
        %parallel_loop3A_702 = tpu.vector_load %arg11[%parallel_loop3A_699, %parallel_loop3A_700, %parallel_loop3A_701] {strides = array<i32>} : memref<2x80x128xf32, #tpu.memory_space<vmem>>, vector<1x1x16xf32>,
        %parallel_loop3A_703 = vector.shape_cast %parallel_loop3A_702 : vector<1x1x16xf32> to vector<16xf32>
        %parallel_loop3A_704 = vector.shape_cast %parallel_loop3A_597 : vector<16xf32> to vector<1x1x16xf32>
        tpu.vector_store %arg11[%parallel_loop3A_699, %parallel_loop3A_700, %parallel_loop3A_701], %parallel_loop3A_704 {strides = array<i32>} : memref<2x80x128xf32, #tpu.memory_space<vmem>>, vector<1x1x16xf32>,
        %parallel_loop3A_705 = arith.index_cast %rem3A_138 : i32 to index
        %parallel_loop3A_706 = arith.index_cast %parallel_loop3A_662 : i32 to index
        %parallel_loop3A_707 = arith.constant 112 : index
        %parallel_loop3A_708 = tpu.vector_load %arg11[%parallel_loop3A_705, %parallel_loop3A_706, %parallel_loop3A_707] {strides = array<i32>} : memref<2x80x128xf32, #tpu.memory_space<vmem>>, vector<1x1x16xf32>,
        %parallel_loop3A_709 = vector.shape_cast %parallel_loop3A_708 : vector<1x1x16xf32> to vector<16xf32>
        %parallel_loop3A_710 = vector.shape_cast %parallel_loop3A_598 : vector<16xf32> to vector<1x1x16xf32>
        tpu.vector_store %arg11[%parallel_loop3A_705, %parallel_loop3A_706, %parallel_loop3A_707], %parallel_loop3A_710 {strides = array<i32>} : memref<2x80x128xf32, #tpu.memory_space<vmem>>, vector<1x1x16xf32>,
        %parallel_loop3A_711 = arith.constant 1 : i32
        %parallel_loop3A_712 = arith.addi %parallel_loop3A_662, %parallel_loop3A_711 : i32
        %parallel_loop3A_713 = arith.index_cast %rem3A_138 : i32 to index
        %parallel_loop3A_714 = arith.index_cast %parallel_loop3A_712 : i32 to index
        %parallel_loop3A_715 = arith.constant 0 : index
        %parallel_loop3A_716 = tpu.vector_load %arg11[%parallel_loop3A_713, %parallel_loop3A_714, %parallel_loop3A_715] {strides = array<i32>} : memref<2x80x128xf32, #tpu.memory_space<vmem>>, vector<1x1x16xf32>,
        %parallel_loop3A_717 = vector.shape_cast %parallel_loop3A_716 : vector<1x1x16xf32> to vector<16xf32>
        %parallel_loop3A_718 = vector.shape_cast %parallel_loop3A_599 : vector<16xf32> to vector<1x1x16xf32>
        tpu.vector_store %arg11[%parallel_loop3A_713, %parallel_loop3A_714, %parallel_loop3A_715], %parallel_loop3A_718 {strides = array<i32>} : memref<2x80x128xf32, #tpu.memory_space<vmem>>, vector<1x1x16xf32>,
        %parallel_loop3A_719 = arith.constant 1 : i32
        %parallel_loop3A_720 = arith.addi %parallel_loop3A_662, %parallel_loop3A_719 : i32
        %parallel_loop3A_721 = arith.index_cast %rem3A_138 : i32 to index
        %parallel_loop3A_722 = arith.index_cast %parallel_loop3A_720 : i32 to index
        %parallel_loop3A_723 = arith.constant 16 : index
        %parallel_loop3A_724 = tpu.vector_load %arg11[%parallel_loop3A_721, %parallel_loop3A_722, %parallel_loop3A_723] {strides = array<i32>} : memref<2x80x128xf32, #tpu.memory_space<vmem>>, vector<1x1x16xf32>,
        %parallel_loop3A_725 = vector.shape_cast %parallel_loop3A_724 : vector<1x1x16xf32> to vector<16xf32>
        %parallel_loop3A_726 = vector.shape_cast %parallel_loop3A_600 : vector<16xf32> to vector<1x1x16xf32>
        tpu.vector_store %arg11[%parallel_loop3A_721, %parallel_loop3A_722, %parallel_loop3A_723], %parallel_loop3A_726 {strides = array<i32>} : memref<2x80x128xf32, #tpu.memory_space<vmem>>, vector<1x1x16xf32>,
        %parallel_loop3A_727 = arith.constant 1 : i32
        %parallel_loop3A_728 = arith.addi %parallel_loop3A_662, %parallel_loop3A_727 : i32
        %parallel_loop3A_729 = arith.index_cast %rem3A_138 : i32 to index
        %parallel_loop3A_730 = arith.index_cast %parallel_loop3A_728 : i32 to index
        %parallel_loop3A_731 = arith.constant 32 : index
        %parallel_loop3A_732 = tpu.vector_load %arg11[%parallel_loop3A_729, %parallel_loop3A_730, %parallel_loop3A_731] {strides = array<i32>} : memref<2x80x128xf32, #tpu.memory_space<vmem>>, vector<1x1x16xf32>,
        %parallel_loop3A_733 = vector.shape_cast %parallel_loop3A_732 : vector<1x1x16xf32> to vector<16xf32>
        %parallel_loop3A_734 = vector.shape_cast %parallel_loop3A_601 : vector<16xf32> to vector<1x1x16xf32>
        tpu.vector_store %arg11[%parallel_loop3A_729, %parallel_loop3A_730, %parallel_loop3A_731], %parallel_loop3A_734 {strides = array<i32>} : memref<2x80x128xf32, #tpu.memory_space<vmem>>, vector<1x1x16xf32>,
        %parallel_loop3A_735 = arith.constant 1 : i32
        %parallel_loop3A_736 = arith.addi %parallel_loop3A_662, %parallel_loop3A_735 : i32
        %parallel_loop3A_737 = arith.index_cast %rem3A_138 : i32 to index
        %parallel_loop3A_738 = arith.index_cast %parallel_loop3A_736 : i32 to index
        %parallel_loop3A_739 = arith.constant 48 : index
        %parallel_loop3A_740 = tpu.vector_load %arg11[%parallel_loop3A_737, %parallel_loop3A_738, %parallel_loop3A_739] {strides = array<i32>} : memref<2x80x128xf32, #tpu.memory_space<vmem>>, vector<1x1x16xf32>,
        %parallel_loop3A_741 = vector.shape_cast %parallel_loop3A_740 : vector<1x1x16xf32> to vector<16xf32>
        %parallel_loop3A_742 = vector.shape_cast %parallel_loop3A_602 : vector<16xf32> to vector<1x1x16xf32>
        tpu.vector_store %arg11[%parallel_loop3A_737, %parallel_loop3A_738, %parallel_loop3A_739], %parallel_loop3A_742 {strides = array<i32>} : memref<2x80x128xf32, #tpu.memory_space<vmem>>, vector<1x1x16xf32>,
        %parallel_loop3A_743 = arith.constant 1 : i32
        %parallel_loop3A_744 = arith.addi %parallel_loop3A_662, %parallel_loop3A_743 : i32
        %parallel_loop3A_745 = arith.index_cast %rem3A_138 : i32 to index
        %parallel_loop3A_746 = arith.index_cast %parallel_loop3A_744 : i32 to index
        %parallel_loop3A_747 = arith.constant 64 : index
        %parallel_loop3A_748 = tpu.vector_load %arg11[%parallel_loop3A_745, %parallel_loop3A_746, %parallel_loop3A_747] {strides = array<i32>} : memref<2x80x128xf32, #tpu.memory_space<vmem>>, vector<1x1x16xf32>,
        %parallel_loop3A_749 = vector.shape_cast %parallel_loop3A_748 : vector<1x1x16xf32> to vector<16xf32>
        %parallel_loop3A_750 = vector.shape_cast %parallel_loop3A_603 : vector<16xf32> to vector<1x1x16xf32>
        tpu.vector_store %arg11[%parallel_loop3A_745, %parallel_loop3A_746, %parallel_loop3A_747], %parallel_loop3A_750 {strides = array<i32>} : memref<2x80x128xf32, #tpu.memory_space<vmem>>, vector<1x1x16xf32>,
        %parallel_loop3A_751 = arith.constant 1 : i32
        %parallel_loop3A_752 = arith.addi %parallel_loop3A_662, %parallel_loop3A_751 : i32
        %parallel_loop3A_753 = arith.index_cast %rem3A_138 : i32 to index
        %parallel_loop3A_754 = arith.index_cast %parallel_loop3A_752 : i32 to index
        %parallel_loop3A_755 = arith.constant 80 : index
        %parallel_loop3A_756 = tpu.vector_load %arg11[%parallel_loop3A_753, %parallel_loop3A_754, %parallel_loop3A_755] {strides = array<i32>} : memref<2x80x128xf32, #tpu.memory_space<vmem>>, vector<1x1x16xf32>,
        %parallel_loop3A_757 = vector.shape_cast %parallel_loop3A_756 : vector<1x1x16xf32> to vector<16xf32>
        %parallel_loop3A_758 = vector.shape_cast %parallel_loop3A_604 : vector<16xf32> to vector<1x1x16xf32>
        tpu.vector_store %arg11[%parallel_loop3A_753, %parallel_loop3A_754, %parallel_loop3A_755], %parallel_loop3A_758 {strides = array<i32>} : memref<2x80x128xf32, #tpu.memory_space<vmem>>, vector<1x1x16xf32>,
        %parallel_loop3A_759 = arith.constant 1 : i32
        %parallel_loop3A_760 = arith.addi %parallel_loop3A_662, %parallel_loop3A_759 : i32
        %parallel_loop3A_761 = arith.index_cast %rem3A_138 : i32 to index
        %parallel_loop3A_762 = arith.index_cast %parallel_loop3A_760 : i32 to index
        %parallel_loop3A_763 = arith.constant 96 : index
        %parallel_loop3A_764 = tpu.vector_load %arg11[%parallel_loop3A_761, %parallel_loop3A_762, %parallel_loop3A_763] {strides = array<i32>} : memref<2x80x128xf32, #tpu.memory_space<vmem>>, vector<1x1x16xf32>,
        %parallel_loop3A_765 = vector.shape_cast %parallel_loop3A_764 : vector<1x1x16xf32> to vector<16xf32>
        %parallel_loop3A_766 = vector.shape_cast %parallel_loop3A_605 : vector<16xf32> to vector<1x1x16xf32>
        tpu.vector_store %arg11[%parallel_loop3A_761, %parallel_loop3A_762, %parallel_loop3A_763], %parallel_loop3A_766 {strides = array<i32>} : memref<2x80x128xf32, #tpu.memory_space<vmem>>, vector<1x1x16xf32>,
        %parallel_loop3A_767 = arith.constant 1 : i32
        %parallel_loop3A_768 = arith.addi %parallel_loop3A_662, %parallel_loop3A_767 : i32
        %parallel_loop3A_769 = arith.index_cast %rem3A_138 : i32 to index
        %parallel_loop3A_770 = arith.index_cast %parallel_loop3A_768 : i32 to index
        %parallel_loop3A_771 = arith.constant 112 : index
        %parallel_loop3A_772 = tpu.vector_load %arg11[%parallel_loop3A_769, %parallel_loop3A_770, %parallel_loop3A_771] {strides = array<i32>} : memref<2x80x128xf32, #tpu.memory_space<vmem>>, vector<1x1x16xf32>,
        %parallel_loop3A_773 = vector.shape_cast %parallel_loop3A_772 : vector<1x1x16xf32> to vector<16xf32>
        %parallel_loop3A_774 = vector.shape_cast %parallel_loop3A_606 : vector<16xf32> to vector<1x1x16xf32>
        tpu.vector_store %arg11[%parallel_loop3A_769, %parallel_loop3A_770, %parallel_loop3A_771], %parallel_loop3A_774 {strides = array<i32>} : memref<2x80x128xf32, #tpu.memory_space<vmem>>, vector<1x1x16xf32>,
        %parallel_loop3A_775 = arith.constant 4 : i32
        %parallel_loop3A_776 = vector.broadcast %parallel_loop3A_775 : i32 to vector<16x1xi32>
        %parallel_loop3A_777 = vector.shape_cast %parallel_loop3A_776 : vector<16x1xi32> to vector<16xi32>
        %parallel_loop3A_778 = tpu.dynamic_gather %parallel_loop3A_210[%parallel_loop3A_777] in [0] : vector<16xf32>, vector<16xi32> -> vector<16xf32>
        %parallel_loop3A_779 = arith.constant 5 : i32
        %parallel_loop3A_780 = vector.broadcast %parallel_loop3A_779 : i32 to vector<16x1xi32>
        %parallel_loop3A_781 = vector.shape_cast %parallel_loop3A_780 : vector<16x1xi32> to vector<16xi32>
        %parallel_loop3A_782 = tpu.dynamic_gather %parallel_loop3A_210[%parallel_loop3A_781] in [0] : vector<16xf32>, vector<16xi32> -> vector<16xf32>
        %parallel_loop3A_783 = arith.constant 16 : i32
        %parallel_loop3A_784 = vector.broadcast %parallel_loop3A_783 : i32 to vector<16xi32>
        %parallel_loop3A_785 = arith.shli %parallel_loop3A_615, %parallel_loop3A_784 : vector<16xi32>
        %parallel_loop3A_786 = tpu.bitcast %parallel_loop3A_785 : vector<16xi32> -> vector<16xf32>
        %parallel_loop3A_787 = arith.constant -65536 : i32
        %parallel_loop3A_788 = vector.broadcast %parallel_loop3A_787 : i32 to vector<16xi32>
        %parallel_loop3A_789 = arith.andi %parallel_loop3A_615, %parallel_loop3A_788 : vector<16xi32>
        %parallel_loop3A_790 = tpu.bitcast %parallel_loop3A_789 : vector<16xi32> -> vector<16xf32>
        %parallel_loop3A_791 = arith.constant 16 : i32
        %parallel_loop3A_792 = vector.broadcast %parallel_loop3A_791 : i32 to vector<16xi32>
        %parallel_loop3A_793 = arith.shli %parallel_loop3A_620, %parallel_loop3A_792 : vector<16xi32>
        %parallel_loop3A_794 = tpu.bitcast %parallel_loop3A_793 : vector<16xi32> -> vector<16xf32>
        %parallel_loop3A_795 = arith.constant -65536 : i32
        %parallel_loop3A_796 = vector.broadcast %parallel_loop3A_795 : i32 to vector<16xi32>
        %parallel_loop3A_797 = arith.andi %parallel_loop3A_620, %parallel_loop3A_796 : vector<16xi32>
        %parallel_loop3A_798 = tpu.bitcast %parallel_loop3A_797 : vector<16xi32> -> vector<16xf32>
        %parallel_loop3A_799 = arith.constant 16 : i32
        %parallel_loop3A_800 = vector.broadcast %parallel_loop3A_799 : i32 to vector<16xi32>
        %parallel_loop3A_801 = arith.shli %parallel_loop3A_625, %parallel_loop3A_800 : vector<16xi32>
        %parallel_loop3A_802 = tpu.bitcast %parallel_loop3A_801 : vector<16xi32> -> vector<16xf32>
        %parallel_loop3A_803 = arith.constant -65536 : i32
        %parallel_loop3A_804 = vector.broadcast %parallel_loop3A_803 : i32 to vector<16xi32>
        %parallel_loop3A_805 = arith.andi %parallel_loop3A_625, %parallel_loop3A_804 : vector<16xi32>
        %parallel_loop3A_806 = tpu.bitcast %parallel_loop3A_805 : vector<16xi32> -> vector<16xf32>
        %parallel_loop3A_807 = arith.constant 16 : i32
        %parallel_loop3A_808 = vector.broadcast %parallel_loop3A_807 : i32 to vector<16xi32>
        %parallel_loop3A_809 = arith.shli %parallel_loop3A_630, %parallel_loop3A_808 : vector<16xi32>
        %parallel_loop3A_810 = tpu.bitcast %parallel_loop3A_809 : vector<16xi32> -> vector<16xf32>
        %parallel_loop3A_811 = arith.constant -65536 : i32
        %parallel_loop3A_812 = vector.broadcast %parallel_loop3A_811 : i32 to vector<16xi32>
        %parallel_loop3A_813 = arith.andi %parallel_loop3A_630, %parallel_loop3A_812 : vector<16xi32>
        %parallel_loop3A_814 = tpu.bitcast %parallel_loop3A_813 : vector<16xi32> -> vector<16xf32>
        %parallel_loop3A_815 = arith.constant 16 : i32
        %parallel_loop3A_816 = vector.broadcast %parallel_loop3A_815 : i32 to vector<16xi32>
        %parallel_loop3A_817 = arith.shli %parallel_loop3A_637, %parallel_loop3A_816 : vector<16xi32>
        %parallel_loop3A_818 = tpu.bitcast %parallel_loop3A_817 : vector<16xi32> -> vector<16xf32>
        %parallel_loop3A_819 = arith.constant -65536 : i32
        %parallel_loop3A_820 = vector.broadcast %parallel_loop3A_819 : i32 to vector<16xi32>
        %parallel_loop3A_821 = arith.andi %parallel_loop3A_637, %parallel_loop3A_820 : vector<16xi32>
        %parallel_loop3A_822 = tpu.bitcast %parallel_loop3A_821 : vector<16xi32> -> vector<16xf32>
        %parallel_loop3A_823 = arith.constant 16 : i32
        %parallel_loop3A_824 = vector.broadcast %parallel_loop3A_823 : i32 to vector<16xi32>
        %parallel_loop3A_825 = arith.shli %parallel_loop3A_644, %parallel_loop3A_824 : vector<16xi32>
        %parallel_loop3A_826 = tpu.bitcast %parallel_loop3A_825 : vector<16xi32> -> vector<16xf32>
        %parallel_loop3A_827 = arith.constant -65536 : i32
        %parallel_loop3A_828 = vector.broadcast %parallel_loop3A_827 : i32 to vector<16xi32>
        %parallel_loop3A_829 = arith.andi %parallel_loop3A_644, %parallel_loop3A_828 : vector<16xi32>
        %parallel_loop3A_830 = tpu.bitcast %parallel_loop3A_829 : vector<16xi32> -> vector<16xf32>
        %parallel_loop3A_831 = arith.constant 16 : i32
        %parallel_loop3A_832 = vector.broadcast %parallel_loop3A_831 : i32 to vector<16xi32>
        %parallel_loop3A_833 = arith.shli %parallel_loop3A_651, %parallel_loop3A_832 : vector<16xi32>
        %parallel_loop3A_834 = tpu.bitcast %parallel_loop3A_833 : vector<16xi32> -> vector<16xf32>
        %parallel_loop3A_835 = arith.constant -65536 : i32
        %parallel_loop3A_836 = vector.broadcast %parallel_loop3A_835 : i32 to vector<16xi32>
        %parallel_loop3A_837 = arith.andi %parallel_loop3A_651, %parallel_loop3A_836 : vector<16xi32>
        %parallel_loop3A_838 = tpu.bitcast %parallel_loop3A_837 : vector<16xi32> -> vector<16xf32>
        %parallel_loop3A_839 = arith.constant 16 : i32
        %parallel_loop3A_840 = vector.broadcast %parallel_loop3A_839 : i32 to vector<16xi32>
        %parallel_loop3A_841 = arith.shli %parallel_loop3A_658, %parallel_loop3A_840 : vector<16xi32>
        %parallel_loop3A_842 = tpu.bitcast %parallel_loop3A_841 : vector<16xi32> -> vector<16xf32>
        %parallel_loop3A_843 = arith.constant -65536 : i32
        %parallel_loop3A_844 = vector.broadcast %parallel_loop3A_843 : i32 to vector<16xi32>
        %parallel_loop3A_845 = arith.andi %parallel_loop3A_658, %parallel_loop3A_844 : vector<16xi32>
        %parallel_loop3A_846 = tpu.bitcast %parallel_loop3A_845 : vector<16xi32> -> vector<16xf32>
        %parallel_loop3A_847 = arith.mulf %parallel_loop3A_786, %parallel_loop3A_778 : vector<16xf32>
        %parallel_loop3A_848 = arith.mulf %parallel_loop3A_790, %parallel_loop3A_778 : vector<16xf32>
        %parallel_loop3A_849 = arith.mulf %parallel_loop3A_794, %parallel_loop3A_778 : vector<16xf32>
        %parallel_loop3A_850 = arith.mulf %parallel_loop3A_798, %parallel_loop3A_778 : vector<16xf32>
        %parallel_loop3A_851 = arith.mulf %parallel_loop3A_802, %parallel_loop3A_778 : vector<16xf32>
        %parallel_loop3A_852 = arith.mulf %parallel_loop3A_806, %parallel_loop3A_778 : vector<16xf32>
        %parallel_loop3A_853 = arith.mulf %parallel_loop3A_810, %parallel_loop3A_778 : vector<16xf32>
        %parallel_loop3A_854 = arith.mulf %parallel_loop3A_814, %parallel_loop3A_778 : vector<16xf32>
        %parallel_loop3A_855 = arith.mulf %parallel_loop3A_818, %parallel_loop3A_782 : vector<16xf32>
        %parallel_loop3A_856 = arith.mulf %parallel_loop3A_822, %parallel_loop3A_782 : vector<16xf32>
        %parallel_loop3A_857 = arith.mulf %parallel_loop3A_826, %parallel_loop3A_782 : vector<16xf32>
        %parallel_loop3A_858 = arith.mulf %parallel_loop3A_830, %parallel_loop3A_782 : vector<16xf32>
        %parallel_loop3A_859 = arith.mulf %parallel_loop3A_834, %parallel_loop3A_782 : vector<16xf32>
        %parallel_loop3A_860 = arith.mulf %parallel_loop3A_838, %parallel_loop3A_782 : vector<16xf32>
        %parallel_loop3A_861 = arith.mulf %parallel_loop3A_842, %parallel_loop3A_782 : vector<16xf32>
        %parallel_loop3A_862 = arith.mulf %parallel_loop3A_846, %parallel_loop3A_782 : vector<16xf32>
        %parallel_loop3A_863 = arith.constant 16 : i32
        %parallel_loop3A_864 = arith.muli %parallel_loop3A_199, %parallel_loop3A_863 : i32
        %parallel_loop3A_865 = arith.constant 6 : i32
        %parallel_loop3A_866 = arith.addi %parallel_loop3A_864, %parallel_loop3A_865 : i32
        %parallel_loop3A_867 = arith.index_cast %rem3A_136 : i32 to index
        %parallel_loop3A_868 = arith.index_cast %parallel_loop3A_866 : i32 to index
        %parallel_loop3A_869 = arith.constant 0 : index
        %parallel_loop3A_870 = tpu.vector_load %arg10[%parallel_loop3A_867, %parallel_loop3A_868, %parallel_loop3A_869] {strides = array<i32>} : memref<3x80x64xi32, #tpu.memory_space<vmem>>, vector<1x1x16xi32>,
        %parallel_loop3A_871 = vector.shape_cast %parallel_loop3A_870 : vector<1x1x16xi32> to vector<16xi32>
        %parallel_loop3A_872 = arith.index_cast %rem3A_136 : i32 to index
        %parallel_loop3A_873 = arith.index_cast %parallel_loop3A_866 : i32 to index
        %parallel_loop3A_874 = arith.constant 16 : index
        %parallel_loop3A_875 = tpu.vector_load %arg10[%parallel_loop3A_872, %parallel_loop3A_873, %parallel_loop3A_874] {strides = array<i32>} : memref<3x80x64xi32, #tpu.memory_space<vmem>>, vector<1x1x16xi32>,
        %parallel_loop3A_876 = vector.shape_cast %parallel_loop3A_875 : vector<1x1x16xi32> to vector<16xi32>
        %parallel_loop3A_877 = arith.index_cast %rem3A_136 : i32 to index
        %parallel_loop3A_878 = arith.index_cast %parallel_loop3A_866 : i32 to index
        %parallel_loop3A_879 = arith.constant 32 : index
        %parallel_loop3A_880 = tpu.vector_load %arg10[%parallel_loop3A_877, %parallel_loop3A_878, %parallel_loop3A_879] {strides = array<i32>} : memref<3x80x64xi32, #tpu.memory_space<vmem>>, vector<1x1x16xi32>,
        %parallel_loop3A_881 = vector.shape_cast %parallel_loop3A_880 : vector<1x1x16xi32> to vector<16xi32>
        %parallel_loop3A_882 = arith.index_cast %rem3A_136 : i32 to index
        %parallel_loop3A_883 = arith.index_cast %parallel_loop3A_866 : i32 to index
        %parallel_loop3A_884 = arith.constant 48 : index
        %parallel_loop3A_885 = tpu.vector_load %arg10[%parallel_loop3A_882, %parallel_loop3A_883, %parallel_loop3A_884] {strides = array<i32>} : memref<3x80x64xi32, #tpu.memory_space<vmem>>, vector<1x1x16xi32>,
        %parallel_loop3A_886 = vector.shape_cast %parallel_loop3A_885 : vector<1x1x16xi32> to vector<16xi32>
        %parallel_loop3A_887 = arith.constant 1 : i32
        %parallel_loop3A_888 = arith.addi %parallel_loop3A_866, %parallel_loop3A_887 : i32
        %parallel_loop3A_889 = arith.index_cast %rem3A_136 : i32 to index
        %parallel_loop3A_890 = arith.index_cast %parallel_loop3A_888 : i32 to index
        %parallel_loop3A_891 = arith.constant 0 : index
        %parallel_loop3A_892 = tpu.vector_load %arg10[%parallel_loop3A_889, %parallel_loop3A_890, %parallel_loop3A_891] {strides = array<i32>} : memref<3x80x64xi32, #tpu.memory_space<vmem>>, vector<1x1x16xi32>,
        %parallel_loop3A_893 = vector.shape_cast %parallel_loop3A_892 : vector<1x1x16xi32> to vector<16xi32>
        %parallel_loop3A_894 = arith.constant 1 : i32
        %parallel_loop3A_895 = arith.addi %parallel_loop3A_866, %parallel_loop3A_894 : i32
        %parallel_loop3A_896 = arith.index_cast %rem3A_136 : i32 to index
        %parallel_loop3A_897 = arith.index_cast %parallel_loop3A_895 : i32 to index
        %parallel_loop3A_898 = arith.constant 16 : index
        %parallel_loop3A_899 = tpu.vector_load %arg10[%parallel_loop3A_896, %parallel_loop3A_897, %parallel_loop3A_898] {strides = array<i32>} : memref<3x80x64xi32, #tpu.memory_space<vmem>>, vector<1x1x16xi32>,
        %parallel_loop3A_900 = vector.shape_cast %parallel_loop3A_899 : vector<1x1x16xi32> to vector<16xi32>
        %parallel_loop3A_901 = arith.constant 1 : i32
        %parallel_loop3A_902 = arith.addi %parallel_loop3A_866, %parallel_loop3A_901 : i32
        %parallel_loop3A_903 = arith.index_cast %rem3A_136 : i32 to index
        %parallel_loop3A_904 = arith.index_cast %parallel_loop3A_902 : i32 to index
        %parallel_loop3A_905 = arith.constant 32 : index
        %parallel_loop3A_906 = tpu.vector_load %arg10[%parallel_loop3A_903, %parallel_loop3A_904, %parallel_loop3A_905] {strides = array<i32>} : memref<3x80x64xi32, #tpu.memory_space<vmem>>, vector<1x1x16xi32>,
        %parallel_loop3A_907 = vector.shape_cast %parallel_loop3A_906 : vector<1x1x16xi32> to vector<16xi32>
        %parallel_loop3A_908 = arith.constant 1 : i32
        %parallel_loop3A_909 = arith.addi %parallel_loop3A_866, %parallel_loop3A_908 : i32
        %parallel_loop3A_910 = arith.index_cast %rem3A_136 : i32 to index
        %parallel_loop3A_911 = arith.index_cast %parallel_loop3A_909 : i32 to index
        %parallel_loop3A_912 = arith.constant 48 : index
        %parallel_loop3A_913 = tpu.vector_load %arg10[%parallel_loop3A_910, %parallel_loop3A_911, %parallel_loop3A_912] {strides = array<i32>} : memref<3x80x64xi32, #tpu.memory_space<vmem>>, vector<1x1x16xi32>,
        %parallel_loop3A_914 = vector.shape_cast %parallel_loop3A_913 : vector<1x1x16xi32> to vector<16xi32>
        %parallel_loop3A_915 = arith.constant 16 : i32
        %parallel_loop3A_916 = arith.muli %parallel_loop3A_199, %parallel_loop3A_915 : i32
        %parallel_loop3A_917 = arith.constant 4 : i32
        %parallel_loop3A_918 = arith.addi %parallel_loop3A_916, %parallel_loop3A_917 : i32
        %parallel_loop3A_919 = arith.index_cast %rem3A_138 : i32 to index
        %parallel_loop3A_920 = arith.index_cast %parallel_loop3A_918 : i32 to index
        %parallel_loop3A_921 = arith.constant 0 : index
        %parallel_loop3A_922 = tpu.vector_load %arg11[%parallel_loop3A_919, %parallel_loop3A_920, %parallel_loop3A_921] {strides = array<i32>} : memref<2x80x128xf32, #tpu.memory_space<vmem>>, vector<1x1x16xf32>,
        %parallel_loop3A_923 = vector.shape_cast %parallel_loop3A_922 : vector<1x1x16xf32> to vector<16xf32>
        %parallel_loop3A_924 = vector.shape_cast %parallel_loop3A_847 : vector<16xf32> to vector<1x1x16xf32>
        tpu.vector_store %arg11[%parallel_loop3A_919, %parallel_loop3A_920, %parallel_loop3A_921], %parallel_loop3A_924 {strides = array<i32>} : memref<2x80x128xf32, #tpu.memory_space<vmem>>, vector<1x1x16xf32>,
        %parallel_loop3A_925 = arith.index_cast %rem3A_138 : i32 to index
        %parallel_loop3A_926 = arith.index_cast %parallel_loop3A_918 : i32 to index
        %parallel_loop3A_927 = arith.constant 16 : index
        %parallel_loop3A_928 = tpu.vector_load %arg11[%parallel_loop3A_925, %parallel_loop3A_926, %parallel_loop3A_927] {strides = array<i32>} : memref<2x80x128xf32, #tpu.memory_space<vmem>>, vector<1x1x16xf32>,
        %parallel_loop3A_929 = vector.shape_cast %parallel_loop3A_928 : vector<1x1x16xf32> to vector<16xf32>
        %parallel_loop3A_930 = vector.shape_cast %parallel_loop3A_848 : vector<16xf32> to vector<1x1x16xf32>
        tpu.vector_store %arg11[%parallel_loop3A_925, %parallel_loop3A_926, %parallel_loop3A_927], %parallel_loop3A_930 {strides = array<i32>} : memref<2x80x128xf32, #tpu.memory_space<vmem>>, vector<1x1x16xf32>,
        %parallel_loop3A_931 = arith.index_cast %rem3A_138 : i32 to index
        %parallel_loop3A_932 = arith.index_cast %parallel_loop3A_918 : i32 to index
        %parallel_loop3A_933 = arith.constant 32 : index
        %parallel_loop3A_934 = tpu.vector_load %arg11[%parallel_loop3A_931, %parallel_loop3A_932, %parallel_loop3A_933] {strides = array<i32>} : memref<2x80x128xf32, #tpu.memory_space<vmem>>, vector<1x1x16xf32>,
        %parallel_loop3A_935 = vector.shape_cast %parallel_loop3A_934 : vector<1x1x16xf32> to vector<16xf32>
        %parallel_loop3A_936 = vector.shape_cast %parallel_loop3A_849 : vector<16xf32> to vector<1x1x16xf32>
        tpu.vector_store %arg11[%parallel_loop3A_931, %parallel_loop3A_932, %parallel_loop3A_933], %parallel_loop3A_936 {strides = array<i32>} : memref<2x80x128xf32, #tpu.memory_space<vmem>>, vector<1x1x16xf32>,
        %parallel_loop3A_937 = arith.index_cast %rem3A_138 : i32 to index
        %parallel_loop3A_938 = arith.index_cast %parallel_loop3A_918 : i32 to index
        %parallel_loop3A_939 = arith.constant 48 : index
        %parallel_loop3A_940 = tpu.vector_load %arg11[%parallel_loop3A_937, %parallel_loop3A_938, %parallel_loop3A_939] {strides = array<i32>} : memref<2x80x128xf32, #tpu.memory_space<vmem>>, vector<1x1x16xf32>,
        %parallel_loop3A_941 = vector.shape_cast %parallel_loop3A_940 : vector<1x1x16xf32> to vector<16xf32>
        %parallel_loop3A_942 = vector.shape_cast %parallel_loop3A_850 : vector<16xf32> to vector<1x1x16xf32>
        tpu.vector_store %arg11[%parallel_loop3A_937, %parallel_loop3A_938, %parallel_loop3A_939], %parallel_loop3A_942 {strides = array<i32>} : memref<2x80x128xf32, #tpu.memory_space<vmem>>, vector<1x1x16xf32>,
        %parallel_loop3A_943 = arith.index_cast %rem3A_138 : i32 to index
        %parallel_loop3A_944 = arith.index_cast %parallel_loop3A_918 : i32 to index
        %parallel_loop3A_945 = arith.constant 64 : index
        %parallel_loop3A_946 = tpu.vector_load %arg11[%parallel_loop3A_943, %parallel_loop3A_944, %parallel_loop3A_945] {strides = array<i32>} : memref<2x80x128xf32, #tpu.memory_space<vmem>>, vector<1x1x16xf32>,
        %parallel_loop3A_947 = vector.shape_cast %parallel_loop3A_946 : vector<1x1x16xf32> to vector<16xf32>
        %parallel_loop3A_948 = vector.shape_cast %parallel_loop3A_851 : vector<16xf32> to vector<1x1x16xf32>
        tpu.vector_store %arg11[%parallel_loop3A_943, %parallel_loop3A_944, %parallel_loop3A_945], %parallel_loop3A_948 {strides = array<i32>} : memref<2x80x128xf32, #tpu.memory_space<vmem>>, vector<1x1x16xf32>,
        %parallel_loop3A_949 = arith.index_cast %rem3A_138 : i32 to index
        %parallel_loop3A_950 = arith.index_cast %parallel_loop3A_918 : i32 to index
        %parallel_loop3A_951 = arith.constant 80 : index
        %parallel_loop3A_952 = tpu.vector_load %arg11[%parallel_loop3A_949, %parallel_loop3A_950, %parallel_loop3A_951] {strides = array<i32>} : memref<2x80x128xf32, #tpu.memory_space<vmem>>, vector<1x1x16xf32>,
        %parallel_loop3A_953 = vector.shape_cast %parallel_loop3A_952 : vector<1x1x16xf32> to vector<16xf32>
        %parallel_loop3A_954 = vector.shape_cast %parallel_loop3A_852 : vector<16xf32> to vector<1x1x16xf32>
        tpu.vector_store %arg11[%parallel_loop3A_949, %parallel_loop3A_950, %parallel_loop3A_951], %parallel_loop3A_954 {strides = array<i32>} : memref<2x80x128xf32, #tpu.memory_space<vmem>>, vector<1x1x16xf32>,
        %parallel_loop3A_955 = arith.index_cast %rem3A_138 : i32 to index
        %parallel_loop3A_956 = arith.index_cast %parallel_loop3A_918 : i32 to index
        %parallel_loop3A_957 = arith.constant 96 : index
        %parallel_loop3A_958 = tpu.vector_load %arg11[%parallel_loop3A_955, %parallel_loop3A_956, %parallel_loop3A_957] {strides = array<i32>} : memref<2x80x128xf32, #tpu.memory_space<vmem>>, vector<1x1x16xf32>,
        %parallel_loop3A_959 = vector.shape_cast %parallel_loop3A_958 : vector<1x1x16xf32> to vector<16xf32>
        %parallel_loop3A_960 = vector.shape_cast %parallel_loop3A_853 : vector<16xf32> to vector<1x1x16xf32>
        tpu.vector_store %arg11[%parallel_loop3A_955, %parallel_loop3A_956, %parallel_loop3A_957], %parallel_loop3A_960 {strides = array<i32>} : memref<2x80x128xf32, #tpu.memory_space<vmem>>, vector<1x1x16xf32>,
        %parallel_loop3A_961 = arith.index_cast %rem3A_138 : i32 to index
        %parallel_loop3A_962 = arith.index_cast %parallel_loop3A_918 : i32 to index
        %parallel_loop3A_963 = arith.constant 112 : index
        %parallel_loop3A_964 = tpu.vector_load %arg11[%parallel_loop3A_961, %parallel_loop3A_962, %parallel_loop3A_963] {strides = array<i32>} : memref<2x80x128xf32, #tpu.memory_space<vmem>>, vector<1x1x16xf32>,
        %parallel_loop3A_965 = vector.shape_cast %parallel_loop3A_964 : vector<1x1x16xf32> to vector<16xf32>
        %parallel_loop3A_966 = vector.shape_cast %parallel_loop3A_854 : vector<16xf32> to vector<1x1x16xf32>
        tpu.vector_store %arg11[%parallel_loop3A_961, %parallel_loop3A_962, %parallel_loop3A_963], %parallel_loop3A_966 {strides = array<i32>} : memref<2x80x128xf32, #tpu.memory_space<vmem>>, vector<1x1x16xf32>,
        %parallel_loop3A_967 = arith.constant 1 : i32
        %parallel_loop3A_968 = arith.addi %parallel_loop3A_918, %parallel_loop3A_967 : i32
        %parallel_loop3A_969 = arith.index_cast %rem3A_138 : i32 to index
        %parallel_loop3A_970 = arith.index_cast %parallel_loop3A_968 : i32 to index
        %parallel_loop3A_971 = arith.constant 0 : index
        %parallel_loop3A_972 = tpu.vector_load %arg11[%parallel_loop3A_969, %parallel_loop3A_970, %parallel_loop3A_971] {strides = array<i32>} : memref<2x80x128xf32, #tpu.memory_space<vmem>>, vector<1x1x16xf32>,
        %parallel_loop3A_973 = vector.shape_cast %parallel_loop3A_972 : vector<1x1x16xf32> to vector<16xf32>
        %parallel_loop3A_974 = vector.shape_cast %parallel_loop3A_855 : vector<16xf32> to vector<1x1x16xf32>
        tpu.vector_store %arg11[%parallel_loop3A_969, %parallel_loop3A_970, %parallel_loop3A_971], %parallel_loop3A_974 {strides = array<i32>} : memref<2x80x128xf32, #tpu.memory_space<vmem>>, vector<1x1x16xf32>,
        %parallel_loop3A_975 = arith.constant 1 : i32
        %parallel_loop3A_976 = arith.addi %parallel_loop3A_918, %parallel_loop3A_975 : i32
        %parallel_loop3A_977 = arith.index_cast %rem3A_138 : i32 to index
        %parallel_loop3A_978 = arith.index_cast %parallel_loop3A_976 : i32 to index
        %parallel_loop3A_979 = arith.constant 16 : index
        %parallel_loop3A_980 = tpu.vector_load %arg11[%parallel_loop3A_977, %parallel_loop3A_978, %parallel_loop3A_979] {strides = array<i32>} : memref<2x80x128xf32, #tpu.memory_space<vmem>>, vector<1x1x16xf32>,
        %parallel_loop3A_981 = vector.shape_cast %parallel_loop3A_980 : vector<1x1x16xf32> to vector<16xf32>
        %parallel_loop3A_982 = vector.shape_cast %parallel_loop3A_856 : vector<16xf32> to vector<1x1x16xf32>
        tpu.vector_store %arg11[%parallel_loop3A_977, %parallel_loop3A_978, %parallel_loop3A_979], %parallel_loop3A_982 {strides = array<i32>} : memref<2x80x128xf32, #tpu.memory_space<vmem>>, vector<1x1x16xf32>,
        %parallel_loop3A_983 = arith.constant 1 : i32
        %parallel_loop3A_984 = arith.addi %parallel_loop3A_918, %parallel_loop3A_983 : i32
        %parallel_loop3A_985 = arith.index_cast %rem3A_138 : i32 to index
        %parallel_loop3A_986 = arith.index_cast %parallel_loop3A_984 : i32 to index
        %parallel_loop3A_987 = arith.constant 32 : index
        %parallel_loop3A_988 = tpu.vector_load %arg11[%parallel_loop3A_985, %parallel_loop3A_986, %parallel_loop3A_987] {strides = array<i32>} : memref<2x80x128xf32, #tpu.memory_space<vmem>>, vector<1x1x16xf32>,
        %parallel_loop3A_989 = vector.shape_cast %parallel_loop3A_988 : vector<1x1x16xf32> to vector<16xf32>
        %parallel_loop3A_990 = vector.shape_cast %parallel_loop3A_857 : vector<16xf32> to vector<1x1x16xf32>
        tpu.vector_store %arg11[%parallel_loop3A_985, %parallel_loop3A_986, %parallel_loop3A_987], %parallel_loop3A_990 {strides = array<i32>} : memref<2x80x128xf32, #tpu.memory_space<vmem>>, vector<1x1x16xf32>,
        %parallel_loop3A_991 = arith.constant 1 : i32
        %parallel_loop3A_992 = arith.addi %parallel_loop3A_918, %parallel_loop3A_991 : i32
        %parallel_loop3A_993 = arith.index_cast %rem3A_138 : i32 to index
        %parallel_loop3A_994 = arith.index_cast %parallel_loop3A_992 : i32 to index
        %parallel_loop3A_995 = arith.constant 48 : index
        %parallel_loop3A_996 = tpu.vector_load %arg11[%parallel_loop3A_993, %parallel_loop3A_994, %parallel_loop3A_995] {strides = array<i32>} : memref<2x80x128xf32, #tpu.memory_space<vmem>>, vector<1x1x16xf32>,
        %parallel_loop3A_997 = vector.shape_cast %parallel_loop3A_996 : vector<1x1x16xf32> to vector<16xf32>
        %parallel_loop3A_998 = vector.shape_cast %parallel_loop3A_858 : vector<16xf32> to vector<1x1x16xf32>
        tpu.vector_store %arg11[%parallel_loop3A_993, %parallel_loop3A_994, %parallel_loop3A_995], %parallel_loop3A_998 {strides = array<i32>} : memref<2x80x128xf32, #tpu.memory_space<vmem>>, vector<1x1x16xf32>,
        %parallel_loop3A_999 = arith.constant 1 : i32
        %parallel_loop3A_1000 = arith.addi %parallel_loop3A_918, %parallel_loop3A_999 : i32
        %parallel_loop3A_1001 = arith.index_cast %rem3A_138 : i32 to index
        %parallel_loop3A_1002 = arith.index_cast %parallel_loop3A_1000 : i32 to index
        %parallel_loop3A_1003 = arith.constant 64 : index
        %parallel_loop3A_1004 = tpu.vector_load %arg11[%parallel_loop3A_1001, %parallel_loop3A_1002, %parallel_loop3A_1003] {strides = array<i32>} : memref<2x80x128xf32, #tpu.memory_space<vmem>>, vector<1x1x16xf32>,
        %parallel_loop3A_1005 = vector.shape_cast %parallel_loop3A_1004 : vector<1x1x16xf32> to vector<16xf32>
        %parallel_loop3A_1006 = vector.shape_cast %parallel_loop3A_859 : vector<16xf32> to vector<1x1x16xf32>
        tpu.vector_store %arg11[%parallel_loop3A_1001, %parallel_loop3A_1002, %parallel_loop3A_1003], %parallel_loop3A_1006 {strides = array<i32>} : memref<2x80x128xf32, #tpu.memory_space<vmem>>, vector<1x1x16xf32>,
        %parallel_loop3A_1007 = arith.constant 1 : i32
        %parallel_loop3A_1008 = arith.addi %parallel_loop3A_918, %parallel_loop3A_1007 : i32
        %parallel_loop3A_1009 = arith.index_cast %rem3A_138 : i32 to index
        %parallel_loop3A_1010 = arith.index_cast %parallel_loop3A_1008 : i32 to index
        %parallel_loop3A_1011 = arith.constant 80 : index
        %parallel_loop3A_1012 = tpu.vector_load %arg11[%parallel_loop3A_1009, %parallel_loop3A_1010, %parallel_loop3A_1011] {strides = array<i32>} : memref<2x80x128xf32, #tpu.memory_space<vmem>>, vector<1x1x16xf32>,
        %parallel_loop3A_1013 = vector.shape_cast %parallel_loop3A_1012 : vector<1x1x16xf32> to vector<16xf32>
        %parallel_loop3A_1014 = vector.shape_cast %parallel_loop3A_860 : vector<16xf32> to vector<1x1x16xf32>
        tpu.vector_store %arg11[%parallel_loop3A_1009, %parallel_loop3A_1010, %parallel_loop3A_1011], %parallel_loop3A_1014 {strides = array<i32>} : memref<2x80x128xf32, #tpu.memory_space<vmem>>, vector<1x1x16xf32>,
        %parallel_loop3A_1015 = arith.constant 1 : i32
        %parallel_loop3A_1016 = arith.addi %parallel_loop3A_918, %parallel_loop3A_1015 : i32
        %parallel_loop3A_1017 = arith.index_cast %rem3A_138 : i32 to index
        %parallel_loop3A_1018 = arith.index_cast %parallel_loop3A_1016 : i32 to index
        %parallel_loop3A_1019 = arith.constant 96 : index
        %parallel_loop3A_1020 = tpu.vector_load %arg11[%parallel_loop3A_1017, %parallel_loop3A_1018, %parallel_loop3A_1019] {strides = array<i32>} : memref<2x80x128xf32, #tpu.memory_space<vmem>>, vector<1x1x16xf32>,
        %parallel_loop3A_1021 = vector.shape_cast %parallel_loop3A_1020 : vector<1x1x16xf32> to vector<16xf32>
        %parallel_loop3A_1022 = vector.shape_cast %parallel_loop3A_861 : vector<16xf32> to vector<1x1x16xf32>
        tpu.vector_store %arg11[%parallel_loop3A_1017, %parallel_loop3A_1018, %parallel_loop3A_1019], %parallel_loop3A_1022 {strides = array<i32>} : memref<2x80x128xf32, #tpu.memory_space<vmem>>, vector<1x1x16xf32>,
        %parallel_loop3A_1023 = arith.constant 1 : i32
        %parallel_loop3A_1024 = arith.addi %parallel_loop3A_918, %parallel_loop3A_1023 : i32
        %parallel_loop3A_1025 = arith.index_cast %rem3A_138 : i32 to index
        %parallel_loop3A_1026 = arith.index_cast %parallel_loop3A_1024 : i32 to index
        %parallel_loop3A_1027 = arith.constant 112 : index
        %parallel_loop3A_1028 = tpu.vector_load %arg11[%parallel_loop3A_1025, %parallel_loop3A_1026, %parallel_loop3A_1027] {strides = array<i32>} : memref<2x80x128xf32, #tpu.memory_space<vmem>>, vector<1x1x16xf32>,
        %parallel_loop3A_1029 = vector.shape_cast %parallel_loop3A_1028 : vector<1x1x16xf32> to vector<16xf32>
        %parallel_loop3A_1030 = vector.shape_cast %parallel_loop3A_862 : vector<16xf32> to vector<1x1x16xf32>
        tpu.vector_store %arg11[%parallel_loop3A_1025, %parallel_loop3A_1026, %parallel_loop3A_1027], %parallel_loop3A_1030 {strides = array<i32>} : memref<2x80x128xf32, #tpu.memory_space<vmem>>, vector<1x1x16xf32>,
        %parallel_loop3A_1031 = arith.constant 6 : i32
        %parallel_loop3A_1032 = vector.broadcast %parallel_loop3A_1031 : i32 to vector<16x1xi32>
        %parallel_loop3A_1033 = vector.shape_cast %parallel_loop3A_1032 : vector<16x1xi32> to vector<16xi32>
        %parallel_loop3A_1034 = tpu.dynamic_gather %parallel_loop3A_210[%parallel_loop3A_1033] in [0] : vector<16xf32>, vector<16xi32> -> vector<16xf32>
        %parallel_loop3A_1035 = arith.constant 7 : i32
        %parallel_loop3A_1036 = vector.broadcast %parallel_loop3A_1035 : i32 to vector<16x1xi32>
        %parallel_loop3A_1037 = vector.shape_cast %parallel_loop3A_1036 : vector<16x1xi32> to vector<16xi32>
        %parallel_loop3A_1038 = tpu.dynamic_gather %parallel_loop3A_210[%parallel_loop3A_1037] in [0] : vector<16xf32>, vector<16xi32> -> vector<16xf32>
        %parallel_loop3A_1039 = arith.constant 16 : i32
        %parallel_loop3A_1040 = vector.broadcast %parallel_loop3A_1039 : i32 to vector<16xi32>
        %parallel_loop3A_1041 = arith.shli %parallel_loop3A_871, %parallel_loop3A_1040 : vector<16xi32>
        %parallel_loop3A_1042 = tpu.bitcast %parallel_loop3A_1041 : vector<16xi32> -> vector<16xf32>
        %parallel_loop3A_1043 = arith.constant -65536 : i32
        %parallel_loop3A_1044 = vector.broadcast %parallel_loop3A_1043 : i32 to vector<16xi32>
        %parallel_loop3A_1045 = arith.andi %parallel_loop3A_871, %parallel_loop3A_1044 : vector<16xi32>
        %parallel_loop3A_1046 = tpu.bitcast %parallel_loop3A_1045 : vector<16xi32> -> vector<16xf32>
        %parallel_loop3A_1047 = arith.constant 16 : i32
        %parallel_loop3A_1048 = vector.broadcast %parallel_loop3A_1047 : i32 to vector<16xi32>
        %parallel_loop3A_1049 = arith.shli %parallel_loop3A_876, %parallel_loop3A_1048 : vector<16xi32>
        %parallel_loop3A_1050 = tpu.bitcast %parallel_loop3A_1049 : vector<16xi32> -> vector<16xf32>
        %parallel_loop3A_1051 = arith.constant -65536 : i32
        %parallel_loop3A_1052 = vector.broadcast %parallel_loop3A_1051 : i32 to vector<16xi32>
        %parallel_loop3A_1053 = arith.andi %parallel_loop3A_876, %parallel_loop3A_1052 : vector<16xi32>
        %parallel_loop3A_1054 = tpu.bitcast %parallel_loop3A_1053 : vector<16xi32> -> vector<16xf32>
        %parallel_loop3A_1055 = arith.constant 16 : i32
        %parallel_loop3A_1056 = vector.broadcast %parallel_loop3A_1055 : i32 to vector<16xi32>
        %parallel_loop3A_1057 = arith.shli %parallel_loop3A_881, %parallel_loop3A_1056 : vector<16xi32>
        %parallel_loop3A_1058 = tpu.bitcast %parallel_loop3A_1057 : vector<16xi32> -> vector<16xf32>
        %parallel_loop3A_1059 = arith.constant -65536 : i32
        %parallel_loop3A_1060 = vector.broadcast %parallel_loop3A_1059 : i32 to vector<16xi32>
        %parallel_loop3A_1061 = arith.andi %parallel_loop3A_881, %parallel_loop3A_1060 : vector<16xi32>
        %parallel_loop3A_1062 = tpu.bitcast %parallel_loop3A_1061 : vector<16xi32> -> vector<16xf32>
        %parallel_loop3A_1063 = arith.constant 16 : i32
        %parallel_loop3A_1064 = vector.broadcast %parallel_loop3A_1063 : i32 to vector<16xi32>
        %parallel_loop3A_1065 = arith.shli %parallel_loop3A_886, %parallel_loop3A_1064 : vector<16xi32>
        %parallel_loop3A_1066 = tpu.bitcast %parallel_loop3A_1065 : vector<16xi32> -> vector<16xf32>
        %parallel_loop3A_1067 = arith.constant -65536 : i32
        %parallel_loop3A_1068 = vector.broadcast %parallel_loop3A_1067 : i32 to vector<16xi32>
        %parallel_loop3A_1069 = arith.andi %parallel_loop3A_886, %parallel_loop3A_1068 : vector<16xi32>
        %parallel_loop3A_1070 = tpu.bitcast %parallel_loop3A_1069 : vector<16xi32> -> vector<16xf32>
        %parallel_loop3A_1071 = arith.constant 16 : i32
        %parallel_loop3A_1072 = vector.broadcast %parallel_loop3A_1071 : i32 to vector<16xi32>
        %parallel_loop3A_1073 = arith.shli %parallel_loop3A_893, %parallel_loop3A_1072 : vector<16xi32>
        %parallel_loop3A_1074 = tpu.bitcast %parallel_loop3A_1073 : vector<16xi32> -> vector<16xf32>
        %parallel_loop3A_1075 = arith.constant -65536 : i32
        %parallel_loop3A_1076 = vector.broadcast %parallel_loop3A_1075 : i32 to vector<16xi32>
        %parallel_loop3A_1077 = arith.andi %parallel_loop3A_893, %parallel_loop3A_1076 : vector<16xi32>
        %parallel_loop3A_1078 = tpu.bitcast %parallel_loop3A_1077 : vector<16xi32> -> vector<16xf32>
        %parallel_loop3A_1079 = arith.constant 16 : i32
        %parallel_loop3A_1080 = vector.broadcast %parallel_loop3A_1079 : i32 to vector<16xi32>
        %parallel_loop3A_1081 = arith.shli %parallel_loop3A_900, %parallel_loop3A_1080 : vector<16xi32>
        %parallel_loop3A_1082 = tpu.bitcast %parallel_loop3A_1081 : vector<16xi32> -> vector<16xf32>
        %parallel_loop3A_1083 = arith.constant -65536 : i32
        %parallel_loop3A_1084 = vector.broadcast %parallel_loop3A_1083 : i32 to vector<16xi32>
        %parallel_loop3A_1085 = arith.andi %parallel_loop3A_900, %parallel_loop3A_1084 : vector<16xi32>
        %parallel_loop3A_1086 = tpu.bitcast %parallel_loop3A_1085 : vector<16xi32> -> vector<16xf32>
        %parallel_loop3A_1087 = arith.constant 16 : i32
        %parallel_loop3A_1088 = vector.broadcast %parallel_loop3A_1087 : i32 to vector<16xi32>
        %parallel_loop3A_1089 = arith.shli %parallel_loop3A_907, %parallel_loop3A_1088 : vector<16xi32>
        %parallel_loop3A_1090 = tpu.bitcast %parallel_loop3A_1089 : vector<16xi32> -> vector<16xf32>
        %parallel_loop3A_1091 = arith.constant -65536 : i32
        %parallel_loop3A_1092 = vector.broadcast %parallel_loop3A_1091 : i32 to vector<16xi32>
        %parallel_loop3A_1093 = arith.andi %parallel_loop3A_907, %parallel_loop3A_1092 : vector<16xi32>
        %parallel_loop3A_1094 = tpu.bitcast %parallel_loop3A_1093 : vector<16xi32> -> vector<16xf32>
        %parallel_loop3A_1095 = arith.constant 16 : i32
        %parallel_loop3A_1096 = vector.broadcast %parallel_loop3A_1095 : i32 to vector<16xi32>
        %parallel_loop3A_1097 = arith.shli %parallel_loop3A_914, %parallel_loop3A_1096 : vector<16xi32>
        %parallel_loop3A_1098 = tpu.bitcast %parallel_loop3A_1097 : vector<16xi32> -> vector<16xf32>
        %parallel_loop3A_1099 = arith.constant -65536 : i32
        %parallel_loop3A_1100 = vector.broadcast %parallel_loop3A_1099 : i32 to vector<16xi32>
        %parallel_loop3A_1101 = arith.andi %parallel_loop3A_914, %parallel_loop3A_1100 : vector<16xi32>
        %parallel_loop3A_1102 = tpu.bitcast %parallel_loop3A_1101 : vector<16xi32> -> vector<16xf32>
        %parallel_loop3A_1103 = arith.mulf %parallel_loop3A_1042, %parallel_loop3A_1034 : vector<16xf32>
        %parallel_loop3A_1104 = arith.mulf %parallel_loop3A_1046, %parallel_loop3A_1034 : vector<16xf32>
        %parallel_loop3A_1105 = arith.mulf %parallel_loop3A_1050, %parallel_loop3A_1034 : vector<16xf32>
        %parallel_loop3A_1106 = arith.mulf %parallel_loop3A_1054, %parallel_loop3A_1034 : vector<16xf32>
        %parallel_loop3A_1107 = arith.mulf %parallel_loop3A_1058, %parallel_loop3A_1034 : vector<16xf32>
        %parallel_loop3A_1108 = arith.mulf %parallel_loop3A_1062, %parallel_loop3A_1034 : vector<16xf32>
        %parallel_loop3A_1109 = arith.mulf %parallel_loop3A_1066, %parallel_loop3A_1034 : vector<16xf32>
        %parallel_loop3A_1110 = arith.mulf %parallel_loop3A_1070, %parallel_loop3A_1034 : vector<16xf32>
        %parallel_loop3A_1111 = arith.mulf %parallel_loop3A_1074, %parallel_loop3A_1038 : vector<16xf32>
        %parallel_loop3A_1112 = arith.mulf %parallel_loop3A_1078, %parallel_loop3A_1038 : vector<16xf32>
        %parallel_loop3A_1113 = arith.mulf %parallel_loop3A_1082, %parallel_loop3A_1038 : vector<16xf32>
        %parallel_loop3A_1114 = arith.mulf %parallel_loop3A_1086, %parallel_loop3A_1038 : vector<16xf32>
        %parallel_loop3A_1115 = arith.mulf %parallel_loop3A_1090, %parallel_loop3A_1038 : vector<16xf32>
        %parallel_loop3A_1116 = arith.mulf %parallel_loop3A_1094, %parallel_loop3A_1038 : vector<16xf32>
        %parallel_loop3A_1117 = arith.mulf %parallel_loop3A_1098, %parallel_loop3A_1038 : vector<16xf32>
        %parallel_loop3A_1118 = arith.mulf %parallel_loop3A_1102, %parallel_loop3A_1038 : vector<16xf32>
        %parallel_loop3A_1119 = arith.constant 16 : i32
        %parallel_loop3A_1120 = arith.muli %parallel_loop3A_199, %parallel_loop3A_1119 : i32
        %parallel_loop3A_1121 = arith.constant 8 : i32
        %parallel_loop3A_1122 = arith.addi %parallel_loop3A_1120, %parallel_loop3A_1121 : i32
        %parallel_loop3A_1123 = arith.index_cast %rem3A_136 : i32 to index
        %parallel_loop3A_1124 = arith.index_cast %parallel_loop3A_1122 : i32 to index
        %parallel_loop3A_1125 = arith.constant 0 : index
        %parallel_loop3A_1126 = tpu.vector_load %arg10[%parallel_loop3A_1123, %parallel_loop3A_1124, %parallel_loop3A_1125] {strides = array<i32>} : memref<3x80x64xi32, #tpu.memory_space<vmem>>, vector<1x1x16xi32>,
        %parallel_loop3A_1127 = vector.shape_cast %parallel_loop3A_1126 : vector<1x1x16xi32> to vector<16xi32>
        %parallel_loop3A_1128 = arith.index_cast %rem3A_136 : i32 to index
        %parallel_loop3A_1129 = arith.index_cast %parallel_loop3A_1122 : i32 to index
        %parallel_loop3A_1130 = arith.constant 16 : index
        %parallel_loop3A_1131 = tpu.vector_load %arg10[%parallel_loop3A_1128, %parallel_loop3A_1129, %parallel_loop3A_1130] {strides = array<i32>} : memref<3x80x64xi32, #tpu.memory_space<vmem>>, vector<1x1x16xi32>,
        %parallel_loop3A_1132 = vector.shape_cast %parallel_loop3A_1131 : vector<1x1x16xi32> to vector<16xi32>
        %parallel_loop3A_1133 = arith.index_cast %rem3A_136 : i32 to index
        %parallel_loop3A_1134 = arith.index_cast %parallel_loop3A_1122 : i32 to index
        %parallel_loop3A_1135 = arith.constant 32 : index
        %parallel_loop3A_1136 = tpu.vector_load %arg10[%parallel_loop3A_1133, %parallel_loop3A_1134, %parallel_loop3A_1135] {strides = array<i32>} : memref<3x80x64xi32, #tpu.memory_space<vmem>>, vector<1x1x16xi32>,
        %parallel_loop3A_1137 = vector.shape_cast %parallel_loop3A_1136 : vector<1x1x16xi32> to vector<16xi32>
        %parallel_loop3A_1138 = arith.index_cast %rem3A_136 : i32 to index
        %parallel_loop3A_1139 = arith.index_cast %parallel_loop3A_1122 : i32 to index
        %parallel_loop3A_1140 = arith.constant 48 : index
        %parallel_loop3A_1141 = tpu.vector_load %arg10[%parallel_loop3A_1138, %parallel_loop3A_1139, %parallel_loop3A_1140] {strides = array<i32>} : memref<3x80x64xi32, #tpu.memory_space<vmem>>, vector<1x1x16xi32>,
        %parallel_loop3A_1142 = vector.shape_cast %parallel_loop3A_1141 : vector<1x1x16xi32> to vector<16xi32>
        %parallel_loop3A_1143 = arith.constant 1 : i32
        %parallel_loop3A_1144 = arith.addi %parallel_loop3A_1122, %parallel_loop3A_1143 : i32
        %parallel_loop3A_1145 = arith.index_cast %rem3A_136 : i32 to index
        %parallel_loop3A_1146 = arith.index_cast %parallel_loop3A_1144 : i32 to index
        %parallel_loop3A_1147 = arith.constant 0 : index
        %parallel_loop3A_1148 = tpu.vector_load %arg10[%parallel_loop3A_1145, %parallel_loop3A_1146, %parallel_loop3A_1147] {strides = array<i32>} : memref<3x80x64xi32, #tpu.memory_space<vmem>>, vector<1x1x16xi32>,
        %parallel_loop3A_1149 = vector.shape_cast %parallel_loop3A_1148 : vector<1x1x16xi32> to vector<16xi32>
        %parallel_loop3A_1150 = arith.constant 1 : i32
        %parallel_loop3A_1151 = arith.addi %parallel_loop3A_1122, %parallel_loop3A_1150 : i32
        %parallel_loop3A_1152 = arith.index_cast %rem3A_136 : i32 to index
        %parallel_loop3A_1153 = arith.index_cast %parallel_loop3A_1151 : i32 to index
        %parallel_loop3A_1154 = arith.constant 16 : index
        %parallel_loop3A_1155 = tpu.vector_load %arg10[%parallel_loop3A_1152, %parallel_loop3A_1153, %parallel_loop3A_1154] {strides = array<i32>} : memref<3x80x64xi32, #tpu.memory_space<vmem>>, vector<1x1x16xi32>,
        %parallel_loop3A_1156 = vector.shape_cast %parallel_loop3A_1155 : vector<1x1x16xi32> to vector<16xi32>
        %parallel_loop3A_1157 = arith.constant 1 : i32
        %parallel_loop3A_1158 = arith.addi %parallel_loop3A_1122, %parallel_loop3A_1157 : i32
        %parallel_loop3A_1159 = arith.index_cast %rem3A_136 : i32 to index
        %parallel_loop3A_1160 = arith.index_cast %parallel_loop3A_1158 : i32 to index
        %parallel_loop3A_1161 = arith.constant 32 : index
        %parallel_loop3A_1162 = tpu.vector_load %arg10[%parallel_loop3A_1159, %parallel_loop3A_1160, %parallel_loop3A_1161] {strides = array<i32>} : memref<3x80x64xi32, #tpu.memory_space<vmem>>, vector<1x1x16xi32>,
        %parallel_loop3A_1163 = vector.shape_cast %parallel_loop3A_1162 : vector<1x1x16xi32> to vector<16xi32>
        %parallel_loop3A_1164 = arith.constant 1 : i32
        %parallel_loop3A_1165 = arith.addi %parallel_loop3A_1122, %parallel_loop3A_1164 : i32
        %parallel_loop3A_1166 = arith.index_cast %rem3A_136 : i32 to index
        %parallel_loop3A_1167 = arith.index_cast %parallel_loop3A_1165 : i32 to index
        %parallel_loop3A_1168 = arith.constant 48 : index
        %parallel_loop3A_1169 = tpu.vector_load %arg10[%parallel_loop3A_1166, %parallel_loop3A_1167, %parallel_loop3A_1168] {strides = array<i32>} : memref<3x80x64xi32, #tpu.memory_space<vmem>>, vector<1x1x16xi32>,
        %parallel_loop3A_1170 = vector.shape_cast %parallel_loop3A_1169 : vector<1x1x16xi32> to vector<16xi32>
        %parallel_loop3A_1171 = arith.constant 16 : i32
        %parallel_loop3A_1172 = arith.muli %parallel_loop3A_199, %parallel_loop3A_1171 : i32
        %parallel_loop3A_1173 = arith.constant 6 : i32
        %parallel_loop3A_1174 = arith.addi %parallel_loop3A_1172, %parallel_loop3A_1173 : i32
        %parallel_loop3A_1175 = arith.index_cast %rem3A_138 : i32 to index
        %parallel_loop3A_1176 = arith.index_cast %parallel_loop3A_1174 : i32 to index
        %parallel_loop3A_1177 = arith.constant 0 : index
        %parallel_loop3A_1178 = tpu.vector_load %arg11[%parallel_loop3A_1175, %parallel_loop3A_1176, %parallel_loop3A_1177] {strides = array<i32>} : memref<2x80x128xf32, #tpu.memory_space<vmem>>, vector<1x1x16xf32>,
        %parallel_loop3A_1179 = vector.shape_cast %parallel_loop3A_1178 : vector<1x1x16xf32> to vector<16xf32>
        %parallel_loop3A_1180 = vector.shape_cast %parallel_loop3A_1103 : vector<16xf32> to vector<1x1x16xf32>
        tpu.vector_store %arg11[%parallel_loop3A_1175, %parallel_loop3A_1176, %parallel_loop3A_1177], %parallel_loop3A_1180 {strides = array<i32>} : memref<2x80x128xf32, #tpu.memory_space<vmem>>, vector<1x1x16xf32>,
        %parallel_loop3A_1181 = arith.index_cast %rem3A_138 : i32 to index
        %parallel_loop3A_1182 = arith.index_cast %parallel_loop3A_1174 : i32 to index
        %parallel_loop3A_1183 = arith.constant 16 : index
        %parallel_loop3A_1184 = tpu.vector_load %arg11[%parallel_loop3A_1181, %parallel_loop3A_1182, %parallel_loop3A_1183] {strides = array<i32>} : memref<2x80x128xf32, #tpu.memory_space<vmem>>, vector<1x1x16xf32>,
        %parallel_loop3A_1185 = vector.shape_cast %parallel_loop3A_1184 : vector<1x1x16xf32> to vector<16xf32>
        %parallel_loop3A_1186 = vector.shape_cast %parallel_loop3A_1104 : vector<16xf32> to vector<1x1x16xf32>
        tpu.vector_store %arg11[%parallel_loop3A_1181, %parallel_loop3A_1182, %parallel_loop3A_1183], %parallel_loop3A_1186 {strides = array<i32>} : memref<2x80x128xf32, #tpu.memory_space<vmem>>, vector<1x1x16xf32>,
        %parallel_loop3A_1187 = arith.index_cast %rem3A_138 : i32 to index
        %parallel_loop3A_1188 = arith.index_cast %parallel_loop3A_1174 : i32 to index
        %parallel_loop3A_1189 = arith.constant 32 : index
        %parallel_loop3A_1190 = tpu.vector_load %arg11[%parallel_loop3A_1187, %parallel_loop3A_1188, %parallel_loop3A_1189] {strides = array<i32>} : memref<2x80x128xf32, #tpu.memory_space<vmem>>, vector<1x1x16xf32>,
        %parallel_loop3A_1191 = vector.shape_cast %parallel_loop3A_1190 : vector<1x1x16xf32> to vector<16xf32>
        %parallel_loop3A_1192 = vector.shape_cast %parallel_loop3A_1105 : vector<16xf32> to vector<1x1x16xf32>
        tpu.vector_store %arg11[%parallel_loop3A_1187, %parallel_loop3A_1188, %parallel_loop3A_1189], %parallel_loop3A_1192 {strides = array<i32>} : memref<2x80x128xf32, #tpu.memory_space<vmem>>, vector<1x1x16xf32>,
        %parallel_loop3A_1193 = arith.index_cast %rem3A_138 : i32 to index
        %parallel_loop3A_1194 = arith.index_cast %parallel_loop3A_1174 : i32 to index
        %parallel_loop3A_1195 = arith.constant 48 : index
        %parallel_loop3A_1196 = tpu.vector_load %arg11[%parallel_loop3A_1193, %parallel_loop3A_1194, %parallel_loop3A_1195] {strides = array<i32>} : memref<2x80x128xf32, #tpu.memory_space<vmem>>, vector<1x1x16xf32>,
        %parallel_loop3A_1197 = vector.shape_cast %parallel_loop3A_1196 : vector<1x1x16xf32> to vector<16xf32>
        %parallel_loop3A_1198 = vector.shape_cast %parallel_loop3A_1106 : vector<16xf32> to vector<1x1x16xf32>
        tpu.vector_store %arg11[%parallel_loop3A_1193, %parallel_loop3A_1194, %parallel_loop3A_1195], %parallel_loop3A_1198 {strides = array<i32>} : memref<2x80x128xf32, #tpu.memory_space<vmem>>, vector<1x1x16xf32>,
        %parallel_loop3A_1199 = arith.index_cast %rem3A_138 : i32 to index
        %parallel_loop3A_1200 = arith.index_cast %parallel_loop3A_1174 : i32 to index
        %parallel_loop3A_1201 = arith.constant 64 : index
        %parallel_loop3A_1202 = tpu.vector_load %arg11[%parallel_loop3A_1199, %parallel_loop3A_1200, %parallel_loop3A_1201] {strides = array<i32>} : memref<2x80x128xf32, #tpu.memory_space<vmem>>, vector<1x1x16xf32>,
        %parallel_loop3A_1203 = vector.shape_cast %parallel_loop3A_1202 : vector<1x1x16xf32> to vector<16xf32>
        %parallel_loop3A_1204 = vector.shape_cast %parallel_loop3A_1107 : vector<16xf32> to vector<1x1x16xf32>
        tpu.vector_store %arg11[%parallel_loop3A_1199, %parallel_loop3A_1200, %parallel_loop3A_1201], %parallel_loop3A_1204 {strides = array<i32>} : memref<2x80x128xf32, #tpu.memory_space<vmem>>, vector<1x1x16xf32>,
        %parallel_loop3A_1205 = arith.index_cast %rem3A_138 : i32 to index
        %parallel_loop3A_1206 = arith.index_cast %parallel_loop3A_1174 : i32 to index
        %parallel_loop3A_1207 = arith.constant 80 : index
        %parallel_loop3A_1208 = tpu.vector_load %arg11[%parallel_loop3A_1205, %parallel_loop3A_1206, %parallel_loop3A_1207] {strides = array<i32>} : memref<2x80x128xf32, #tpu.memory_space<vmem>>, vector<1x1x16xf32>,
        %parallel_loop3A_1209 = vector.shape_cast %parallel_loop3A_1208 : vector<1x1x16xf32> to vector<16xf32>
        %parallel_loop3A_1210 = vector.shape_cast %parallel_loop3A_1108 : vector<16xf32> to vector<1x1x16xf32>
        tpu.vector_store %arg11[%parallel_loop3A_1205, %parallel_loop3A_1206, %parallel_loop3A_1207], %parallel_loop3A_1210 {strides = array<i32>} : memref<2x80x128xf32, #tpu.memory_space<vmem>>, vector<1x1x16xf32>,
        %parallel_loop3A_1211 = arith.index_cast %rem3A_138 : i32 to index
        %parallel_loop3A_1212 = arith.index_cast %parallel_loop3A_1174 : i32 to index
        %parallel_loop3A_1213 = arith.constant 96 : index
        %parallel_loop3A_1214 = tpu.vector_load %arg11[%parallel_loop3A_1211, %parallel_loop3A_1212, %parallel_loop3A_1213] {strides = array<i32>} : memref<2x80x128xf32, #tpu.memory_space<vmem>>, vector<1x1x16xf32>,
        %parallel_loop3A_1215 = vector.shape_cast %parallel_loop3A_1214 : vector<1x1x16xf32> to vector<16xf32>
        %parallel_loop3A_1216 = vector.shape_cast %parallel_loop3A_1109 : vector<16xf32> to vector<1x1x16xf32>
        tpu.vector_store %arg11[%parallel_loop3A_1211, %parallel_loop3A_1212, %parallel_loop3A_1213], %parallel_loop3A_1216 {strides = array<i32>} : memref<2x80x128xf32, #tpu.memory_space<vmem>>, vector<1x1x16xf32>,
        %parallel_loop3A_1217 = arith.index_cast %rem3A_138 : i32 to index
        %parallel_loop3A_1218 = arith.index_cast %parallel_loop3A_1174 : i32 to index
        %parallel_loop3A_1219 = arith.constant 112 : index
        %parallel_loop3A_1220 = tpu.vector_load %arg11[%parallel_loop3A_1217, %parallel_loop3A_1218, %parallel_loop3A_1219] {strides = array<i32>} : memref<2x80x128xf32, #tpu.memory_space<vmem>>, vector<1x1x16xf32>,
        %parallel_loop3A_1221 = vector.shape_cast %parallel_loop3A_1220 : vector<1x1x16xf32> to vector<16xf32>
        %parallel_loop3A_1222 = vector.shape_cast %parallel_loop3A_1110 : vector<16xf32> to vector<1x1x16xf32>
        tpu.vector_store %arg11[%parallel_loop3A_1217, %parallel_loop3A_1218, %parallel_loop3A_1219], %parallel_loop3A_1222 {strides = array<i32>} : memref<2x80x128xf32, #tpu.memory_space<vmem>>, vector<1x1x16xf32>,
        %parallel_loop3A_1223 = arith.constant 1 : i32
        %parallel_loop3A_1224 = arith.addi %parallel_loop3A_1174, %parallel_loop3A_1223 : i32
        %parallel_loop3A_1225 = arith.index_cast %rem3A_138 : i32 to index
        %parallel_loop3A_1226 = arith.index_cast %parallel_loop3A_1224 : i32 to index
        %parallel_loop3A_1227 = arith.constant 0 : index
        %parallel_loop3A_1228 = tpu.vector_load %arg11[%parallel_loop3A_1225, %parallel_loop3A_1226, %parallel_loop3A_1227] {strides = array<i32>} : memref<2x80x128xf32, #tpu.memory_space<vmem>>, vector<1x1x16xf32>,
        %parallel_loop3A_1229 = vector.shape_cast %parallel_loop3A_1228 : vector<1x1x16xf32> to vector<16xf32>
        %parallel_loop3A_1230 = vector.shape_cast %parallel_loop3A_1111 : vector<16xf32> to vector<1x1x16xf32>
        tpu.vector_store %arg11[%parallel_loop3A_1225, %parallel_loop3A_1226, %parallel_loop3A_1227], %parallel_loop3A_1230 {strides = array<i32>} : memref<2x80x128xf32, #tpu.memory_space<vmem>>, vector<1x1x16xf32>,
        %parallel_loop3A_1231 = arith.constant 1 : i32
        %parallel_loop3A_1232 = arith.addi %parallel_loop3A_1174, %parallel_loop3A_1231 : i32
        %parallel_loop3A_1233 = arith.index_cast %rem3A_138 : i32 to index
        %parallel_loop3A_1234 = arith.index_cast %parallel_loop3A_1232 : i32 to index
        %parallel_loop3A_1235 = arith.constant 16 : index
        %parallel_loop3A_1236 = tpu.vector_load %arg11[%parallel_loop3A_1233, %parallel_loop3A_1234, %parallel_loop3A_1235] {strides = array<i32>} : memref<2x80x128xf32, #tpu.memory_space<vmem>>, vector<1x1x16xf32>,
        %parallel_loop3A_1237 = vector.shape_cast %parallel_loop3A_1236 : vector<1x1x16xf32> to vector<16xf32>
        %parallel_loop3A_1238 = vector.shape_cast %parallel_loop3A_1112 : vector<16xf32> to vector<1x1x16xf32>
        tpu.vector_store %arg11[%parallel_loop3A_1233, %parallel_loop3A_1234, %parallel_loop3A_1235], %parallel_loop3A_1238 {strides = array<i32>} : memref<2x80x128xf32, #tpu.memory_space<vmem>>, vector<1x1x16xf32>,
        %parallel_loop3A_1239 = arith.constant 1 : i32
        %parallel_loop3A_1240 = arith.addi %parallel_loop3A_1174, %parallel_loop3A_1239 : i32
        %parallel_loop3A_1241 = arith.index_cast %rem3A_138 : i32 to index
        %parallel_loop3A_1242 = arith.index_cast %parallel_loop3A_1240 : i32 to index
        %parallel_loop3A_1243 = arith.constant 32 : index
        %parallel_loop3A_1244 = tpu.vector_load %arg11[%parallel_loop3A_1241, %parallel_loop3A_1242, %parallel_loop3A_1243] {strides = array<i32>} : memref<2x80x128xf32, #tpu.memory_space<vmem>>, vector<1x1x16xf32>,
        %parallel_loop3A_1245 = vector.shape_cast %parallel_loop3A_1244 : vector<1x1x16xf32> to vector<16xf32>
        %parallel_loop3A_1246 = vector.shape_cast %parallel_loop3A_1113 : vector<16xf32> to vector<1x1x16xf32>
        tpu.vector_store %arg11[%parallel_loop3A_1241, %parallel_loop3A_1242, %parallel_loop3A_1243], %parallel_loop3A_1246 {strides = array<i32>} : memref<2x80x128xf32, #tpu.memory_space<vmem>>, vector<1x1x16xf32>,
        %parallel_loop3A_1247 = arith.constant 1 : i32
        %parallel_loop3A_1248 = arith.addi %parallel_loop3A_1174, %parallel_loop3A_1247 : i32
        %parallel_loop3A_1249 = arith.index_cast %rem3A_138 : i32 to index
        %parallel_loop3A_1250 = arith.index_cast %parallel_loop3A_1248 : i32 to index
        %parallel_loop3A_1251 = arith.constant 48 : index
        %parallel_loop3A_1252 = tpu.vector_load %arg11[%parallel_loop3A_1249, %parallel_loop3A_1250, %parallel_loop3A_1251] {strides = array<i32>} : memref<2x80x128xf32, #tpu.memory_space<vmem>>, vector<1x1x16xf32>,
        %parallel_loop3A_1253 = vector.shape_cast %parallel_loop3A_1252 : vector<1x1x16xf32> to vector<16xf32>
        %parallel_loop3A_1254 = vector.shape_cast %parallel_loop3A_1114 : vector<16xf32> to vector<1x1x16xf32>
        tpu.vector_store %arg11[%parallel_loop3A_1249, %parallel_loop3A_1250, %parallel_loop3A_1251], %parallel_loop3A_1254 {strides = array<i32>} : memref<2x80x128xf32, #tpu.memory_space<vmem>>, vector<1x1x16xf32>,
        %parallel_loop3A_1255 = arith.constant 1 : i32
        %parallel_loop3A_1256 = arith.addi %parallel_loop3A_1174, %parallel_loop3A_1255 : i32
        %parallel_loop3A_1257 = arith.index_cast %rem3A_138 : i32 to index
        %parallel_loop3A_1258 = arith.index_cast %parallel_loop3A_1256 : i32 to index
        %parallel_loop3A_1259 = arith.constant 64 : index
        %parallel_loop3A_1260 = tpu.vector_load %arg11[%parallel_loop3A_1257, %parallel_loop3A_1258, %parallel_loop3A_1259] {strides = array<i32>} : memref<2x80x128xf32, #tpu.memory_space<vmem>>, vector<1x1x16xf32>,
        %parallel_loop3A_1261 = vector.shape_cast %parallel_loop3A_1260 : vector<1x1x16xf32> to vector<16xf32>
        %parallel_loop3A_1262 = vector.shape_cast %parallel_loop3A_1115 : vector<16xf32> to vector<1x1x16xf32>
        tpu.vector_store %arg11[%parallel_loop3A_1257, %parallel_loop3A_1258, %parallel_loop3A_1259], %parallel_loop3A_1262 {strides = array<i32>} : memref<2x80x128xf32, #tpu.memory_space<vmem>>, vector<1x1x16xf32>,
        %parallel_loop3A_1263 = arith.constant 1 : i32
        %parallel_loop3A_1264 = arith.addi %parallel_loop3A_1174, %parallel_loop3A_1263 : i32
        %parallel_loop3A_1265 = arith.index_cast %rem3A_138 : i32 to index
        %parallel_loop3A_1266 = arith.index_cast %parallel_loop3A_1264 : i32 to index
        %parallel_loop3A_1267 = arith.constant 80 : index
        %parallel_loop3A_1268 = tpu.vector_load %arg11[%parallel_loop3A_1265, %parallel_loop3A_1266, %parallel_loop3A_1267] {strides = array<i32>} : memref<2x80x128xf32, #tpu.memory_space<vmem>>, vector<1x1x16xf32>,
        %parallel_loop3A_1269 = vector.shape_cast %parallel_loop3A_1268 : vector<1x1x16xf32> to vector<16xf32>
        %parallel_loop3A_1270 = vector.shape_cast %parallel_loop3A_1116 : vector<16xf32> to vector<1x1x16xf32>
        tpu.vector_store %arg11[%parallel_loop3A_1265, %parallel_loop3A_1266, %parallel_loop3A_1267], %parallel_loop3A_1270 {strides = array<i32>} : memref<2x80x128xf32, #tpu.memory_space<vmem>>, vector<1x1x16xf32>,
        %parallel_loop3A_1271 = arith.constant 1 : i32
        %parallel_loop3A_1272 = arith.addi %parallel_loop3A_1174, %parallel_loop3A_1271 : i32
        %parallel_loop3A_1273 = arith.index_cast %rem3A_138 : i32 to index
        %parallel_loop3A_1274 = arith.index_cast %parallel_loop3A_1272 : i32 to index
        %parallel_loop3A_1275 = arith.constant 96 : index
        %parallel_loop3A_1276 = tpu.vector_load %arg11[%parallel_loop3A_1273, %parallel_loop3A_1274, %parallel_loop3A_1275] {strides = array<i32>} : memref<2x80x128xf32, #tpu.memory_space<vmem>>, vector<1x1x16xf32>,
        %parallel_loop3A_1277 = vector.shape_cast %parallel_loop3A_1276 : vector<1x1x16xf32> to vector<16xf32>
        %parallel_loop3A_1278 = vector.shape_cast %parallel_loop3A_1117 : vector<16xf32> to vector<1x1x16xf32>
        tpu.vector_store %arg11[%parallel_loop3A_1273, %parallel_loop3A_1274, %parallel_loop3A_1275], %parallel_loop3A_1278 {strides = array<i32>} : memref<2x80x128xf32, #tpu.memory_space<vmem>>, vector<1x1x16xf32>,
        %parallel_loop3A_1279 = arith.constant 1 : i32
        %parallel_loop3A_1280 = arith.addi %parallel_loop3A_1174, %parallel_loop3A_1279 : i32
        %parallel_loop3A_1281 = arith.index_cast %rem3A_138 : i32 to index
        %parallel_loop3A_1282 = arith.index_cast %parallel_loop3A_1280 : i32 to index
        %parallel_loop3A_1283 = arith.constant 112 : index
        %parallel_loop3A_1284 = tpu.vector_load %arg11[%parallel_loop3A_1281, %parallel_loop3A_1282, %parallel_loop3A_1283] {strides = array<i32>} : memref<2x80x128xf32, #tpu.memory_space<vmem>>, vector<1x1x16xf32>,
        %parallel_loop3A_1285 = vector.shape_cast %parallel_loop3A_1284 : vector<1x1x16xf32> to vector<16xf32>
        %parallel_loop3A_1286 = vector.shape_cast %parallel_loop3A_1118 : vector<16xf32> to vector<1x1x16xf32>
        tpu.vector_store %arg11[%parallel_loop3A_1281, %parallel_loop3A_1282, %parallel_loop3A_1283], %parallel_loop3A_1286 {strides = array<i32>} : memref<2x80x128xf32, #tpu.memory_space<vmem>>, vector<1x1x16xf32>,
        %parallel_loop3A_1287 = arith.constant 8 : i32
        %parallel_loop3A_1288 = vector.broadcast %parallel_loop3A_1287 : i32 to vector<16x1xi32>
        %parallel_loop3A_1289 = vector.shape_cast %parallel_loop3A_1288 : vector<16x1xi32> to vector<16xi32>
        %parallel_loop3A_1290 = tpu.dynamic_gather %parallel_loop3A_210[%parallel_loop3A_1289] in [0] : vector<16xf32>, vector<16xi32> -> vector<16xf32>
        %parallel_loop3A_1291 = arith.constant 9 : i32
        %parallel_loop3A_1292 = vector.broadcast %parallel_loop3A_1291 : i32 to vector<16x1xi32>
        %parallel_loop3A_1293 = vector.shape_cast %parallel_loop3A_1292 : vector<16x1xi32> to vector<16xi32>
        %parallel_loop3A_1294 = tpu.dynamic_gather %parallel_loop3A_210[%parallel_loop3A_1293] in [0] : vector<16xf32>, vector<16xi32> -> vector<16xf32>
        %parallel_loop3A_1295 = arith.constant 16 : i32
        %parallel_loop3A_1296 = vector.broadcast %parallel_loop3A_1295 : i32 to vector<16xi32>
        %parallel_loop3A_1297 = arith.shli %parallel_loop3A_1127, %parallel_loop3A_1296 : vector<16xi32>
        %parallel_loop3A_1298 = tpu.bitcast %parallel_loop3A_1297 : vector<16xi32> -> vector<16xf32>
        %parallel_loop3A_1299 = arith.constant -65536 : i32
        %parallel_loop3A_1300 = vector.broadcast %parallel_loop3A_1299 : i32 to vector<16xi32>
        %parallel_loop3A_1301 = arith.andi %parallel_loop3A_1127, %parallel_loop3A_1300 : vector<16xi32>
        %parallel_loop3A_1302 = tpu.bitcast %parallel_loop3A_1301 : vector<16xi32> -> vector<16xf32>
        %parallel_loop3A_1303 = arith.constant 16 : i32
        %parallel_loop3A_1304 = vector.broadcast %parallel_loop3A_1303 : i32 to vector<16xi32>
        %parallel_loop3A_1305 = arith.shli %parallel_loop3A_1132, %parallel_loop3A_1304 : vector<16xi32>
        %parallel_loop3A_1306 = tpu.bitcast %parallel_loop3A_1305 : vector<16xi32> -> vector<16xf32>
        %parallel_loop3A_1307 = arith.constant -65536 : i32
        %parallel_loop3A_1308 = vector.broadcast %parallel_loop3A_1307 : i32 to vector<16xi32>
        %parallel_loop3A_1309 = arith.andi %parallel_loop3A_1132, %parallel_loop3A_1308 : vector<16xi32>
        %parallel_loop3A_1310 = tpu.bitcast %parallel_loop3A_1309 : vector<16xi32> -> vector<16xf32>
        %parallel_loop3A_1311 = arith.constant 16 : i32
        %parallel_loop3A_1312 = vector.broadcast %parallel_loop3A_1311 : i32 to vector<16xi32>
        %parallel_loop3A_1313 = arith.shli %parallel_loop3A_1137, %parallel_loop3A_1312 : vector<16xi32>
        %parallel_loop3A_1314 = tpu.bitcast %parallel_loop3A_1313 : vector<16xi32> -> vector<16xf32>
        %parallel_loop3A_1315 = arith.constant -65536 : i32
        %parallel_loop3A_1316 = vector.broadcast %parallel_loop3A_1315 : i32 to vector<16xi32>
        %parallel_loop3A_1317 = arith.andi %parallel_loop3A_1137, %parallel_loop3A_1316 : vector<16xi32>
        %parallel_loop3A_1318 = tpu.bitcast %parallel_loop3A_1317 : vector<16xi32> -> vector<16xf32>
        %parallel_loop3A_1319 = arith.constant 16 : i32
        %parallel_loop3A_1320 = vector.broadcast %parallel_loop3A_1319 : i32 to vector<16xi32>
        %parallel_loop3A_1321 = arith.shli %parallel_loop3A_1142, %parallel_loop3A_1320 : vector<16xi32>
        %parallel_loop3A_1322 = tpu.bitcast %parallel_loop3A_1321 : vector<16xi32> -> vector<16xf32>
        %parallel_loop3A_1323 = arith.constant -65536 : i32
        %parallel_loop3A_1324 = vector.broadcast %parallel_loop3A_1323 : i32 to vector<16xi32>
        %parallel_loop3A_1325 = arith.andi %parallel_loop3A_1142, %parallel_loop3A_1324 : vector<16xi32>
        %parallel_loop3A_1326 = tpu.bitcast %parallel_loop3A_1325 : vector<16xi32> -> vector<16xf32>
        %parallel_loop3A_1327 = arith.constant 16 : i32
        %parallel_loop3A_1328 = vector.broadcast %parallel_loop3A_1327 : i32 to vector<16xi32>
        %parallel_loop3A_1329 = arith.shli %parallel_loop3A_1149, %parallel_loop3A_1328 : vector<16xi32>
        %parallel_loop3A_1330 = tpu.bitcast %parallel_loop3A_1329 : vector<16xi32> -> vector<16xf32>
        %parallel_loop3A_1331 = arith.constant -65536 : i32
        %parallel_loop3A_1332 = vector.broadcast %parallel_loop3A_1331 : i32 to vector<16xi32>
        %parallel_loop3A_1333 = arith.andi %parallel_loop3A_1149, %parallel_loop3A_1332 : vector<16xi32>
        %parallel_loop3A_1334 = tpu.bitcast %parallel_loop3A_1333 : vector<16xi32> -> vector<16xf32>
        %parallel_loop3A_1335 = arith.constant 16 : i32
        %parallel_loop3A_1336 = vector.broadcast %parallel_loop3A_1335 : i32 to vector<16xi32>
        %parallel_loop3A_1337 = arith.shli %parallel_loop3A_1156, %parallel_loop3A_1336 : vector<16xi32>
        %parallel_loop3A_1338 = tpu.bitcast %parallel_loop3A_1337 : vector<16xi32> -> vector<16xf32>
        %parallel_loop3A_1339 = arith.constant -65536 : i32
        %parallel_loop3A_1340 = vector.broadcast %parallel_loop3A_1339 : i32 to vector<16xi32>
        %parallel_loop3A_1341 = arith.andi %parallel_loop3A_1156, %parallel_loop3A_1340 : vector<16xi32>
        %parallel_loop3A_1342 = tpu.bitcast %parallel_loop3A_1341 : vector<16xi32> -> vector<16xf32>
        %parallel_loop3A_1343 = arith.constant 16 : i32
        %parallel_loop3A_1344 = vector.broadcast %parallel_loop3A_1343 : i32 to vector<16xi32>
        %parallel_loop3A_1345 = arith.shli %parallel_loop3A_1163, %parallel_loop3A_1344 : vector<16xi32>
        %parallel_loop3A_1346 = tpu.bitcast %parallel_loop3A_1345 : vector<16xi32> -> vector<16xf32>
        %parallel_loop3A_1347 = arith.constant -65536 : i32
        %parallel_loop3A_1348 = vector.broadcast %parallel_loop3A_1347 : i32 to vector<16xi32>
        %parallel_loop3A_1349 = arith.andi %parallel_loop3A_1163, %parallel_loop3A_1348 : vector<16xi32>
        %parallel_loop3A_1350 = tpu.bitcast %parallel_loop3A_1349 : vector<16xi32> -> vector<16xf32>
        %parallel_loop3A_1351 = arith.constant 16 : i32
        %parallel_loop3A_1352 = vector.broadcast %parallel_loop3A_1351 : i32 to vector<16xi32>
        %parallel_loop3A_1353 = arith.shli %parallel_loop3A_1170, %parallel_loop3A_1352 : vector<16xi32>
        %parallel_loop3A_1354 = tpu.bitcast %parallel_loop3A_1353 : vector<16xi32> -> vector<16xf32>
        %parallel_loop3A_1355 = arith.constant -65536 : i32
        %parallel_loop3A_1356 = vector.broadcast %parallel_loop3A_1355 : i32 to vector<16xi32>
        %parallel_loop3A_1357 = arith.andi %parallel_loop3A_1170, %parallel_loop3A_1356 : vector<16xi32>
        %parallel_loop3A_1358 = tpu.bitcast %parallel_loop3A_1357 : vector<16xi32> -> vector<16xf32>
        %parallel_loop3A_1359 = arith.mulf %parallel_loop3A_1298, %parallel_loop3A_1290 : vector<16xf32>
        %parallel_loop3A_1360 = arith.mulf %parallel_loop3A_1302, %parallel_loop3A_1290 : vector<16xf32>
        %parallel_loop3A_1361 = arith.mulf %parallel_loop3A_1306, %parallel_loop3A_1290 : vector<16xf32>
        %parallel_loop3A_1362 = arith.mulf %parallel_loop3A_1310, %parallel_loop3A_1290 : vector<16xf32>
        %parallel_loop3A_1363 = arith.mulf %parallel_loop3A_1314, %parallel_loop3A_1290 : vector<16xf32>
        %parallel_loop3A_1364 = arith.mulf %parallel_loop3A_1318, %parallel_loop3A_1290 : vector<16xf32>
        %parallel_loop3A_1365 = arith.mulf %parallel_loop3A_1322, %parallel_loop3A_1290 : vector<16xf32>
        %parallel_loop3A_1366 = arith.mulf %parallel_loop3A_1326, %parallel_loop3A_1290 : vector<16xf32>
        %parallel_loop3A_1367 = arith.mulf %parallel_loop3A_1330, %parallel_loop3A_1294 : vector<16xf32>
        %parallel_loop3A_1368 = arith.mulf %parallel_loop3A_1334, %parallel_loop3A_1294 : vector<16xf32>
        %parallel_loop3A_1369 = arith.mulf %parallel_loop3A_1338, %parallel_loop3A_1294 : vector<16xf32>
        %parallel_loop3A_1370 = arith.mulf %parallel_loop3A_1342, %parallel_loop3A_1294 : vector<16xf32>
        %parallel_loop3A_1371 = arith.mulf %parallel_loop3A_1346, %parallel_loop3A_1294 : vector<16xf32>
        %parallel_loop3A_1372 = arith.mulf %parallel_loop3A_1350, %parallel_loop3A_1294 : vector<16xf32>
        %parallel_loop3A_1373 = arith.mulf %parallel_loop3A_1354, %parallel_loop3A_1294 : vector<16xf32>
        %parallel_loop3A_1374 = arith.mulf %parallel_loop3A_1358, %parallel_loop3A_1294 : vector<16xf32>
        %parallel_loop3A_1375 = arith.constant 16 : i32
        %parallel_loop3A_1376 = arith.muli %parallel_loop3A_199, %parallel_loop3A_1375 : i32
        %parallel_loop3A_1377 = arith.constant 10 : i32
        %parallel_loop3A_1378 = arith.addi %parallel_loop3A_1376, %parallel_loop3A_1377 : i32
        %parallel_loop3A_1379 = arith.index_cast %rem3A_136 : i32 to index
        %parallel_loop3A_1380 = arith.index_cast %parallel_loop3A_1378 : i32 to index
        %parallel_loop3A_1381 = arith.constant 0 : index
        %parallel_loop3A_1382 = tpu.vector_load %arg10[%parallel_loop3A_1379, %parallel_loop3A_1380, %parallel_loop3A_1381] {strides = array<i32>} : memref<3x80x64xi32, #tpu.memory_space<vmem>>, vector<1x1x16xi32>,
        %parallel_loop3A_1383 = vector.shape_cast %parallel_loop3A_1382 : vector<1x1x16xi32> to vector<16xi32>
        %parallel_loop3A_1384 = arith.index_cast %rem3A_136 : i32 to index
        %parallel_loop3A_1385 = arith.index_cast %parallel_loop3A_1378 : i32 to index
        %parallel_loop3A_1386 = arith.constant 16 : index
        %parallel_loop3A_1387 = tpu.vector_load %arg10[%parallel_loop3A_1384, %parallel_loop3A_1385, %parallel_loop3A_1386] {strides = array<i32>} : memref<3x80x64xi32, #tpu.memory_space<vmem>>, vector<1x1x16xi32>,
        %parallel_loop3A_1388 = vector.shape_cast %parallel_loop3A_1387 : vector<1x1x16xi32> to vector<16xi32>
        %parallel_loop3A_1389 = arith.index_cast %rem3A_136 : i32 to index
        %parallel_loop3A_1390 = arith.index_cast %parallel_loop3A_1378 : i32 to index
        %parallel_loop3A_1391 = arith.constant 32 : index
        %parallel_loop3A_1392 = tpu.vector_load %arg10[%parallel_loop3A_1389, %parallel_loop3A_1390, %parallel_loop3A_1391] {strides = array<i32>} : memref<3x80x64xi32, #tpu.memory_space<vmem>>, vector<1x1x16xi32>,
        %parallel_loop3A_1393 = vector.shape_cast %parallel_loop3A_1392 : vector<1x1x16xi32> to vector<16xi32>
        %parallel_loop3A_1394 = arith.index_cast %rem3A_136 : i32 to index
        %parallel_loop3A_1395 = arith.index_cast %parallel_loop3A_1378 : i32 to index
        %parallel_loop3A_1396 = arith.constant 48 : index
        %parallel_loop3A_1397 = tpu.vector_load %arg10[%parallel_loop3A_1394, %parallel_loop3A_1395, %parallel_loop3A_1396] {strides = array<i32>} : memref<3x80x64xi32, #tpu.memory_space<vmem>>, vector<1x1x16xi32>,
        %parallel_loop3A_1398 = vector.shape_cast %parallel_loop3A_1397 : vector<1x1x16xi32> to vector<16xi32>
        %parallel_loop3A_1399 = arith.constant 1 : i32
        %parallel_loop3A_1400 = arith.addi %parallel_loop3A_1378, %parallel_loop3A_1399 : i32
        %parallel_loop3A_1401 = arith.index_cast %rem3A_136 : i32 to index
        %parallel_loop3A_1402 = arith.index_cast %parallel_loop3A_1400 : i32 to index
        %parallel_loop3A_1403 = arith.constant 0 : index
        %parallel_loop3A_1404 = tpu.vector_load %arg10[%parallel_loop3A_1401, %parallel_loop3A_1402, %parallel_loop3A_1403] {strides = array<i32>} : memref<3x80x64xi32, #tpu.memory_space<vmem>>, vector<1x1x16xi32>,
        %parallel_loop3A_1405 = vector.shape_cast %parallel_loop3A_1404 : vector<1x1x16xi32> to vector<16xi32>
        %parallel_loop3A_1406 = arith.constant 1 : i32
        %parallel_loop3A_1407 = arith.addi %parallel_loop3A_1378, %parallel_loop3A_1406 : i32
        %parallel_loop3A_1408 = arith.index_cast %rem3A_136 : i32 to index
        %parallel_loop3A_1409 = arith.index_cast %parallel_loop3A_1407 : i32 to index
        %parallel_loop3A_1410 = arith.constant 16 : index
        %parallel_loop3A_1411 = tpu.vector_load %arg10[%parallel_loop3A_1408, %parallel_loop3A_1409, %parallel_loop3A_1410] {strides = array<i32>} : memref<3x80x64xi32, #tpu.memory_space<vmem>>, vector<1x1x16xi32>,
        %parallel_loop3A_1412 = vector.shape_cast %parallel_loop3A_1411 : vector<1x1x16xi32> to vector<16xi32>
        %parallel_loop3A_1413 = arith.constant 1 : i32
        %parallel_loop3A_1414 = arith.addi %parallel_loop3A_1378, %parallel_loop3A_1413 : i32
        %parallel_loop3A_1415 = arith.index_cast %rem3A_136 : i32 to index
        %parallel_loop3A_1416 = arith.index_cast %parallel_loop3A_1414 : i32 to index
        %parallel_loop3A_1417 = arith.constant 32 : index
        %parallel_loop3A_1418 = tpu.vector_load %arg10[%parallel_loop3A_1415, %parallel_loop3A_1416, %parallel_loop3A_1417] {strides = array<i32>} : memref<3x80x64xi32, #tpu.memory_space<vmem>>, vector<1x1x16xi32>,
        %parallel_loop3A_1419 = vector.shape_cast %parallel_loop3A_1418 : vector<1x1x16xi32> to vector<16xi32>
        %parallel_loop3A_1420 = arith.constant 1 : i32
        %parallel_loop3A_1421 = arith.addi %parallel_loop3A_1378, %parallel_loop3A_1420 : i32
        %parallel_loop3A_1422 = arith.index_cast %rem3A_136 : i32 to index
        %parallel_loop3A_1423 = arith.index_cast %parallel_loop3A_1421 : i32 to index
        %parallel_loop3A_1424 = arith.constant 48 : index
        %parallel_loop3A_1425 = tpu.vector_load %arg10[%parallel_loop3A_1422, %parallel_loop3A_1423, %parallel_loop3A_1424] {strides = array<i32>} : memref<3x80x64xi32, #tpu.memory_space<vmem>>, vector<1x1x16xi32>,
        %parallel_loop3A_1426 = vector.shape_cast %parallel_loop3A_1425 : vector<1x1x16xi32> to vector<16xi32>
        %parallel_loop3A_1427 = arith.constant 16 : i32
        %parallel_loop3A_1428 = arith.muli %parallel_loop3A_199, %parallel_loop3A_1427 : i32
        %parallel_loop3A_1429 = arith.constant 8 : i32
        %parallel_loop3A_1430 = arith.addi %parallel_loop3A_1428, %parallel_loop3A_1429 : i32
        %parallel_loop3A_1431 = arith.index_cast %rem3A_138 : i32 to index
        %parallel_loop3A_1432 = arith.index_cast %parallel_loop3A_1430 : i32 to index
        %parallel_loop3A_1433 = arith.constant 0 : index
        %parallel_loop3A_1434 = tpu.vector_load %arg11[%parallel_loop3A_1431, %parallel_loop3A_1432, %parallel_loop3A_1433] {strides = array<i32>} : memref<2x80x128xf32, #tpu.memory_space<vmem>>, vector<1x1x16xf32>,
        %parallel_loop3A_1435 = vector.shape_cast %parallel_loop3A_1434 : vector<1x1x16xf32> to vector<16xf32>
        %parallel_loop3A_1436 = vector.shape_cast %parallel_loop3A_1359 : vector<16xf32> to vector<1x1x16xf32>
        tpu.vector_store %arg11[%parallel_loop3A_1431, %parallel_loop3A_1432, %parallel_loop3A_1433], %parallel_loop3A_1436 {strides = array<i32>} : memref<2x80x128xf32, #tpu.memory_space<vmem>>, vector<1x1x16xf32>,
        %parallel_loop3A_1437 = arith.index_cast %rem3A_138 : i32 to index
        %parallel_loop3A_1438 = arith.index_cast %parallel_loop3A_1430 : i32 to index
        %parallel_loop3A_1439 = arith.constant 16 : index
        %parallel_loop3A_1440 = tpu.vector_load %arg11[%parallel_loop3A_1437, %parallel_loop3A_1438, %parallel_loop3A_1439] {strides = array<i32>} : memref<2x80x128xf32, #tpu.memory_space<vmem>>, vector<1x1x16xf32>,
        %parallel_loop3A_1441 = vector.shape_cast %parallel_loop3A_1440 : vector<1x1x16xf32> to vector<16xf32>
        %parallel_loop3A_1442 = vector.shape_cast %parallel_loop3A_1360 : vector<16xf32> to vector<1x1x16xf32>
        tpu.vector_store %arg11[%parallel_loop3A_1437, %parallel_loop3A_1438, %parallel_loop3A_1439], %parallel_loop3A_1442 {strides = array<i32>} : memref<2x80x128xf32, #tpu.memory_space<vmem>>, vector<1x1x16xf32>,
        %parallel_loop3A_1443 = arith.index_cast %rem3A_138 : i32 to index
        %parallel_loop3A_1444 = arith.index_cast %parallel_loop3A_1430 : i32 to index
        %parallel_loop3A_1445 = arith.constant 32 : index
        %parallel_loop3A_1446 = tpu.vector_load %arg11[%parallel_loop3A_1443, %parallel_loop3A_1444, %parallel_loop3A_1445] {strides = array<i32>} : memref<2x80x128xf32, #tpu.memory_space<vmem>>, vector<1x1x16xf32>,
        %parallel_loop3A_1447 = vector.shape_cast %parallel_loop3A_1446 : vector<1x1x16xf32> to vector<16xf32>
        %parallel_loop3A_1448 = vector.shape_cast %parallel_loop3A_1361 : vector<16xf32> to vector<1x1x16xf32>
        tpu.vector_store %arg11[%parallel_loop3A_1443, %parallel_loop3A_1444, %parallel_loop3A_1445], %parallel_loop3A_1448 {strides = array<i32>} : memref<2x80x128xf32, #tpu.memory_space<vmem>>, vector<1x1x16xf32>,
        %parallel_loop3A_1449 = arith.index_cast %rem3A_138 : i32 to index
        %parallel_loop3A_1450 = arith.index_cast %parallel_loop3A_1430 : i32 to index
        %parallel_loop3A_1451 = arith.constant 48 : index
        %parallel_loop3A_1452 = tpu.vector_load %arg11[%parallel_loop3A_1449, %parallel_loop3A_1450, %parallel_loop3A_1451] {strides = array<i32>} : memref<2x80x128xf32, #tpu.memory_space<vmem>>, vector<1x1x16xf32>,
        %parallel_loop3A_1453 = vector.shape_cast %parallel_loop3A_1452 : vector<1x1x16xf32> to vector<16xf32>
        %parallel_loop3A_1454 = vector.shape_cast %parallel_loop3A_1362 : vector<16xf32> to vector<1x1x16xf32>
        tpu.vector_store %arg11[%parallel_loop3A_1449, %parallel_loop3A_1450, %parallel_loop3A_1451], %parallel_loop3A_1454 {strides = array<i32>} : memref<2x80x128xf32, #tpu.memory_space<vmem>>, vector<1x1x16xf32>,
        %parallel_loop3A_1455 = arith.index_cast %rem3A_138 : i32 to index
        %parallel_loop3A_1456 = arith.index_cast %parallel_loop3A_1430 : i32 to index
        %parallel_loop3A_1457 = arith.constant 64 : index
        %parallel_loop3A_1458 = tpu.vector_load %arg11[%parallel_loop3A_1455, %parallel_loop3A_1456, %parallel_loop3A_1457] {strides = array<i32>} : memref<2x80x128xf32, #tpu.memory_space<vmem>>, vector<1x1x16xf32>,
        %parallel_loop3A_1459 = vector.shape_cast %parallel_loop3A_1458 : vector<1x1x16xf32> to vector<16xf32>
        %parallel_loop3A_1460 = vector.shape_cast %parallel_loop3A_1363 : vector<16xf32> to vector<1x1x16xf32>
        tpu.vector_store %arg11[%parallel_loop3A_1455, %parallel_loop3A_1456, %parallel_loop3A_1457], %parallel_loop3A_1460 {strides = array<i32>} : memref<2x80x128xf32, #tpu.memory_space<vmem>>, vector<1x1x16xf32>,
        %parallel_loop3A_1461 = arith.index_cast %rem3A_138 : i32 to index
        %parallel_loop3A_1462 = arith.index_cast %parallel_loop3A_1430 : i32 to index
        %parallel_loop3A_1463 = arith.constant 80 : index
        %parallel_loop3A_1464 = tpu.vector_load %arg11[%parallel_loop3A_1461, %parallel_loop3A_1462, %parallel_loop3A_1463] {strides = array<i32>} : memref<2x80x128xf32, #tpu.memory_space<vmem>>, vector<1x1x16xf32>,
        %parallel_loop3A_1465 = vector.shape_cast %parallel_loop3A_1464 : vector<1x1x16xf32> to vector<16xf32>
        %parallel_loop3A_1466 = vector.shape_cast %parallel_loop3A_1364 : vector<16xf32> to vector<1x1x16xf32>
        tpu.vector_store %arg11[%parallel_loop3A_1461, %parallel_loop3A_1462, %parallel_loop3A_1463], %parallel_loop3A_1466 {strides = array<i32>} : memref<2x80x128xf32, #tpu.memory_space<vmem>>, vector<1x1x16xf32>,
        %parallel_loop3A_1467 = arith.index_cast %rem3A_138 : i32 to index
        %parallel_loop3A_1468 = arith.index_cast %parallel_loop3A_1430 : i32 to index
        %parallel_loop3A_1469 = arith.constant 96 : index
        %parallel_loop3A_1470 = tpu.vector_load %arg11[%parallel_loop3A_1467, %parallel_loop3A_1468, %parallel_loop3A_1469] {strides = array<i32>} : memref<2x80x128xf32, #tpu.memory_space<vmem>>, vector<1x1x16xf32>,
        %parallel_loop3A_1471 = vector.shape_cast %parallel_loop3A_1470 : vector<1x1x16xf32> to vector<16xf32>
        %parallel_loop3A_1472 = vector.shape_cast %parallel_loop3A_1365 : vector<16xf32> to vector<1x1x16xf32>
        tpu.vector_store %arg11[%parallel_loop3A_1467, %parallel_loop3A_1468, %parallel_loop3A_1469], %parallel_loop3A_1472 {strides = array<i32>} : memref<2x80x128xf32, #tpu.memory_space<vmem>>, vector<1x1x16xf32>,
        %parallel_loop3A_1473 = arith.index_cast %rem3A_138 : i32 to index
        %parallel_loop3A_1474 = arith.index_cast %parallel_loop3A_1430 : i32 to index
        %parallel_loop3A_1475 = arith.constant 112 : index
        %parallel_loop3A_1476 = tpu.vector_load %arg11[%parallel_loop3A_1473, %parallel_loop3A_1474, %parallel_loop3A_1475] {strides = array<i32>} : memref<2x80x128xf32, #tpu.memory_space<vmem>>, vector<1x1x16xf32>,
        %parallel_loop3A_1477 = vector.shape_cast %parallel_loop3A_1476 : vector<1x1x16xf32> to vector<16xf32>
        %parallel_loop3A_1478 = vector.shape_cast %parallel_loop3A_1366 : vector<16xf32> to vector<1x1x16xf32>
        tpu.vector_store %arg11[%parallel_loop3A_1473, %parallel_loop3A_1474, %parallel_loop3A_1475], %parallel_loop3A_1478 {strides = array<i32>} : memref<2x80x128xf32, #tpu.memory_space<vmem>>, vector<1x1x16xf32>,
        %parallel_loop3A_1479 = arith.constant 1 : i32
        %parallel_loop3A_1480 = arith.addi %parallel_loop3A_1430, %parallel_loop3A_1479 : i32
        %parallel_loop3A_1481 = arith.index_cast %rem3A_138 : i32 to index
        %parallel_loop3A_1482 = arith.index_cast %parallel_loop3A_1480 : i32 to index
        %parallel_loop3A_1483 = arith.constant 0 : index
        %parallel_loop3A_1484 = tpu.vector_load %arg11[%parallel_loop3A_1481, %parallel_loop3A_1482, %parallel_loop3A_1483] {strides = array<i32>} : memref<2x80x128xf32, #tpu.memory_space<vmem>>, vector<1x1x16xf32>,
        %parallel_loop3A_1485 = vector.shape_cast %parallel_loop3A_1484 : vector<1x1x16xf32> to vector<16xf32>
        %parallel_loop3A_1486 = vector.shape_cast %parallel_loop3A_1367 : vector<16xf32> to vector<1x1x16xf32>
        tpu.vector_store %arg11[%parallel_loop3A_1481, %parallel_loop3A_1482, %parallel_loop3A_1483], %parallel_loop3A_1486 {strides = array<i32>} : memref<2x80x128xf32, #tpu.memory_space<vmem>>, vector<1x1x16xf32>,
        %parallel_loop3A_1487 = arith.constant 1 : i32
        %parallel_loop3A_1488 = arith.addi %parallel_loop3A_1430, %parallel_loop3A_1487 : i32
        %parallel_loop3A_1489 = arith.index_cast %rem3A_138 : i32 to index
        %parallel_loop3A_1490 = arith.index_cast %parallel_loop3A_1488 : i32 to index
        %parallel_loop3A_1491 = arith.constant 16 : index
        %parallel_loop3A_1492 = tpu.vector_load %arg11[%parallel_loop3A_1489, %parallel_loop3A_1490, %parallel_loop3A_1491] {strides = array<i32>} : memref<2x80x128xf32, #tpu.memory_space<vmem>>, vector<1x1x16xf32>,
        %parallel_loop3A_1493 = vector.shape_cast %parallel_loop3A_1492 : vector<1x1x16xf32> to vector<16xf32>
        %parallel_loop3A_1494 = vector.shape_cast %parallel_loop3A_1368 : vector<16xf32> to vector<1x1x16xf32>
        tpu.vector_store %arg11[%parallel_loop3A_1489, %parallel_loop3A_1490, %parallel_loop3A_1491], %parallel_loop3A_1494 {strides = array<i32>} : memref<2x80x128xf32, #tpu.memory_space<vmem>>, vector<1x1x16xf32>,
        %parallel_loop3A_1495 = arith.constant 1 : i32
        %parallel_loop3A_1496 = arith.addi %parallel_loop3A_1430, %parallel_loop3A_1495 : i32
        %parallel_loop3A_1497 = arith.index_cast %rem3A_138 : i32 to index
        %parallel_loop3A_1498 = arith.index_cast %parallel_loop3A_1496 : i32 to index
        %parallel_loop3A_1499 = arith.constant 32 : index
        %parallel_loop3A_1500 = tpu.vector_load %arg11[%parallel_loop3A_1497, %parallel_loop3A_1498, %parallel_loop3A_1499] {strides = array<i32>} : memref<2x80x128xf32, #tpu.memory_space<vmem>>, vector<1x1x16xf32>,
        %parallel_loop3A_1501 = vector.shape_cast %parallel_loop3A_1500 : vector<1x1x16xf32> to vector<16xf32>
        %parallel_loop3A_1502 = vector.shape_cast %parallel_loop3A_1369 : vector<16xf32> to vector<1x1x16xf32>
        tpu.vector_store %arg11[%parallel_loop3A_1497, %parallel_loop3A_1498, %parallel_loop3A_1499], %parallel_loop3A_1502 {strides = array<i32>} : memref<2x80x128xf32, #tpu.memory_space<vmem>>, vector<1x1x16xf32>,
        %parallel_loop3A_1503 = arith.constant 1 : i32
        %parallel_loop3A_1504 = arith.addi %parallel_loop3A_1430, %parallel_loop3A_1503 : i32
        %parallel_loop3A_1505 = arith.index_cast %rem3A_138 : i32 to index
        %parallel_loop3A_1506 = arith.index_cast %parallel_loop3A_1504 : i32 to index
        %parallel_loop3A_1507 = arith.constant 48 : index
        %parallel_loop3A_1508 = tpu.vector_load %arg11[%parallel_loop3A_1505, %parallel_loop3A_1506, %parallel_loop3A_1507] {strides = array<i32>} : memref<2x80x128xf32, #tpu.memory_space<vmem>>, vector<1x1x16xf32>,
        %parallel_loop3A_1509 = vector.shape_cast %parallel_loop3A_1508 : vector<1x1x16xf32> to vector<16xf32>
        %parallel_loop3A_1510 = vector.shape_cast %parallel_loop3A_1370 : vector<16xf32> to vector<1x1x16xf32>
        tpu.vector_store %arg11[%parallel_loop3A_1505, %parallel_loop3A_1506, %parallel_loop3A_1507], %parallel_loop3A_1510 {strides = array<i32>} : memref<2x80x128xf32, #tpu.memory_space<vmem>>, vector<1x1x16xf32>,
        %parallel_loop3A_1511 = arith.constant 1 : i32
        %parallel_loop3A_1512 = arith.addi %parallel_loop3A_1430, %parallel_loop3A_1511 : i32
        %parallel_loop3A_1513 = arith.index_cast %rem3A_138 : i32 to index
        %parallel_loop3A_1514 = arith.index_cast %parallel_loop3A_1512 : i32 to index
        %parallel_loop3A_1515 = arith.constant 64 : index
        %parallel_loop3A_1516 = tpu.vector_load %arg11[%parallel_loop3A_1513, %parallel_loop3A_1514, %parallel_loop3A_1515] {strides = array<i32>} : memref<2x80x128xf32, #tpu.memory_space<vmem>>, vector<1x1x16xf32>,
        %parallel_loop3A_1517 = vector.shape_cast %parallel_loop3A_1516 : vector<1x1x16xf32> to vector<16xf32>
        %parallel_loop3A_1518 = vector.shape_cast %parallel_loop3A_1371 : vector<16xf32> to vector<1x1x16xf32>
        tpu.vector_store %arg11[%parallel_loop3A_1513, %parallel_loop3A_1514, %parallel_loop3A_1515], %parallel_loop3A_1518 {strides = array<i32>} : memref<2x80x128xf32, #tpu.memory_space<vmem>>, vector<1x1x16xf32>,
        %parallel_loop3A_1519 = arith.constant 1 : i32
        %parallel_loop3A_1520 = arith.addi %parallel_loop3A_1430, %parallel_loop3A_1519 : i32
        %parallel_loop3A_1521 = arith.index_cast %rem3A_138 : i32 to index
        %parallel_loop3A_1522 = arith.index_cast %parallel_loop3A_1520 : i32 to index
        %parallel_loop3A_1523 = arith.constant 80 : index
        %parallel_loop3A_1524 = tpu.vector_load %arg11[%parallel_loop3A_1521, %parallel_loop3A_1522, %parallel_loop3A_1523] {strides = array<i32>} : memref<2x80x128xf32, #tpu.memory_space<vmem>>, vector<1x1x16xf32>,
        %parallel_loop3A_1525 = vector.shape_cast %parallel_loop3A_1524 : vector<1x1x16xf32> to vector<16xf32>
        %parallel_loop3A_1526 = vector.shape_cast %parallel_loop3A_1372 : vector<16xf32> to vector<1x1x16xf32>
        tpu.vector_store %arg11[%parallel_loop3A_1521, %parallel_loop3A_1522, %parallel_loop3A_1523], %parallel_loop3A_1526 {strides = array<i32>} : memref<2x80x128xf32, #tpu.memory_space<vmem>>, vector<1x1x16xf32>,
        %parallel_loop3A_1527 = arith.constant 1 : i32
        %parallel_loop3A_1528 = arith.addi %parallel_loop3A_1430, %parallel_loop3A_1527 : i32
        %parallel_loop3A_1529 = arith.index_cast %rem3A_138 : i32 to index
        %parallel_loop3A_1530 = arith.index_cast %parallel_loop3A_1528 : i32 to index
        %parallel_loop3A_1531 = arith.constant 96 : index
        %parallel_loop3A_1532 = tpu.vector_load %arg11[%parallel_loop3A_1529, %parallel_loop3A_1530, %parallel_loop3A_1531] {strides = array<i32>} : memref<2x80x128xf32, #tpu.memory_space<vmem>>, vector<1x1x16xf32>,
        %parallel_loop3A_1533 = vector.shape_cast %parallel_loop3A_1532 : vector<1x1x16xf32> to vector<16xf32>
        %parallel_loop3A_1534 = vector.shape_cast %parallel_loop3A_1373 : vector<16xf32> to vector<1x1x16xf32>
        tpu.vector_store %arg11[%parallel_loop3A_1529, %parallel_loop3A_1530, %parallel_loop3A_1531], %parallel_loop3A_1534 {strides = array<i32>} : memref<2x80x128xf32, #tpu.memory_space<vmem>>, vector<1x1x16xf32>,
        %parallel_loop3A_1535 = arith.constant 1 : i32
        %parallel_loop3A_1536 = arith.addi %parallel_loop3A_1430, %parallel_loop3A_1535 : i32
        %parallel_loop3A_1537 = arith.index_cast %rem3A_138 : i32 to index
        %parallel_loop3A_1538 = arith.index_cast %parallel_loop3A_1536 : i32 to index
        %parallel_loop3A_1539 = arith.constant 112 : index
        %parallel_loop3A_1540 = tpu.vector_load %arg11[%parallel_loop3A_1537, %parallel_loop3A_1538, %parallel_loop3A_1539] {strides = array<i32>} : memref<2x80x128xf32, #tpu.memory_space<vmem>>, vector<1x1x16xf32>,
        %parallel_loop3A_1541 = vector.shape_cast %parallel_loop3A_1540 : vector<1x1x16xf32> to vector<16xf32>
        %parallel_loop3A_1542 = vector.shape_cast %parallel_loop3A_1374 : vector<16xf32> to vector<1x1x16xf32>
        tpu.vector_store %arg11[%parallel_loop3A_1537, %parallel_loop3A_1538, %parallel_loop3A_1539], %parallel_loop3A_1542 {strides = array<i32>} : memref<2x80x128xf32, #tpu.memory_space<vmem>>, vector<1x1x16xf32>,
        %parallel_loop3A_1543 = arith.constant 10 : i32
        %parallel_loop3A_1544 = vector.broadcast %parallel_loop3A_1543 : i32 to vector<16x1xi32>
        %parallel_loop3A_1545 = vector.shape_cast %parallel_loop3A_1544 : vector<16x1xi32> to vector<16xi32>
        %parallel_loop3A_1546 = tpu.dynamic_gather %parallel_loop3A_210[%parallel_loop3A_1545] in [0] : vector<16xf32>, vector<16xi32> -> vector<16xf32>
        %parallel_loop3A_1547 = arith.constant 11 : i32
        %parallel_loop3A_1548 = vector.broadcast %parallel_loop3A_1547 : i32 to vector<16x1xi32>
        %parallel_loop3A_1549 = vector.shape_cast %parallel_loop3A_1548 : vector<16x1xi32> to vector<16xi32>
        %parallel_loop3A_1550 = tpu.dynamic_gather %parallel_loop3A_210[%parallel_loop3A_1549] in [0] : vector<16xf32>, vector<16xi32> -> vector<16xf32>
        %parallel_loop3A_1551 = arith.constant 16 : i32
        %parallel_loop3A_1552 = vector.broadcast %parallel_loop3A_1551 : i32 to vector<16xi32>
        %parallel_loop3A_1553 = arith.shli %parallel_loop3A_1383, %parallel_loop3A_1552 : vector<16xi32>
        %parallel_loop3A_1554 = tpu.bitcast %parallel_loop3A_1553 : vector<16xi32> -> vector<16xf32>
        %parallel_loop3A_1555 = arith.constant -65536 : i32
        %parallel_loop3A_1556 = vector.broadcast %parallel_loop3A_1555 : i32 to vector<16xi32>
        %parallel_loop3A_1557 = arith.andi %parallel_loop3A_1383, %parallel_loop3A_1556 : vector<16xi32>
        %parallel_loop3A_1558 = tpu.bitcast %parallel_loop3A_1557 : vector<16xi32> -> vector<16xf32>
        %parallel_loop3A_1559 = arith.constant 16 : i32
        %parallel_loop3A_1560 = vector.broadcast %parallel_loop3A_1559 : i32 to vector<16xi32>
        %parallel_loop3A_1561 = arith.shli %parallel_loop3A_1388, %parallel_loop3A_1560 : vector<16xi32>
        %parallel_loop3A_1562 = tpu.bitcast %parallel_loop3A_1561 : vector<16xi32> -> vector<16xf32>
        %parallel_loop3A_1563 = arith.constant -65536 : i32
        %parallel_loop3A_1564 = vector.broadcast %parallel_loop3A_1563 : i32 to vector<16xi32>
        %parallel_loop3A_1565 = arith.andi %parallel_loop3A_1388, %parallel_loop3A_1564 : vector<16xi32>
        %parallel_loop3A_1566 = tpu.bitcast %parallel_loop3A_1565 : vector<16xi32> -> vector<16xf32>
        %parallel_loop3A_1567 = arith.constant 16 : i32
        %parallel_loop3A_1568 = vector.broadcast %parallel_loop3A_1567 : i32 to vector<16xi32>
        %parallel_loop3A_1569 = arith.shli %parallel_loop3A_1393, %parallel_loop3A_1568 : vector<16xi32>
        %parallel_loop3A_1570 = tpu.bitcast %parallel_loop3A_1569 : vector<16xi32> -> vector<16xf32>
        %parallel_loop3A_1571 = arith.constant -65536 : i32
        %parallel_loop3A_1572 = vector.broadcast %parallel_loop3A_1571 : i32 to vector<16xi32>
        %parallel_loop3A_1573 = arith.andi %parallel_loop3A_1393, %parallel_loop3A_1572 : vector<16xi32>
        %parallel_loop3A_1574 = tpu.bitcast %parallel_loop3A_1573 : vector<16xi32> -> vector<16xf32>
        %parallel_loop3A_1575 = arith.constant 16 : i32
        %parallel_loop3A_1576 = vector.broadcast %parallel_loop3A_1575 : i32 to vector<16xi32>
        %parallel_loop3A_1577 = arith.shli %parallel_loop3A_1398, %parallel_loop3A_1576 : vector<16xi32>
        %parallel_loop3A_1578 = tpu.bitcast %parallel_loop3A_1577 : vector<16xi32> -> vector<16xf32>
        %parallel_loop3A_1579 = arith.constant -65536 : i32
        %parallel_loop3A_1580 = vector.broadcast %parallel_loop3A_1579 : i32 to vector<16xi32>
        %parallel_loop3A_1581 = arith.andi %parallel_loop3A_1398, %parallel_loop3A_1580 : vector<16xi32>
        %parallel_loop3A_1582 = tpu.bitcast %parallel_loop3A_1581 : vector<16xi32> -> vector<16xf32>
        %parallel_loop3A_1583 = arith.constant 16 : i32
        %parallel_loop3A_1584 = vector.broadcast %parallel_loop3A_1583 : i32 to vector<16xi32>
        %parallel_loop3A_1585 = arith.shli %parallel_loop3A_1405, %parallel_loop3A_1584 : vector<16xi32>
        %parallel_loop3A_1586 = tpu.bitcast %parallel_loop3A_1585 : vector<16xi32> -> vector<16xf32>
        %parallel_loop3A_1587 = arith.constant -65536 : i32
        %parallel_loop3A_1588 = vector.broadcast %parallel_loop3A_1587 : i32 to vector<16xi32>
        %parallel_loop3A_1589 = arith.andi %parallel_loop3A_1405, %parallel_loop3A_1588 : vector<16xi32>
        %parallel_loop3A_1590 = tpu.bitcast %parallel_loop3A_1589 : vector<16xi32> -> vector<16xf32>
        %parallel_loop3A_1591 = arith.constant 16 : i32
        %parallel_loop3A_1592 = vector.broadcast %parallel_loop3A_1591 : i32 to vector<16xi32>
        %parallel_loop3A_1593 = arith.shli %parallel_loop3A_1412, %parallel_loop3A_1592 : vector<16xi32>
        %parallel_loop3A_1594 = tpu.bitcast %parallel_loop3A_1593 : vector<16xi32> -> vector<16xf32>
        %parallel_loop3A_1595 = arith.constant -65536 : i32
        %parallel_loop3A_1596 = vector.broadcast %parallel_loop3A_1595 : i32 to vector<16xi32>
        %parallel_loop3A_1597 = arith.andi %parallel_loop3A_1412, %parallel_loop3A_1596 : vector<16xi32>
        %parallel_loop3A_1598 = tpu.bitcast %parallel_loop3A_1597 : vector<16xi32> -> vector<16xf32>
        %parallel_loop3A_1599 = arith.constant 16 : i32
        %parallel_loop3A_1600 = vector.broadcast %parallel_loop3A_1599 : i32 to vector<16xi32>
        %parallel_loop3A_1601 = arith.shli %parallel_loop3A_1419, %parallel_loop3A_1600 : vector<16xi32>
        %parallel_loop3A_1602 = tpu.bitcast %parallel_loop3A_1601 : vector<16xi32> -> vector<16xf32>
        %parallel_loop3A_1603 = arith.constant -65536 : i32
        %parallel_loop3A_1604 = vector.broadcast %parallel_loop3A_1603 : i32 to vector<16xi32>
        %parallel_loop3A_1605 = arith.andi %parallel_loop3A_1419, %parallel_loop3A_1604 : vector<16xi32>
        %parallel_loop3A_1606 = tpu.bitcast %parallel_loop3A_1605 : vector<16xi32> -> vector<16xf32>
        %parallel_loop3A_1607 = arith.constant 16 : i32
        %parallel_loop3A_1608 = vector.broadcast %parallel_loop3A_1607 : i32 to vector<16xi32>
        %parallel_loop3A_1609 = arith.shli %parallel_loop3A_1426, %parallel_loop3A_1608 : vector<16xi32>
        %parallel_loop3A_1610 = tpu.bitcast %parallel_loop3A_1609 : vector<16xi32> -> vector<16xf32>
        %parallel_loop3A_1611 = arith.constant -65536 : i32
        %parallel_loop3A_1612 = vector.broadcast %parallel_loop3A_1611 : i32 to vector<16xi32>
        %parallel_loop3A_1613 = arith.andi %parallel_loop3A_1426, %parallel_loop3A_1612 : vector<16xi32>
        %parallel_loop3A_1614 = tpu.bitcast %parallel_loop3A_1613 : vector<16xi32> -> vector<16xf32>
        %parallel_loop3A_1615 = arith.mulf %parallel_loop3A_1554, %parallel_loop3A_1546 : vector<16xf32>
        %parallel_loop3A_1616 = arith.mulf %parallel_loop3A_1558, %parallel_loop3A_1546 : vector<16xf32>
        %parallel_loop3A_1617 = arith.mulf %parallel_loop3A_1562, %parallel_loop3A_1546 : vector<16xf32>
        %parallel_loop3A_1618 = arith.mulf %parallel_loop3A_1566, %parallel_loop3A_1546 : vector<16xf32>
        %parallel_loop3A_1619 = arith.mulf %parallel_loop3A_1570, %parallel_loop3A_1546 : vector<16xf32>
        %parallel_loop3A_1620 = arith.mulf %parallel_loop3A_1574, %parallel_loop3A_1546 : vector<16xf32>
        %parallel_loop3A_1621 = arith.mulf %parallel_loop3A_1578, %parallel_loop3A_1546 : vector<16xf32>
        %parallel_loop3A_1622 = arith.mulf %parallel_loop3A_1582, %parallel_loop3A_1546 : vector<16xf32>
        %parallel_loop3A_1623 = arith.mulf %parallel_loop3A_1586, %parallel_loop3A_1550 : vector<16xf32>
        %parallel_loop3A_1624 = arith.mulf %parallel_loop3A_1590, %parallel_loop3A_1550 : vector<16xf32>
        %parallel_loop3A_1625 = arith.mulf %parallel_loop3A_1594, %parallel_loop3A_1550 : vector<16xf32>
        %parallel_loop3A_1626 = arith.mulf %parallel_loop3A_1598, %parallel_loop3A_1550 : vector<16xf32>
        %parallel_loop3A_1627 = arith.mulf %parallel_loop3A_1602, %parallel_loop3A_1550 : vector<16xf32>
        %parallel_loop3A_1628 = arith.mulf %parallel_loop3A_1606, %parallel_loop3A_1550 : vector<16xf32>
        %parallel_loop3A_1629 = arith.mulf %parallel_loop3A_1610, %parallel_loop3A_1550 : vector<16xf32>
        %parallel_loop3A_1630 = arith.mulf %parallel_loop3A_1614, %parallel_loop3A_1550 : vector<16xf32>
        %parallel_loop3A_1631 = arith.constant 16 : i32
        %parallel_loop3A_1632 = arith.muli %parallel_loop3A_199, %parallel_loop3A_1631 : i32
        %parallel_loop3A_1633 = arith.constant 12 : i32
        %parallel_loop3A_1634 = arith.addi %parallel_loop3A_1632, %parallel_loop3A_1633 : i32
        %parallel_loop3A_1635 = arith.index_cast %rem3A_136 : i32 to index
        %parallel_loop3A_1636 = arith.index_cast %parallel_loop3A_1634 : i32 to index
        %parallel_loop3A_1637 = arith.constant 0 : index
        %parallel_loop3A_1638 = tpu.vector_load %arg10[%parallel_loop3A_1635, %parallel_loop3A_1636, %parallel_loop3A_1637] {strides = array<i32>} : memref<3x80x64xi32, #tpu.memory_space<vmem>>, vector<1x1x16xi32>,
        %parallel_loop3A_1639 = vector.shape_cast %parallel_loop3A_1638 : vector<1x1x16xi32> to vector<16xi32>
        %parallel_loop3A_1640 = arith.index_cast %rem3A_136 : i32 to index
        %parallel_loop3A_1641 = arith.index_cast %parallel_loop3A_1634 : i32 to index
        %parallel_loop3A_1642 = arith.constant 16 : index
        %parallel_loop3A_1643 = tpu.vector_load %arg10[%parallel_loop3A_1640, %parallel_loop3A_1641, %parallel_loop3A_1642] {strides = array<i32>} : memref<3x80x64xi32, #tpu.memory_space<vmem>>, vector<1x1x16xi32>,
        %parallel_loop3A_1644 = vector.shape_cast %parallel_loop3A_1643 : vector<1x1x16xi32> to vector<16xi32>
        %parallel_loop3A_1645 = arith.index_cast %rem3A_136 : i32 to index
        %parallel_loop3A_1646 = arith.index_cast %parallel_loop3A_1634 : i32 to index
        %parallel_loop3A_1647 = arith.constant 32 : index
        %parallel_loop3A_1648 = tpu.vector_load %arg10[%parallel_loop3A_1645, %parallel_loop3A_1646, %parallel_loop3A_1647] {strides = array<i32>} : memref<3x80x64xi32, #tpu.memory_space<vmem>>, vector<1x1x16xi32>,
        %parallel_loop3A_1649 = vector.shape_cast %parallel_loop3A_1648 : vector<1x1x16xi32> to vector<16xi32>
        %parallel_loop3A_1650 = arith.index_cast %rem3A_136 : i32 to index
        %parallel_loop3A_1651 = arith.index_cast %parallel_loop3A_1634 : i32 to index
        %parallel_loop3A_1652 = arith.constant 48 : index
        %parallel_loop3A_1653 = tpu.vector_load %arg10[%parallel_loop3A_1650, %parallel_loop3A_1651, %parallel_loop3A_1652] {strides = array<i32>} : memref<3x80x64xi32, #tpu.memory_space<vmem>>, vector<1x1x16xi32>,
        %parallel_loop3A_1654 = vector.shape_cast %parallel_loop3A_1653 : vector<1x1x16xi32> to vector<16xi32>
        %parallel_loop3A_1655 = arith.constant 1 : i32
        %parallel_loop3A_1656 = arith.addi %parallel_loop3A_1634, %parallel_loop3A_1655 : i32
        %parallel_loop3A_1657 = arith.index_cast %rem3A_136 : i32 to index
        %parallel_loop3A_1658 = arith.index_cast %parallel_loop3A_1656 : i32 to index
        %parallel_loop3A_1659 = arith.constant 0 : index
        %parallel_loop3A_1660 = tpu.vector_load %arg10[%parallel_loop3A_1657, %parallel_loop3A_1658, %parallel_loop3A_1659] {strides = array<i32>} : memref<3x80x64xi32, #tpu.memory_space<vmem>>, vector<1x1x16xi32>,
        %parallel_loop3A_1661 = vector.shape_cast %parallel_loop3A_1660 : vector<1x1x16xi32> to vector<16xi32>
        %parallel_loop3A_1662 = arith.constant 1 : i32
        %parallel_loop3A_1663 = arith.addi %parallel_loop3A_1634, %parallel_loop3A_1662 : i32
        %parallel_loop3A_1664 = arith.index_cast %rem3A_136 : i32 to index
        %parallel_loop3A_1665 = arith.index_cast %parallel_loop3A_1663 : i32 to index
        %parallel_loop3A_1666 = arith.constant 16 : index
        %parallel_loop3A_1667 = tpu.vector_load %arg10[%parallel_loop3A_1664, %parallel_loop3A_1665, %parallel_loop3A_1666] {strides = array<i32>} : memref<3x80x64xi32, #tpu.memory_space<vmem>>, vector<1x1x16xi32>,
        %parallel_loop3A_1668 = vector.shape_cast %parallel_loop3A_1667 : vector<1x1x16xi32> to vector<16xi32>
        %parallel_loop3A_1669 = arith.constant 1 : i32
        %parallel_loop3A_1670 = arith.addi %parallel_loop3A_1634, %parallel_loop3A_1669 : i32
        %parallel_loop3A_1671 = arith.index_cast %rem3A_136 : i32 to index
        %parallel_loop3A_1672 = arith.index_cast %parallel_loop3A_1670 : i32 to index
        %parallel_loop3A_1673 = arith.constant 32 : index
        %parallel_loop3A_1674 = tpu.vector_load %arg10[%parallel_loop3A_1671, %parallel_loop3A_1672, %parallel_loop3A_1673] {strides = array<i32>} : memref<3x80x64xi32, #tpu.memory_space<vmem>>, vector<1x1x16xi32>,
        %parallel_loop3A_1675 = vector.shape_cast %parallel_loop3A_1674 : vector<1x1x16xi32> to vector<16xi32>
        %parallel_loop3A_1676 = arith.constant 1 : i32
        %parallel_loop3A_1677 = arith.addi %parallel_loop3A_1634, %parallel_loop3A_1676 : i32
        %parallel_loop3A_1678 = arith.index_cast %rem3A_136 : i32 to index
        %parallel_loop3A_1679 = arith.index_cast %parallel_loop3A_1677 : i32 to index
        %parallel_loop3A_1680 = arith.constant 48 : index
        %parallel_loop3A_1681 = tpu.vector_load %arg10[%parallel_loop3A_1678, %parallel_loop3A_1679, %parallel_loop3A_1680] {strides = array<i32>} : memref<3x80x64xi32, #tpu.memory_space<vmem>>, vector<1x1x16xi32>,
        %parallel_loop3A_1682 = vector.shape_cast %parallel_loop3A_1681 : vector<1x1x16xi32> to vector<16xi32>
        %parallel_loop3A_1683 = arith.constant 16 : i32
        %parallel_loop3A_1684 = arith.muli %parallel_loop3A_199, %parallel_loop3A_1683 : i32
        %parallel_loop3A_1685 = arith.constant 10 : i32
        %parallel_loop3A_1686 = arith.addi %parallel_loop3A_1684, %parallel_loop3A_1685 : i32
        %parallel_loop3A_1687 = arith.index_cast %rem3A_138 : i32 to index
        %parallel_loop3A_1688 = arith.index_cast %parallel_loop3A_1686 : i32 to index
        %parallel_loop3A_1689 = arith.constant 0 : index
        %parallel_loop3A_1690 = tpu.vector_load %arg11[%parallel_loop3A_1687, %parallel_loop3A_1688, %parallel_loop3A_1689] {strides = array<i32>} : memref<2x80x128xf32, #tpu.memory_space<vmem>>, vector<1x1x16xf32>,
        %parallel_loop3A_1691 = vector.shape_cast %parallel_loop3A_1690 : vector<1x1x16xf32> to vector<16xf32>
        %parallel_loop3A_1692 = vector.shape_cast %parallel_loop3A_1615 : vector<16xf32> to vector<1x1x16xf32>
        tpu.vector_store %arg11[%parallel_loop3A_1687, %parallel_loop3A_1688, %parallel_loop3A_1689], %parallel_loop3A_1692 {strides = array<i32>} : memref<2x80x128xf32, #tpu.memory_space<vmem>>, vector<1x1x16xf32>,
        %parallel_loop3A_1693 = arith.index_cast %rem3A_138 : i32 to index
        %parallel_loop3A_1694 = arith.index_cast %parallel_loop3A_1686 : i32 to index
        %parallel_loop3A_1695 = arith.constant 16 : index
        %parallel_loop3A_1696 = tpu.vector_load %arg11[%parallel_loop3A_1693, %parallel_loop3A_1694, %parallel_loop3A_1695] {strides = array<i32>} : memref<2x80x128xf32, #tpu.memory_space<vmem>>, vector<1x1x16xf32>,
        %parallel_loop3A_1697 = vector.shape_cast %parallel_loop3A_1696 : vector<1x1x16xf32> to vector<16xf32>
        %parallel_loop3A_1698 = vector.shape_cast %parallel_loop3A_1616 : vector<16xf32> to vector<1x1x16xf32>
        tpu.vector_store %arg11[%parallel_loop3A_1693, %parallel_loop3A_1694, %parallel_loop3A_1695], %parallel_loop3A_1698 {strides = array<i32>} : memref<2x80x128xf32, #tpu.memory_space<vmem>>, vector<1x1x16xf32>,
        %parallel_loop3A_1699 = arith.index_cast %rem3A_138 : i32 to index
        %parallel_loop3A_1700 = arith.index_cast %parallel_loop3A_1686 : i32 to index
        %parallel_loop3A_1701 = arith.constant 32 : index
        %parallel_loop3A_1702 = tpu.vector_load %arg11[%parallel_loop3A_1699, %parallel_loop3A_1700, %parallel_loop3A_1701] {strides = array<i32>} : memref<2x80x128xf32, #tpu.memory_space<vmem>>, vector<1x1x16xf32>,
        %parallel_loop3A_1703 = vector.shape_cast %parallel_loop3A_1702 : vector<1x1x16xf32> to vector<16xf32>
        %parallel_loop3A_1704 = vector.shape_cast %parallel_loop3A_1617 : vector<16xf32> to vector<1x1x16xf32>
        tpu.vector_store %arg11[%parallel_loop3A_1699, %parallel_loop3A_1700, %parallel_loop3A_1701], %parallel_loop3A_1704 {strides = array<i32>} : memref<2x80x128xf32, #tpu.memory_space<vmem>>, vector<1x1x16xf32>,
        %parallel_loop3A_1705 = arith.index_cast %rem3A_138 : i32 to index
        %parallel_loop3A_1706 = arith.index_cast %parallel_loop3A_1686 : i32 to index
        %parallel_loop3A_1707 = arith.constant 48 : index
        %parallel_loop3A_1708 = tpu.vector_load %arg11[%parallel_loop3A_1705, %parallel_loop3A_1706, %parallel_loop3A_1707] {strides = array<i32>} : memref<2x80x128xf32, #tpu.memory_space<vmem>>, vector<1x1x16xf32>,
        %parallel_loop3A_1709 = vector.shape_cast %parallel_loop3A_1708 : vector<1x1x16xf32> to vector<16xf32>
        %parallel_loop3A_1710 = vector.shape_cast %parallel_loop3A_1618 : vector<16xf32> to vector<1x1x16xf32>
        tpu.vector_store %arg11[%parallel_loop3A_1705, %parallel_loop3A_1706, %parallel_loop3A_1707], %parallel_loop3A_1710 {strides = array<i32>} : memref<2x80x128xf32, #tpu.memory_space<vmem>>, vector<1x1x16xf32>,
        %parallel_loop3A_1711 = arith.index_cast %rem3A_138 : i32 to index
        %parallel_loop3A_1712 = arith.index_cast %parallel_loop3A_1686 : i32 to index
        %parallel_loop3A_1713 = arith.constant 64 : index
        %parallel_loop3A_1714 = tpu.vector_load %arg11[%parallel_loop3A_1711, %parallel_loop3A_1712, %parallel_loop3A_1713] {strides = array<i32>} : memref<2x80x128xf32, #tpu.memory_space<vmem>>, vector<1x1x16xf32>,
        %parallel_loop3A_1715 = vector.shape_cast %parallel_loop3A_1714 : vector<1x1x16xf32> to vector<16xf32>
        %parallel_loop3A_1716 = vector.shape_cast %parallel_loop3A_1619 : vector<16xf32> to vector<1x1x16xf32>
        tpu.vector_store %arg11[%parallel_loop3A_1711, %parallel_loop3A_1712, %parallel_loop3A_1713], %parallel_loop3A_1716 {strides = array<i32>} : memref<2x80x128xf32, #tpu.memory_space<vmem>>, vector<1x1x16xf32>,
        %parallel_loop3A_1717 = arith.index_cast %rem3A_138 : i32 to index
        %parallel_loop3A_1718 = arith.index_cast %parallel_loop3A_1686 : i32 to index
        %parallel_loop3A_1719 = arith.constant 80 : index
        %parallel_loop3A_1720 = tpu.vector_load %arg11[%parallel_loop3A_1717, %parallel_loop3A_1718, %parallel_loop3A_1719] {strides = array<i32>} : memref<2x80x128xf32, #tpu.memory_space<vmem>>, vector<1x1x16xf32>,
        %parallel_loop3A_1721 = vector.shape_cast %parallel_loop3A_1720 : vector<1x1x16xf32> to vector<16xf32>
        %parallel_loop3A_1722 = vector.shape_cast %parallel_loop3A_1620 : vector<16xf32> to vector<1x1x16xf32>
        tpu.vector_store %arg11[%parallel_loop3A_1717, %parallel_loop3A_1718, %parallel_loop3A_1719], %parallel_loop3A_1722 {strides = array<i32>} : memref<2x80x128xf32, #tpu.memory_space<vmem>>, vector<1x1x16xf32>,
        %parallel_loop3A_1723 = arith.index_cast %rem3A_138 : i32 to index
        %parallel_loop3A_1724 = arith.index_cast %parallel_loop3A_1686 : i32 to index
        %parallel_loop3A_1725 = arith.constant 96 : index
        %parallel_loop3A_1726 = tpu.vector_load %arg11[%parallel_loop3A_1723, %parallel_loop3A_1724, %parallel_loop3A_1725] {strides = array<i32>} : memref<2x80x128xf32, #tpu.memory_space<vmem>>, vector<1x1x16xf32>,
        %parallel_loop3A_1727 = vector.shape_cast %parallel_loop3A_1726 : vector<1x1x16xf32> to vector<16xf32>
        %parallel_loop3A_1728 = vector.shape_cast %parallel_loop3A_1621 : vector<16xf32> to vector<1x1x16xf32>
        tpu.vector_store %arg11[%parallel_loop3A_1723, %parallel_loop3A_1724, %parallel_loop3A_1725], %parallel_loop3A_1728 {strides = array<i32>} : memref<2x80x128xf32, #tpu.memory_space<vmem>>, vector<1x1x16xf32>,
        %parallel_loop3A_1729 = arith.index_cast %rem3A_138 : i32 to index
        %parallel_loop3A_1730 = arith.index_cast %parallel_loop3A_1686 : i32 to index
        %parallel_loop3A_1731 = arith.constant 112 : index
        %parallel_loop3A_1732 = tpu.vector_load %arg11[%parallel_loop3A_1729, %parallel_loop3A_1730, %parallel_loop3A_1731] {strides = array<i32>} : memref<2x80x128xf32, #tpu.memory_space<vmem>>, vector<1x1x16xf32>,
        %parallel_loop3A_1733 = vector.shape_cast %parallel_loop3A_1732 : vector<1x1x16xf32> to vector<16xf32>
        %parallel_loop3A_1734 = vector.shape_cast %parallel_loop3A_1622 : vector<16xf32> to vector<1x1x16xf32>
        tpu.vector_store %arg11[%parallel_loop3A_1729, %parallel_loop3A_1730, %parallel_loop3A_1731], %parallel_loop3A_1734 {strides = array<i32>} : memref<2x80x128xf32, #tpu.memory_space<vmem>>, vector<1x1x16xf32>,
        %parallel_loop3A_1735 = arith.constant 1 : i32
        %parallel_loop3A_1736 = arith.addi %parallel_loop3A_1686, %parallel_loop3A_1735 : i32
        %parallel_loop3A_1737 = arith.index_cast %rem3A_138 : i32 to index
        %parallel_loop3A_1738 = arith.index_cast %parallel_loop3A_1736 : i32 to index
        %parallel_loop3A_1739 = arith.constant 0 : index
        %parallel_loop3A_1740 = tpu.vector_load %arg11[%parallel_loop3A_1737, %parallel_loop3A_1738, %parallel_loop3A_1739] {strides = array<i32>} : memref<2x80x128xf32, #tpu.memory_space<vmem>>, vector<1x1x16xf32>,
        %parallel_loop3A_1741 = vector.shape_cast %parallel_loop3A_1740 : vector<1x1x16xf32> to vector<16xf32>
        %parallel_loop3A_1742 = vector.shape_cast %parallel_loop3A_1623 : vector<16xf32> to vector<1x1x16xf32>
        tpu.vector_store %arg11[%parallel_loop3A_1737, %parallel_loop3A_1738, %parallel_loop3A_1739], %parallel_loop3A_1742 {strides = array<i32>} : memref<2x80x128xf32, #tpu.memory_space<vmem>>, vector<1x1x16xf32>,
        %parallel_loop3A_1743 = arith.constant 1 : i32
        %parallel_loop3A_1744 = arith.addi %parallel_loop3A_1686, %parallel_loop3A_1743 : i32
        %parallel_loop3A_1745 = arith.index_cast %rem3A_138 : i32 to index
        %parallel_loop3A_1746 = arith.index_cast %parallel_loop3A_1744 : i32 to index
        %parallel_loop3A_1747 = arith.constant 16 : index
        %parallel_loop3A_1748 = tpu.vector_load %arg11[%parallel_loop3A_1745, %parallel_loop3A_1746, %parallel_loop3A_1747] {strides = array<i32>} : memref<2x80x128xf32, #tpu.memory_space<vmem>>, vector<1x1x16xf32>,
        %parallel_loop3A_1749 = vector.shape_cast %parallel_loop3A_1748 : vector<1x1x16xf32> to vector<16xf32>
        %parallel_loop3A_1750 = vector.shape_cast %parallel_loop3A_1624 : vector<16xf32> to vector<1x1x16xf32>
        tpu.vector_store %arg11[%parallel_loop3A_1745, %parallel_loop3A_1746, %parallel_loop3A_1747], %parallel_loop3A_1750 {strides = array<i32>} : memref<2x80x128xf32, #tpu.memory_space<vmem>>, vector<1x1x16xf32>,
        %parallel_loop3A_1751 = arith.constant 1 : i32
        %parallel_loop3A_1752 = arith.addi %parallel_loop3A_1686, %parallel_loop3A_1751 : i32
        %parallel_loop3A_1753 = arith.index_cast %rem3A_138 : i32 to index
        %parallel_loop3A_1754 = arith.index_cast %parallel_loop3A_1752 : i32 to index
        %parallel_loop3A_1755 = arith.constant 32 : index
        %parallel_loop3A_1756 = tpu.vector_load %arg11[%parallel_loop3A_1753, %parallel_loop3A_1754, %parallel_loop3A_1755] {strides = array<i32>} : memref<2x80x128xf32, #tpu.memory_space<vmem>>, vector<1x1x16xf32>,
        %parallel_loop3A_1757 = vector.shape_cast %parallel_loop3A_1756 : vector<1x1x16xf32> to vector<16xf32>
        %parallel_loop3A_1758 = vector.shape_cast %parallel_loop3A_1625 : vector<16xf32> to vector<1x1x16xf32>
        tpu.vector_store %arg11[%parallel_loop3A_1753, %parallel_loop3A_1754, %parallel_loop3A_1755], %parallel_loop3A_1758 {strides = array<i32>} : memref<2x80x128xf32, #tpu.memory_space<vmem>>, vector<1x1x16xf32>,
        %parallel_loop3A_1759 = arith.constant 1 : i32
        %parallel_loop3A_1760 = arith.addi %parallel_loop3A_1686, %parallel_loop3A_1759 : i32
        %parallel_loop3A_1761 = arith.index_cast %rem3A_138 : i32 to index
        %parallel_loop3A_1762 = arith.index_cast %parallel_loop3A_1760 : i32 to index
        %parallel_loop3A_1763 = arith.constant 48 : index
        %parallel_loop3A_1764 = tpu.vector_load %arg11[%parallel_loop3A_1761, %parallel_loop3A_1762, %parallel_loop3A_1763] {strides = array<i32>} : memref<2x80x128xf32, #tpu.memory_space<vmem>>, vector<1x1x16xf32>,
        %parallel_loop3A_1765 = vector.shape_cast %parallel_loop3A_1764 : vector<1x1x16xf32> to vector<16xf32>
        %parallel_loop3A_1766 = vector.shape_cast %parallel_loop3A_1626 : vector<16xf32> to vector<1x1x16xf32>
        tpu.vector_store %arg11[%parallel_loop3A_1761, %parallel_loop3A_1762, %parallel_loop3A_1763], %parallel_loop3A_1766 {strides = array<i32>} : memref<2x80x128xf32, #tpu.memory_space<vmem>>, vector<1x1x16xf32>,
        %parallel_loop3A_1767 = arith.constant 1 : i32
        %parallel_loop3A_1768 = arith.addi %parallel_loop3A_1686, %parallel_loop3A_1767 : i32
        %parallel_loop3A_1769 = arith.index_cast %rem3A_138 : i32 to index
        %parallel_loop3A_1770 = arith.index_cast %parallel_loop3A_1768 : i32 to index
        %parallel_loop3A_1771 = arith.constant 64 : index
        %parallel_loop3A_1772 = tpu.vector_load %arg11[%parallel_loop3A_1769, %parallel_loop3A_1770, %parallel_loop3A_1771] {strides = array<i32>} : memref<2x80x128xf32, #tpu.memory_space<vmem>>, vector<1x1x16xf32>,
        %parallel_loop3A_1773 = vector.shape_cast %parallel_loop3A_1772 : vector<1x1x16xf32> to vector<16xf32>
        %parallel_loop3A_1774 = vector.shape_cast %parallel_loop3A_1627 : vector<16xf32> to vector<1x1x16xf32>
        tpu.vector_store %arg11[%parallel_loop3A_1769, %parallel_loop3A_1770, %parallel_loop3A_1771], %parallel_loop3A_1774 {strides = array<i32>} : memref<2x80x128xf32, #tpu.memory_space<vmem>>, vector<1x1x16xf32>,
        %parallel_loop3A_1775 = arith.constant 1 : i32
        %parallel_loop3A_1776 = arith.addi %parallel_loop3A_1686, %parallel_loop3A_1775 : i32
        %parallel_loop3A_1777 = arith.index_cast %rem3A_138 : i32 to index
        %parallel_loop3A_1778 = arith.index_cast %parallel_loop3A_1776 : i32 to index
        %parallel_loop3A_1779 = arith.constant 80 : index
        %parallel_loop3A_1780 = tpu.vector_load %arg11[%parallel_loop3A_1777, %parallel_loop3A_1778, %parallel_loop3A_1779] {strides = array<i32>} : memref<2x80x128xf32, #tpu.memory_space<vmem>>, vector<1x1x16xf32>,
        %parallel_loop3A_1781 = vector.shape_cast %parallel_loop3A_1780 : vector<1x1x16xf32> to vector<16xf32>
        %parallel_loop3A_1782 = vector.shape_cast %parallel_loop3A_1628 : vector<16xf32> to vector<1x1x16xf32>
        tpu.vector_store %arg11[%parallel_loop3A_1777, %parallel_loop3A_1778, %parallel_loop3A_1779], %parallel_loop3A_1782 {strides = array<i32>} : memref<2x80x128xf32, #tpu.memory_space<vmem>>, vector<1x1x16xf32>,
        %parallel_loop3A_1783 = arith.constant 1 : i32
        %parallel_loop3A_1784 = arith.addi %parallel_loop3A_1686, %parallel_loop3A_1783 : i32
        %parallel_loop3A_1785 = arith.index_cast %rem3A_138 : i32 to index
        %parallel_loop3A_1786 = arith.index_cast %parallel_loop3A_1784 : i32 to index
        %parallel_loop3A_1787 = arith.constant 96 : index
        %parallel_loop3A_1788 = tpu.vector_load %arg11[%parallel_loop3A_1785, %parallel_loop3A_1786, %parallel_loop3A_1787] {strides = array<i32>} : memref<2x80x128xf32, #tpu.memory_space<vmem>>, vector<1x1x16xf32>,
        %parallel_loop3A_1789 = vector.shape_cast %parallel_loop3A_1788 : vector<1x1x16xf32> to vector<16xf32>
        %parallel_loop3A_1790 = vector.shape_cast %parallel_loop3A_1629 : vector<16xf32> to vector<1x1x16xf32>
        tpu.vector_store %arg11[%parallel_loop3A_1785, %parallel_loop3A_1786, %parallel_loop3A_1787], %parallel_loop3A_1790 {strides = array<i32>} : memref<2x80x128xf32, #tpu.memory_space<vmem>>, vector<1x1x16xf32>,
        %parallel_loop3A_1791 = arith.constant 1 : i32
        %parallel_loop3A_1792 = arith.addi %parallel_loop3A_1686, %parallel_loop3A_1791 : i32
        %parallel_loop3A_1793 = arith.index_cast %rem3A_138 : i32 to index
        %parallel_loop3A_1794 = arith.index_cast %parallel_loop3A_1792 : i32 to index
        %parallel_loop3A_1795 = arith.constant 112 : index
        %parallel_loop3A_1796 = tpu.vector_load %arg11[%parallel_loop3A_1793, %parallel_loop3A_1794, %parallel_loop3A_1795] {strides = array<i32>} : memref<2x80x128xf32, #tpu.memory_space<vmem>>, vector<1x1x16xf32>,
        %parallel_loop3A_1797 = vector.shape_cast %parallel_loop3A_1796 : vector<1x1x16xf32> to vector<16xf32>
        %parallel_loop3A_1798 = vector.shape_cast %parallel_loop3A_1630 : vector<16xf32> to vector<1x1x16xf32>
        tpu.vector_store %arg11[%parallel_loop3A_1793, %parallel_loop3A_1794, %parallel_loop3A_1795], %parallel_loop3A_1798 {strides = array<i32>} : memref<2x80x128xf32, #tpu.memory_space<vmem>>, vector<1x1x16xf32>,
        %parallel_loop3A_1799 = arith.constant 12 : i32
        %parallel_loop3A_1800 = vector.broadcast %parallel_loop3A_1799 : i32 to vector<16x1xi32>
        %parallel_loop3A_1801 = vector.shape_cast %parallel_loop3A_1800 : vector<16x1xi32> to vector<16xi32>
        %parallel_loop3A_1802 = tpu.dynamic_gather %parallel_loop3A_210[%parallel_loop3A_1801] in [0] : vector<16xf32>, vector<16xi32> -> vector<16xf32>
        %parallel_loop3A_1803 = arith.constant 13 : i32
        %parallel_loop3A_1804 = vector.broadcast %parallel_loop3A_1803 : i32 to vector<16x1xi32>
        %parallel_loop3A_1805 = vector.shape_cast %parallel_loop3A_1804 : vector<16x1xi32> to vector<16xi32>
        %parallel_loop3A_1806 = tpu.dynamic_gather %parallel_loop3A_210[%parallel_loop3A_1805] in [0] : vector<16xf32>, vector<16xi32> -> vector<16xf32>
        %parallel_loop3A_1807 = arith.constant 16 : i32
        %parallel_loop3A_1808 = vector.broadcast %parallel_loop3A_1807 : i32 to vector<16xi32>
        %parallel_loop3A_1809 = arith.shli %parallel_loop3A_1639, %parallel_loop3A_1808 : vector<16xi32>
        %parallel_loop3A_1810 = tpu.bitcast %parallel_loop3A_1809 : vector<16xi32> -> vector<16xf32>
        %parallel_loop3A_1811 = arith.constant -65536 : i32
        %parallel_loop3A_1812 = vector.broadcast %parallel_loop3A_1811 : i32 to vector<16xi32>
        %parallel_loop3A_1813 = arith.andi %parallel_loop3A_1639, %parallel_loop3A_1812 : vector<16xi32>
        %parallel_loop3A_1814 = tpu.bitcast %parallel_loop3A_1813 : vector<16xi32> -> vector<16xf32>
        %parallel_loop3A_1815 = arith.constant 16 : i32
        %parallel_loop3A_1816 = vector.broadcast %parallel_loop3A_1815 : i32 to vector<16xi32>
        %parallel_loop3A_1817 = arith.shli %parallel_loop3A_1644, %parallel_loop3A_1816 : vector<16xi32>
        %parallel_loop3A_1818 = tpu.bitcast %parallel_loop3A_1817 : vector<16xi32> -> vector<16xf32>
        %parallel_loop3A_1819 = arith.constant -65536 : i32
        %parallel_loop3A_1820 = vector.broadcast %parallel_loop3A_1819 : i32 to vector<16xi32>
        %parallel_loop3A_1821 = arith.andi %parallel_loop3A_1644, %parallel_loop3A_1820 : vector<16xi32>
        %parallel_loop3A_1822 = tpu.bitcast %parallel_loop3A_1821 : vector<16xi32> -> vector<16xf32>
        %parallel_loop3A_1823 = arith.constant 16 : i32
        %parallel_loop3A_1824 = vector.broadcast %parallel_loop3A_1823 : i32 to vector<16xi32>
        %parallel_loop3A_1825 = arith.shli %parallel_loop3A_1649, %parallel_loop3A_1824 : vector<16xi32>
        %parallel_loop3A_1826 = tpu.bitcast %parallel_loop3A_1825 : vector<16xi32> -> vector<16xf32>
        %parallel_loop3A_1827 = arith.constant -65536 : i32
        %parallel_loop3A_1828 = vector.broadcast %parallel_loop3A_1827 : i32 to vector<16xi32>
        %parallel_loop3A_1829 = arith.andi %parallel_loop3A_1649, %parallel_loop3A_1828 : vector<16xi32>
        %parallel_loop3A_1830 = tpu.bitcast %parallel_loop3A_1829 : vector<16xi32> -> vector<16xf32>
        %parallel_loop3A_1831 = arith.constant 16 : i32
        %parallel_loop3A_1832 = vector.broadcast %parallel_loop3A_1831 : i32 to vector<16xi32>
        %parallel_loop3A_1833 = arith.shli %parallel_loop3A_1654, %parallel_loop3A_1832 : vector<16xi32>
        %parallel_loop3A_1834 = tpu.bitcast %parallel_loop3A_1833 : vector<16xi32> -> vector<16xf32>
        %parallel_loop3A_1835 = arith.constant -65536 : i32
        %parallel_loop3A_1836 = vector.broadcast %parallel_loop3A_1835 : i32 to vector<16xi32>
        %parallel_loop3A_1837 = arith.andi %parallel_loop3A_1654, %parallel_loop3A_1836 : vector<16xi32>
        %parallel_loop3A_1838 = tpu.bitcast %parallel_loop3A_1837 : vector<16xi32> -> vector<16xf32>
        %parallel_loop3A_1839 = arith.constant 16 : i32
        %parallel_loop3A_1840 = vector.broadcast %parallel_loop3A_1839 : i32 to vector<16xi32>
        %parallel_loop3A_1841 = arith.shli %parallel_loop3A_1661, %parallel_loop3A_1840 : vector<16xi32>
        %parallel_loop3A_1842 = tpu.bitcast %parallel_loop3A_1841 : vector<16xi32> -> vector<16xf32>
        %parallel_loop3A_1843 = arith.constant -65536 : i32
        %parallel_loop3A_1844 = vector.broadcast %parallel_loop3A_1843 : i32 to vector<16xi32>
        %parallel_loop3A_1845 = arith.andi %parallel_loop3A_1661, %parallel_loop3A_1844 : vector<16xi32>
        %parallel_loop3A_1846 = tpu.bitcast %parallel_loop3A_1845 : vector<16xi32> -> vector<16xf32>
        %parallel_loop3A_1847 = arith.constant 16 : i32
        %parallel_loop3A_1848 = vector.broadcast %parallel_loop3A_1847 : i32 to vector<16xi32>
        %parallel_loop3A_1849 = arith.shli %parallel_loop3A_1668, %parallel_loop3A_1848 : vector<16xi32>
        %parallel_loop3A_1850 = tpu.bitcast %parallel_loop3A_1849 : vector<16xi32> -> vector<16xf32>
        %parallel_loop3A_1851 = arith.constant -65536 : i32
        %parallel_loop3A_1852 = vector.broadcast %parallel_loop3A_1851 : i32 to vector<16xi32>
        %parallel_loop3A_1853 = arith.andi %parallel_loop3A_1668, %parallel_loop3A_1852 : vector<16xi32>
        %parallel_loop3A_1854 = tpu.bitcast %parallel_loop3A_1853 : vector<16xi32> -> vector<16xf32>
        %parallel_loop3A_1855 = arith.constant 16 : i32
        %parallel_loop3A_1856 = vector.broadcast %parallel_loop3A_1855 : i32 to vector<16xi32>
        %parallel_loop3A_1857 = arith.shli %parallel_loop3A_1675, %parallel_loop3A_1856 : vector<16xi32>
        %parallel_loop3A_1858 = tpu.bitcast %parallel_loop3A_1857 : vector<16xi32> -> vector<16xf32>
        %parallel_loop3A_1859 = arith.constant -65536 : i32
        %parallel_loop3A_1860 = vector.broadcast %parallel_loop3A_1859 : i32 to vector<16xi32>
        %parallel_loop3A_1861 = arith.andi %parallel_loop3A_1675, %parallel_loop3A_1860 : vector<16xi32>
        %parallel_loop3A_1862 = tpu.bitcast %parallel_loop3A_1861 : vector<16xi32> -> vector<16xf32>
        %parallel_loop3A_1863 = arith.constant 16 : i32
        %parallel_loop3A_1864 = vector.broadcast %parallel_loop3A_1863 : i32 to vector<16xi32>
        %parallel_loop3A_1865 = arith.shli %parallel_loop3A_1682, %parallel_loop3A_1864 : vector<16xi32>
        %parallel_loop3A_1866 = tpu.bitcast %parallel_loop3A_1865 : vector<16xi32> -> vector<16xf32>
        %parallel_loop3A_1867 = arith.constant -65536 : i32
        %parallel_loop3A_1868 = vector.broadcast %parallel_loop3A_1867 : i32 to vector<16xi32>
        %parallel_loop3A_1869 = arith.andi %parallel_loop3A_1682, %parallel_loop3A_1868 : vector<16xi32>
        %parallel_loop3A_1870 = tpu.bitcast %parallel_loop3A_1869 : vector<16xi32> -> vector<16xf32>
        %parallel_loop3A_1871 = arith.mulf %parallel_loop3A_1810, %parallel_loop3A_1802 : vector<16xf32>
        %parallel_loop3A_1872 = arith.mulf %parallel_loop3A_1814, %parallel_loop3A_1802 : vector<16xf32>
        %parallel_loop3A_1873 = arith.mulf %parallel_loop3A_1818, %parallel_loop3A_1802 : vector<16xf32>
        %parallel_loop3A_1874 = arith.mulf %parallel_loop3A_1822, %parallel_loop3A_1802 : vector<16xf32>
        %parallel_loop3A_1875 = arith.mulf %parallel_loop3A_1826, %parallel_loop3A_1802 : vector<16xf32>
        %parallel_loop3A_1876 = arith.mulf %parallel_loop3A_1830, %parallel_loop3A_1802 : vector<16xf32>
        %parallel_loop3A_1877 = arith.mulf %parallel_loop3A_1834, %parallel_loop3A_1802 : vector<16xf32>
        %parallel_loop3A_1878 = arith.mulf %parallel_loop3A_1838, %parallel_loop3A_1802 : vector<16xf32>
        %parallel_loop3A_1879 = arith.mulf %parallel_loop3A_1842, %parallel_loop3A_1806 : vector<16xf32>
        %parallel_loop3A_1880 = arith.mulf %parallel_loop3A_1846, %parallel_loop3A_1806 : vector<16xf32>
        %parallel_loop3A_1881 = arith.mulf %parallel_loop3A_1850, %parallel_loop3A_1806 : vector<16xf32>
        %parallel_loop3A_1882 = arith.mulf %parallel_loop3A_1854, %parallel_loop3A_1806 : vector<16xf32>
        %parallel_loop3A_1883 = arith.mulf %parallel_loop3A_1858, %parallel_loop3A_1806 : vector<16xf32>
        %parallel_loop3A_1884 = arith.mulf %parallel_loop3A_1862, %parallel_loop3A_1806 : vector<16xf32>
        %parallel_loop3A_1885 = arith.mulf %parallel_loop3A_1866, %parallel_loop3A_1806 : vector<16xf32>
        %parallel_loop3A_1886 = arith.mulf %parallel_loop3A_1870, %parallel_loop3A_1806 : vector<16xf32>
        %parallel_loop3A_1887 = arith.constant 16 : i32
        %parallel_loop3A_1888 = arith.muli %parallel_loop3A_199, %parallel_loop3A_1887 : i32
        %parallel_loop3A_1889 = arith.constant 14 : i32
        %parallel_loop3A_1890 = arith.addi %parallel_loop3A_1888, %parallel_loop3A_1889 : i32
        %parallel_loop3A_1891 = arith.index_cast %rem3A_136 : i32 to index
        %parallel_loop3A_1892 = arith.index_cast %parallel_loop3A_1890 : i32 to index
        %parallel_loop3A_1893 = arith.constant 0 : index
        %parallel_loop3A_1894 = tpu.vector_load %arg10[%parallel_loop3A_1891, %parallel_loop3A_1892, %parallel_loop3A_1893] {strides = array<i32>} : memref<3x80x64xi32, #tpu.memory_space<vmem>>, vector<1x1x16xi32>,
        %parallel_loop3A_1895 = vector.shape_cast %parallel_loop3A_1894 : vector<1x1x16xi32> to vector<16xi32>
        %parallel_loop3A_1896 = arith.index_cast %rem3A_136 : i32 to index
        %parallel_loop3A_1897 = arith.index_cast %parallel_loop3A_1890 : i32 to index
        %parallel_loop3A_1898 = arith.constant 16 : index
        %parallel_loop3A_1899 = tpu.vector_load %arg10[%parallel_loop3A_1896, %parallel_loop3A_1897, %parallel_loop3A_1898] {strides = array<i32>} : memref<3x80x64xi32, #tpu.memory_space<vmem>>, vector<1x1x16xi32>,
        %parallel_loop3A_1900 = vector.shape_cast %parallel_loop3A_1899 : vector<1x1x16xi32> to vector<16xi32>
        %parallel_loop3A_1901 = arith.index_cast %rem3A_136 : i32 to index
        %parallel_loop3A_1902 = arith.index_cast %parallel_loop3A_1890 : i32 to index
        %parallel_loop3A_1903 = arith.constant 32 : index
        %parallel_loop3A_1904 = tpu.vector_load %arg10[%parallel_loop3A_1901, %parallel_loop3A_1902, %parallel_loop3A_1903] {strides = array<i32>} : memref<3x80x64xi32, #tpu.memory_space<vmem>>, vector<1x1x16xi32>,
        %parallel_loop3A_1905 = vector.shape_cast %parallel_loop3A_1904 : vector<1x1x16xi32> to vector<16xi32>
        %parallel_loop3A_1906 = arith.index_cast %rem3A_136 : i32 to index
        %parallel_loop3A_1907 = arith.index_cast %parallel_loop3A_1890 : i32 to index
        %parallel_loop3A_1908 = arith.constant 48 : index
        %parallel_loop3A_1909 = tpu.vector_load %arg10[%parallel_loop3A_1906, %parallel_loop3A_1907, %parallel_loop3A_1908] {strides = array<i32>} : memref<3x80x64xi32, #tpu.memory_space<vmem>>, vector<1x1x16xi32>,
        %parallel_loop3A_1910 = vector.shape_cast %parallel_loop3A_1909 : vector<1x1x16xi32> to vector<16xi32>
        %parallel_loop3A_1911 = arith.constant 1 : i32
        %parallel_loop3A_1912 = arith.addi %parallel_loop3A_1890, %parallel_loop3A_1911 : i32
        %parallel_loop3A_1913 = arith.index_cast %rem3A_136 : i32 to index
        %parallel_loop3A_1914 = arith.index_cast %parallel_loop3A_1912 : i32 to index
        %parallel_loop3A_1915 = arith.constant 0 : index
        %parallel_loop3A_1916 = tpu.vector_load %arg10[%parallel_loop3A_1913, %parallel_loop3A_1914, %parallel_loop3A_1915] {strides = array<i32>} : memref<3x80x64xi32, #tpu.memory_space<vmem>>, vector<1x1x16xi32>,
        %parallel_loop3A_1917 = vector.shape_cast %parallel_loop3A_1916 : vector<1x1x16xi32> to vector<16xi32>
        %parallel_loop3A_1918 = arith.constant 1 : i32
        %parallel_loop3A_1919 = arith.addi %parallel_loop3A_1890, %parallel_loop3A_1918 : i32
        %parallel_loop3A_1920 = arith.index_cast %rem3A_136 : i32 to index
        %parallel_loop3A_1921 = arith.index_cast %parallel_loop3A_1919 : i32 to index
        %parallel_loop3A_1922 = arith.constant 16 : index
        %parallel_loop3A_1923 = tpu.vector_load %arg10[%parallel_loop3A_1920, %parallel_loop3A_1921, %parallel_loop3A_1922] {strides = array<i32>} : memref<3x80x64xi32, #tpu.memory_space<vmem>>, vector<1x1x16xi32>,
        %parallel_loop3A_1924 = vector.shape_cast %parallel_loop3A_1923 : vector<1x1x16xi32> to vector<16xi32>
        %parallel_loop3A_1925 = arith.constant 1 : i32
        %parallel_loop3A_1926 = arith.addi %parallel_loop3A_1890, %parallel_loop3A_1925 : i32
        %parallel_loop3A_1927 = arith.index_cast %rem3A_136 : i32 to index
        %parallel_loop3A_1928 = arith.index_cast %parallel_loop3A_1926 : i32 to index
        %parallel_loop3A_1929 = arith.constant 32 : index
        %parallel_loop3A_1930 = tpu.vector_load %arg10[%parallel_loop3A_1927, %parallel_loop3A_1928, %parallel_loop3A_1929] {strides = array<i32>} : memref<3x80x64xi32, #tpu.memory_space<vmem>>, vector<1x1x16xi32>,
        %parallel_loop3A_1931 = vector.shape_cast %parallel_loop3A_1930 : vector<1x1x16xi32> to vector<16xi32>
        %parallel_loop3A_1932 = arith.constant 1 : i32
        %parallel_loop3A_1933 = arith.addi %parallel_loop3A_1890, %parallel_loop3A_1932 : i32
        %parallel_loop3A_1934 = arith.index_cast %rem3A_136 : i32 to index
        %parallel_loop3A_1935 = arith.index_cast %parallel_loop3A_1933 : i32 to index
        %parallel_loop3A_1936 = arith.constant 48 : index
        %parallel_loop3A_1937 = tpu.vector_load %arg10[%parallel_loop3A_1934, %parallel_loop3A_1935, %parallel_loop3A_1936] {strides = array<i32>} : memref<3x80x64xi32, #tpu.memory_space<vmem>>, vector<1x1x16xi32>,
        %parallel_loop3A_1938 = vector.shape_cast %parallel_loop3A_1937 : vector<1x1x16xi32> to vector<16xi32>
        %parallel_loop3A_1939 = arith.constant 16 : i32
        %parallel_loop3A_1940 = arith.muli %parallel_loop3A_199, %parallel_loop3A_1939 : i32
        %parallel_loop3A_1941 = arith.constant 12 : i32
        %parallel_loop3A_1942 = arith.addi %parallel_loop3A_1940, %parallel_loop3A_1941 : i32
        %parallel_loop3A_1943 = arith.index_cast %rem3A_138 : i32 to index
        %parallel_loop3A_1944 = arith.index_cast %parallel_loop3A_1942 : i32 to index
        %parallel_loop3A_1945 = arith.constant 0 : index
        %parallel_loop3A_1946 = tpu.vector_load %arg11[%parallel_loop3A_1943, %parallel_loop3A_1944, %parallel_loop3A_1945] {strides = array<i32>} : memref<2x80x128xf32, #tpu.memory_space<vmem>>, vector<1x1x16xf32>,
        %parallel_loop3A_1947 = vector.shape_cast %parallel_loop3A_1946 : vector<1x1x16xf32> to vector<16xf32>
        %parallel_loop3A_1948 = vector.shape_cast %parallel_loop3A_1871 : vector<16xf32> to vector<1x1x16xf32>
        tpu.vector_store %arg11[%parallel_loop3A_1943, %parallel_loop3A_1944, %parallel_loop3A_1945], %parallel_loop3A_1948 {strides = array<i32>} : memref<2x80x128xf32, #tpu.memory_space<vmem>>, vector<1x1x16xf32>,
        %parallel_loop3A_1949 = arith.index_cast %rem3A_138 : i32 to index
        %parallel_loop3A_1950 = arith.index_cast %parallel_loop3A_1942 : i32 to index
        %parallel_loop3A_1951 = arith.constant 16 : index
        %parallel_loop3A_1952 = tpu.vector_load %arg11[%parallel_loop3A_1949, %parallel_loop3A_1950, %parallel_loop3A_1951] {strides = array<i32>} : memref<2x80x128xf32, #tpu.memory_space<vmem>>, vector<1x1x16xf32>,
        %parallel_loop3A_1953 = vector.shape_cast %parallel_loop3A_1952 : vector<1x1x16xf32> to vector<16xf32>
        %parallel_loop3A_1954 = vector.shape_cast %parallel_loop3A_1872 : vector<16xf32> to vector<1x1x16xf32>
        tpu.vector_store %arg11[%parallel_loop3A_1949, %parallel_loop3A_1950, %parallel_loop3A_1951], %parallel_loop3A_1954 {strides = array<i32>} : memref<2x80x128xf32, #tpu.memory_space<vmem>>, vector<1x1x16xf32>,
        %parallel_loop3A_1955 = arith.index_cast %rem3A_138 : i32 to index
        %parallel_loop3A_1956 = arith.index_cast %parallel_loop3A_1942 : i32 to index
        %parallel_loop3A_1957 = arith.constant 32 : index
        %parallel_loop3A_1958 = tpu.vector_load %arg11[%parallel_loop3A_1955, %parallel_loop3A_1956, %parallel_loop3A_1957] {strides = array<i32>} : memref<2x80x128xf32, #tpu.memory_space<vmem>>, vector<1x1x16xf32>,
        %parallel_loop3A_1959 = vector.shape_cast %parallel_loop3A_1958 : vector<1x1x16xf32> to vector<16xf32>
        %parallel_loop3A_1960 = vector.shape_cast %parallel_loop3A_1873 : vector<16xf32> to vector<1x1x16xf32>
        tpu.vector_store %arg11[%parallel_loop3A_1955, %parallel_loop3A_1956, %parallel_loop3A_1957], %parallel_loop3A_1960 {strides = array<i32>} : memref<2x80x128xf32, #tpu.memory_space<vmem>>, vector<1x1x16xf32>,
        %parallel_loop3A_1961 = arith.index_cast %rem3A_138 : i32 to index
        %parallel_loop3A_1962 = arith.index_cast %parallel_loop3A_1942 : i32 to index
        %parallel_loop3A_1963 = arith.constant 48 : index
        %parallel_loop3A_1964 = tpu.vector_load %arg11[%parallel_loop3A_1961, %parallel_loop3A_1962, %parallel_loop3A_1963] {strides = array<i32>} : memref<2x80x128xf32, #tpu.memory_space<vmem>>, vector<1x1x16xf32>,
        %parallel_loop3A_1965 = vector.shape_cast %parallel_loop3A_1964 : vector<1x1x16xf32> to vector<16xf32>
        %parallel_loop3A_1966 = vector.shape_cast %parallel_loop3A_1874 : vector<16xf32> to vector<1x1x16xf32>
        tpu.vector_store %arg11[%parallel_loop3A_1961, %parallel_loop3A_1962, %parallel_loop3A_1963], %parallel_loop3A_1966 {strides = array<i32>} : memref<2x80x128xf32, #tpu.memory_space<vmem>>, vector<1x1x16xf32>,
        %parallel_loop3A_1967 = arith.index_cast %rem3A_138 : i32 to index
        %parallel_loop3A_1968 = arith.index_cast %parallel_loop3A_1942 : i32 to index
        %parallel_loop3A_1969 = arith.constant 64 : index
        %parallel_loop3A_1970 = tpu.vector_load %arg11[%parallel_loop3A_1967, %parallel_loop3A_1968, %parallel_loop3A_1969] {strides = array<i32>} : memref<2x80x128xf32, #tpu.memory_space<vmem>>, vector<1x1x16xf32>,
        %parallel_loop3A_1971 = vector.shape_cast %parallel_loop3A_1970 : vector<1x1x16xf32> to vector<16xf32>
        %parallel_loop3A_1972 = vector.shape_cast %parallel_loop3A_1875 : vector<16xf32> to vector<1x1x16xf32>
        tpu.vector_store %arg11[%parallel_loop3A_1967, %parallel_loop3A_1968, %parallel_loop3A_1969], %parallel_loop3A_1972 {strides = array<i32>} : memref<2x80x128xf32, #tpu.memory_space<vmem>>, vector<1x1x16xf32>,
        %parallel_loop3A_1973 = arith.index_cast %rem3A_138 : i32 to index
        %parallel_loop3A_1974 = arith.index_cast %parallel_loop3A_1942 : i32 to index
        %parallel_loop3A_1975 = arith.constant 80 : index
        %parallel_loop3A_1976 = tpu.vector_load %arg11[%parallel_loop3A_1973, %parallel_loop3A_1974, %parallel_loop3A_1975] {strides = array<i32>} : memref<2x80x128xf32, #tpu.memory_space<vmem>>, vector<1x1x16xf32>,
        %parallel_loop3A_1977 = vector.shape_cast %parallel_loop3A_1976 : vector<1x1x16xf32> to vector<16xf32>
        %parallel_loop3A_1978 = vector.shape_cast %parallel_loop3A_1876 : vector<16xf32> to vector<1x1x16xf32>
        tpu.vector_store %arg11[%parallel_loop3A_1973, %parallel_loop3A_1974, %parallel_loop3A_1975], %parallel_loop3A_1978 {strides = array<i32>} : memref<2x80x128xf32, #tpu.memory_space<vmem>>, vector<1x1x16xf32>,
        %parallel_loop3A_1979 = arith.index_cast %rem3A_138 : i32 to index
        %parallel_loop3A_1980 = arith.index_cast %parallel_loop3A_1942 : i32 to index
        %parallel_loop3A_1981 = arith.constant 96 : index
        %parallel_loop3A_1982 = tpu.vector_load %arg11[%parallel_loop3A_1979, %parallel_loop3A_1980, %parallel_loop3A_1981] {strides = array<i32>} : memref<2x80x128xf32, #tpu.memory_space<vmem>>, vector<1x1x16xf32>,
        %parallel_loop3A_1983 = vector.shape_cast %parallel_loop3A_1982 : vector<1x1x16xf32> to vector<16xf32>
        %parallel_loop3A_1984 = vector.shape_cast %parallel_loop3A_1877 : vector<16xf32> to vector<1x1x16xf32>
        tpu.vector_store %arg11[%parallel_loop3A_1979, %parallel_loop3A_1980, %parallel_loop3A_1981], %parallel_loop3A_1984 {strides = array<i32>} : memref<2x80x128xf32, #tpu.memory_space<vmem>>, vector<1x1x16xf32>,
        %parallel_loop3A_1985 = arith.index_cast %rem3A_138 : i32 to index
        %parallel_loop3A_1986 = arith.index_cast %parallel_loop3A_1942 : i32 to index
        %parallel_loop3A_1987 = arith.constant 112 : index
        %parallel_loop3A_1988 = tpu.vector_load %arg11[%parallel_loop3A_1985, %parallel_loop3A_1986, %parallel_loop3A_1987] {strides = array<i32>} : memref<2x80x128xf32, #tpu.memory_space<vmem>>, vector<1x1x16xf32>,
        %parallel_loop3A_1989 = vector.shape_cast %parallel_loop3A_1988 : vector<1x1x16xf32> to vector<16xf32>
        %parallel_loop3A_1990 = vector.shape_cast %parallel_loop3A_1878 : vector<16xf32> to vector<1x1x16xf32>
        tpu.vector_store %arg11[%parallel_loop3A_1985, %parallel_loop3A_1986, %parallel_loop3A_1987], %parallel_loop3A_1990 {strides = array<i32>} : memref<2x80x128xf32, #tpu.memory_space<vmem>>, vector<1x1x16xf32>,
        %parallel_loop3A_1991 = arith.constant 1 : i32
        %parallel_loop3A_1992 = arith.addi %parallel_loop3A_1942, %parallel_loop3A_1991 : i32
        %parallel_loop3A_1993 = arith.index_cast %rem3A_138 : i32 to index
        %parallel_loop3A_1994 = arith.index_cast %parallel_loop3A_1992 : i32 to index
        %parallel_loop3A_1995 = arith.constant 0 : index
        %parallel_loop3A_1996 = tpu.vector_load %arg11[%parallel_loop3A_1993, %parallel_loop3A_1994, %parallel_loop3A_1995] {strides = array<i32>} : memref<2x80x128xf32, #tpu.memory_space<vmem>>, vector<1x1x16xf32>,
        %parallel_loop3A_1997 = vector.shape_cast %parallel_loop3A_1996 : vector<1x1x16xf32> to vector<16xf32>
        %parallel_loop3A_1998 = vector.shape_cast %parallel_loop3A_1879 : vector<16xf32> to vector<1x1x16xf32>
        tpu.vector_store %arg11[%parallel_loop3A_1993, %parallel_loop3A_1994, %parallel_loop3A_1995], %parallel_loop3A_1998 {strides = array<i32>} : memref<2x80x128xf32, #tpu.memory_space<vmem>>, vector<1x1x16xf32>,
        %parallel_loop3A_1999 = arith.constant 1 : i32
        %parallel_loop3A_2000 = arith.addi %parallel_loop3A_1942, %parallel_loop3A_1999 : i32
        %parallel_loop3A_2001 = arith.index_cast %rem3A_138 : i32 to index
        %parallel_loop3A_2002 = arith.index_cast %parallel_loop3A_2000 : i32 to index
        %parallel_loop3A_2003 = arith.constant 16 : index
        %parallel_loop3A_2004 = tpu.vector_load %arg11[%parallel_loop3A_2001, %parallel_loop3A_2002, %parallel_loop3A_2003] {strides = array<i32>} : memref<2x80x128xf32, #tpu.memory_space<vmem>>, vector<1x1x16xf32>,
        %parallel_loop3A_2005 = vector.shape_cast %parallel_loop3A_2004 : vector<1x1x16xf32> to vector<16xf32>
        %parallel_loop3A_2006 = vector.shape_cast %parallel_loop3A_1880 : vector<16xf32> to vector<1x1x16xf32>
        tpu.vector_store %arg11[%parallel_loop3A_2001, %parallel_loop3A_2002, %parallel_loop3A_2003], %parallel_loop3A_2006 {strides = array<i32>} : memref<2x80x128xf32, #tpu.memory_space<vmem>>, vector<1x1x16xf32>,
        %parallel_loop3A_2007 = arith.constant 1 : i32
        %parallel_loop3A_2008 = arith.addi %parallel_loop3A_1942, %parallel_loop3A_2007 : i32
        %parallel_loop3A_2009 = arith.index_cast %rem3A_138 : i32 to index
        %parallel_loop3A_2010 = arith.index_cast %parallel_loop3A_2008 : i32 to index
        %parallel_loop3A_2011 = arith.constant 32 : index
        %parallel_loop3A_2012 = tpu.vector_load %arg11[%parallel_loop3A_2009, %parallel_loop3A_2010, %parallel_loop3A_2011] {strides = array<i32>} : memref<2x80x128xf32, #tpu.memory_space<vmem>>, vector<1x1x16xf32>,
        %parallel_loop3A_2013 = vector.shape_cast %parallel_loop3A_2012 : vector<1x1x16xf32> to vector<16xf32>
        %parallel_loop3A_2014 = vector.shape_cast %parallel_loop3A_1881 : vector<16xf32> to vector<1x1x16xf32>
        tpu.vector_store %arg11[%parallel_loop3A_2009, %parallel_loop3A_2010, %parallel_loop3A_2011], %parallel_loop3A_2014 {strides = array<i32>} : memref<2x80x128xf32, #tpu.memory_space<vmem>>, vector<1x1x16xf32>,
        %parallel_loop3A_2015 = arith.constant 1 : i32
        %parallel_loop3A_2016 = arith.addi %parallel_loop3A_1942, %parallel_loop3A_2015 : i32
        %parallel_loop3A_2017 = arith.index_cast %rem3A_138 : i32 to index
        %parallel_loop3A_2018 = arith.index_cast %parallel_loop3A_2016 : i32 to index
        %parallel_loop3A_2019 = arith.constant 48 : index
        %parallel_loop3A_2020 = tpu.vector_load %arg11[%parallel_loop3A_2017, %parallel_loop3A_2018, %parallel_loop3A_2019] {strides = array<i32>} : memref<2x80x128xf32, #tpu.memory_space<vmem>>, vector<1x1x16xf32>,
        %parallel_loop3A_2021 = vector.shape_cast %parallel_loop3A_2020 : vector<1x1x16xf32> to vector<16xf32>
        %parallel_loop3A_2022 = vector.shape_cast %parallel_loop3A_1882 : vector<16xf32> to vector<1x1x16xf32>
        tpu.vector_store %arg11[%parallel_loop3A_2017, %parallel_loop3A_2018, %parallel_loop3A_2019], %parallel_loop3A_2022 {strides = array<i32>} : memref<2x80x128xf32, #tpu.memory_space<vmem>>, vector<1x1x16xf32>,
        %parallel_loop3A_2023 = arith.constant 1 : i32
        %parallel_loop3A_2024 = arith.addi %parallel_loop3A_1942, %parallel_loop3A_2023 : i32
        %parallel_loop3A_2025 = arith.index_cast %rem3A_138 : i32 to index
        %parallel_loop3A_2026 = arith.index_cast %parallel_loop3A_2024 : i32 to index
        %parallel_loop3A_2027 = arith.constant 64 : index
        %parallel_loop3A_2028 = tpu.vector_load %arg11[%parallel_loop3A_2025, %parallel_loop3A_2026, %parallel_loop3A_2027] {strides = array<i32>} : memref<2x80x128xf32, #tpu.memory_space<vmem>>, vector<1x1x16xf32>,
        %parallel_loop3A_2029 = vector.shape_cast %parallel_loop3A_2028 : vector<1x1x16xf32> to vector<16xf32>
        %parallel_loop3A_2030 = vector.shape_cast %parallel_loop3A_1883 : vector<16xf32> to vector<1x1x16xf32>
        tpu.vector_store %arg11[%parallel_loop3A_2025, %parallel_loop3A_2026, %parallel_loop3A_2027], %parallel_loop3A_2030 {strides = array<i32>} : memref<2x80x128xf32, #tpu.memory_space<vmem>>, vector<1x1x16xf32>,
        %parallel_loop3A_2031 = arith.constant 1 : i32
        %parallel_loop3A_2032 = arith.addi %parallel_loop3A_1942, %parallel_loop3A_2031 : i32
        %parallel_loop3A_2033 = arith.index_cast %rem3A_138 : i32 to index
        %parallel_loop3A_2034 = arith.index_cast %parallel_loop3A_2032 : i32 to index
        %parallel_loop3A_2035 = arith.constant 80 : index
        %parallel_loop3A_2036 = tpu.vector_load %arg11[%parallel_loop3A_2033, %parallel_loop3A_2034, %parallel_loop3A_2035] {strides = array<i32>} : memref<2x80x128xf32, #tpu.memory_space<vmem>>, vector<1x1x16xf32>,
        %parallel_loop3A_2037 = vector.shape_cast %parallel_loop3A_2036 : vector<1x1x16xf32> to vector<16xf32>
        %parallel_loop3A_2038 = vector.shape_cast %parallel_loop3A_1884 : vector<16xf32> to vector<1x1x16xf32>
        tpu.vector_store %arg11[%parallel_loop3A_2033, %parallel_loop3A_2034, %parallel_loop3A_2035], %parallel_loop3A_2038 {strides = array<i32>} : memref<2x80x128xf32, #tpu.memory_space<vmem>>, vector<1x1x16xf32>,
        %parallel_loop3A_2039 = arith.constant 1 : i32
        %parallel_loop3A_2040 = arith.addi %parallel_loop3A_1942, %parallel_loop3A_2039 : i32
        %parallel_loop3A_2041 = arith.index_cast %rem3A_138 : i32 to index
        %parallel_loop3A_2042 = arith.index_cast %parallel_loop3A_2040 : i32 to index
        %parallel_loop3A_2043 = arith.constant 96 : index
        %parallel_loop3A_2044 = tpu.vector_load %arg11[%parallel_loop3A_2041, %parallel_loop3A_2042, %parallel_loop3A_2043] {strides = array<i32>} : memref<2x80x128xf32, #tpu.memory_space<vmem>>, vector<1x1x16xf32>,
        %parallel_loop3A_2045 = vector.shape_cast %parallel_loop3A_2044 : vector<1x1x16xf32> to vector<16xf32>
        %parallel_loop3A_2046 = vector.shape_cast %parallel_loop3A_1885 : vector<16xf32> to vector<1x1x16xf32>
        tpu.vector_store %arg11[%parallel_loop3A_2041, %parallel_loop3A_2042, %parallel_loop3A_2043], %parallel_loop3A_2046 {strides = array<i32>} : memref<2x80x128xf32, #tpu.memory_space<vmem>>, vector<1x1x16xf32>,
        %parallel_loop3A_2047 = arith.constant 1 : i32
        %parallel_loop3A_2048 = arith.addi %parallel_loop3A_1942, %parallel_loop3A_2047 : i32
        %parallel_loop3A_2049 = arith.index_cast %rem3A_138 : i32 to index
        %parallel_loop3A_2050 = arith.index_cast %parallel_loop3A_2048 : i32 to index
        %parallel_loop3A_2051 = arith.constant 112 : index
        %parallel_loop3A_2052 = tpu.vector_load %arg11[%parallel_loop3A_2049, %parallel_loop3A_2050, %parallel_loop3A_2051] {strides = array<i32>} : memref<2x80x128xf32, #tpu.memory_space<vmem>>, vector<1x1x16xf32>,
        %parallel_loop3A_2053 = vector.shape_cast %parallel_loop3A_2052 : vector<1x1x16xf32> to vector<16xf32>
        %parallel_loop3A_2054 = vector.shape_cast %parallel_loop3A_1886 : vector<16xf32> to vector<1x1x16xf32>
        tpu.vector_store %arg11[%parallel_loop3A_2049, %parallel_loop3A_2050, %parallel_loop3A_2051], %parallel_loop3A_2054 {strides = array<i32>} : memref<2x80x128xf32, #tpu.memory_space<vmem>>, vector<1x1x16xf32>,
        %parallel_loop3A_2055 = arith.constant 14 : i32
        %parallel_loop3A_2056 = vector.broadcast %parallel_loop3A_2055 : i32 to vector<16x1xi32>
        %parallel_loop3A_2057 = vector.shape_cast %parallel_loop3A_2056 : vector<16x1xi32> to vector<16xi32>
        %parallel_loop3A_2058 = tpu.dynamic_gather %parallel_loop3A_210[%parallel_loop3A_2057] in [0] : vector<16xf32>, vector<16xi32> -> vector<16xf32>
        %parallel_loop3A_2059 = arith.constant 15 : i32
        %parallel_loop3A_2060 = vector.broadcast %parallel_loop3A_2059 : i32 to vector<16x1xi32>
        %parallel_loop3A_2061 = vector.shape_cast %parallel_loop3A_2060 : vector<16x1xi32> to vector<16xi32>
        %parallel_loop3A_2062 = tpu.dynamic_gather %parallel_loop3A_210[%parallel_loop3A_2061] in [0] : vector<16xf32>, vector<16xi32> -> vector<16xf32>
        %parallel_loop3A_2063 = arith.constant 16 : i32
        %parallel_loop3A_2064 = vector.broadcast %parallel_loop3A_2063 : i32 to vector<16xi32>
        %parallel_loop3A_2065 = arith.shli %parallel_loop3A_1895, %parallel_loop3A_2064 : vector<16xi32>
        %parallel_loop3A_2066 = tpu.bitcast %parallel_loop3A_2065 : vector<16xi32> -> vector<16xf32>
        %parallel_loop3A_2067 = arith.constant -65536 : i32
        %parallel_loop3A_2068 = vector.broadcast %parallel_loop3A_2067 : i32 to vector<16xi32>
        %parallel_loop3A_2069 = arith.andi %parallel_loop3A_1895, %parallel_loop3A_2068 : vector<16xi32>
        %parallel_loop3A_2070 = tpu.bitcast %parallel_loop3A_2069 : vector<16xi32> -> vector<16xf32>
        %parallel_loop3A_2071 = arith.constant 16 : i32
        %parallel_loop3A_2072 = vector.broadcast %parallel_loop3A_2071 : i32 to vector<16xi32>
        %parallel_loop3A_2073 = arith.shli %parallel_loop3A_1900, %parallel_loop3A_2072 : vector<16xi32>
        %parallel_loop3A_2074 = tpu.bitcast %parallel_loop3A_2073 : vector<16xi32> -> vector<16xf32>
        %parallel_loop3A_2075 = arith.constant -65536 : i32
        %parallel_loop3A_2076 = vector.broadcast %parallel_loop3A_2075 : i32 to vector<16xi32>
        %parallel_loop3A_2077 = arith.andi %parallel_loop3A_1900, %parallel_loop3A_2076 : vector<16xi32>
        %parallel_loop3A_2078 = tpu.bitcast %parallel_loop3A_2077 : vector<16xi32> -> vector<16xf32>
        %parallel_loop3A_2079 = arith.constant 16 : i32
        %parallel_loop3A_2080 = vector.broadcast %parallel_loop3A_2079 : i32 to vector<16xi32>
        %parallel_loop3A_2081 = arith.shli %parallel_loop3A_1905, %parallel_loop3A_2080 : vector<16xi32>
        %parallel_loop3A_2082 = tpu.bitcast %parallel_loop3A_2081 : vector<16xi32> -> vector<16xf32>
        %parallel_loop3A_2083 = arith.constant -65536 : i32
        %parallel_loop3A_2084 = vector.broadcast %parallel_loop3A_2083 : i32 to vector<16xi32>
        %parallel_loop3A_2085 = arith.andi %parallel_loop3A_1905, %parallel_loop3A_2084 : vector<16xi32>
        %parallel_loop3A_2086 = tpu.bitcast %parallel_loop3A_2085 : vector<16xi32> -> vector<16xf32>
        %parallel_loop3A_2087 = arith.constant 16 : i32
        %parallel_loop3A_2088 = vector.broadcast %parallel_loop3A_2087 : i32 to vector<16xi32>
        %parallel_loop3A_2089 = arith.shli %parallel_loop3A_1910, %parallel_loop3A_2088 : vector<16xi32>
        %parallel_loop3A_2090 = tpu.bitcast %parallel_loop3A_2089 : vector<16xi32> -> vector<16xf32>
        %parallel_loop3A_2091 = arith.constant -65536 : i32
        %parallel_loop3A_2092 = vector.broadcast %parallel_loop3A_2091 : i32 to vector<16xi32>
        %parallel_loop3A_2093 = arith.andi %parallel_loop3A_1910, %parallel_loop3A_2092 : vector<16xi32>
        %parallel_loop3A_2094 = tpu.bitcast %parallel_loop3A_2093 : vector<16xi32> -> vector<16xf32>
        %parallel_loop3A_2095 = arith.constant 16 : i32
        %parallel_loop3A_2096 = vector.broadcast %parallel_loop3A_2095 : i32 to vector<16xi32>
        %parallel_loop3A_2097 = arith.shli %parallel_loop3A_1917, %parallel_loop3A_2096 : vector<16xi32>
        %parallel_loop3A_2098 = tpu.bitcast %parallel_loop3A_2097 : vector<16xi32> -> vector<16xf32>
        %parallel_loop3A_2099 = arith.constant -65536 : i32
        %parallel_loop3A_2100 = vector.broadcast %parallel_loop3A_2099 : i32 to vector<16xi32>
        %parallel_loop3A_2101 = arith.andi %parallel_loop3A_1917, %parallel_loop3A_2100 : vector<16xi32>
        %parallel_loop3A_2102 = tpu.bitcast %parallel_loop3A_2101 : vector<16xi32> -> vector<16xf32>
        %parallel_loop3A_2103 = arith.constant 16 : i32
        %parallel_loop3A_2104 = vector.broadcast %parallel_loop3A_2103 : i32 to vector<16xi32>
        %parallel_loop3A_2105 = arith.shli %parallel_loop3A_1924, %parallel_loop3A_2104 : vector<16xi32>
        %parallel_loop3A_2106 = tpu.bitcast %parallel_loop3A_2105 : vector<16xi32> -> vector<16xf32>
        %parallel_loop3A_2107 = arith.constant -65536 : i32
        %parallel_loop3A_2108 = vector.broadcast %parallel_loop3A_2107 : i32 to vector<16xi32>
        %parallel_loop3A_2109 = arith.andi %parallel_loop3A_1924, %parallel_loop3A_2108 : vector<16xi32>
        %parallel_loop3A_2110 = tpu.bitcast %parallel_loop3A_2109 : vector<16xi32> -> vector<16xf32>
        %parallel_loop3A_2111 = arith.constant 16 : i32
        %parallel_loop3A_2112 = vector.broadcast %parallel_loop3A_2111 : i32 to vector<16xi32>
        %parallel_loop3A_2113 = arith.shli %parallel_loop3A_1931, %parallel_loop3A_2112 : vector<16xi32>
        %parallel_loop3A_2114 = tpu.bitcast %parallel_loop3A_2113 : vector<16xi32> -> vector<16xf32>
        %parallel_loop3A_2115 = arith.constant -65536 : i32
        %parallel_loop3A_2116 = vector.broadcast %parallel_loop3A_2115 : i32 to vector<16xi32>
        %parallel_loop3A_2117 = arith.andi %parallel_loop3A_1931, %parallel_loop3A_2116 : vector<16xi32>
        %parallel_loop3A_2118 = tpu.bitcast %parallel_loop3A_2117 : vector<16xi32> -> vector<16xf32>
        %parallel_loop3A_2119 = arith.constant 16 : i32
        %parallel_loop3A_2120 = vector.broadcast %parallel_loop3A_2119 : i32 to vector<16xi32>
        %parallel_loop3A_2121 = arith.shli %parallel_loop3A_1938, %parallel_loop3A_2120 : vector<16xi32>
        %parallel_loop3A_2122 = tpu.bitcast %parallel_loop3A_2121 : vector<16xi32> -> vector<16xf32>
        %parallel_loop3A_2123 = arith.constant -65536 : i32
        %parallel_loop3A_2124 = vector.broadcast %parallel_loop3A_2123 : i32 to vector<16xi32>
        %parallel_loop3A_2125 = arith.andi %parallel_loop3A_1938, %parallel_loop3A_2124 : vector<16xi32>
        %parallel_loop3A_2126 = tpu.bitcast %parallel_loop3A_2125 : vector<16xi32> -> vector<16xf32>
        %parallel_loop3A_2127 = arith.mulf %parallel_loop3A_2066, %parallel_loop3A_2058 : vector<16xf32>
        %parallel_loop3A_2128 = arith.mulf %parallel_loop3A_2070, %parallel_loop3A_2058 : vector<16xf32>
        %parallel_loop3A_2129 = arith.mulf %parallel_loop3A_2074, %parallel_loop3A_2058 : vector<16xf32>
        %parallel_loop3A_2130 = arith.mulf %parallel_loop3A_2078, %parallel_loop3A_2058 : vector<16xf32>
        %parallel_loop3A_2131 = arith.mulf %parallel_loop3A_2082, %parallel_loop3A_2058 : vector<16xf32>
        %parallel_loop3A_2132 = arith.mulf %parallel_loop3A_2086, %parallel_loop3A_2058 : vector<16xf32>
        %parallel_loop3A_2133 = arith.mulf %parallel_loop3A_2090, %parallel_loop3A_2058 : vector<16xf32>
        %parallel_loop3A_2134 = arith.mulf %parallel_loop3A_2094, %parallel_loop3A_2058 : vector<16xf32>
        %parallel_loop3A_2135 = arith.mulf %parallel_loop3A_2098, %parallel_loop3A_2062 : vector<16xf32>
        %parallel_loop3A_2136 = arith.mulf %parallel_loop3A_2102, %parallel_loop3A_2062 : vector<16xf32>
        %parallel_loop3A_2137 = arith.mulf %parallel_loop3A_2106, %parallel_loop3A_2062 : vector<16xf32>
        %parallel_loop3A_2138 = arith.mulf %parallel_loop3A_2110, %parallel_loop3A_2062 : vector<16xf32>
        %parallel_loop3A_2139 = arith.mulf %parallel_loop3A_2114, %parallel_loop3A_2062 : vector<16xf32>
        %parallel_loop3A_2140 = arith.mulf %parallel_loop3A_2118, %parallel_loop3A_2062 : vector<16xf32>
        %parallel_loop3A_2141 = arith.mulf %parallel_loop3A_2122, %parallel_loop3A_2062 : vector<16xf32>
        %parallel_loop3A_2142 = arith.mulf %parallel_loop3A_2126, %parallel_loop3A_2062 : vector<16xf32>
        %parallel_loop3A_2143 = arith.constant 16 : i32
        %parallel_loop3A_2144 = arith.muli %parallel_loop3A_199, %parallel_loop3A_2143 : i32
        %parallel_loop3A_2145 = arith.constant 14 : i32
        %parallel_loop3A_2146 = arith.addi %parallel_loop3A_2144, %parallel_loop3A_2145 : i32
        %parallel_loop3A_2147 = arith.index_cast %rem3A_138 : i32 to index
        %parallel_loop3A_2148 = arith.index_cast %parallel_loop3A_2146 : i32 to index
        %parallel_loop3A_2149 = arith.constant 0 : index
        %parallel_loop3A_2150 = tpu.vector_load %arg11[%parallel_loop3A_2147, %parallel_loop3A_2148, %parallel_loop3A_2149] {strides = array<i32>} : memref<2x80x128xf32, #tpu.memory_space<vmem>>, vector<1x1x16xf32>,
        %parallel_loop3A_2151 = vector.shape_cast %parallel_loop3A_2150 : vector<1x1x16xf32> to vector<16xf32>
        %parallel_loop3A_2152 = vector.shape_cast %parallel_loop3A_2127 : vector<16xf32> to vector<1x1x16xf32>
        tpu.vector_store %arg11[%parallel_loop3A_2147, %parallel_loop3A_2148, %parallel_loop3A_2149], %parallel_loop3A_2152 {strides = array<i32>} : memref<2x80x128xf32, #tpu.memory_space<vmem>>, vector<1x1x16xf32>,
        %parallel_loop3A_2153 = arith.index_cast %rem3A_138 : i32 to index
        %parallel_loop3A_2154 = arith.index_cast %parallel_loop3A_2146 : i32 to index
        %parallel_loop3A_2155 = arith.constant 16 : index
        %parallel_loop3A_2156 = tpu.vector_load %arg11[%parallel_loop3A_2153, %parallel_loop3A_2154, %parallel_loop3A_2155] {strides = array<i32>} : memref<2x80x128xf32, #tpu.memory_space<vmem>>, vector<1x1x16xf32>,
        %parallel_loop3A_2157 = vector.shape_cast %parallel_loop3A_2156 : vector<1x1x16xf32> to vector<16xf32>
        %parallel_loop3A_2158 = vector.shape_cast %parallel_loop3A_2128 : vector<16xf32> to vector<1x1x16xf32>
        tpu.vector_store %arg11[%parallel_loop3A_2153, %parallel_loop3A_2154, %parallel_loop3A_2155], %parallel_loop3A_2158 {strides = array<i32>} : memref<2x80x128xf32, #tpu.memory_space<vmem>>, vector<1x1x16xf32>,
        %parallel_loop3A_2159 = arith.index_cast %rem3A_138 : i32 to index
        %parallel_loop3A_2160 = arith.index_cast %parallel_loop3A_2146 : i32 to index
        %parallel_loop3A_2161 = arith.constant 32 : index
        %parallel_loop3A_2162 = tpu.vector_load %arg11[%parallel_loop3A_2159, %parallel_loop3A_2160, %parallel_loop3A_2161] {strides = array<i32>} : memref<2x80x128xf32, #tpu.memory_space<vmem>>, vector<1x1x16xf32>,
        %parallel_loop3A_2163 = vector.shape_cast %parallel_loop3A_2162 : vector<1x1x16xf32> to vector<16xf32>
        %parallel_loop3A_2164 = vector.shape_cast %parallel_loop3A_2129 : vector<16xf32> to vector<1x1x16xf32>
        tpu.vector_store %arg11[%parallel_loop3A_2159, %parallel_loop3A_2160, %parallel_loop3A_2161], %parallel_loop3A_2164 {strides = array<i32>} : memref<2x80x128xf32, #tpu.memory_space<vmem>>, vector<1x1x16xf32>,
        %parallel_loop3A_2165 = arith.index_cast %rem3A_138 : i32 to index
        %parallel_loop3A_2166 = arith.index_cast %parallel_loop3A_2146 : i32 to index
        %parallel_loop3A_2167 = arith.constant 48 : index
        %parallel_loop3A_2168 = tpu.vector_load %arg11[%parallel_loop3A_2165, %parallel_loop3A_2166, %parallel_loop3A_2167] {strides = array<i32>} : memref<2x80x128xf32, #tpu.memory_space<vmem>>, vector<1x1x16xf32>,
        %parallel_loop3A_2169 = vector.shape_cast %parallel_loop3A_2168 : vector<1x1x16xf32> to vector<16xf32>
        %parallel_loop3A_2170 = vector.shape_cast %parallel_loop3A_2130 : vector<16xf32> to vector<1x1x16xf32>
        tpu.vector_store %arg11[%parallel_loop3A_2165, %parallel_loop3A_2166, %parallel_loop3A_2167], %parallel_loop3A_2170 {strides = array<i32>} : memref<2x80x128xf32, #tpu.memory_space<vmem>>, vector<1x1x16xf32>,
        %parallel_loop3A_2171 = arith.index_cast %rem3A_138 : i32 to index
        %parallel_loop3A_2172 = arith.index_cast %parallel_loop3A_2146 : i32 to index
        %parallel_loop3A_2173 = arith.constant 64 : index
        %parallel_loop3A_2174 = tpu.vector_load %arg11[%parallel_loop3A_2171, %parallel_loop3A_2172, %parallel_loop3A_2173] {strides = array<i32>} : memref<2x80x128xf32, #tpu.memory_space<vmem>>, vector<1x1x16xf32>,
        %parallel_loop3A_2175 = vector.shape_cast %parallel_loop3A_2174 : vector<1x1x16xf32> to vector<16xf32>
        %parallel_loop3A_2176 = vector.shape_cast %parallel_loop3A_2131 : vector<16xf32> to vector<1x1x16xf32>
        tpu.vector_store %arg11[%parallel_loop3A_2171, %parallel_loop3A_2172, %parallel_loop3A_2173], %parallel_loop3A_2176 {strides = array<i32>} : memref<2x80x128xf32, #tpu.memory_space<vmem>>, vector<1x1x16xf32>,
        %parallel_loop3A_2177 = arith.index_cast %rem3A_138 : i32 to index
        %parallel_loop3A_2178 = arith.index_cast %parallel_loop3A_2146 : i32 to index
        %parallel_loop3A_2179 = arith.constant 80 : index
        %parallel_loop3A_2180 = tpu.vector_load %arg11[%parallel_loop3A_2177, %parallel_loop3A_2178, %parallel_loop3A_2179] {strides = array<i32>} : memref<2x80x128xf32, #tpu.memory_space<vmem>>, vector<1x1x16xf32>,
        %parallel_loop3A_2181 = vector.shape_cast %parallel_loop3A_2180 : vector<1x1x16xf32> to vector<16xf32>
        %parallel_loop3A_2182 = vector.shape_cast %parallel_loop3A_2132 : vector<16xf32> to vector<1x1x16xf32>
        tpu.vector_store %arg11[%parallel_loop3A_2177, %parallel_loop3A_2178, %parallel_loop3A_2179], %parallel_loop3A_2182 {strides = array<i32>} : memref<2x80x128xf32, #tpu.memory_space<vmem>>, vector<1x1x16xf32>,
        %parallel_loop3A_2183 = arith.index_cast %rem3A_138 : i32 to index
        %parallel_loop3A_2184 = arith.index_cast %parallel_loop3A_2146 : i32 to index
        %parallel_loop3A_2185 = arith.constant 96 : index
        %parallel_loop3A_2186 = tpu.vector_load %arg11[%parallel_loop3A_2183, %parallel_loop3A_2184, %parallel_loop3A_2185] {strides = array<i32>} : memref<2x80x128xf32, #tpu.memory_space<vmem>>, vector<1x1x16xf32>,
        %parallel_loop3A_2187 = vector.shape_cast %parallel_loop3A_2186 : vector<1x1x16xf32> to vector<16xf32>
        %parallel_loop3A_2188 = vector.shape_cast %parallel_loop3A_2133 : vector<16xf32> to vector<1x1x16xf32>
        tpu.vector_store %arg11[%parallel_loop3A_2183, %parallel_loop3A_2184, %parallel_loop3A_2185], %parallel_loop3A_2188 {strides = array<i32>} : memref<2x80x128xf32, #tpu.memory_space<vmem>>, vector<1x1x16xf32>,
        %parallel_loop3A_2189 = arith.index_cast %rem3A_138 : i32 to index
        %parallel_loop3A_2190 = arith.index_cast %parallel_loop3A_2146 : i32 to index
        %parallel_loop3A_2191 = arith.constant 112 : index
        %parallel_loop3A_2192 = tpu.vector_load %arg11[%parallel_loop3A_2189, %parallel_loop3A_2190, %parallel_loop3A_2191] {strides = array<i32>} : memref<2x80x128xf32, #tpu.memory_space<vmem>>, vector<1x1x16xf32>,
        %parallel_loop3A_2193 = vector.shape_cast %parallel_loop3A_2192 : vector<1x1x16xf32> to vector<16xf32>
        %parallel_loop3A_2194 = vector.shape_cast %parallel_loop3A_2134 : vector<16xf32> to vector<1x1x16xf32>
        tpu.vector_store %arg11[%parallel_loop3A_2189, %parallel_loop3A_2190, %parallel_loop3A_2191], %parallel_loop3A_2194 {strides = array<i32>} : memref<2x80x128xf32, #tpu.memory_space<vmem>>, vector<1x1x16xf32>,
        %parallel_loop3A_2195 = arith.constant 1 : i32
        %parallel_loop3A_2196 = arith.addi %parallel_loop3A_2146, %parallel_loop3A_2195 : i32
        %parallel_loop3A_2197 = arith.index_cast %rem3A_138 : i32 to index
        %parallel_loop3A_2198 = arith.index_cast %parallel_loop3A_2196 : i32 to index
        %parallel_loop3A_2199 = arith.constant 0 : index
        %parallel_loop3A_2200 = tpu.vector_load %arg11[%parallel_loop3A_2197, %parallel_loop3A_2198, %parallel_loop3A_2199] {strides = array<i32>} : memref<2x80x128xf32, #tpu.memory_space<vmem>>, vector<1x1x16xf32>,
        %parallel_loop3A_2201 = vector.shape_cast %parallel_loop3A_2200 : vector<1x1x16xf32> to vector<16xf32>
        %parallel_loop3A_2202 = vector.shape_cast %parallel_loop3A_2135 : vector<16xf32> to vector<1x1x16xf32>
        tpu.vector_store %arg11[%parallel_loop3A_2197, %parallel_loop3A_2198, %parallel_loop3A_2199], %parallel_loop3A_2202 {strides = array<i32>} : memref<2x80x128xf32, #tpu.memory_space<vmem>>, vector<1x1x16xf32>,
        %parallel_loop3A_2203 = arith.constant 1 : i32
        %parallel_loop3A_2204 = arith.addi %parallel_loop3A_2146, %parallel_loop3A_2203 : i32
        %parallel_loop3A_2205 = arith.index_cast %rem3A_138 : i32 to index
        %parallel_loop3A_2206 = arith.index_cast %parallel_loop3A_2204 : i32 to index
        %parallel_loop3A_2207 = arith.constant 16 : index
        %parallel_loop3A_2208 = tpu.vector_load %arg11[%parallel_loop3A_2205, %parallel_loop3A_2206, %parallel_loop3A_2207] {strides = array<i32>} : memref<2x80x128xf32, #tpu.memory_space<vmem>>, vector<1x1x16xf32>,
        %parallel_loop3A_2209 = vector.shape_cast %parallel_loop3A_2208 : vector<1x1x16xf32> to vector<16xf32>
        %parallel_loop3A_2210 = vector.shape_cast %parallel_loop3A_2136 : vector<16xf32> to vector<1x1x16xf32>
        tpu.vector_store %arg11[%parallel_loop3A_2205, %parallel_loop3A_2206, %parallel_loop3A_2207], %parallel_loop3A_2210 {strides = array<i32>} : memref<2x80x128xf32, #tpu.memory_space<vmem>>, vector<1x1x16xf32>,
        %parallel_loop3A_2211 = arith.constant 1 : i32
        %parallel_loop3A_2212 = arith.addi %parallel_loop3A_2146, %parallel_loop3A_2211 : i32
        %parallel_loop3A_2213 = arith.index_cast %rem3A_138 : i32 to index
        %parallel_loop3A_2214 = arith.index_cast %parallel_loop3A_2212 : i32 to index
        %parallel_loop3A_2215 = arith.constant 32 : index
        %parallel_loop3A_2216 = tpu.vector_load %arg11[%parallel_loop3A_2213, %parallel_loop3A_2214, %parallel_loop3A_2215] {strides = array<i32>} : memref<2x80x128xf32, #tpu.memory_space<vmem>>, vector<1x1x16xf32>,
        %parallel_loop3A_2217 = vector.shape_cast %parallel_loop3A_2216 : vector<1x1x16xf32> to vector<16xf32>
        %parallel_loop3A_2218 = vector.shape_cast %parallel_loop3A_2137 : vector<16xf32> to vector<1x1x16xf32>
        tpu.vector_store %arg11[%parallel_loop3A_2213, %parallel_loop3A_2214, %parallel_loop3A_2215], %parallel_loop3A_2218 {strides = array<i32>} : memref<2x80x128xf32, #tpu.memory_space<vmem>>, vector<1x1x16xf32>,
        %parallel_loop3A_2219 = arith.constant 1 : i32
        %parallel_loop3A_2220 = arith.addi %parallel_loop3A_2146, %parallel_loop3A_2219 : i32
        %parallel_loop3A_2221 = arith.index_cast %rem3A_138 : i32 to index
        %parallel_loop3A_2222 = arith.index_cast %parallel_loop3A_2220 : i32 to index
        %parallel_loop3A_2223 = arith.constant 48 : index
        %parallel_loop3A_2224 = tpu.vector_load %arg11[%parallel_loop3A_2221, %parallel_loop3A_2222, %parallel_loop3A_2223] {strides = array<i32>} : memref<2x80x128xf32, #tpu.memory_space<vmem>>, vector<1x1x16xf32>,
        %parallel_loop3A_2225 = vector.shape_cast %parallel_loop3A_2224 : vector<1x1x16xf32> to vector<16xf32>
        %parallel_loop3A_2226 = vector.shape_cast %parallel_loop3A_2138 : vector<16xf32> to vector<1x1x16xf32>
        tpu.vector_store %arg11[%parallel_loop3A_2221, %parallel_loop3A_2222, %parallel_loop3A_2223], %parallel_loop3A_2226 {strides = array<i32>} : memref<2x80x128xf32, #tpu.memory_space<vmem>>, vector<1x1x16xf32>,
        %parallel_loop3A_2227 = arith.constant 1 : i32
        %parallel_loop3A_2228 = arith.addi %parallel_loop3A_2146, %parallel_loop3A_2227 : i32
        %parallel_loop3A_2229 = arith.index_cast %rem3A_138 : i32 to index
        %parallel_loop3A_2230 = arith.index_cast %parallel_loop3A_2228 : i32 to index
        %parallel_loop3A_2231 = arith.constant 64 : index
        %parallel_loop3A_2232 = tpu.vector_load %arg11[%parallel_loop3A_2229, %parallel_loop3A_2230, %parallel_loop3A_2231] {strides = array<i32>} : memref<2x80x128xf32, #tpu.memory_space<vmem>>, vector<1x1x16xf32>,
        %parallel_loop3A_2233 = vector.shape_cast %parallel_loop3A_2232 : vector<1x1x16xf32> to vector<16xf32>
        %parallel_loop3A_2234 = vector.shape_cast %parallel_loop3A_2139 : vector<16xf32> to vector<1x1x16xf32>
        tpu.vector_store %arg11[%parallel_loop3A_2229, %parallel_loop3A_2230, %parallel_loop3A_2231], %parallel_loop3A_2234 {strides = array<i32>} : memref<2x80x128xf32, #tpu.memory_space<vmem>>, vector<1x1x16xf32>,
        %parallel_loop3A_2235 = arith.constant 1 : i32
        %parallel_loop3A_2236 = arith.addi %parallel_loop3A_2146, %parallel_loop3A_2235 : i32
        %parallel_loop3A_2237 = arith.index_cast %rem3A_138 : i32 to index
        %parallel_loop3A_2238 = arith.index_cast %parallel_loop3A_2236 : i32 to index
        %parallel_loop3A_2239 = arith.constant 80 : index
        %parallel_loop3A_2240 = tpu.vector_load %arg11[%parallel_loop3A_2237, %parallel_loop3A_2238, %parallel_loop3A_2239] {strides = array<i32>} : memref<2x80x128xf32, #tpu.memory_space<vmem>>, vector<1x1x16xf32>,
        %parallel_loop3A_2241 = vector.shape_cast %parallel_loop3A_2240 : vector<1x1x16xf32> to vector<16xf32>
        %parallel_loop3A_2242 = vector.shape_cast %parallel_loop3A_2140 : vector<16xf32> to vector<1x1x16xf32>
        tpu.vector_store %arg11[%parallel_loop3A_2237, %parallel_loop3A_2238, %parallel_loop3A_2239], %parallel_loop3A_2242 {strides = array<i32>} : memref<2x80x128xf32, #tpu.memory_space<vmem>>, vector<1x1x16xf32>,
        %parallel_loop3A_2243 = arith.constant 1 : i32
        %parallel_loop3A_2244 = arith.addi %parallel_loop3A_2146, %parallel_loop3A_2243 : i32
        %parallel_loop3A_2245 = arith.index_cast %rem3A_138 : i32 to index
        %parallel_loop3A_2246 = arith.index_cast %parallel_loop3A_2244 : i32 to index
        %parallel_loop3A_2247 = arith.constant 96 : index
        %parallel_loop3A_2248 = tpu.vector_load %arg11[%parallel_loop3A_2245, %parallel_loop3A_2246, %parallel_loop3A_2247] {strides = array<i32>} : memref<2x80x128xf32, #tpu.memory_space<vmem>>, vector<1x1x16xf32>,
        %parallel_loop3A_2249 = vector.shape_cast %parallel_loop3A_2248 : vector<1x1x16xf32> to vector<16xf32>
        %parallel_loop3A_2250 = vector.shape_cast %parallel_loop3A_2141 : vector<16xf32> to vector<1x1x16xf32>
        tpu.vector_store %arg11[%parallel_loop3A_2245, %parallel_loop3A_2246, %parallel_loop3A_2247], %parallel_loop3A_2250 {strides = array<i32>} : memref<2x80x128xf32, #tpu.memory_space<vmem>>, vector<1x1x16xf32>,
        %parallel_loop3A_2251 = arith.constant 1 : i32
        %parallel_loop3A_2252 = arith.addi %parallel_loop3A_2146, %parallel_loop3A_2251 : i32
        %parallel_loop3A_2253 = arith.index_cast %rem3A_138 : i32 to index
        %parallel_loop3A_2254 = arith.index_cast %parallel_loop3A_2252 : i32 to index
        %parallel_loop3A_2255 = arith.constant 112 : index
        %parallel_loop3A_2256 = tpu.vector_load %arg11[%parallel_loop3A_2253, %parallel_loop3A_2254, %parallel_loop3A_2255] {strides = array<i32>} : memref<2x80x128xf32, #tpu.memory_space<vmem>>, vector<1x1x16xf32>,
        %parallel_loop3A_2257 = vector.shape_cast %parallel_loop3A_2256 : vector<1x1x16xf32> to vector<16xf32>
        %parallel_loop3A_2258 = vector.shape_cast %parallel_loop3A_2142 : vector<16xf32> to vector<1x1x16xf32>
        tpu.vector_store %arg11[%parallel_loop3A_2253, %parallel_loop3A_2254, %parallel_loop3A_2255], %parallel_loop3A_2258 {strides = array<i32>} : memref<2x80x128xf32, #tpu.memory_space<vmem>>, vector<1x1x16xf32>,
      } {sc.loop_unroll_factor = 2 : i64, sc.parallel_access}
      %gt3A = arith.constant 0 : i32
      %gt3A_163 = arith.cmpi sgt, %scan3A_133, %gt3A : i32
      %convert_element_type3A_164 = arith.extui %gt3A_163 : i1 to i32
      %cond3A_165 = arith.constant 0 : i32
      %cond3A_166 = arith.cmpi ne, %convert_element_type3A_164, %cond3A_165 : i32
      scf.if %cond3A_166 {
        %add3A_199 = arith.constant 1 : i32
        %add3A_200 = arith.addi %scan3A_133, %add3A_199 : i32
        %rem3A_201 = arith.constant 2 : i32
        %rem3A_202 = arith.remsi %add3A_200, %rem3A_201 : i32
        %dma_wait3A_203 = arith.constant 0 : i32
        %dma_wait3A_204 = arith.constant 0 : i32
        %dma_wait3A_205 = tpu.memref_slice %arg11[%rem3A_202, %dma_wait3A_203, %dma_wait3A_204] : memref<2x80x128xf32, #tpu.memory_space<vmem>> -> memref<1x80x128xf32, #tpu.memory_space<vmem>>
        %dma_wait3A_206 = tpu.memref_squeeze %dma_wait3A_205 : memref<1x80x128xf32, #tpu.memory_space<vmem>> -> memref<80x128xf32, #tpu.memory_space<vmem>>
        %dma_wait3A_207 = arith.constant 0 : i32
        %dma_wait3A_208 = arith.constant 0 : i32
        %dma_wait3A_209 = tpu.memref_slice %arg12[%dma_wait3A_207, %dma_wait3A_208] : memref<10000x128xf32, #tpu.memory_space<vmem_shared>> -> memref<80x128xf32, #tpu.memory_space<vmem_shared>>
        %dma_wait3A_210 = tpu.memref_slice %arg14[%rem3A_202] : memref<2x!tpu.dma_semaphore, #tpu.memory_space<semaphore_mem>> -> memref<1x!tpu.dma_semaphore, #tpu.memory_space<semaphore_mem>>
        %dma_wait3A_211 = tpu.memref_squeeze %dma_wait3A_210 : memref<1x!tpu.dma_semaphore, #tpu.memory_space<semaphore_mem>> -> memref<!tpu.dma_semaphore, #tpu.memory_space<semaphore_mem>>
        %dma_wait3A_212 = arith.constant 0 : i32
        %dma_wait3A_213 = arith.constant 0 : i32
        %dma_wait3A_214 = tpu.memref_slice %arg12[%dma_wait3A_212, %dma_wait3A_213] : memref<10000x128xf32, #tpu.memory_space<vmem_shared>> -> memref<80x128xf32, #tpu.memory_space<vmem_shared>>
        %dma_wait3A_215 = arith.constant 0 : i32
        %dma_wait3A_216 = arith.constant 0 : i32
        %dma_wait3A_217 = tpu.memref_slice %arg11[%rem3A_202, %dma_wait3A_215, %dma_wait3A_216] : memref<2x80x128xf32, #tpu.memory_space<vmem>> -> memref<1x80x128xf32, #tpu.memory_space<vmem>>
        %dma_wait3A_218 = tpu.memref_squeeze %dma_wait3A_217 : memref<1x80x128xf32, #tpu.memory_space<vmem>> -> memref<80x128xf32, #tpu.memory_space<vmem>>
        tpu.wait_dma2 semaphore(%dma_wait3A_211 : memref<!tpu.dma_semaphore, #tpu.memory_space<semaphore_mem>>) src(%dma_wait3A_218 : memref<80x128xf32, #tpu.memory_space<vmem>>) dst(%dma_wait3A_214 : memref<80x128xf32, #tpu.memory_space<vmem_shared>>)
      } else {
      }
      %eq3A_167 = arith.constant 1 : i32
      %eq3A_168 = arith.cmpi eq, %sub3A, %eq3A_167 : i32
      %add3A_169 = arith.constant 1 : i32
      %add3A_170 = arith.addi %div3A_139, %add3A_169 : i32
      %lt3A_171 = arith.constant 25 : i32
      %lt3A_172 = arith.cmpi slt, %add3A_170, %lt3A_171 : i32
      %and3A = arith.andi %eq3A_168, %lt3A_172 : i1
      %convert_element_type3A_173 = arith.extui %and3A : i1 to i32
      %cond3A_174 = arith.constant 0 : i32
      %cond3A_175 = arith.cmpi ne, %convert_element_type3A_173, %cond3A_174 : i32
      scf.if %cond3A_175 {
        %add3A_199 = arith.constant 1 : i32
        %add3A_200 = arith.addi %div3A_139, %add3A_199 : i32
        %rem3A_201 = arith.constant 2 : i32
        %rem3A_202 = arith.remsi %add3A_200, %rem3A_201 : i32
        %mul3A_203 = arith.constant 400 : i32
        %mul3A_204 = arith.muli %add3A_200, %mul3A_203 : i32
        %add3A_205 = arith.addi %mul3A_2, %mul3A_204 : i32
        %mul3A_206 = arith.constant 400 : i32
        %mul3A_207 = arith.muli %rem3A_202, %mul3A_206 : i32
        %dma_start3A_208 = tpu.memref_slice %arg7[%mul3A_207] : memref<800xi32, #tpu.memory_space<vmem>> -> memref<400xi32, #tpu.memory_space<vmem>>
        %dma_start3A_209 = tpu.memref_slice %arg3[%add3A_205] : memref<320000xi32, #tpu.memory_space<hbm>> -> memref<400xi32, #tpu.memory_space<hbm>>
        %dma_start3A_210 = tpu.memref_slice %arg7[%mul3A_207] : memref<800xi32, #tpu.memory_space<vmem>> -> memref<400xi32, #tpu.memory_space<vmem>>
        %dma_start3A_211 = tpu.memref_slice %arg3[%add3A_205] : memref<320000xi32, #tpu.memory_space<hbm>> -> memref<400xi32, #tpu.memory_space<hbm>>
        tpu.enqueue_dma source(%dma_start3A_211 : memref<400xi32, #tpu.memory_space<hbm>>) target(%dma_start3A_210 : memref<400xi32, #tpu.memory_space<vmem>>) target_semaphore(%arg15 : memref<!tpu.dma_semaphore, #tpu.memory_space<semaphore_mem>>)
        %mul3A_212 = arith.constant 400 : i32
        %mul3A_213 = arith.muli %rem3A_202, %mul3A_212 : i32
        %dma_start3A_214 = tpu.memref_slice %arg8[%mul3A_213] : memref<800xi32, #tpu.memory_space<vmem>> -> memref<400xi32, #tpu.memory_space<vmem>>
        %dma_start3A_215 = tpu.memref_slice %arg4[%add3A_205] : memref<320000xi32, #tpu.memory_space<hbm>> -> memref<400xi32, #tpu.memory_space<hbm>>
        %dma_start3A_216 = tpu.memref_slice %arg8[%mul3A_213] : memref<800xi32, #tpu.memory_space<vmem>> -> memref<400xi32, #tpu.memory_space<vmem>>
        %dma_start3A_217 = tpu.memref_slice %arg4[%add3A_205] : memref<320000xi32, #tpu.memory_space<hbm>> -> memref<400xi32, #tpu.memory_space<hbm>>
        tpu.enqueue_dma source(%dma_start3A_217 : memref<400xi32, #tpu.memory_space<hbm>>) target(%dma_start3A_216 : memref<400xi32, #tpu.memory_space<vmem>>) target_semaphore(%arg15 : memref<!tpu.dma_semaphore, #tpu.memory_space<semaphore_mem>>)
        %mul3A_218 = arith.constant 400 : i32
        %mul3A_219 = arith.muli %rem3A_202, %mul3A_218 : i32
        %dma_start3A_220 = tpu.memref_slice %arg9[%mul3A_219] : memref<800xf32, #tpu.memory_space<vmem>> -> memref<400xf32, #tpu.memory_space<vmem>>
        %dma_start3A_221 = tpu.memref_slice %arg5[%add3A_205] : memref<320000xf32, #tpu.memory_space<hbm>> -> memref<400xf32, #tpu.memory_space<hbm>>
        %dma_start3A_222 = tpu.memref_slice %arg9[%mul3A_219] : memref<800xf32, #tpu.memory_space<vmem>> -> memref<400xf32, #tpu.memory_space<vmem>>
        %dma_start3A_223 = tpu.memref_slice %arg5[%add3A_205] : memref<320000xf32, #tpu.memory_space<hbm>> -> memref<400xf32, #tpu.memory_space<hbm>>
        tpu.enqueue_dma source(%dma_start3A_223 : memref<400xf32, #tpu.memory_space<hbm>>) target(%dma_start3A_222 : memref<400xf32, #tpu.memory_space<vmem>>) target_semaphore(%arg15 : memref<!tpu.dma_semaphore, #tpu.memory_space<semaphore_mem>>)
      } else {
      }
      %add3A_176 = arith.constant 2 : i32
      %add3A_177 = arith.addi %scan3A_133, %add3A_176 : i32
      %lt3A_178 = arith.constant 125 : i32
      %lt3A_179 = arith.cmpi slt, %add3A_177, %lt3A_178 : i32
      %convert_element_type3A_180 = arith.extui %lt3A_179 : i1 to i32
      %cond3A_181 = arith.constant 0 : i32
      %cond3A_182 = arith.cmpi ne, %convert_element_type3A_180, %cond3A_181 : i32
      scf.if %cond3A_182 {
        %add3A_199 = arith.constant 2 : i32
        %add3A_200 = arith.addi %scan3A_133, %add3A_199 : i32
        %div3A_201 = arith.constant 5 : i32
        %div3A_202 = arith.divsi %add3A_200, %div3A_201 : i32
        %mul3A_203 = arith.constant 5 : i32
        %mul3A_204 = arith.muli %div3A_202, %mul3A_203 : i32
        %sub3A_205 = arith.subi %add3A_200, %mul3A_204 : i32
        %eq3A_206 = arith.constant 0 : i32
        %eq3A_207 = arith.cmpi eq, %sub3A_205, %eq3A_206 : i32
        %ge3A = arith.constant 1 : i32
        %ge3A_208 = arith.cmpi sge, %div3A_202, %ge3A : i32
        %and3A_209 = arith.andi %eq3A_207, %ge3A_208 : i1
        %convert_element_type3A_210 = arith.extui %and3A_209 : i1 to i32
        %cond3A_211 = arith.constant 0 : i32
        %cond3A_212 = arith.cmpi ne, %convert_element_type3A_210, %cond3A_211 : i32
        scf.if %cond3A_212 {
          %rem3A_232 = arith.constant 2 : i32
          %rem3A_233 = arith.remsi %div3A_202, %rem3A_232 : i32
          %mul3A_234 = arith.constant 400 : i32
          %mul3A_235 = arith.muli %rem3A_233, %mul3A_234 : i32
          %dma_wait3A_236 = tpu.memref_slice %arg7[%mul3A_235] : memref<800xi32, #tpu.memory_space<vmem>> -> memref<400xi32, #tpu.memory_space<vmem>>
          %dma_wait3A_237 = arith.constant 0 : i32
          %dma_wait3A_238 = tpu.memref_slice %arg3[%dma_wait3A_237] : memref<320000xi32, #tpu.memory_space<hbm>> -> memref<400xi32, #tpu.memory_space<hbm>>
          %dma_wait3A_239 = tpu.memref_slice %arg7[%mul3A_235] : memref<800xi32, #tpu.memory_space<vmem>> -> memref<400xi32, #tpu.memory_space<vmem>>
          %dma_wait3A_240 = arith.constant 0 : i32
          %dma_wait3A_241 = tpu.memref_slice %arg3[%dma_wait3A_240] : memref<320000xi32, #tpu.memory_space<hbm>> -> memref<400xi32, #tpu.memory_space<hbm>>
          tpu.wait_dma2 semaphore(%arg15 : memref<!tpu.dma_semaphore, #tpu.memory_space<semaphore_mem>>) src(%dma_wait3A_241 : memref<400xi32, #tpu.memory_space<hbm>>) dst(%dma_wait3A_239 : memref<400xi32, #tpu.memory_space<vmem>>)
          %mul3A_242 = arith.constant 400 : i32
          %mul3A_243 = arith.muli %rem3A_233, %mul3A_242 : i32
          %dma_wait3A_244 = tpu.memref_slice %arg8[%mul3A_243] : memref<800xi32, #tpu.memory_space<vmem>> -> memref<400xi32, #tpu.memory_space<vmem>>
          %dma_wait3A_245 = arith.constant 0 : i32
          %dma_wait3A_246 = tpu.memref_slice %arg4[%dma_wait3A_245] : memref<320000xi32, #tpu.memory_space<hbm>> -> memref<400xi32, #tpu.memory_space<hbm>>
          %dma_wait3A_247 = tpu.memref_slice %arg8[%mul3A_243] : memref<800xi32, #tpu.memory_space<vmem>> -> memref<400xi32, #tpu.memory_space<vmem>>
          %dma_wait3A_248 = arith.constant 0 : i32
          %dma_wait3A_249 = tpu.memref_slice %arg4[%dma_wait3A_248] : memref<320000xi32, #tpu.memory_space<hbm>> -> memref<400xi32, #tpu.memory_space<hbm>>
          tpu.wait_dma2 semaphore(%arg15 : memref<!tpu.dma_semaphore, #tpu.memory_space<semaphore_mem>>) src(%dma_wait3A_249 : memref<400xi32, #tpu.memory_space<hbm>>) dst(%dma_wait3A_247 : memref<400xi32, #tpu.memory_space<vmem>>)
          %mul3A_250 = arith.constant 400 : i32
          %mul3A_251 = arith.muli %rem3A_233, %mul3A_250 : i32
          %dma_wait3A_252 = tpu.memref_slice %arg9[%mul3A_251] : memref<800xf32, #tpu.memory_space<vmem>> -> memref<400xf32, #tpu.memory_space<vmem>>
          %dma_wait3A_253 = arith.constant 0 : i32
          %dma_wait3A_254 = tpu.memref_slice %arg5[%dma_wait3A_253] : memref<320000xf32, #tpu.memory_space<hbm>> -> memref<400xf32, #tpu.memory_space<hbm>>
          %dma_wait3A_255 = tpu.memref_slice %arg9[%mul3A_251] : memref<800xf32, #tpu.memory_space<vmem>> -> memref<400xf32, #tpu.memory_space<vmem>>
          %dma_wait3A_256 = arith.constant 0 : i32
          %dma_wait3A_257 = tpu.memref_slice %arg5[%dma_wait3A_256] : memref<320000xf32, #tpu.memory_space<hbm>> -> memref<400xf32, #tpu.memory_space<hbm>>
          tpu.wait_dma2 semaphore(%arg15 : memref<!tpu.dma_semaphore, #tpu.memory_space<semaphore_mem>>) src(%dma_wait3A_257 : memref<400xf32, #tpu.memory_space<hbm>>) dst(%dma_wait3A_255 : memref<400xf32, #tpu.memory_space<vmem>>)
        } else {
        }
        %rem3A_213 = arith.constant 2 : i32
        %rem3A_214 = arith.remsi %div3A_202, %rem3A_213 : i32
        %rem3A_215 = arith.constant 3 : i32
        %rem3A_216 = arith.remsi %add3A_200, %rem3A_215 : i32
        %mul3A_217 = arith.constant 400 : i32
        %mul3A_218 = arith.muli %rem3A_214, %mul3A_217 : i32
        %mul3A_219 = arith.constant 80 : i32
        %mul3A_220 = arith.muli %sub3A_205, %mul3A_219 : i32
        %add3A_221 = arith.addi %mul3A_218, %mul3A_220 : i32
        %dma_start3A_222 = arith.constant 0 : i32
        %dma_start3A_223 = arith.constant 0 : i32
        %dma_start3A_224 = tpu.memref_slice %arg10[%rem3A_216, %dma_start3A_222, %dma_start3A_223] : memref<3x80x64xi32, #tpu.memory_space<vmem>> -> memref<1x80x64xi32, #tpu.memory_space<vmem>>
        %dma_start3A_225 = tpu.memref_squeeze %dma_start3A_224 : memref<1x80x64xi32, #tpu.memory_space<vmem>> -> memref<80x64xi32, #tpu.memory_space<vmem>>
        %dma_start3A_226 = tpu.memref_slice %arg7[%add3A_221] : memref<800xi32, #tpu.memory_space<vmem>> -> memref<80xi32, #tpu.memory_space<vmem>>
        %dma_start3A_227 = arith.constant 0 : i32
        %dma_start3A_228 = arith.constant 0 : i32
        %dma_start3A_229 = tpu.memref_slice %arg2[%dma_start3A_227, %dma_start3A_228] : memref<10000x64xi32, #tpu.memory_space<hbm>> -> memref<10000x64xi32, #tpu.memory_space<hbm>>
        %dma_start3A_230 = tpu.memref_slice %arg13[%rem3A_216] : memref<3x!tpu.dma_semaphore, #tpu.memory_space<semaphore_mem>> -> memref<1x!tpu.dma_semaphore, #tpu.memory_space<semaphore_mem>>
        %dma_start3A_231 = tpu.memref_squeeze %dma_start3A_230 : memref<1x!tpu.dma_semaphore, #tpu.memory_space<semaphore_mem>> -> memref<!tpu.dma_semaphore, #tpu.memory_space<semaphore_mem>>
        tpu.enqueue_indirect_dma source(%dma_start3A_229 : memref<10000x64xi32, #tpu.memory_space<hbm>>) target(%dma_start3A_225 : memref<80x64xi32, #tpu.memory_space<vmem>>) offsets(%dma_start3A_226 : memref<80xi32, #tpu.memory_space<vmem>>) semaphore(%dma_start3A_231 : memref<!tpu.dma_semaphore, #tpu.memory_space<semaphore_mem>>)
      } else {
      }
      %mul3A_183 = arith.constant 400 : i32
      %mul3A_184 = arith.muli %rem3A_143, %mul3A_183 : i32
      %mul3A_185 = arith.constant 80 : i32
      %mul3A_186 = arith.muli %sub3A, %mul3A_185 : i32
      %add3A_187 = arith.addi %mul3A_184, %mul3A_186 : i32
      %dma_start3A_188 = arith.constant 0 : i32
      %dma_start3A_189 = arith.constant 0 : i32
      %dma_start3A_190 = tpu.memref_slice %arg11[%rem3A_138, %dma_start3A_188, %dma_start3A_189] : memref<2x80x128xf32, #tpu.memory_space<vmem>> -> memref<1x80x128xf32, #tpu.memory_space<vmem>>
      %dma_start3A_191 = tpu.memref_squeeze %dma_start3A_190 : memref<1x80x128xf32, #tpu.memory_space<vmem>> -> memref<80x128xf32, #tpu.memory_space<vmem>>
      %dma_start3A_192 = tpu.memref_slice %arg8[%add3A_187] : memref<800xi32, #tpu.memory_space<vmem>> -> memref<80xi32, #tpu.memory_space<vmem>>
      %dma_start3A_193 = arith.constant 0 : i32
      %dma_start3A_194 = arith.constant 0 : i32
      %dma_start3A_195 = tpu.memref_slice %arg12[%dma_start3A_193, %dma_start3A_194] : memref<10000x128xf32, #tpu.memory_space<vmem_shared>> -> memref<10000x128xf32, #tpu.memory_space<vmem_shared>>
      %dma_start3A_196 = tpu.memref_slice %arg14[%rem3A_138] : memref<2x!tpu.dma_semaphore, #tpu.memory_space<semaphore_mem>> -> memref<1x!tpu.dma_semaphore, #tpu.memory_space<semaphore_mem>>
      %dma_start3A_197 = tpu.memref_squeeze %dma_start3A_196 : memref<1x!tpu.dma_semaphore, #tpu.memory_space<semaphore_mem>> -> memref<!tpu.dma_semaphore, #tpu.memory_space<semaphore_mem>>
      tpu.enqueue_indirect_dma source(%dma_start3A_191 : memref<80x128xf32, #tpu.memory_space<vmem>>) target(%dma_start3A_195 : memref<10000x128xf32, #tpu.memory_space<vmem_shared>>) offsets(%dma_start3A_192 : memref<80xi32, #tpu.memory_space<vmem>>) semaphore(%dma_start3A_197 : memref<!tpu.dma_semaphore, #tpu.memory_space<semaphore_mem>>) {add = true}
      %scan3A_198 = arith.constant 0 : i32
      scf.yield %scan3A_198 : i32
    }
    %scan3A_106 = arith.constant 125 : i32
    %rem3A_107 = arith.constant 124 : i32
    %rem3A_108 = arith.constant 2 : i32
    %rem3A_109 = arith.remsi %rem3A_107, %rem3A_108 : i32
    %dma_wait3A_110 = arith.constant 0 : i32
    %dma_wait3A_111 = arith.constant 0 : i32
    %dma_wait3A_112 = tpu.memref_slice %arg11[%rem3A_109, %dma_wait3A_110, %dma_wait3A_111] : memref<2x80x128xf32, #tpu.memory_space<vmem>> -> memref<1x80x128xf32, #tpu.memory_space<vmem>>
    %dma_wait3A_113 = tpu.memref_squeeze %dma_wait3A_112 : memref<1x80x128xf32, #tpu.memory_space<vmem>> -> memref<80x128xf32, #tpu.memory_space<vmem>>
    %dma_wait3A_114 = arith.constant 0 : i32
    %dma_wait3A_115 = arith.constant 0 : i32
    %dma_wait3A_116 = tpu.memref_slice %arg12[%dma_wait3A_114, %dma_wait3A_115] : memref<10000x128xf32, #tpu.memory_space<vmem_shared>> -> memref<80x128xf32, #tpu.memory_space<vmem_shared>>
    %dma_wait3A_117 = tpu.memref_slice %arg14[%rem3A_109] : memref<2x!tpu.dma_semaphore, #tpu.memory_space<semaphore_mem>> -> memref<1x!tpu.dma_semaphore, #tpu.memory_space<semaphore_mem>>
    %dma_wait3A_118 = tpu.memref_squeeze %dma_wait3A_117 : memref<1x!tpu.dma_semaphore, #tpu.memory_space<semaphore_mem>> -> memref<!tpu.dma_semaphore, #tpu.memory_space<semaphore_mem>>
    %dma_wait3A_119 = arith.constant 0 : i32
    %dma_wait3A_120 = arith.constant 0 : i32
    %dma_wait3A_121 = tpu.memref_slice %arg12[%dma_wait3A_119, %dma_wait3A_120] : memref<10000x128xf32, #tpu.memory_space<vmem_shared>> -> memref<80x128xf32, #tpu.memory_space<vmem_shared>>
    %dma_wait3A_122 = arith.constant 0 : i32
    %dma_wait3A_123 = arith.constant 0 : i32
    %dma_wait3A_124 = tpu.memref_slice %arg11[%rem3A_109, %dma_wait3A_122, %dma_wait3A_123] : memref<2x80x128xf32, #tpu.memory_space<vmem>> -> memref<1x80x128xf32, #tpu.memory_space<vmem>>
    %dma_wait3A_125 = tpu.memref_squeeze %dma_wait3A_124 : memref<1x80x128xf32, #tpu.memory_space<vmem>> -> memref<80x128xf32, #tpu.memory_space<vmem>>
    tpu.wait_dma2 semaphore(%dma_wait3A_118 : memref<!tpu.dma_semaphore, #tpu.memory_space<semaphore_mem>>) src(%dma_wait3A_125 : memref<80x128xf32, #tpu.memory_space<vmem>>) dst(%dma_wait3A_121 : memref<80x128xf32, #tpu.memory_space<vmem_shared>>)
    %barrier3A_126 = arith.constant 0 : index
    tpu.barrier barrier_id(%barrier3A_126)
    %lt3A = arith.constant 15 : i32
    %lt3A_127 = arith.cmpi slt, %arg1, %lt3A : i32
    %convert_element_type3A = arith.extui %lt3A_127 : i1 to i32
    %cond3A = arith.constant 0 : i32
    %cond3A_128 = arith.cmpi ne, %convert_element_type3A, %cond3A : i32
    scf.if %cond3A_128 {
      %mul3A_133 = arith.constant 624 : i32
      %mul3A_134 = arith.muli %arg1, %mul3A_133 : i32
      %mul3A_135 = arith.constant 624 : i32
      %mul3A_136 = arith.muli %arg1, %mul3A_135 : i32
      "tpu.region"() ({
        %run_scoped3A_137 = tpu.sem_alloc : memref<!tpu.dma_semaphore, #tpu.memory_space<semaphore_mem>>
        %dma_start3A_138 = arith.constant 0 : i32
        %dma_start3A_139 = tpu.memref_slice %arg6[%arg0, %mul3A_136, %dma_start3A_138] : memref<2x10000x128xf32, #tpu.memory_space<hbm>> -> memref<1x624x128xf32, #tpu.memory_space<hbm>>
        %dma_start3A_140 = tpu.memref_squeeze %dma_start3A_139 : memref<1x624x128xf32, #tpu.memory_space<hbm>> -> memref<624x128xf32, #tpu.memory_space<hbm>>
        %dma_start3A_141 = arith.constant 0 : i32
        %dma_start3A_142 = tpu.memref_slice %arg12[%mul3A_134, %dma_start3A_141] : memref<10000x128xf32, #tpu.memory_space<vmem_shared>> -> memref<624x128xf32, #tpu.memory_space<vmem_shared>>
        tpu.enqueue_dma source(%dma_start3A_142 : memref<624x128xf32, #tpu.memory_space<vmem_shared>>) target(%dma_start3A_140 : memref<624x128xf32, #tpu.memory_space<hbm>>) target_semaphore(%run_scoped3A_137 : memref<!tpu.dma_semaphore, #tpu.memory_space<semaphore_mem>>)
        %dma_wait3A_143 = arith.constant 0 : i32
        %dma_wait3A_144 = tpu.memref_slice %arg6[%arg0, %mul3A_136, %dma_wait3A_143] : memref<2x10000x128xf32, #tpu.memory_space<hbm>> -> memref<1x624x128xf32, #tpu.memory_space<hbm>>
        %dma_wait3A_145 = tpu.memref_squeeze %dma_wait3A_144 : memref<1x624x128xf32, #tpu.memory_space<hbm>> -> memref<624x128xf32, #tpu.memory_space<hbm>>
        %dma_wait3A_146 = arith.constant 0 : i32
        %dma_wait3A_147 = tpu.memref_slice %arg12[%mul3A_134, %dma_wait3A_146] : memref<10000x128xf32, #tpu.memory_space<vmem_shared>> -> memref<624x128xf32, #tpu.memory_space<vmem_shared>>
        tpu.wait_dma2 semaphore(%run_scoped3A_137 : memref<!tpu.dma_semaphore, #tpu.memory_space<semaphore_mem>>) src(%dma_wait3A_147 : memref<624x128xf32, #tpu.memory_space<vmem_shared>>) dst(%dma_wait3A_145 : memref<624x128xf32, #tpu.memory_space<hbm>>)
        tpu.yield
      }) : () -> ()
    } else {
    }
    %eq3A = arith.constant 15 : i32
    %eq3A_129 = arith.cmpi eq, %arg1, %eq3A : i32
    %convert_element_type3A_130 = arith.extui %eq3A_129 : i1 to i32
    %cond3A_131 = arith.constant 0 : i32
    %cond3A_132 = arith.cmpi ne, %convert_element_type3A_130, %cond3A_131 : i32
    scf.if %cond3A_132 {
      "tpu.region"() ({
        %run_scoped3A_133 = tpu.sem_alloc : memref<!tpu.dma_semaphore, #tpu.memory_space<semaphore_mem>>
        %dma_start3A_134 = arith.constant 9360 : i32
        %dma_start3A_135 = arith.constant 0 : i32
        %dma_start3A_136 = tpu.memref_slice %arg6[%arg0, %dma_start3A_134, %dma_start3A_135] : memref<2x10000x128xf32, #tpu.memory_space<hbm>> -> memref<1x640x128xf32, #tpu.memory_space<hbm>>
        %dma_start3A_137 = tpu.memref_squeeze %dma_start3A_136 : memref<1x640x128xf32, #tpu.memory_space<hbm>> -> memref<640x128xf32, #tpu.memory_space<hbm>>
        %dma_start3A_138 = arith.constant 9360 : i32
        %dma_start3A_139 = arith.constant 0 : i32
        %dma_start3A_140 = tpu.memref_slice %arg12[%dma_start3A_138, %dma_start3A_139] : memref<10000x128xf32, #tpu.memory_space<vmem_shared>> -> memref<640x128xf32, #tpu.memory_space<vmem_shared>>
        tpu.enqueue_dma source(%dma_start3A_140 : memref<640x128xf32, #tpu.memory_space<vmem_shared>>) target(%dma_start3A_137 : memref<640x128xf32, #tpu.memory_space<hbm>>) target_semaphore(%run_scoped3A_133 : memref<!tpu.dma_semaphore, #tpu.memory_space<semaphore_mem>>)
        %dma_wait3A_141 = arith.constant 9360 : i32
        %dma_wait3A_142 = arith.constant 0 : i32
        %dma_wait3A_143 = tpu.memref_slice %arg6[%arg0, %dma_wait3A_141, %dma_wait3A_142] : memref<2x10000x128xf32, #tpu.memory_space<hbm>> -> memref<1x640x128xf32, #tpu.memory_space<hbm>>
        %dma_wait3A_144 = tpu.memref_squeeze %dma_wait3A_143 : memref<1x640x128xf32, #tpu.memory_space<hbm>> -> memref<640x128xf32, #tpu.memory_space<hbm>>
        %dma_wait3A_145 = arith.constant 9360 : i32
        %dma_wait3A_146 = arith.constant 0 : i32
        %dma_wait3A_147 = tpu.memref_slice %arg12[%dma_wait3A_145, %dma_wait3A_146] : memref<10000x128xf32, #tpu.memory_space<vmem_shared>> -> memref<640x128xf32, #tpu.memory_space<vmem_shared>>
        tpu.wait_dma2 semaphore(%run_scoped3A_133 : memref<!tpu.dma_semaphore, #tpu.memory_space<semaphore_mem>>) src(%dma_wait3A_147 : memref<640x128xf32, #tpu.memory_space<vmem_shared>>) dst(%dma_wait3A_144 : memref<640x128xf32, #tpu.memory_space<hbm>>)
        tpu.yield
      }) : () -> ()
    } else {
    }
    return
  }
}

module attributes {stable_mosaic.version = 14 : i64} {
  func.func @_mm_body(%arg0: i32, %arg1: memref<1000x128xf32, #tpu.memory_space<vmem>>, %arg2: memref<1000x128xf32, #tpu.memory_space<vmem>>, %arg3: memref<128x128xf32, #tpu.memory_space<vmem>>, %arg4: memref<1x128xf32, #tpu.memory_space<vmem>>, %arg5: memref<1000x128xf32, #tpu.memory_space<vmem>>) attributes {dimension_semantics = [#tpu.dimension_semantics<arbitrary>], iteration_bounds = array<i64: 10>, scalar_prefetch = 0 : i64, scratch_operands = 0 : i64, tpu.core_type = #tpu.core_type<tc>, window_params = [{transform_indices = @transform_0, window_bounds = array<i64: 1000, 128>}, {transform_indices = @transform_1, window_bounds = array<i64: 1000, 128>}, {pipeline_mode = #tpu.pipeline_mode<synchronous>, transform_indices = @transform_2, window_bounds = array<i64: 128, 128>}, {pipeline_mode = #tpu.pipeline_mode<synchronous>, transform_indices = @transform_3, window_bounds = array<i64: 1, 128>}, {transform_indices = @transform_4, window_bounds = array<i64: 1000, 128>}]} {
    %get3A = arith.constant 0 : index
    %get3A_0 = arith.constant 0 : index
    %get3A_1 = vector.load %arg1[%get3A, %get3A_0] : memref<1000x128xf32, #tpu.memory_space<vmem>>, vector<1000x128xf32>
    %get3A_2 = arith.constant 0 : index
    %get3A_3 = arith.constant 0 : index
    %get3A_4 = vector.load %arg2[%get3A_2, %get3A_3] : memref<1000x128xf32, #tpu.memory_space<vmem>>, vector<1000x128xf32>
    %add3A = arith.addf %get3A_1, %get3A_4 : vector<1000x128xf32>
    %get3A_5 = arith.constant 0 : index
    %get3A_6 = arith.constant 0 : index
    %get3A_7 = vector.load %arg3[%get3A_5, %get3A_6] : memref<128x128xf32, #tpu.memory_space<vmem>>, vector<128x128xf32>
    %dot_general3A = arith.constant dense<0.000000e+00> : vector<1000x128xf32>
    %dot_general3A_8 = tpu.matmul %add3A, %get3A_7, %dot_general3A {dimension_numbers = #tpu.dot_dimension_numbers<[1], [0], [0], [1], [0, 0, 1, 1], [], []>, transpose_lhs_hint = false} : vector<1000x128xf32>, vector<128x128xf32>, vector<1000x128xf32> -> vector<1000x128xf32>
    %get3A_9 = arith.constant 0 : index
    %get3A_10 = arith.constant 0 : index
    %get3A_11 = vector.load %arg4[%get3A_9, %get3A_10] : memref<1x128xf32, #tpu.memory_space<vmem>>, vector<1x128xf32>
    %add3A_12 = vector.broadcast %get3A_11 : vector<1x128xf32> to vector<1000x128xf32>
    %add3A_13 = arith.addf %dot_general3A_8, %add3A_12 : vector<1000x128xf32>
    %swap3A = arith.constant 0 : index
    %swap3A_14 = arith.constant 0 : index
    %swap3A_15 = vector.load %arg5[%swap3A, %swap3A_14] : memref<1000x128xf32, #tpu.memory_space<vmem>>, vector<1000x128xf32>
    tpu.vector_store %arg5[%swap3A, %swap3A_14], %add3A_13 {strides = array<i32>} : memref<1000x128xf32, #tpu.memory_space<vmem>>, vector<1000x128xf32>,
    return
  }
  func.func @transform_0(%arg0: i32) -> (i32, i32) {
    %c0_i32 = arith.constant 0 : i32
    %c0_i32_0 = arith.constant 0 : i32
    return %arg0, %c0_i32 : i32, i32
  }
  func.func @transform_1(%arg0: i32) -> (i32, i32) {
    %c0_i32 = arith.constant 0 : i32
    %c0_i32_0 = arith.constant 0 : i32
    return %arg0, %c0_i32 : i32, i32
  }
  func.func @transform_2(%arg0: i32) -> (i32, i32) {
    %c0_i32 = arith.constant 0 : i32
    %c0_i32_0 = arith.constant 0 : i32
    %c0_i32_1 = arith.constant 0 : i32
    return %c0_i32, %c0_i32_0 : i32, i32
  }
  func.func @transform_3(%arg0: i32) -> (i32, i32) {
    %c0_i32 = arith.constant 0 : i32
    %c0_i32_0 = arith.constant 0 : i32
    %c0_i32_1 = arith.constant 0 : i32
    return %c0_i32, %c0_i32_0 : i32, i32
  }
  func.func @transform_4(%arg0: i32) -> (i32, i32) {
    %c0_i32 = arith.constant 0 : i32
    %c0_i32_0 = arith.constant 0 : i32
    return %arg0, %c0_i32 : i32, i32
  }
}

</mosaic_0001>

<sc_bundles>
// kernel: kernel.4.cloned.1.call-start
scs
__scs_entry_jumppad:
0x0: {  	(pc) =	sbr.rel $0x88, $3  }
0x1: {  	(tag) =	ssettag $0x0;
	lr =	simm.s32 $0x1  }
0x2: {  	[smem:$0x3F9C] =	sst lr;
	_ =	strace $0xD0000000  }
0x3: {  	_ = 	snop  }
0x4: {  	_ = 	snop  }
0x5: {  	_ = 	snop  }
0x6: {  	_ = 	snop  }
0x7: {  	_ = 	snop  }
__scs_overlays_trampoline_lowered:
0x8: {  	[smem:$0x3FAB] =	sst s0  }
0x9: {  	[smem:$0x3FAC] =	sst s1  }
0xa: {  	[smem:$0x3FAD] =	sst s2  }
0xb: {  	[smem:$0x3FAE] =	sst s3  }
0xc: {  	[smem:$0x3FAF] =	sst s4  }
0xd: {  	[smem:$0x3FB0] =	sst s5  }
0xe: {  	[smem:$0x3FB1] =	sst s6  }
0xf: {  	[smem:$0x3FB2] =	sst s7  }
0x10: {  	[smem:$0x3FB3] =	sst s8  }
0x11: {  	[smem:$0x3FB4] =	sst s9;
	s0 =	simm.s32 @!p0 $0x0  }
0x12: {  	s1 =	sld [smem:$0x3F9A];
	s0 =	simm.s32 @p0 $0x1  }
0x13: {  	[smem:$0x3FB5] =	sst s0;
	s0 =	simm.s32 @!p1 $0x0  }
0x14: {  	s2 =	sld [smem:$0x3F99];
	s0 =	simm.s32 @p1 $0x1  }
0x15: {  	[smem:$0x3FB6] =	sst s0;
	s0 =	simm.s32 @!p2 $0x0  }
0x16: {  	s3 =	sld [smem:$0x3FDB];
	s0 =	simm.s32 @p2 $0x1  }
0x17: {  	s4 =	simm.s32 $0x1BF5;
	[smem:$0x3FB8] =	sst s0  }
0x18: {  	s0 =	sld [smem:$0x3F9B];
	_ =	swait.ge [sflag:s4], $0x0  }
0x19: {  	s7 =	sld [smem:$0x3F9C]  }
0x1a: {  	s8 =	sadd.s32 $0xFFFFE003, lr  }
0x1b: {  	s9 =	sadd.s32 $0xFFFFFEF7, lr;
	s5 =	simm.s32 $0xFFFFFFFF;
	p2 =	slt.u32 s8, $0xFFFFF086  }
0x1c: {  	p1 =	slt.u32 s9, $0xF7A;
	s5 =	simm.s32 @!p2 $0x0  }
0x1d: {  	s5 =	simm.s32 @p1 $0x1;
	p0 =	seq.s32 s7, s2  }
0x1e: {  	s7 =	smul.u32 @!p0 $0xF7A, s2;
	p2 =	seq.s32 @!p0 s5, $0x0  }
0x1f: {  	s9 =	smul.u32 $0xF7A, s1;
	s8 =	simm.s32 @!p0 $0x1BF5;
	p2 =	por !p2, p0  }
0x20: {  	[sflag:s8] =	ssyncset.s32 @!p0 $0xFFFFF086;
	s6 =	sadd.s32 @!p0 s3, s7;
	s7 =	simm.s32 @!p0 $0x108  }
0x21: {  	s3 =	sadd.s32 s3, s9;
	s6 =	sadd.s32 @!p0 $0x88, s6;
	s7 =	simm.s32 @p2 $0x1082  }
0x22: {  	[simem:s7], [sflag:s8] =	dma.local @!p0 [hbm:s6], $0xF7A  }
0x23: {  	s9 =	sor.u32 $0xD0000000, s2;
	s6 =	simm.s32 $0x108;
	_ =	swait.ge @!p0 [sflag:s8], $0x0  }
0x24: {  	s3 =	sadd.s32 $0x88, s3;
	s6 =	simm.s32 @!p1 $0x1082;
	[sflag:s4] =	ssyncset.s32 $0xFFFFF086  }
0x25: {  	[simem:s6], [sflag:s4] =	dma.local [hbm:s3], $0xF7A  }
0x26: {  	[smem:$0x3F9C] =	sst s1;
	(tag) =	ssettag s2;
	_ =	strace s9  }
0x27: {  	s1 =	sld [smem:$0x3FAC]  }
0x28: {  	s2 =	sld [smem:$0x3FAD]  }
0x29: {  	s4 =	sld [smem:$0x3FAF]  }
0x2a: {  	p0 =	seq.s32 s5, $0x0;
	s5 =	sld [smem:$0x3FB0]  }
0x2b: {  	s6 =	sld [smem:$0x3FB1]  }
0x2c: {  	s7 =	sld [smem:$0x3FB2]  }
0x2d: {  	s3 =	simm.s32 $0x108;
	s8 =	sld [smem:$0x3FB3]  }
0x2e: {  	s3 =	simm.s32 @!p0 $0x1082;
	s9 =	sld [smem:$0x3FB4]  }
0x2f: {  	lr =	sadd.s32 s0, s3;
	s0 =	sld [smem:$0x3FAB]  }
0x30: {  	s3 =	sld [smem:$0x3FAE]  }
0x31: {  	[smem:$0x3FB7] =	sst s10  }
0x32: {  	s10 =	sld [smem:$0x3FB5];
	_ =	sdelay $0x3  }
0x33: {  	p0 =	seq.s32 s10, $0x1;
	s10 =	sld [smem:$0x3FB7];
	_ =	sdelay $0x3  }
0x34: {  	[smem:$0x3FB7] =	sst s10  }
0x35: {  	s10 =	sld [smem:$0x3FB6];
	_ =	sdelay $0x3  }
0x36: {  	p1 =	seq.s32 s10, $0x1;
	s10 =	sld [smem:$0x3FB7];
	_ =	sdelay $0x3  }
0x37: {  	[smem:$0x3FB7] =	sst s10  }
0x38: {  	s10 =	sld [smem:$0x3FB8]  }
0x39: {  	_ = 	snop;
	(pc) =	sbr.ind lr, $3  }
0x3a: {  	_ = 	snop  }
0x3b: {  	_ = 	snop  }
0x3c: {  	p2 =	seq.s32 s10, $0x1;
	s10 =	sld [smem:$0x3FB7]  }
0x3d: {  	_ =	shalt  }
0x3e: {  	_ =	shalt  }
0x3f: {  	_ =	shalt  }
0x40: {  	_ =	shalt  }
0x41: {  	_ =	shalt  }
0x42: {  	_ =	shalt  }
0x43: {  	_ =	shalt  }
0x44: {  	_ =	shalt  }
0x45: {  	_ =	shalt  }
0x46: {  	_ =	shalt  }
0x47: {  	_ =	shalt  }
0x48: {  	_ =	shalt  }
0x49: {  	_ =	shalt  }
0x4a: {  	_ =	shalt  }
0x4b: {  	_ =	shalt  }
0x4c: {  	_ =	shalt  }
0x4d: {  	_ =	shalt  }
0x4e: {  	_ =	shalt  }
0x4f: {  	_ =	shalt  }
0x50: {  	_ =	shalt  }
0x51: {  	_ =	shalt  }
0x52: {  	_ =	shalt  }
0x53: {  	_ =	shalt  }
0x54: {  	_ =	shalt  }
0x55: {  	_ =	shalt  }
0x56: {  	_ =	shalt  }
0x57: {  	_ =	shalt  }
0x58: {  	_ =	shalt  }
0x59: {  	_ =	shalt  }
0x5a: {  	_ =	shalt  }
0x5b: {  	_ =	shalt  }
0x5c: {  	_ =	shalt  }
0x5d: {  	_ =	shalt  }
0x5e: {  	_ =	shalt  }
0x5f: {  	_ =	shalt  }
0x60: {  	_ =	shalt  }
0x61: {  	_ =	shalt  }
0x62: {  	_ =	shalt  }
0x63: {  	_ =	shalt  }
0x64: {  	_ =	shalt  }
0x65: {  	_ =	shalt  }
0x66: {  	_ =	shalt  }
0x67: {  	_ =	shalt  }
0x68: {  	_ =	shalt  }
0x69: {  	_ =	shalt  }
0x6a: {  	_ =	shalt  }
0x6b: {  	_ =	shalt  }
0x6c: {  	_ =	shalt  }
0x6d: {  	_ =	shalt  }
0x6e: {  	_ =	shalt  }
0x6f: {  	_ =	shalt  }
0x70: {  	_ =	shalt  }
0x71: {  	_ =	shalt  }
0x72: {  	_ =	shalt  }
0x73: {  	_ =	shalt  }
0x74: {  	_ =	shalt  }
0x75: {  	_ =	shalt  }
0x76: {  	_ =	shalt  }
0x77: {  	_ =	shalt  }
0x78: {  	_ =	shalt  }
0x79: {  	_ =	shalt  }
0x7a: {  	_ =	shalt  }
0x7b: {  	_ =	shalt  }
0x7c: {  	_ =	shalt  }
0x7d: {  	_ =	shalt  }
0x7e: {  	_ =	shalt  }
0x7f: {  	_ =	shalt  }
0x80: {  	_ =	shalt  }
0x81: {  	_ =	shalt  }
0x82: {  	_ =	shalt  }
0x83: {  	_ =	shalt  }
0x84: {  	_ =	shalt  }
0x85: {  	_ =	shalt  }
0x86: {  	_ =	shalt  }
0x87: {  	_ =	shalt  }
.Lfunc_end0:
.L_simem_size_0:
called_computation_lowered:
.L_overlay_start_0:
0x88: {  	s2 =	sld [smem:$0x3FD9]  }
0x89: {  	s3 =	sld [smem:$0x3FFE];
	_ =	sdelay $0x1  }
0x8a: {  	s1 =	srdreg.scid  }
0x8b: {  	s0 =	sand.u32 $0x1, s1  }
0x8c: {  	s17 =	sshll.u32 s0, $0xA;
	s2 =	sadd.s32 s3, s2  }
0x8d: {  	s2 =	sadd.s32 s2, s17  }
0x8e: {  	[smem:$0x3FC3] =	sst s2  }
0x8f: {  	_ = 	snop  }
0x90: {  	s2 =	sld [smem:$0x3FC7]  }
0x91: {  	s18 =	sld [smem:$0x3FD0];
	(tm) =	ssettm $0x1  }
0x92: {  	s4 =	sld [smem:$0x3FFB];
	_ =	sdelay $0x3  }
0x93: {  	_ =	strace s4  }
0x94: {  	s4 =	sld [smem:$0x3FFC];
	_ =	sdelay $0x3  }
0x95: {  	_ =	strace s4  }
0x96: {  	s4 =	sld [smem:$0x3FFD];
	_ =	sdelay $0x3  }
0x97: {  	_ =	strace s4  }
0x98: {  	_ =	strace $0x8FFFFFFF  }
0x99: {  	s19 =	sld [smem:$0x3FDB];
	_ =	sdelay $0x1  }
0x9a: {  	s5 =	simm.s32 $_scs_section_size  }
0x9b: {  	s6 =	simm.s32 $_size__tile_overlayer_lowered;
	s7 =	simm.s32 $_tile_overlayer_lowered  }
0x9c: {  	s22 =	simm.s32 $0x1BFF;
	s21 =	sshll.u32 s7, $0x1;
	s4 =	sadd.s32 s5, s19  }
0x9d: {  	s8 =	simm.s32 $0x0;
	s20 =	sshll.u32 s6, $0x1;
	s6 =	sadd.s32 s21, s4  }
0x9e: {  	[timem:s8], [sflag:s22] =	dma.local [hbm:s6], s20  }
0x9f: {  	_ =	swait.ge [sflag:s22], s20  }
0xa0: {  	s5 =	ssub.s32 $0x0, s20;
	[sflag:s22] =	ssyncset.done $0x0  }
0xa1: {  	[sflag:s22] =	ssyncadd.s32 s5;
	_ =	sdelay $0x1  }
0xa2: {  	s23 =	simm.s32 $0x1B8B  }
0xa3: {  	_ =	swait.ge [sflag:s23], $0x1  }
0xa4: {  	[sflag:s23] =	ssyncset.done $0x0  }
0xa5: {  	s25 =	simm.s32 $0x1B8E;
	s24 =	sld [smem:$0x3FFE];
	[sflag:s23] =	ssyncadd.s32 $0xFFFFFFFF  }
0xa6: {  	s26 =	simm.s32 $execute0_lowered;
	[smem:$0x3FD2] =	sst s25  }
0xa7: {  	s6 =	sshll.u32 s26, $0x1;
	_ =	strace $0x80000046;
	[dreg:$0x1] =	wrdreg $0xFFFFFFFF  }
0xa8: {  	s28 =	simm.s32 $_size_execute0_lowered;
	s4 =	sadd.s32 s4, s6;
	[dreg:$0x0] =	wrdreg $0x0  }
0xa9: {  	s6 =	sshll.u32 s28, $0x1;
	[dreg:$0x2] =	wrdreg s4  }
0xaa: {  	[dreg:$0x3] =	wrdreg s6  }
0xab: {  	[dreg:$0x4] =	wrdreg $0xC0  }
0xac: {  	_ =	task [dreg:s8], $0x5FFFF  }
0xad: {  	[dreg:$0x1] =	wrdreg $0xFFFFFFFF  }
0xae: {  	[dreg:$0x0] =	wrdreg $0x60  }
0xaf: {  	[dreg:$0x2] =	wrdreg s18  }
0xb0: {  	[dreg:$0x3] =	wrdreg s24  }
0xb1: {  	[dreg:$0x4] =	wrdreg s2  }
0xb2: {  	[dreg:$0x5] =	wrdreg $0x95600  }
0xb3: {  	[dreg:$0x6] =	wrdreg $0x9  }
0xb4: {  	_ =	task.clear_ibuf [dreg:s8], $0x7FFFF;
	_ =	strace $0x90000046  }
0xb5: {  	s29 =	simm.s32 $0x9;
	_ =	strace $0x80000048  }
0xb6: {  	_ =	swait.ge [sflag:s29], $0x1  }
0xb7: {  	[sflag:s29] =	ssyncadd.s32 $0xFFFFFFFF  }
0xb8: {  	_ =	strace $0x90000048  }
0xb9: {  	_ =	sfence  }
0xba: {  	s30 =	sld [smem:$0x0];
	_ =	sdelay $0x2  }
0xbb: {  	s31 =	sshll.u32 s1, $0xD;
	s1 =	sshrl.u32 s1, $0x2  }
0xbc: {  	s3 =	sand.u32 $0x4000, s31;
	s1 =	sadd.s32 s1, s30  }
0xbd: {  	s0 =	sor.u32 s3, s0;
	s1 =	sshll.u32 s1, $0x11  }
0xbe: {  	s0 =	sor.u32 s1, s0  }
0xbf: {  	s0 =	sadd.s32 $0x8F2B, s0  }
0xc0: {  	[sflag:s0] =	ssyncadd.remote.s32 $0x1  }
0xc1: {  	_ =	sfence.sel $0xFFFF  }
0xc2: {  	[dreg:$0x0] =	wrdreg $0xFFFFFFFF;
	(pc) =	sbr.abs _section_cstart, $3  }
0xc3: {  	[dreg:$0x1] =	wrdreg $0xFFFFFFFF  }
0xc4: {  	_ =	task.clear_ibuf [dreg:s8], $0x2FFFF;
	_ =	strace $0x9FFFFFFF  }
0xc5: {  	(tm) =	ssettm $0x7FFFFFFF  }
tec
execute0_lowered:
.L_overlay_start_1:
0x0: {  	(tag) =	ssettag $0x1  }
0x1: {  	s1 =	rddreg [dreg:$0x0]  }
0x2: {  	s2 =	rddreg [dreg:$0x1]  }
0x3: {  	s3 =	rddreg [dreg:$0x2]  }
0x4: {  	s4 =	rddreg [dreg:$0x3]  }
0x5: {  	s6 =	simm.s32 $0x0;
	s0 =	srdreg.scid;
	s13 =	stileid.u32  }
0x6: {  	s30 =	simm.s32 $0x6;
	[smem:$0x7FF] =	sst s6;
	s5 =	smul.u32 $0x4E200, s13  }
0x7: {  	s0 =	sand.u32 $0x1, s0;
	s7 =	sadd.s32 $0x9E00, s2;
	s8 =	sadd.s32 $0x13C00, s2  }
0x8: {  	s23 =	smul.u32 $0x13800, s13;
	_ =	strace $0x80000047;
	s5 =	sshrl.u32 s5, $0x2  }
0x9: {  	s9 =	ssub.s32 $0x2, s0;
	s11 =	sshll.u32 s0, $0x4;
	s12 =	sadd.s32 s5, s4  }
0xa: {  	s0 =	smul.u32 $0x138800, s0;
	s5 =	sadd.s32 $0x2800, s12;
	[dreg:$0x5] =	wrdreg s12  }
0xb: {  	s10 =	sshrl.u32 s9, $0x1;
	s18 =	sadd.s32 $0x5000, s12;
	[dreg:$0x6] =	wrdreg s5  }
0xc: {  	s17 =	sor.u32 s13, s11;
	s19 =	sadd.s32 $0x7800, s12;
	[dreg:$0x7] =	wrdreg s18  }
0xd: {  	s10 =	ssub.s32 s9, s10;
	s20 =	sadd.s32 $0xA000, s12;
	[dreg:$0x8] =	wrdreg s19  }
0xe: {  	s9 =	smul.u32 $0x2710, s17;
	s21 =	sadd.s32 $0xC800, s12;
	[dreg:$0x9] =	wrdreg s20  }
0xf: {  	s26 =	sadd.s32 s23, s0;
	s14 =	sadd.s32 $0xF000, s12;
	[dreg:$0xa] =	wrdreg s21  }
0x10: {  	s0 =	sshrl.u32 s0, $0x3;
	s12 =	sadd.s32 $0x11800, s12;
	[dreg:$0xb] =	wrdreg s14  }
0x11: {  	s0 =	sadd.s32 s8, s0;
	s29 =	smax.u32 s10, $0x1;
	[dreg:$0xc] =	wrdreg s12  }
0x12: {  	s22 =	sshrl.u32 s9, $0x3;
	s0 =	sadd.s32 $0x24900, s0;
	[dreg:$0x12] =	wrdreg s29  }
0x13: {  	p0 =	seq.s32 s13, $0xF;
	s24 =	sadd.s32 s7, s22;
	[dreg:$0x11] =	wrdreg s0  }
0x14: {  	v0 =	vimm.f32 $0.0e+00;
	v1 =	vimm.s32 $0x0;
	s28 =	sshrl.u32 s26, $0x3;
	s25 =	sadd.s32 s2, s22;
	[dreg:$0xd] =	wrdreg s24  }
.Ltmp0:
0x15: {  	v2 =	vimm.s32 $0x1;
	v3 =	vimm.s32 $0x2;
	v4 =	vimm.s32 $0x3;
	s5 =	sadd.s32 s3, s22;
	[dreg:$0xe] =	wrdreg s25;
	(pc) =	sbr.rel .LBB2_1-.Ltmp0, $4  }
0x16: {  	v5 =	vimm.s32 $0x4;
	v6 =	vimm.s32 $0x5;
	v7 =	vimm.s32 $0x6;
	s0 =	sadd.s32 $0x124800, s4;
	[dreg:$0xf] =	wrdreg s5;
	s5 =	sadd.s32 s8, s28  }
0x17: {  	v8 =	vimm.s32 $0x7;
	v9 =	vimm.s32 $0x8;
	v10 =	vimm.s32 $0x9;
	s0 =	sshrl.u32 @p0 s0, $0x3;
	[dreg:$0x10] =	wrdreg s5;
	s5 =	sadd.s32 s23, s4  }
0x18: {  	v11 =	vimm.s32 $0xA;
	v12 =	vimm.s32 $0xB;
	v13 =	vimm.s32 $0xC;
	s31 =	simm.s32 $0x50;
	[dreg:$0x13] =	wrdreg s0;
	s0 =	sshrl.u32 @!p0 s5, $0x3  }
0x19: {  	v14 =	vimm.s32 $0xD;
	v15 =	vimm.s32 $0xE;
	v16 =	vimm.s32 $0xF;
	s26 =	simm.s32 $0x7;
	[dreg:$0x14] =	wrdreg s0;
	s0 =	simm.s32 $0x0  }
.LBB2_14:
0x1a: {  	s5 =	simm.s32 $0x4  }
0x1b: {  	_ =	swait.ge [sflag:s5], $0x2800  }
0x1c: {  	[sflag:s5] =	ssyncset.done $0x0  }
0x1d: {  	[sflag:s5] =	ssyncadd.s32 $0xFFFFD800  }
0x1e: {  	[bflag:$0x0] =	sbarrier.arrive $0xFFFF  }
0x1f: {  	s8 =	rddreg [dreg:$0x11]  }
0x20: {  	s5 =	simm.s32 @p0 $0x1FC7;
	s10 =	rddreg [dreg:$0x13]  }
0x21: {  	[hbm:s8], [sflag:s5] =	dma.local @p0 [spmem:s10], $0x2800  }
0x22: {  	s5 =	simm.s32 @p0 $0x7  }
0x23: {  	s8 =	stileid.u32;
	_ =	swait.ge @p0 [sflag:s5], $0x2800  }
0x24: {  	s8 =	sshll.u32 @!p0 s8, $0x6;
	[sflag:s5] =	ssyncset.done @p0 $0x0;
	s10 =	rddreg [dreg:$0x14]  }
0x25: {  	[sflag:s5] =	ssyncadd.s32 @p0 $0xFFFFD800;
	s5 =	sor.u32 @!p0 $0x1C07, s8;
	s8 =	rddreg [dreg:$0x10]  }
0x26: {  	[hbm:s8], [sflag:s5] =	dma.local @!p0 [spmem:s10], $0x2700  }
0x27: {  	s5 =	simm.s32 @!p0 $0x7  }
0x28: {  	_ =	swait.ge @!p0 [sflag:s5], $0x2700  }
0x29: {  	s0 =	sadd.s32 $0x1, s0;
	s29 =	rddreg [dreg:$0x12]  }
0x2a: {  	p1 =	sne.s32 s0, s29  }
.Ltmp1:
0x2b: {  	_ = 	snop;
	(pc) =	sbr.rel @!p1 .LBB2_15-.Ltmp1, $3  }
0x2c: {  	_ =	sdelay $0x1  }
0x2d: {  	[sflag:s5] =	ssyncset.done @!p0 $0x0  }
0x2e: {  	[sflag:s5] =	ssyncadd.s32 @!p0 $0xFFFFD900  }
.LBB2_1:
0x2f: {  	s5 =	simm.s32 $0x0;
	s8 =	simm.s32 $0x200  }
.LBB2_2:
0x30: {  	p1 =	sne.s32 s8, $0x9E00;
	[tilespmem:s5+$0x45D0] =	vst v0  }
0x31: {  	[tilespmem:s5+$0x4560] =	vst v0  }
0x32: {  	[tilespmem:s5+$0x4570] =	vst v0  }
.Ltmp2:
0x33: {  	[tilespmem:s5+$0x4580] =	vst v0;
	(pc) =	sbr.rel @p1 .LBB2_2-.Ltmp2, $4  }
0x34: {  	[tilespmem:s5+$0x4590] =	vst v0  }
0x35: {  	[tilespmem:s5+$0x45A0] =	vst v0  }
0x36: {  	[tilespmem:s5+$0x45B0] =	vst v0  }
0x37: {  	[tilespmem:s5+$0x45C0] =	vst v0;
	s5 =	sshra.s32 s8, $0x2;
	s8 =	sadd.s32 $0x200, s8  }
0x38: {  	[tilespmem:s5+$0x45D0] =	vst v0  }
0x39: {  	[tilespmem:s5+$0x4560] =	vst v0  }
0x3a: {  	[tilespmem:s5+$0x4570] =	vst v0  }
0x3b: {  	[tilespmem:s5+$0x4580] =	vst v0  }
0x3c: {  	[tilespmem:s5+$0x4590] =	vst v0  }
0x3d: {  	[tilespmem:s5+$0x45A0] =	vst v0  }
0x3e: {  	[tilespmem:s5+$0x45B0] =	vst v0  }
0x3f: {  	[tilespmem:s5+$0x45C0] =	vst v0  }
0x40: {  	s8 =	simm.s32 $0x4560;
	s5 =	rddreg [dreg:$0x5]  }
0x41: {  	[spmem:s5] =	stream.linear.scatter [tilespmem:s8], [sflag:$0x7], $0x2800, $0x38;
	[tilespmem:$0x1CDE0] =	vst v63  }
0x42: {  	_ =	swait.ge [sflag:s26], $0x2800  }
0x43: {  	[sflag:s26] =	ssyncset.done $0x0  }
0x44: {  	s13 =	rddreg [dreg:$0x6];
	[sflag:s26] =	ssyncadd.s32 $0xFFFFD800  }
0x45: {  	[spmem:s13] =	stream.linear.scatter [tilespmem:s8], [sflag:$0x7], $0x2800, $0x38;
	[tilespmem:$0x1CDE0] =	vst v63  }
0x46: {  	_ =	swait.ge [sflag:s26], $0x2800  }
0x47: {  	[sflag:s26] =	ssyncset.done $0x0  }
0x48: {  	s14 =	rddreg [dreg:$0x7];
	[sflag:s26] =	ssyncadd.s32 $0xFFFFD800  }
0x49: {  	[spmem:s14] =	stream.linear.scatter [tilespmem:s8], [sflag:$0x7], $0x2800, $0x38;
	[tilespmem:$0x1CDE0] =	vst v63  }
0x4a: {  	_ =	swait.ge [sflag:s26], $0x2800  }
0x4b: {  	[sflag:s26] =	ssyncset.done $0x0  }
0x4c: {  	s15 =	rddreg [dreg:$0x8];
	[sflag:s26] =	ssyncadd.s32 $0xFFFFD800  }
0x4d: {  	[spmem:s15] =	stream.linear.scatter [tilespmem:s8], [sflag:$0x7], $0x2800, $0x38;
	[tilespmem:$0x1CDE0] =	vst v63  }
0x4e: {  	_ =	swait.ge [sflag:s26], $0x2800  }
0x4f: {  	[sflag:s26] =	ssyncset.done $0x0  }
0x50: {  	s16 =	rddreg [dreg:$0x9];
	[sflag:s26] =	ssyncadd.s32 $0xFFFFD800  }
0x51: {  	[spmem:s16] =	stream.linear.scatter [tilespmem:s8], [sflag:$0x7], $0x2800, $0x38;
	[tilespmem:$0x1CDE0] =	vst v63  }
0x52: {  	_ =	swait.ge [sflag:s26], $0x2800  }
0x53: {  	[sflag:s26] =	ssyncset.done $0x0  }
0x54: {  	s17 =	rddreg [dreg:$0xa];
	[sflag:s26] =	ssyncadd.s32 $0xFFFFD800  }
0x55: {  	[spmem:s17] =	stream.linear.scatter [tilespmem:s8], [sflag:$0x7], $0x2800, $0x38;
	[tilespmem:$0x1CDE0] =	vst v63  }
0x56: {  	_ =	swait.ge [sflag:s26], $0x2800  }
0x57: {  	[sflag:s26] =	ssyncset.done $0x0  }
0x58: {  	s18 =	rddreg [dreg:$0xb];
	[sflag:s26] =	ssyncadd.s32 $0xFFFFD800  }
0x59: {  	[spmem:s18] =	stream.linear.scatter [tilespmem:s8], [sflag:$0x7], $0x2800, $0x38;
	[tilespmem:$0x1CDE0] =	vst v63  }
0x5a: {  	_ =	swait.ge [sflag:s26], $0x2800  }
0x5b: {  	[sflag:s26] =	ssyncset.done $0x0  }
0x5c: {  	s19 =	rddreg [dreg:$0xc];
	[sflag:s26] =	ssyncadd.s32 $0xFFFFD800  }
0x5d: {  	[spmem:s19] =	stream.linear.scatter [tilespmem:s8], [sflag:$0x7], $0x2080, $0x38;
	[tilespmem:$0x1CDE0] =	vst v63  }
0x5e: {  	_ =	swait.ge [sflag:s26], $0x2080  }
0x5f: {  	[sflag:s26] =	ssyncset.done $0x0  }
0x60: {  	s28 =	simm.s32 $0x0;
	s20 =	rddreg [dreg:$0xd];
	[sflag:s26] =	ssyncadd.s32 $0xFFFFDF80  }
0x61: {  	[tilespmem:s28], [sflag:$0x6] =	stream.linear.gather [hbm4b:s20+s28], $0x190, $0x38;
	[tilespmem:$0x1CDE0] =	vst v63  }
0x62: {  	s22 =	simm.s32 $0x320;
	s21 =	rddreg [dreg:$0xe]  }
0x63: {  	[tilespmem:s22], [sflag:$0x6] =	stream.linear.gather [hbm4b:s21+s28], $0x190, $0x38;
	[tilespmem:$0x1CDE0] =	vst v63  }
0x64: {  	s24 =	simm.s32 $0x640;
	s23 =	rddreg [dreg:$0xf]  }
0x65: {  	[tilespmem:s24], [sflag:$0x6] =	stream.linear.gather [hbm4b:s23+s28], $0x190, $0x38;
	[tilespmem:$0x1CDE0] =	vst v63  }
0x66: {  	[bflag:$0x0] =	sbarrier.arrive $0xFFFF  }
0x67: {  	_ =	swait.ge [sflag:s30], $0x190  }
0x68: {  	[sflag:s30] =	ssyncset.done $0x0  }
0x69: {  	[sflag:s30] =	ssyncadd.s32 $0xFFFFFE70  }
0x6a: {  	_ =	swait.ge [sflag:s30], $0x190  }
0x6b: {  	[sflag:s30] =	ssyncset.done $0x0  }
0x6c: {  	[sflag:s30] =	ssyncadd.s32 $0xFFFFFE70  }
0x6d: {  	_ =	swait.ge [sflag:s30], $0x190  }
.Ltmp3:
0x6e: {  	[sflag:s30] =	ssyncset.done $0x0;
	(pc) =	sbr.rel .LBB2_4-.Ltmp3, $4  }
0x6f: {  	s25 =	simm.s32 $0x960;
	[sflag:s30] =	ssyncadd.s32 $0xFFFFFE70  }
0x70: {  	[tilespmem:s25], [sflag:$0x1] =	stream.indirect.gather [hbm4b:s1+s31], $0x40, s28, s31, $0xb8;
	[tilespmem:$0x1CDE0] =	vst v63  }
0x71: {  	s29 =	simm.s32 $0x1D60  }
0x72: {  	[tilespmem:s29], [sflag:$0x2] =	stream.indirect.gather [hbm4b:s1+s31], $0x40, s31, s31, $0xb8;
	[tilespmem:$0x1CDE0] =	vst v63  }
.LBB2_7:
0x73: {  	s8 =	simm.s32 $0x0;
	s12 =	simm.s32 $0x2;
	s11 =	simm.s32 $0x2  }
.LBB2_12:
0x74: {  	s13 =	smul.u32 $0xAB, s11;
	_ =	sdelay $0x1  }
0x75: {  	s13 =	sshrl.u32 s13, $0x9  }
0x76: {  	s13 =	sand.u32 $0x7F, s13  }
0x77: {  	s13 =	smul.u32 $0x3, s13;
	_ =	sdelay $0x1  }
0x78: {  	s25 =	ssub.s32 s11, s13  }
0x79: {  	s12 =	smul.u32 $0x140, s12;
	s11 =	sand.u32 $0xFF, s25  }
0x7a: {  	s8 =	sand.u32 $0x1, s8;
	s29 =	smul.u32 $0x5000, s11  }
0x7b: {  	p1 =	seq.s32 s8, $0x1;
	s8 =	simm.s32 $0x190  }
0x7c: {  	s8 =	simm.s32 @!p1 $0x0;
	s12 =	sshra.s32 s12, $0x2;
	s13 =	sshrl.u32 s29, $0x2  }
0x7d: {  	s8 =	sadd.s32 s12, s8;
	s11 =	sadd.s32 $0x1, s11;
	s13 =	sadd.s32 $0x960, s13  }
0x7e: {  	[tilespmem:s13], [sflag:s11] =	stream.indirect.gather [hbm4b:s1+s31], $0x40, s8, s31, $0xb8;
	[tilespmem:$0x1CDE0] =	vst v63  }
.LBB2_13:
0x7f: {  	s28 =	sadd.s32 $0x1, s28  }
0x80: {  	p1 =	sne.s32 s28, $0x7D  }
.Ltmp4:
0x81: {  	_ = 	snop;
	(pc) =	sbr.rel @!p1 .LBB2_14-.Ltmp4, $3  }
0x82: {  	_ =	sdelay $0x1  }
0x83: {  	s8 =	sadd.s32 $0x320, s15;
	s5 =	sor.u32 $0x4, s5  }
0x84: {  	[spmem:s4] =	stream.indirect.scatter.add.f32 [tilespmem:s10], [sflag:s5], $0x80, s8, s31, $0xb8;
	[tilespmem:$0x1CDE0] =	vst v63  }
.LBB2_4:
0x85: {  	s8 =	smul.u32 $0xCD, s28  }
0x86: {  	s5 =	smul.u32 $0xAB, s28  }
0x87: {  	s8 =	sshrl.u32 s8, $0xA  }
0x88: {  	s5 =	sshrl.u32 s5, $0x9;
	s11 =	sand.u32 $0x3F, s8  }
0x89: {  	s5 =	sand.u32 $0x7F, s5;
	s10 =	smul.u32 $0xFFFFFFFB, s11  }
0x8a: {  	s15 =	sand.u32 $0x1, s8;
	s5 =	smul.u32 $0x3, s5  }
0x8b: {  	s8 =	smul.u32 $0x640, s15;
	s12 =	sadd.s32 s28, s10  }
0x8c: {  	s5 =	ssub.s32 s28, s5;
	s13 =	smul.u32 $0x140, s12  }
0x8d: {  	s25 =	sand.u32 $0xFF, s5  }
0x8e: {  	s8 =	sshrl.u32 s8, $0x2;
	s10 =	smul.u32 $0x5000, s25;
	s13 =	sshra.s32 s13, $0x2  }
0x8f: {  	s5 =	sand.u32 $0x1, s28;
	s8 =	sadd.s32 s13, s8  }
0x90: {  	s17 =	smul.u32 $0xA000, s5;
	s14 =	sshrl.u32 s10, $0x2;
	s8 =	sadd.s32 $0x640, s8  }
0x91: {  	s16 =	sadd.s32 $0x1, s25;
	s29 =	sadd.s32 $0x960, s14;
	v17 =	vmov s8  }
0x92: {  	_ =	swait.ge [sflag:s16], $0x1400;
	s13 =	sshrl.u32 s17, $0x2;
	v18 =	vmov s29  }
0x93: {  	[sflag:s16] =	ssyncset.done $0x0;
	s10 =	sor.u32 $0x4560, s13  }
0x94: {  	p1 =	por $0x1, $0x1;
	s17 =	simm.s32 $0x0;
	[sflag:s16] =	ssyncadd.s32 $0xFFFFEC00;
	v19 =	vmov s10  }
.LBB2_5:
0x95: {  	s16 =	sshll.u32 s17, $0x4;
	s8 =	sshll.u32 s17, $0xA  }
0x96: {  	v20 =	vld.idx.msk [tilespmem:v17+s16+$0x0 ss:$0x1], $0xffff;
	s8 =	sand.u32 $0x3FFFFC00, s8  }
0x97: {  	v21 =	vld.idx.msk [tilespmem:v18+s8+$0x0 ss:$0x1], $0xffff  }
0x98: {  	s18 =	sor.u32 $0x1, s16;
	v22 =	vld.idx.msk [tilespmem:v18+s8+$0x10 ss:$0x1], $0xffff  }
0x99: {  	v23 =	vld.idx.msk [tilespmem:v18+s8+$0x20 ss:$0x1], $0xffff;
	s19 =	sshll.u32 s18, $0x6  }
0x9a: {  	v24 =	vld.idx.msk [tilespmem:v18+s8+$0x30 ss:$0x1], $0xffff;
	s23 =	sand.u32 $0x3FFFFC40, s19  }
0x9b: {  	v25 =	vld.idx.msk [tilespmem:v18+s23+$0x0 ss:$0x1], $0xffff  }
0x9c: {  	s24 =	sor.u32 $0x3, s16;
	v26 =	vld.idx.msk [tilespmem:v18+s23+$0x10 ss:$0x1], $0xffff  }
0x9d: {  	s21 =	sshll.u32 s24, $0x6;
	v27 =	vld.idx.msk [tilespmem:v18+s23+$0x20 ss:$0x1], $0xffff  }
0x9e: {  	s25 =	sand.u32 $0x3FFFFCC0, s21;
	v28 =	vld.idx.msk [tilespmem:v18+s23+$0x30 ss:$0x1], $0xffff  }
0x9f: {  	v34 =	vld.idx.msk [tilespmem:v18+s25+$0x0 ss:$0x1], $0xffff  }
0xa0: {  	s19 =	sor.u32 $0x2, s16;
	v36 =	vld.idx.msk [tilespmem:v18+s25+$0x10 ss:$0x1], $0xffff  }
0xa1: {  	s20 =	sshll.u32 s19, $0x6;
	v37 =	vld.idx.msk [tilespmem:v18+s25+$0x20 ss:$0x1], $0xffff  }
0xa2: {  	v39 =	vld.idx.msk [tilespmem:v18+s25+$0x30 ss:$0x1], $0xffff;
	s20 =	sand.u32 $0x3FFFFC80, s20;
	v33 =	vperm.xlane v20, v1  }
0xa3: {  	v29 =	vld.idx.msk [tilespmem:v18+s20+$0x0 ss:$0x1], $0xffff;
	v35 =	vshll.u32 v21, $0x10  }
0xa4: {  	s29 =	sshll.u32 s17, $0xB;
	v30 =	vld.idx.msk [tilespmem:v18+s20+$0x10 ss:$0x1], $0xffff;
	v21 =	vand.u32 $0xFFFF0000, v21;
	v35 =	vmul.f32 v35, v33  }
0xa5: {  	s21 =	sand.u32 $0x3FFFF800, s29;
	v31 =	vld.idx.msk [tilespmem:v18+s20+$0x20 ss:$0x1], $0xffff;
	v38 =	vshll.u32 v22, $0x10;
	v21 =	vmul.f32 v21, v33  }
0xa6: {  	v32 =	vld.idx.msk [tilespmem:v18+s20+$0x30 ss:$0x1], $0xffff;
	v22 =	vand.u32 $0xFFFF0000, v22;
	v38 =	vmul.f32 v38, v33;
	[tilespmem:v19+s21+$0x0 ss:$0x1] =	vst.idx.msk $0xffff, v35  }
0xa7: {  	v40 =	vshll.u32 v23, $0x10;
	v22 =	vmul.f32 v22, v33;
	[tilespmem:v19+s21+$0x10 ss:$0x1] =	vst.idx.msk $0xffff, v21  }
0xa8: {  	v41 =	vand.u32 $0xFFFF0000, v23;
	v42 =	vmul.f32 v40, v33;
	[tilespmem:v19+s21+$0x20 ss:$0x1] =	vst.idx.msk $0xffff, v38  }
0xa9: {  	v43 =	vshll.u32 v24, $0x10;
	v21 =	vmul.f32 v41, v33;
	[tilespmem:v19+s21+$0x30 ss:$0x1] =	vst.idx.msk $0xffff, v22  }
0xaa: {  	v44 =	vperm.xlane v20, v2;
	v24 =	vand.u32 $0xFFFF0000, v24;
	v35 =	vmul.f32 v43, v33;
	[tilespmem:v19+s21+$0x40 ss:$0x1] =	vst.idx.msk $0xffff, v42  }
0xab: {  	v24 =	vmul.f32 v24, v33;
	v45 =	vshll.u32 v25, $0x10;
	[tilespmem:v19+s21+$0x50 ss:$0x1] =	vst.idx.msk $0xffff, v21  }
0xac: {  	s18 =	sshll.u32 s18, $0x7;
	v46 =	vand.u32 $0xFFFF0000, v25;
	v23 =	vmul.f32 v45, v44;
	[tilespmem:v19+s21+$0x60 ss:$0x1] =	vst.idx.msk $0xffff, v35  }
0xad: {  	s18 =	sand.u32 $0x3FFFF880, s18;
	v47 =	vshll.u32 v26, $0x10;
	v21 =	vmul.f32 v46, v44;
	[tilespmem:v19+s21+$0x70 ss:$0x1] =	vst.idx.msk $0xffff, v24  }
0xae: {  	v48 =	vand.u32 $0xFFFF0000, v26;
	v25 =	vmul.f32 v47, v44;
	[tilespmem:v19+s18+$0x0 ss:$0x1] =	vst.idx.msk $0xffff, v23  }
0xaf: {  	v49 =	vshll.u32 v27, $0x10;
	v24 =	vmul.f32 v48, v44;
	[tilespmem:v19+s18+$0x10 ss:$0x1] =	vst.idx.msk $0xffff, v21  }
0xb0: {  	v50 =	vand.u32 $0xFFFF0000, v27;
	v23 =	vmul.f32 v49, v44;
	[tilespmem:v19+s18+$0x20 ss:$0x1] =	vst.idx.msk $0xffff, v25  }
0xb1: {  	v51 =	vshll.u32 v28, $0x10;
	v21 =	vmul.f32 v50, v44;
	[tilespmem:v19+s18+$0x30 ss:$0x1] =	vst.idx.msk $0xffff, v24  }
0xb2: {  	v52 =	vand.u32 $0xFFFF0000, v28;
	v25 =	vmul.f32 v51, v44;
	[tilespmem:v19+s18+$0x40 ss:$0x1] =	vst.idx.msk $0xffff, v23  }
0xb3: {  	s20 =	sor.u32 $0x4, s16;
	v22 =	vmul.f32 v52, v44;
	[tilespmem:v19+s18+$0x50 ss:$0x1] =	vst.idx.msk $0xffff, v21  }
0xb4: {  	s22 =	sshll.u32 s20, $0x6;
	[tilespmem:v19+s18+$0x60 ss:$0x1] =	vst.idx.msk $0xffff, v25  }
0xb5: {  	s21 =	sand.u32 $0x3FFFFD00, s22;
	[tilespmem:v19+s18+$0x70 ss:$0x1] =	vst.idx.msk $0xffff, v22  }
0xb6: {  	v21 =	vld.idx.msk [tilespmem:v18+s21+$0x0 ss:$0x1], $0xffff  }
0xb7: {  	s18 =	sor.u32 $0x5, s16;
	v22 =	vld.idx.msk [tilespmem:v18+s21+$0x10 ss:$0x1], $0xffff  }
0xb8: {  	v23 =	vld.idx.msk [tilespmem:v18+s21+$0x20 ss:$0x1], $0xffff;
	s22 =	sshll.u32 s18, $0x6  }
0xb9: {  	v54 =	vperm.xlane v20, v3;
	v53 =	vld.idx.msk [tilespmem:v18+s21+$0x30 ss:$0x1], $0xffff;
	s23 =	sand.u32 $0x3FFFFD40, s22  }
0xba: {  	v56 =	vshll.u32 v29, $0x10;
	v55 =	vld.idx.msk [tilespmem:v18+s23+$0x0 ss:$0x1], $0xffff  }
0xbb: {  	s19 =	sshll.u32 s19, $0x7;
	v29 =	vand.u32 $0xFFFF0000, v29;
	v27 =	vmul.f32 v56, v54;
	v57 =	vld.idx.msk [tilespmem:v18+s23+$0x10 ss:$0x1], $0xffff  }
0xbc: {  	s19 =	sand.u32 $0x3FFFF900, s19;
	v58 =	vshll.u32 v30, $0x10;
	v29 =	vmul.f32 v29, v54;
	v33 =	vld.idx.msk [tilespmem:v18+s23+$0x20 ss:$0x1], $0xffff  }
0xbd: {  	v30 =	vand.u32 $0xFFFF0000, v30;
	v35 =	vmul.f32 v58, v54;
	v38 =	vld.idx.msk [tilespmem:v18+s23+$0x30 ss:$0x1], $0xffff;
	[tilespmem:v19+s19+$0x0 ss:$0x1] =	vst.idx.msk $0xffff, v27  }
0xbe: {  	v59 =	vshll.u32 v31, $0x10;
	v30 =	vmul.f32 v30, v54;
	[tilespmem:v19+s19+$0x10 ss:$0x1] =	vst.idx.msk $0xffff, v29  }
0xbf: {  	v60 =	vand.u32 $0xFFFF0000, v31;
	v27 =	vmul.f32 v59, v54;
	[tilespmem:v19+s19+$0x20 ss:$0x1] =	vst.idx.msk $0xffff, v35  }
0xc0: {  	v61 =	vshll.u32 v32, $0x10;
	v29 =	vmul.f32 v60, v54;
	[tilespmem:v19+s19+$0x30 ss:$0x1] =	vst.idx.msk $0xffff, v30  }
0xc1: {  	v62 =	vperm.xlane v20, v4;
	v32 =	vand.u32 $0xFFFF0000, v32;
	v31 =	vmul.f32 v61, v54;
	[tilespmem:v19+s19+$0x40 ss:$0x1] =	vst.idx.msk $0xffff, v27  }
0xc2: {  	v63 =	vshll.u32 v34, $0x10;
	v25 =	vmul.f32 v32, v54;
	[tilespmem:v19+s19+$0x50 ss:$0x1] =	vst.idx.msk $0xffff, v29  }
0xc3: {  	s8 =	sshll.u32 s24, $0x7;
	v34 =	vand.u32 $0xFFFF0000, v34;
	v27 =	vmul.f32 v63, v62;
	[tilespmem:v19+s19+$0x60 ss:$0x1] =	vst.idx.msk $0xffff, v31  }
0xc4: {  	s8 =	sand.u32 $0x3FFFF980, s8;
	v35 =	vshll.u32 v36, $0x10;
	v29 =	vmul.f32 v34, v62;
	[tilespmem:v19+s19+$0x70 ss:$0x1] =	vst.idx.msk $0xffff, v25  }
0xc5: {  	v40 =	vand.u32 $0xFFFF0000, v36;
	v31 =	vmul.f32 v35, v62;
	[tilespmem:v19+s8+$0x0 ss:$0x1] =	vst.idx.msk $0xffff, v27  }
0xc6: {  	v41 =	vshll.u32 v37, $0x10;
	v25 =	vmul.f32 v40, v62;
	[tilespmem:v19+s8+$0x10 ss:$0x1] =	vst.idx.msk $0xffff, v29  }
0xc7: {  	v42 =	vand.u32 $0xFFFF0000, v37;
	v27 =	vmul.f32 v41, v62;
	[tilespmem:v19+s8+$0x20 ss:$0x1] =	vst.idx.msk $0xffff, v31  }
0xc8: {  	v43 =	vshll.u32 v39, $0x10;
	v29 =	vmul.f32 v42, v62;
	[tilespmem:v19+s8+$0x30 ss:$0x1] =	vst.idx.msk $0xffff, v25  }
0xc9: {  	v44 =	vand.u32 $0xFFFF0000, v39;
	v31 =	vmul.f32 v43, v62;
	[tilespmem:v19+s8+$0x40 ss:$0x1] =	vst.idx.msk $0xffff, v27  }
0xca: {  	s21 =	sor.u32 $0x6, s16;
	v25 =	vmul.f32 v44, v62;
	[tilespmem:v19+s8+$0x50 ss:$0x1] =	vst.idx.msk $0xffff, v29  }
0xcb: {  	s24 =	sshll.u32 s21, $0x6;
	[tilespmem:v19+s8+$0x60 ss:$0x1] =	vst.idx.msk $0xffff, v31  }
0xcc: {  	s25 =	sand.u32 $0x3FFFFD80, s24;
	[tilespmem:v19+s8+$0x70 ss:$0x1] =	vst.idx.msk $0xffff, v25  }
0xcd: {  	v25 =	vld.idx.msk [tilespmem:v18+s25+$0x0 ss:$0x1], $0xffff  }
0xce: {  	s19 =	sor.u32 $0x7, s16;
	v27 =	vld.idx.msk [tilespmem:v18+s25+$0x10 ss:$0x1], $0xffff  }
0xcf: {  	s29 =	sshll.u32 s19, $0x6;
	v29 =	vld.idx.msk [tilespmem:v18+s25+$0x20 ss:$0x1], $0xffff  }
0xd0: {  	v45 =	vperm.xlane v20, v5;
	s22 =	sand.u32 $0x3FFFFDC0, s29;
	v30 =	vld.idx.msk [tilespmem:v18+s25+$0x30 ss:$0x1], $0xffff  }
0xd1: {  	v46 =	vshll.u32 v21, $0x10;
	v32 =	vld.idx.msk [tilespmem:v18+s22+$0x0 ss:$0x1], $0xffff  }
0xd2: {  	s20 =	sshll.u32 s20, $0x7;
	v21 =	vand.u32 $0xFFFF0000, v21;
	v34 =	vmul.f32 v46, v45;
	v35 =	vld.idx.msk [tilespmem:v18+s22+$0x10 ss:$0x1], $0xffff  }
0xd3: {  	s23 =	sand.u32 $0x3FFFFA00, s20;
	v47 =	vshll.u32 v22, $0x10;
	v21 =	vmul.f32 v21, v45;
	v36 =	vld.idx.msk [tilespmem:v18+s22+$0x20 ss:$0x1], $0xffff  }
0xd4: {  	v22 =	vand.u32 $0xFFFF0000, v22;
	v37 =	vmul.f32 v47, v45;
	v39 =	vld.idx.msk [tilespmem:v18+s22+$0x30 ss:$0x1], $0xffff;
	[tilespmem:v19+s23+$0x0 ss:$0x1] =	vst.idx.msk $0xffff, v34  }
0xd5: {  	v48 =	vshll.u32 v23, $0x10;
	v22 =	vmul.f32 v22, v45;
	[tilespmem:v19+s23+$0x10 ss:$0x1] =	vst.idx.msk $0xffff, v21  }
0xd6: {  	v49 =	vand.u32 $0xFFFF0000, v23;
	v50 =	vmul.f32 v48, v45;
	[tilespmem:v19+s23+$0x20 ss:$0x1] =	vst.idx.msk $0xffff, v37  }
0xd7: {  	v51 =	vshll.u32 v53, $0x10;
	v21 =	vmul.f32 v49, v45;
	[tilespmem:v19+s23+$0x30 ss:$0x1] =	vst.idx.msk $0xffff, v22  }
0xd8: {  	v52 =	vperm.xlane v20, v6;
	v24 =	vand.u32 $0xFFFF0000, v53;
	v34 =	vmul.f32 v51, v45;
	[tilespmem:v19+s23+$0x40 ss:$0x1] =	vst.idx.msk $0xffff, v50  }
0xd9: {  	v24 =	vmul.f32 v24, v45;
	v53 =	vshll.u32 v55, $0x10;
	[tilespmem:v19+s23+$0x50 ss:$0x1] =	vst.idx.msk $0xffff, v21  }
0xda: {  	s18 =	sshll.u32 s18, $0x7;
	v54 =	vand.u32 $0xFFFF0000, v55;
	v23 =	vmul.f32 v53, v52;
	[tilespmem:v19+s23+$0x60 ss:$0x1] =	vst.idx.msk $0xffff, v34  }
0xdb: {  	s24 =	sand.u32 $0x3FFFFA80, s18;
	v55 =	vshll.u32 v57, $0x10;
	v21 =	vmul.f32 v54, v52;
	[tilespmem:v19+s23+$0x70 ss:$0x1] =	vst.idx.msk $0xffff, v24  }
0xdc: {  	v56 =	vand.u32 $0xFFFF0000, v57;
	v26 =	vmul.f32 v55, v52;
	[tilespmem:v19+s24+$0x0 ss:$0x1] =	vst.idx.msk $0xffff, v23  }
0xdd: {  	v57 =	vshll.u32 v33, $0x10;
	v24 =	vmul.f32 v56, v52;
	[tilespmem:v19+s24+$0x10 ss:$0x1] =	vst.idx.msk $0xffff, v21  }
0xde: {  	v58 =	vand.u32 $0xFFFF0000, v33;
	v23 =	vmul.f32 v57, v52;
	[tilespmem:v19+s24+$0x20 ss:$0x1] =	vst.idx.msk $0xffff, v26  }
0xdf: {  	v59 =	vshll.u32 v38, $0x10;
	v21 =	vmul.f32 v58, v52;
	[tilespmem:v19+s24+$0x30 ss:$0x1] =	vst.idx.msk $0xffff, v24  }
0xe0: {  	v60 =	vand.u32 $0xFFFF0000, v38;
	v26 =	vmul.f32 v59, v52;
	[tilespmem:v19+s24+$0x40 ss:$0x1] =	vst.idx.msk $0xffff, v23  }
0xe1: {  	s18 =	sor.u32 $0x8, s16;
	v22 =	vmul.f32 v60, v52;
	[tilespmem:v19+s24+$0x50 ss:$0x1] =	vst.idx.msk $0xffff, v21  }
0xe2: {  	s25 =	sshll.u32 s18, $0x6;
	[tilespmem:v19+s24+$0x60 ss:$0x1] =	vst.idx.msk $0xffff, v26  }
0xe3: {  	s20 =	sand.u32 $0x3FFFFE00, s25;
	[tilespmem:v19+s24+$0x70 ss:$0x1] =	vst.idx.msk $0xffff, v22  }
0xe4: {  	v21 =	vld.idx.msk [tilespmem:v18+s20+$0x0 ss:$0x1], $0xffff  }
0xe5: {  	s8 =	sor.u32 $0x9, s16;
	v61 =	vld.idx.msk [tilespmem:v18+s20+$0x10 ss:$0x1], $0xffff  }
0xe6: {  	s29 =	sshll.u32 s8, $0x6;
	v62 =	vld.idx.msk [tilespmem:v18+s20+$0x20 ss:$0x1], $0xffff  }
0xe7: {  	v63 =	vperm.xlane v20, v7;
	s22 =	sand.u32 $0x3FFFFE40, s29;
	v33 =	vld.idx.msk [tilespmem:v18+s20+$0x30 ss:$0x1], $0xffff  }
0xe8: {  	v28 =	vshll.u32 v25, $0x10;
	v37 =	vld.idx.msk [tilespmem:v18+s22+$0x0 ss:$0x1], $0xffff  }
0xe9: {  	s21 =	sshll.u32 s21, $0x7;
	v25 =	vand.u32 $0xFFFF0000, v25;
	v34 =	vmul.f32 v28, v63;
	v38 =	vld.idx.msk [tilespmem:v18+s22+$0x10 ss:$0x1], $0xffff  }
0xea: {  	v43 =	vshll.u32 v27, $0x10;
	v25 =	vmul.f32 v25, v63;
	s23 =	sand.u32 $0x3FFFFB00, s21;
	v41 =	vld.idx.msk [tilespmem:v18+s22+$0x20 ss:$0x1], $0xffff  }
0xeb: {  	v27 =	vand.u32 $0xFFFF0000, v27;
	v28 =	vmul.f32 v43, v63;
	v23 =	vld.idx.msk [tilespmem:v18+s22+$0x30 ss:$0x1], $0xffff;
	[tilespmem:v19+s23+$0x0 ss:$0x1] =	vst.idx.msk $0xffff, v34  }
0xec: {  	v44 =	vshll.u32 v29, $0x10;
	v27 =	vmul.f32 v27, v63;
	[tilespmem:v19+s23+$0x10 ss:$0x1] =	vst.idx.msk $0xffff, v25  }
0xed: {  	v45 =	vand.u32 $0xFFFF0000, v29;
	v26 =	vmul.f32 v44, v63;
	[tilespmem:v19+s23+$0x20 ss:$0x1] =	vst.idx.msk $0xffff, v28  }
0xee: {  	v46 =	vshll.u32 v30, $0x10;
	v25 =	vmul.f32 v45, v63;
	[tilespmem:v19+s23+$0x30 ss:$0x1] =	vst.idx.msk $0xffff, v27  }
0xef: {  	v47 =	vperm.xlane v20, v8;
	v48 =	vand.u32 $0xFFFF0000, v30;
	v28 =	vmul.f32 v46, v63;
	[tilespmem:v19+s23+$0x40 ss:$0x1] =	vst.idx.msk $0xffff, v26  }
0xf0: {  	v49 =	vshll.u32 v32, $0x10;
	v22 =	vmul.f32 v48, v63;
	[tilespmem:v19+s23+$0x50 ss:$0x1] =	vst.idx.msk $0xffff, v25  }
0xf1: {  	s19 =	sshll.u32 s19, $0x7;
	v50 =	vand.u32 $0xFFFF0000, v32;
	v26 =	vmul.f32 v49, v47;
	[tilespmem:v19+s23+$0x60 ss:$0x1] =	vst.idx.msk $0xffff, v28  }
0xf2: {  	s19 =	sand.u32 $0x3FFFFB80, s19;
	v51 =	vshll.u32 v35, $0x10;
	v25 =	vmul.f32 v50, v47;
	[tilespmem:v19+s23+$0x70 ss:$0x1] =	vst.idx.msk $0xffff, v22  }
0xf3: {  	v52 =	vand.u32 $0xFFFF0000, v35;
	v28 =	vmul.f32 v51, v47;
	[tilespmem:v19+s19+$0x0 ss:$0x1] =	vst.idx.msk $0xffff, v26  }
0xf4: {  	v53 =	vshll.u32 v36, $0x10;
	v22 =	vmul.f32 v52, v47;
	[tilespmem:v19+s19+$0x10 ss:$0x1] =	vst.idx.msk $0xffff, v25  }
0xf5: {  	v54 =	vand.u32 $0xFFFF0000, v36;
	v26 =	vmul.f32 v53, v47;
	[tilespmem:v19+s19+$0x20 ss:$0x1] =	vst.idx.msk $0xffff, v28  }
0xf6: {  	v55 =	vshll.u32 v39, $0x10;
	v25 =	vmul.f32 v54, v47;
	[tilespmem:v19+s19+$0x30 ss:$0x1] =	vst.idx.msk $0xffff, v22  }
0xf7: {  	v56 =	vand.u32 $0xFFFF0000, v39;
	v28 =	vmul.f32 v55, v47;
	[tilespmem:v19+s19+$0x40 ss:$0x1] =	vst.idx.msk $0xffff, v26  }
0xf8: {  	s21 =	sor.u32 $0xA, s16;
	v22 =	vmul.f32 v56, v47;
	[tilespmem:v19+s19+$0x50 ss:$0x1] =	vst.idx.msk $0xffff, v25  }
0xf9: {  	s24 =	sshll.u32 s21, $0x6;
	[tilespmem:v19+s19+$0x60 ss:$0x1] =	vst.idx.msk $0xffff, v28  }
0xfa: {  	s20 =	sand.u32 $0x3FFFFE80, s24;
	[tilespmem:v19+s19+$0x70 ss:$0x1] =	vst.idx.msk $0xffff, v22  }
0xfb: {  	v22 =	vld.idx.msk [tilespmem:v18+s20+$0x0 ss:$0x1], $0xffff  }
0xfc: {  	v36 =	vld.idx.msk [tilespmem:v18+s20+$0x10 ss:$0x1], $0xffff  }
0xfd: {  	v57 =	vperm.xlane v20, v9;
	s19 =	sor.u32 $0xB, s16;
	v35 =	vld.idx.msk [tilespmem:v18+s20+$0x20 ss:$0x1], $0xffff  }
0xfe: {  	v58 =	vshll.u32 v21, $0x10;
	v21 =	vand.u32 $0xFFFF0000, v21;
	s25 =	sshll.u32 s19, $0x6;
	v34 =	vld.idx.msk [tilespmem:v18+s20+$0x30 ss:$0x1], $0xffff;
	s20 =	sor.u32 $0x10, s16  }
0xff: {  	v40 =	vmul.f32 v21, v57;
	s22 =	sand.u32 $0x3FFFFEC0, s25;
	v21 =	vld.idx.msk [tilespmem:v17+s20+$0x0 ss:$0x1], $0xffff  }
0x100: {  	v29 =	vld.idx.msk [tilespmem:v18+s22+$0x0 ss:$0x1], $0xffff  }
0x101: {  	v28 =	vld.idx.msk [tilespmem:v18+s22+$0x10 ss:$0x1], $0xffff  }
0x102: {  	s18 =	sshll.u32 s18, $0x7;
	v59 =	vmul.f32 v58, v57;
	s29 =	sshll.u32 s20, $0x6;
	v27 =	vld.idx.msk [tilespmem:v18+s22+$0x20 ss:$0x1], $0xffff  }
0x103: {  	v60 =	vshll.u32 v61, $0x10;
	s25 =	sand.u32 $0x3FFFFC00, s18;
	v26 =	vld.idx.msk [tilespmem:v18+s22+$0x30 ss:$0x1], $0xffff;
	s22 =	sand.u32 $0x3FFFFC00, s29  }
0x104: {  	v24 =	vand.u32 $0xFFFF0000, v61;
	v39 =	vmul.f32 v60, v57;
	s18 =	sor.u32 $0x11, s16;
	[tilespmem:v19+s25+$0x0 ss:$0x1] =	vst.idx.msk $0xffff, v59;
	v30 =	vld.idx.msk [tilespmem:v18+s22+$0x0 ss:$0x1], $0xffff  }
0x105: {  	v42 =	vshll.u32 v62, $0x10;
	v24 =	vmul.f32 v24, v57;
	s24 =	sshll.u32 s18, $0x6;
	[tilespmem:v19+s25+$0x10 ss:$0x1] =	vst.idx.msk $0xffff, v40;
	v45 =	vld.idx.msk [tilespmem:v18+s22+$0x10 ss:$0x1], $0xffff  }
0x106: {  	v31 =	vand.u32 $0xFFFF0000, v62;
	v61 =	vmul.f32 v42, v57;
	v46 =	vld.idx.msk [tilespmem:v18+s22+$0x20 ss:$0x1], $0xffff;
	s23 =	sand.u32 $0x3FFFFC40, s24;
	[tilespmem:v19+s25+$0x20 ss:$0x1] =	vst.idx.msk $0xffff, v39  }
0x107: {  	v62 =	vshll.u32 v33, $0x10;
	v31 =	vmul.f32 v31, v57;
	v47 =	vld.idx.msk [tilespmem:v18+s23+$0x0 ss:$0x1], $0xffff;
	[tilespmem:v19+s25+$0x30 ss:$0x1] =	vst.idx.msk $0xffff, v24  }
0x108: {  	v33 =	vand.u32 $0xFFFF0000, v33;
	v39 =	vmul.f32 v62, v57;
	v48 =	vld.idx.msk [tilespmem:v18+s23+$0x20 ss:$0x1], $0xffff;
	[tilespmem:v19+s25+$0x40 ss:$0x1] =	vst.idx.msk $0xffff, v61  }
0x109: {  	v25 =	vmul.f32 v33, v57;
	s24 =	sor.u32 $0x12, s16;
	v49 =	vld.idx.msk [tilespmem:v18+s23+$0x30 ss:$0x1], $0xffff;
	[tilespmem:v19+s25+$0x50 ss:$0x1] =	vst.idx.msk $0xffff, v31  }
0x10a: {  	v32 =	vperm.xlane v20, v10;
	s29 =	sshll.u32 s24, $0x6;
	v24 =	vld.idx.msk [tilespmem:v18+s22+$0x30 ss:$0x1], $0xffff;
	[tilespmem:v19+s25+$0x60 ss:$0x1] =	vst.idx.msk $0xffff, v39  }
0x10b: {  	v63 =	vshll.u32 v37, $0x10;
	v31 =	vld.idx.msk [tilespmem:v18+s23+$0x10 ss:$0x1], $0xffff;
	[tilespmem:v19+s25+$0x70 ss:$0x1] =	vst.idx.msk $0xffff, v25;
	s25 =	sand.u32 $0x3FFFFC80, s29  }
0x10c: {  	s8 =	sshll.u32 s8, $0x7;
	v44 =	vand.u32 $0xFFFF0000, v37;
	v52 =	vmul.f32 v63, v32;
	v40 =	vld.idx.msk [tilespmem:v18+s25+$0x0 ss:$0x1], $0xffff  }
0x10d: {  	s8 =	sand.u32 $0x3FFFFC80, s8;
	v53 =	vshll.u32 v38, $0x10;
	v33 =	vmul.f32 v44, v32;
	s22 =	sor.u32 $0x13, s16;
	v44 =	vld.idx.msk [tilespmem:v18+s25+$0x10 ss:$0x1], $0xffff  }
0x10e: {  	v54 =	vand.u32 $0xFFFF0000, v38;
	v55 =	vmul.f32 v53, v32;
	v56 =	vshll.u32 v41, $0x10;
	s23 =	sshll.u32 s22, $0x6;
	[tilespmem:v19+s8+$0x0 ss:$0x1] =	vst.idx.msk $0xffff, v52;
	v43 =	vld.idx.msk [tilespmem:v18+s25+$0x20 ss:$0x1], $0xffff  }
0x10f: {  	v50 =	vperm.xlane v21, v1;
	v25 =	vmul.f32 v54, v32;
	s29 =	sand.u32 $0x3FFFFCC0, s23;
	v42 =	vld.idx.msk [tilespmem:v18+s25+$0x30 ss:$0x1], $0xffff;
	[tilespmem:v19+s8+$0x10 ss:$0x1] =	vst.idx.msk $0xffff, v33  }
0x110: {  	v37 =	vmul.f32 v56, v32;
	v57 =	vand.u32 $0xFFFF0000, v41;
	v60 =	vshll.u32 v30, $0x10;
	v41 =	vld.idx.msk [tilespmem:v18+s29+$0x0 ss:$0x1], $0xffff;
	[tilespmem:v19+s8+$0x20 ss:$0x1] =	vst.idx.msk $0xffff, v55  }
0x111: {  	s20 =	sshll.u32 s20, $0x7;
	v62 =	vmul.f32 v60, v50;
	v39 =	vld.idx.msk [tilespmem:v18+s29+$0x10 ss:$0x1], $0xffff;
	[tilespmem:v19+s8+$0x30 ss:$0x1] =	vst.idx.msk $0xffff, v25  }
0x112: {  	v58 =	vshll.u32 v23, $0x10;
	s23 =	sand.u32 $0x3FFFF800, s20;
	v38 =	vld.idx.msk [tilespmem:v18+s29+$0x20 ss:$0x1], $0xffff;
	v33 =	vmul.f32 v57, v32;
	[tilespmem:v19+s8+$0x40 ss:$0x1] =	vst.idx.msk $0xffff, v37  }
0x113: {  	v23 =	vand.u32 $0xFFFF0000, v23;
	v59 =	vmul.f32 v58, v32;
	v37 =	vld.idx.msk [tilespmem:v18+s29+$0x30 ss:$0x1], $0xffff;
	[tilespmem:v19+s23+$0x0 ss:$0x1] =	vst.idx.msk $0xffff, v62  }
0x114: {  	v23 =	vmul.f32 v23, v32;
	v61 =	vand.u32 $0xFFFF0000, v30;
	[tilespmem:v19+s8+$0x50 ss:$0x1] =	vst.idx.msk $0xffff, v33  }
0x115: {  	v63 =	vshll.u32 v45, $0x10;
	v25 =	vmul.f32 v61, v50;
	[tilespmem:v19+s8+$0x60 ss:$0x1] =	vst.idx.msk $0xffff, v59  }
0x116: {  	v51 =	vand.u32 $0xFFFF0000, v45;
	[tilespmem:v19+s8+$0x70 ss:$0x1] =	vst.idx.msk $0xffff, v23;
	v23 =	vmul.f32 v63, v50  }
0x117: {  	v52 =	vshll.u32 v46, $0x10;
	v32 =	vmul.f32 v51, v50;
	[tilespmem:v19+s23+$0x10 ss:$0x1] =	vst.idx.msk $0xffff, v25  }
0x118: {  	v53 =	vand.u32 $0xFFFF0000, v46;
	s20 =	sor.u32 $0xC, s16;
	v30 =	vmul.f32 v52, v50;
	[tilespmem:v19+s23+$0x20 ss:$0x1] =	vst.idx.msk $0xffff, v23  }
0x119: {  	v54 =	vshll.u32 v24, $0x10;
	s29 =	sshll.u32 s20, $0x6;
	v25 =	vmul.f32 v53, v50;
	[tilespmem:v19+s23+$0x30 ss:$0x1] =	vst.idx.msk $0xffff, v32  }
0x11a: {  	v24 =	vand.u32 $0xFFFF0000, v24;
	v55 =	vperm.xlane v21, v2;
	s25 =	sand.u32 $0x3FFFFF00, s29;
	v23 =	vmul.f32 v54, v50;
	[tilespmem:v19+s23+$0x40 ss:$0x1] =	vst.idx.msk $0xffff, v30  }
0x11b: {  	s18 =	sshll.u32 s18, $0x7;
	v56 =	vshll.u32 v47, $0x10;
	v24 =	vmul.f32 v24, v50;
	v58 =	vshll.u32 v31, $0x10;
	v33 =	vld.idx.msk [tilespmem:v18+s25+$0x0 ss:$0x1], $0xffff;
	[tilespmem:v19+s23+$0x50 ss:$0x1] =	vst.idx.msk $0xffff, v25  }
0x11c: {  	v57 =	vand.u32 $0xFFFF0000, v47;
	s29 =	sand.u32 $0x3FFFF880, s18;
	s18 =	sor.u32 $0xD, s16;
	v59 =	vand.u32 $0xFFFF0000, v31;
	v31 =	vld.idx.msk [tilespmem:v18+s25+$0x20 ss:$0x1], $0xffff;
	v30 =	vmul.f32 v56, v55;
	[tilespmem:v19+s23+$0x60 ss:$0x1] =	vst.idx.msk $0xffff, v23  }
0x11d: {  	v60 =	vshll.u32 v48, $0x10;
	v32 =	vld.idx.msk [tilespmem:v18+s25+$0x10 ss:$0x1], $0xffff;
	v25 =	vmul.f32 v57, v55;
	[tilespmem:v19+s23+$0x70 ss:$0x1] =	vst.idx.msk $0xffff, v24;
	s23 =	sshll.u32 s18, $0x6  }
0x11e: {  	v46 =	vperm.xlane v20, v11;
	v23 =	vmul.f32 v58, v55;
	[tilespmem:v19+s29+$0x0 ss:$0x1] =	vst.idx.msk $0xffff, v30;
	v30 =	vld.idx.msk [tilespmem:v18+s25+$0x30 ss:$0x1], $0xffff;
	s25 =	sand.u32 $0x3FFFFF40, s23  }
0x11f: {  	v53 =	vshll.u32 v22, $0x10;
	v22 =	vand.u32 $0xFFFF0000, v22;
	v24 =	vmul.f32 v59, v55;
	[tilespmem:v19+s29+$0x10 ss:$0x1] =	vst.idx.msk $0xffff, v25;
	v25 =	vld.idx.msk [tilespmem:v18+s25+$0x0 ss:$0x1], $0xffff  }
0x120: {  	s21 =	sshll.u32 s21, $0x7;
	v54 =	vmul.f32 v53, v46;
	v56 =	vmul.f32 v22, v46;
	v22 =	vld.idx.msk [tilespmem:v18+s25+$0x30 ss:$0x1], $0xffff;
	[tilespmem:v19+s29+$0x20 ss:$0x1] =	vst.idx.msk $0xffff, v23  }
0x121: {  	s21 =	sand.u32 $0x3FFFFD00, s21;
	v61 =	vand.u32 $0xFFFF0000, v48;
	v62 =	vmul.f32 v60, v55;
	v23 =	vld.idx.msk [tilespmem:v18+s25+$0x20 ss:$0x1], $0xffff;
	[tilespmem:v19+s29+$0x30 ss:$0x1] =	vst.idx.msk $0xffff, v24  }
0x122: {  	v48 =	vmul.f32 v61, v55;
	v63 =	vshll.u32 v49, $0x10;
	v24 =	vld.idx.msk [tilespmem:v18+s25+$0x10 ss:$0x1], $0xffff;
	[tilespmem:v19+s21+$0x0 ss:$0x1] =	vst.idx.msk $0xffff, v54  }
0x123: {  	v49 =	vand.u32 $0xFFFF0000, v49;
	v52 =	vmul.f32 v63, v55;
	[tilespmem:v19+s29+$0x40 ss:$0x1] =	vst.idx.msk $0xffff, v62  }
0x124: {  	s8 =	sor.u32 $0x14, s16;
	v45 =	vmul.f32 v49, v55;
	[tilespmem:v19+s29+$0x50 ss:$0x1] =	vst.idx.msk $0xffff, v48  }
0x125: {  	v55 =	vshll.u32 v36, $0x10;
	s23 =	sshll.u32 s8, $0x6;
	[tilespmem:v19+s29+$0x60 ss:$0x1] =	vst.idx.msk $0xffff, v52  }
0x126: {  	v36 =	vand.u32 $0xFFFF0000, v36;
	v57 =	vmul.f32 v55, v46;
	s23 =	sand.u32 $0x3FFFFD00, s23;
	[tilespmem:v19+s29+$0x70 ss:$0x1] =	vst.idx.msk $0xffff, v45  }
0x127: {  	v58 =	vshll.u32 v35, $0x10;
	v59 =	vmul.f32 v36, v46;
	s25 =	sor.u32 $0x15, s16;
	[tilespmem:v19+s21+$0x10 ss:$0x1] =	vst.idx.msk $0xffff, v56;
	v48 =	vld.idx.msk [tilespmem:v18+s23+$0x0 ss:$0x1], $0xffff  }
0x128: {  	v35 =	vand.u32 $0xFFFF0000, v35;
	v47 =	vmul.f32 v58, v46;
	[tilespmem:v19+s21+$0x20 ss:$0x1] =	vst.idx.msk $0xffff, v57;
	s29 =	sshll.u32 s25, $0x6;
	v49 =	vld.idx.msk [tilespmem:v18+s23+$0x10 ss:$0x1], $0xffff  }
0x129: {  	v60 =	vshll.u32 v34, $0x10;
	v34 =	vand.u32 $0xFFFF0000, v34;
	v35 =	vmul.f32 v35, v46;
	[tilespmem:v19+s21+$0x30 ss:$0x1] =	vst.idx.msk $0xffff, v59;
	v51 =	vld.idx.msk [tilespmem:v18+s23+$0x20 ss:$0x1], $0xffff;
	s29 =	sand.u32 $0x3FFFFD40, s29  }
0x12a: {  	v61 =	vperm.xlane v21, v3;
	v45 =	vmul.f32 v60, v46;
	[tilespmem:v19+s21+$0x40 ss:$0x1] =	vst.idx.msk $0xffff, v47;
	v47 =	vld.idx.msk [tilespmem:v18+s29+$0x0 ss:$0x1], $0xffff  }
0x12b: {  	v62 =	vshll.u32 v40, $0x10;
	v46 =	vmul.f32 v34, v46;
	[tilespmem:v19+s21+$0x50 ss:$0x1] =	vst.idx.msk $0xffff, v35;
	v35 =	vld.idx.msk [tilespmem:v18+s29+$0x10 ss:$0x1], $0xffff  }
0x12c: {  	s24 =	sshll.u32 s24, $0x7;
	v40 =	vand.u32 $0xFFFF0000, v40;
	v63 =	vmul.f32 v62, v61;
	[tilespmem:v19+s21+$0x60 ss:$0x1] =	vst.idx.msk $0xffff, v45;
	v34 =	vld.idx.msk [tilespmem:v18+s29+$0x20 ss:$0x1], $0xffff  }
0x12d: {  	v56 =	vshll.u32 v44, $0x10;
	v52 =	vmul.f32 v40, v61;
	v40 =	vld.idx.msk [tilespmem:v18+s29+$0x30 ss:$0x1], $0xffff;
	s29 =	sand.u32 $0x3FFFF900, s24;
	[tilespmem:v19+s21+$0x70 ss:$0x1] =	vst.idx.msk $0xffff, v46  }
0x12e: {  	v44 =	vand.u32 $0xFFFF0000, v44;
	v36 =	vld.idx.msk [tilespmem:v18+s23+$0x30 ss:$0x1], $0xffff;
	v46 =	vmul.f32 v56, v61;
	[tilespmem:v19+s29+$0x0 ss:$0x1] =	vst.idx.msk $0xffff, v63  }
0x12f: {  	v57 =	vshll.u32 v43, $0x10;
	v44 =	vmul.f32 v44, v61;
	[tilespmem:v19+s29+$0x10 ss:$0x1] =	vst.idx.msk $0xffff, v52  }
0x130: {  	v43 =	vand.u32 $0xFFFF0000, v43;
	v45 =	vmul.f32 v57, v61;
	v52 =	vperm.xlane v20, v12;
	[tilespmem:v19+s29+$0x20 ss:$0x1] =	vst.idx.msk $0xffff, v46  }
0x131: {  	v53 =	vshll.u32 v29, $0x10;
	v43 =	vmul.f32 v43, v61;
	[tilespmem:v19+s29+$0x30 ss:$0x1] =	vst.idx.msk $0xffff, v44  }
0x132: {  	s19 =	sshll.u32 s19, $0x7;
	v58 =	vshll.u32 v42, $0x10;
	v54 =	vmul.f32 v53, v52;
	[tilespmem:v19+s29+$0x40 ss:$0x1] =	vst.idx.msk $0xffff, v45  }
0x133: {  	s19 =	sand.u32 $0x3FFFFD80, s19;
	v42 =	vand.u32 $0xFFFF0000, v42;
	v59 =	vperm.xlane v21, v4;
	v46 =	vmul.f32 v58, v61;
	[tilespmem:v19+s29+$0x50 ss:$0x1] =	vst.idx.msk $0xffff, v43  }
0x134: {  	v42 =	vmul.f32 v42, v61;
	v60 =	vshll.u32 v41, $0x10;
	[tilespmem:v19+s19+$0x0 ss:$0x1] =	vst.idx.msk $0xffff, v54  }
0x135: {  	s22 =	sshll.u32 s22, $0x7;
	v41 =	vand.u32 $0xFFFF0000, v41;
	v61 =	vmul.f32 v60, v59;
	[tilespmem:v19+s29+$0x60 ss:$0x1] =	vst.idx.msk $0xffff, v46  }
0x136: {  	v62 =	vshll.u32 v39, $0x10;
	v41 =	vmul.f32 v41, v59;
	s23 =	sand.u32 $0x3FFFF980, s22;
	[tilespmem:v19+s29+$0x70 ss:$0x1] =	vst.idx.msk $0xffff, v42  }
0x137: {  	v39 =	vand.u32 $0xFFFF0000, v39;
	v63 =	vmul.f32 v62, v59;
	[tilespmem:v19+s23+$0x0 ss:$0x1] =	vst.idx.msk $0xffff, v61  }
0x138: {  	v39 =	vmul.f32 v39, v59;
	v45 =	vshll.u32 v38, $0x10;
	[tilespmem:v19+s23+$0x10 ss:$0x1] =	vst.idx.msk $0xffff, v41  }
0x139: {  	v38 =	vand.u32 $0xFFFF0000, v38;
	v46 =	vmul.f32 v45, v59;
	[tilespmem:v19+s23+$0x20 ss:$0x1] =	vst.idx.msk $0xffff, v63  }
0x13a: {  	v50 =	vshll.u32 v37, $0x10;
	v38 =	vmul.f32 v38, v59;
	[tilespmem:v19+s23+$0x30 ss:$0x1] =	vst.idx.msk $0xffff, v39  }
0x13b: {  	v37 =	vand.u32 $0xFFFF0000, v37;
	v42 =	vmul.f32 v50, v59;
	[tilespmem:v19+s23+$0x40 ss:$0x1] =	vst.idx.msk $0xffff, v46  }
0x13c: {  	v29 =	vand.u32 $0xFFFF0000, v29;
	v37 =	vmul.f32 v37, v59;
	s22 =	sor.u32 $0x16, s16;
	[tilespmem:v19+s23+$0x50 ss:$0x1] =	vst.idx.msk $0xffff, v38  }
0x13d: {  	v55 =	vshll.u32 v28, $0x10;
	s24 =	sshll.u32 s22, $0x6;
	v29 =	vmul.f32 v29, v52;
	[tilespmem:v19+s23+$0x60 ss:$0x1] =	vst.idx.msk $0xffff, v42  }
0x13e: {  	v28 =	vand.u32 $0xFFFF0000, v28;
	v56 =	vmul.f32 v55, v52;
	[tilespmem:v19+s23+$0x70 ss:$0x1] =	vst.idx.msk $0xffff, v37;
	s23 =	sand.u32 $0x3FFFFD80, s24  }
0x13f: {  	v57 =	vshll.u32 v27, $0x10;
	v28 =	vmul.f32 v28, v52;
	[tilespmem:v19+s19+$0x10 ss:$0x1] =	vst.idx.msk $0xffff, v29;
	v46 =	vld.idx.msk [tilespmem:v18+s23+$0x0 ss:$0x1], $0xffff  }
0x140: {  	v27 =	vand.u32 $0xFFFF0000, v27;
	s21 =	sor.u32 $0x17, s16;
	v58 =	vmul.f32 v57, v52;
	[tilespmem:v19+s19+$0x20 ss:$0x1] =	vst.idx.msk $0xffff, v56;
	v45 =	vld.idx.msk [tilespmem:v18+s23+$0x10 ss:$0x1], $0xffff  }
0x141: {  	v27 =	vmul.f32 v27, v52;
	s29 =	sshll.u32 s21, $0x6;
	v59 =	vshll.u32 v26, $0x10;
	v26 =	vand.u32 $0xFFFF0000, v26;
	[tilespmem:v19+s19+$0x30 ss:$0x1] =	vst.idx.msk $0xffff, v28;
	v44 =	vld.idx.msk [tilespmem:v18+s23+$0x20 ss:$0x1], $0xffff  }
0x142: {  	s29 =	sand.u32 $0x3FFFFDC0, s29;
	v60 =	vmul.f32 v59, v52;
	v61 =	vperm.xlane v21, v5;
	[tilespmem:v19+s19+$0x40 ss:$0x1] =	vst.idx.msk $0xffff, v58;
	v43 =	vld.idx.msk [tilespmem:v18+s23+$0x30 ss:$0x1], $0xffff  }
0x143: {  	v62 =	vshll.u32 v48, $0x10;
	v26 =	vmul.f32 v26, v52;
	[tilespmem:v19+s19+$0x50 ss:$0x1] =	vst.idx.msk $0xffff, v27;
	v42 =	vld.idx.msk [tilespmem:v18+s29+$0x0 ss:$0x1], $0xffff  }
0x144: {  	s8 =	sshll.u32 s8, $0x7;
	v63 =	vand.u32 $0xFFFF0000, v48;
	v27 =	vmul.f32 v62, v61;
	[tilespmem:v19+s19+$0x60 ss:$0x1] =	vst.idx.msk $0xffff, v60;
	v41 =	vld.idx.msk [tilespmem:v18+s29+$0x10 ss:$0x1], $0xffff  }
0x145: {  	s8 =	sand.u32 $0x3FFFFA00, s8;
	v48 =	vshll.u32 v49, $0x10;
	v28 =	vmul.f32 v63, v61;
	[tilespmem:v19+s19+$0x70 ss:$0x1] =	vst.idx.msk $0xffff, v26;
	v39 =	vld.idx.msk [tilespmem:v18+s29+$0x20 ss:$0x1], $0xffff  }
0x146: {  	v50 =	vand.u32 $0xFFFF0000, v49;
	v26 =	vmul.f32 v48, v61;
	v38 =	vld.idx.msk [tilespmem:v18+s29+$0x30 ss:$0x1], $0xffff;
	[tilespmem:v19+s8+$0x0 ss:$0x1] =	vst.idx.msk $0xffff, v27  }
0x147: {  	v53 =	vand.u32 $0xFFFF0000, v51;
	v52 =	vshll.u32 v51, $0x10;
	v37 =	vmul.f32 v50, v61;
	[tilespmem:v19+s8+$0x10 ss:$0x1] =	vst.idx.msk $0xffff, v28  }
0x148: {  	v55 =	vperm.xlane v21, v6;
	v57 =	vand.u32 $0xFFFF0000, v47;
	v27 =	vmul.f32 v52, v61;
	[tilespmem:v19+s8+$0x20 ss:$0x1] =	vst.idx.msk $0xffff, v26  }
0x149: {  	v54 =	vshll.u32 v36, $0x10;
	v36 =	vand.u32 $0xFFFF0000, v36;
	s19 =	sor.u32 $0xE, s16;
	v28 =	vmul.f32 v53, v61;
	[tilespmem:v19+s8+$0x30 ss:$0x1] =	vst.idx.msk $0xffff, v37  }
0x14a: {  	v56 =	vshll.u32 v47, $0x10;
	v47 =	vperm.xlane v20, v13;
	s24 =	sshll.u32 s19, $0x6;
	v26 =	vmul.f32 v54, v61;
	[tilespmem:v19+s8+$0x40 ss:$0x1] =	vst.idx.msk $0xffff, v27  }
0x14b: {  	v59 =	vand.u32 $0xFFFF0000, v35;
	v58 =	vshll.u32 v35, $0x10;
	v29 =	vmul.f32 v36, v61;
	s23 =	sand.u32 $0x3FFFFF80, s24;
	[tilespmem:v19+s8+$0x50 ss:$0x1] =	vst.idx.msk $0xffff, v28  }
0x14c: {  	s25 =	sshll.u32 s25, $0x7;
	v62 =	vshll.u32 v40, $0x10;
	v40 =	vand.u32 $0xFFFF0000, v40;
	v36 =	vld.idx.msk [tilespmem:v18+s23+$0x10 ss:$0x1], $0xffff;
	v27 =	vmul.f32 v56, v55;
	[tilespmem:v19+s8+$0x60 ss:$0x1] =	vst.idx.msk $0xffff, v26  }
0x14d: {  	s17 =	sshllo.u32 s17, $0x4;
	v40 =	vmul.f32 v40, v55;
	s24 =	sand.u32 $0x3FFFFA80, s25;
	v35 =	vld.idx.msk [tilespmem:v18+s23+$0x20 ss:$0x1], $0xffff;
	v28 =	vmul.f32 v57, v55;
	[tilespmem:v19+s8+$0x70 ss:$0x1] =	vst.idx.msk $0xffff, v29  }
0x14e: {  	v60 =	vshll.u32 v34, $0x10;
	s29 =	sshll.u32 s17, $0x6;
	v61 =	vand.u32 $0xFFFF0000, v34;
	v34 =	vld.idx.msk [tilespmem:v18+s23+$0x30 ss:$0x1], $0xffff;
	v26 =	vmul.f32 v58, v55;
	[tilespmem:v19+s24+$0x0 ss:$0x1] =	vst.idx.msk $0xffff, v27  }
0x14f: {  	v52 =	vmul.f32 v62, v55;
	s25 =	sand.u32 $0x3FFFFFC0, s29;
	v37 =	vld.idx.msk [tilespmem:v18+s23+$0x0 ss:$0x1], $0xffff;
	v29 =	vmul.f32 v59, v55;
	[tilespmem:v19+s24+$0x10 ss:$0x1] =	vst.idx.msk $0xffff, v28  }
0x150: {  	v53 =	vshll.u32 v33, $0x10;
	v27 =	vmul.f32 v60, v55;
	v28 =	vld.idx.msk [tilespmem:v18+s25+$0x10 ss:$0x1], $0xffff;
	[tilespmem:v19+s24+$0x20 ss:$0x1] =	vst.idx.msk $0xffff, v26  }
0x151: {  	s20 =	sshll.u32 s20, $0x7;
	v63 =	vmul.f32 v61, v55;
	v55 =	vmul.f32 v53, v47;
	v26 =	vld.idx.msk [tilespmem:v18+s25+$0x20 ss:$0x1], $0xffff;
	[tilespmem:v19+s24+$0x30 ss:$0x1] =	vst.idx.msk $0xffff, v29  }
0x152: {  	s23 =	sand.u32 $0x3FFFFE00, s20;
	v29 =	vld.idx.msk [tilespmem:v18+s25+$0x0 ss:$0x1], $0xffff;
	[tilespmem:v19+s24+$0x40 ss:$0x1] =	vst.idx.msk $0xffff, v27  }
0x153: {  	v27 =	vld.idx.msk [tilespmem:v18+s25+$0x30 ss:$0x1], $0xffff;
	[tilespmem:v19+s23+$0x0 ss:$0x1] =	vst.idx.msk $0xffff, v55  }
0x154: {  	v54 =	vand.u32 $0xFFFF0000, v33;
	s8 =	sor.u32 $0x18, s16;
	[tilespmem:v19+s24+$0x50 ss:$0x1] =	vst.idx.msk $0xffff, v63  }
0x155: {  	v56 =	vshll.u32 v32, $0x10;
	v57 =	vmul.f32 v54, v47;
	s29 =	sshll.u32 s8, $0x6;
	[tilespmem:v19+s24+$0x60 ss:$0x1] =	vst.idx.msk $0xffff, v52  }
0x156: {  	v32 =	vand.u32 $0xFFFF0000, v32;
	v58 =	vmul.f32 v56, v47;
	s25 =	sand.u32 $0x3FFFFE00, s29;
	[tilespmem:v19+s24+$0x70 ss:$0x1] =	vst.idx.msk $0xffff, v40  }
0x157: {  	v59 =	vshll.u32 v31, $0x10;
	v60 =	vmul.f32 v32, v47;
	[tilespmem:v19+s23+$0x10 ss:$0x1] =	vst.idx.msk $0xffff, v57;
	v48 =	vld.idx.msk [tilespmem:v18+s25+$0x0 ss:$0x1], $0xffff  }
0x158: {  	s20 =	sor.u32 $0x19, s16;
	v31 =	vand.u32 $0xFFFF0000, v31;
	v33 =	vmul.f32 v59, v47;
	[tilespmem:v19+s23+$0x20 ss:$0x1] =	vst.idx.msk $0xffff, v58;
	v49 =	vld.idx.msk [tilespmem:v18+s25+$0x10 ss:$0x1], $0xffff  }
0x159: {  	v61 =	vshll.u32 v30, $0x10;
	v30 =	vand.u32 $0xFFFF0000, v30;
	v31 =	vmul.f32 v31, v47;
	s29 =	sshll.u32 s20, $0x6;
	[tilespmem:v19+s23+$0x30 ss:$0x1] =	vst.idx.msk $0xffff, v60;
	v51 =	vld.idx.msk [tilespmem:v18+s25+$0x20 ss:$0x1], $0xffff  }
0x15a: {  	v62 =	vmul.f32 v61, v47;
	s29 =	sand.u32 $0x3FFFFE40, s29;
	v63 =	vperm.xlane v21, v7;
	v32 =	vld.idx.msk [tilespmem:v18+s25+$0x30 ss:$0x1], $0xffff;
	[tilespmem:v19+s23+$0x40 ss:$0x1] =	vst.idx.msk $0xffff, v33  }
0x15b: {  	v30 =	vmul.f32 v30, v47;
	v53 =	vshll.u32 v46, $0x10;
	v40 =	vld.idx.msk [tilespmem:v18+s29+$0x0 ss:$0x1], $0xffff;
	[tilespmem:v19+s23+$0x50 ss:$0x1] =	vst.idx.msk $0xffff, v31  }
0x15c: {  	s22 =	sshll.u32 s22, $0x7;
	v46 =	vand.u32 $0xFFFF0000, v46;
	v54 =	vmul.f32 v53, v63;
	v33 =	vld.idx.msk [tilespmem:v18+s29+$0x10 ss:$0x1], $0xffff;
	[tilespmem:v19+s23+$0x60 ss:$0x1] =	vst.idx.msk $0xffff, v62  }
0x15d: {  	s22 =	sand.u32 $0x3FFFFB00, s22;
	v55 =	vshll.u32 v45, $0x10;
	v45 =	vand.u32 $0xFFFF0000, v45;
	v46 =	vmul.f32 v46, v63;
	v31 =	vld.idx.msk [tilespmem:v18+s29+$0x20 ss:$0x1], $0xffff;
	[tilespmem:v19+s23+$0x70 ss:$0x1] =	vst.idx.msk $0xffff, v30  }
0x15e: {  	v52 =	vperm.xlane v20, v14;
	v56 =	vmul.f32 v55, v63;
	v30 =	vld.idx.msk [tilespmem:v18+s29+$0x30 ss:$0x1], $0xffff;
	[tilespmem:v19+s22+$0x0 ss:$0x1] =	vst.idx.msk $0xffff, v54  }
0x15f: {  	v45 =	vmul.f32 v45, v63;
	v54 =	vshll.u32 v25, $0x10;
	[tilespmem:v19+s22+$0x10 ss:$0x1] =	vst.idx.msk $0xffff, v46  }
0x160: {  	s18 =	sshll.u32 s18, $0x7;
	v57 =	vshll.u32 v44, $0x10;
	v55 =	vmul.f32 v54, v52;
	[tilespmem:v19+s22+$0x20 ss:$0x1] =	vst.idx.msk $0xffff, v56  }
0x161: {  	v44 =	vand.u32 $0xFFFF0000, v44;
	s24 =	sand.u32 $0x3FFFFE80, s18;
	v46 =	vmul.f32 v57, v63;
	[tilespmem:v19+s22+$0x30 ss:$0x1] =	vst.idx.msk $0xffff, v45  }
0x162: {  	v58 =	vshll.u32 v43, $0x10;
	v44 =	vmul.f32 v44, v63;
	[tilespmem:v19+s24+$0x0 ss:$0x1] =	vst.idx.msk $0xffff, v55  }
0x163: {  	v59 =	vperm.xlane v21, v8;
	v43 =	vand.u32 $0xFFFF0000, v43;
	v45 =	vmul.f32 v58, v63;
	[tilespmem:v19+s22+$0x40 ss:$0x1] =	vst.idx.msk $0xffff, v46  }
0x164: {  	v43 =	vmul.f32 v43, v63;
	v60 =	vshll.u32 v42, $0x10;
	[tilespmem:v19+s22+$0x50 ss:$0x1] =	vst.idx.msk $0xffff, v44  }
0x165: {  	s21 =	sshll.u32 s21, $0x7;
	v42 =	vand.u32 $0xFFFF0000, v42;
	v44 =	vmul.f32 v60, v59;
	[tilespmem:v19+s22+$0x60 ss:$0x1] =	vst.idx.msk $0xffff, v45  }
0x166: {  	v61 =	vshll.u32 v41, $0x10;
	v42 =	vmul.f32 v42, v59;
	s25 =	sand.u32 $0x3FFFFB80, s21;
	[tilespmem:v19+s22+$0x70 ss:$0x1] =	vst.idx.msk $0xffff, v43  }
0x167: {  	v41 =	vand.u32 $0xFFFF0000, v41;
	v43 =	vmul.f32 v61, v59;
	[tilespmem:v19+s25+$0x0 ss:$0x1] =	vst.idx.msk $0xffff, v44  }
0x168: {  	v41 =	vmul.f32 v41, v59;
	v62 =	vshll.u32 v39, $0x10;
	[tilespmem:v19+s25+$0x10 ss:$0x1] =	vst.idx.msk $0xffff, v42  }
0x169: {  	v39 =	vand.u32 $0xFFFF0000, v39;
	v63 =	vmul.f32 v62, v59;
	[tilespmem:v19+s25+$0x20 ss:$0x1] =	vst.idx.msk $0xffff, v43  }
0x16a: {  	v50 =	vshll.u32 v38, $0x10;
	v39 =	vmul.f32 v39, v59;
	[tilespmem:v19+s25+$0x30 ss:$0x1] =	vst.idx.msk $0xffff, v41  }
0x16b: {  	v38 =	vand.u32 $0xFFFF0000, v38;
	v53 =	vmul.f32 v50, v59;
	[tilespmem:v19+s25+$0x40 ss:$0x1] =	vst.idx.msk $0xffff, v63  }
0x16c: {  	v38 =	vmul.f32 v38, v59;
	s21 =	sor.u32 $0x1A, s16;
	v25 =	vand.u32 $0xFFFF0000, v25;
	[tilespmem:v19+s25+$0x50 ss:$0x1] =	vst.idx.msk $0xffff, v39  }
0x16d: {  	s29 =	sshll.u32 s21, $0x6;
	v25 =	vmul.f32 v25, v52;
	v56 =	vshll.u32 v24, $0x10;
	[tilespmem:v19+s25+$0x60 ss:$0x1] =	vst.idx.msk $0xffff, v53  }
0x16e: {  	v24 =	vand.u32 $0xFFFF0000, v24;
	v57 =	vmul.f32 v56, v52;
	[tilespmem:v19+s25+$0x70 ss:$0x1] =	vst.idx.msk $0xffff, v38;
	s25 =	sand.u32 $0x3FFFFE80, s29  }
0x16f: {  	v58 =	vshll.u32 v23, $0x10;
	v24 =	vmul.f32 v24, v52;
	v23 =	vand.u32 $0xFFFF0000, v23;
	[tilespmem:v19+s24+$0x10 ss:$0x1] =	vst.idx.msk $0xffff, v25;
	v42 =	vld.idx.msk [tilespmem:v18+s25+$0x0 ss:$0x1], $0xffff  }
0x170: {  	s18 =	sor.u32 $0x1B, s16;
	v62 =	vperm.xlane v21, v9;
	[tilespmem:v19+s24+$0x20 ss:$0x1] =	vst.idx.msk $0xffff, v57;
	v59 =	vmul.f32 v58, v52;
	v43 =	vld.idx.msk [tilespmem:v18+s25+$0x10 ss:$0x1], $0xffff  }
0x171: {  	v23 =	vmul.f32 v23, v52;
	v60 =	vshll.u32 v22, $0x10;
	[tilespmem:v19+s24+$0x30 ss:$0x1] =	vst.idx.msk $0xffff, v24;
	s29 =	sshll.u32 s18, $0x6;
	v45 =	vld.idx.msk [tilespmem:v18+s25+$0x20 ss:$0x1], $0xffff  }
0x172: {  	v22 =	vand.u32 $0xFFFF0000, v22;
	v61 =	vmul.f32 v60, v52;
	[tilespmem:v19+s24+$0x40 ss:$0x1] =	vst.idx.msk $0xffff, v59;
	v39 =	vld.idx.msk [tilespmem:v18+s25+$0x30 ss:$0x1], $0xffff;
	s25 =	sand.u32 $0x3FFFFEC0, s29  }
0x173: {  	v22 =	vmul.f32 v22, v52;
	[tilespmem:v19+s24+$0x50 ss:$0x1] =	vst.idx.msk $0xffff, v23;
	v63 =	vshll.u32 v48, $0x10;
	v41 =	vld.idx.msk [tilespmem:v18+s25+$0x0 ss:$0x1], $0xffff  }
0x174: {  	s8 =	sshll.u32 s8, $0x7;
	v50 =	vand.u32 $0xFFFF0000, v48;
	[tilespmem:v19+s24+$0x60 ss:$0x1] =	vst.idx.msk $0xffff, v61;
	v23 =	vmul.f32 v63, v62;
	v38 =	vld.idx.msk [tilespmem:v18+s25+$0x10 ss:$0x1], $0xffff  }
0x175: {  	s8 =	sand.u32 $0x3FFFFC00, s8;
	v52 =	vshll.u32 v49, $0x10;
	v44 =	vmul.f32 v50, v62;
	[tilespmem:v19+s24+$0x70 ss:$0x1] =	vst.idx.msk $0xffff, v22;
	v24 =	vld.idx.msk [tilespmem:v18+s25+$0x20 ss:$0x1], $0xffff  }
0x176: {  	v46 =	vmul.f32 v52, v62;
	v53 =	vand.u32 $0xFFFF0000, v49;
	v22 =	vld.idx.msk [tilespmem:v18+s25+$0x30 ss:$0x1], $0xffff;
	[tilespmem:v19+s8+$0x0 ss:$0x1] =	vst.idx.msk $0xffff, v23  }
0x177: {  	v54 =	vshll.u32 v51, $0x10;
	v23 =	vmul.f32 v53, v62;
	[tilespmem:v19+s8+$0x10 ss:$0x1] =	vst.idx.msk $0xffff, v44  }
0x178: {  	v55 =	vand.u32 $0xFFFF0000, v51;
	v44 =	vmul.f32 v54, v62;
	[tilespmem:v19+s8+$0x20 ss:$0x1] =	vst.idx.msk $0xffff, v46  }
0x179: {  	v56 =	vshll.u32 v32, $0x10;
	v46 =	vmul.f32 v55, v62;
	[tilespmem:v19+s8+$0x30 ss:$0x1] =	vst.idx.msk $0xffff, v23  }
0x17a: {  	v32 =	vand.u32 $0xFFFF0000, v32;
	v57 =	vperm.xlane v21, v10;
	v23 =	vmul.f32 v56, v62;
	[tilespmem:v19+s8+$0x40 ss:$0x1] =	vst.idx.msk $0xffff, v44  }
0x17b: {  	v25 =	vmul.f32 v32, v62;
	v58 =	vshll.u32 v40, $0x10;
	[tilespmem:v19+s8+$0x50 ss:$0x1] =	vst.idx.msk $0xffff, v46  }
0x17c: {  	s20 =	sshll.u32 s20, $0x7;
	v32 =	vmul.f32 v58, v57;
	v59 =	vand.u32 $0xFFFF0000, v40;
	[tilespmem:v19+s8+$0x60 ss:$0x1] =	vst.idx.msk $0xffff, v23  }
0x17d: {  	s20 =	sand.u32 $0x3FFFFC80, s20;
	v60 =	vshll.u32 v33, $0x10;
	v23 =	vmul.f32 v59, v57;
	[tilespmem:v19+s8+$0x70 ss:$0x1] =	vst.idx.msk $0xffff, v25  }
0x17e: {  	v33 =	vand.u32 $0xFFFF0000, v33;
	v25 =	vmul.f32 v60, v57;
	[tilespmem:v19+s20+$0x0 ss:$0x1] =	vst.idx.msk $0xffff, v32  }
0x17f: {  	v33 =	vmul.f32 v33, v57;
	v61 =	vshll.u32 v31, $0x10;
	[tilespmem:v19+s20+$0x10 ss:$0x1] =	vst.idx.msk $0xffff, v23  }
0x180: {  	v63 =	vmul.f32 v61, v57;
	v62 =	vand.u32 $0xFFFF0000, v31;
	[tilespmem:v19+s20+$0x20 ss:$0x1] =	vst.idx.msk $0xffff, v25  }
0x181: {  	v40 =	vshll.u32 v30, $0x10;
	v23 =	vmul.f32 v62, v57;
	[tilespmem:v19+s20+$0x30 ss:$0x1] =	vst.idx.msk $0xffff, v33  }
0x182: {  	v30 =	vand.u32 $0xFFFF0000, v30;
	v46 =	vperm.xlane v20, v15;
	v25 =	vmul.f32 v40, v57;
	[tilespmem:v19+s20+$0x40 ss:$0x1] =	vst.idx.msk $0xffff, v63  }
0x183: {  	v47 =	vshll.u32 v37, $0x10;
	v30 =	vmul.f32 v30, v57;
	s8 =	sor.u32 $0x1C, s16;
	[tilespmem:v19+s20+$0x50 ss:$0x1] =	vst.idx.msk $0xffff, v23  }
0x184: {  	s19 =	sshll.u32 s19, $0x7;
	v48 =	vand.u32 $0xFFFF0000, v37;
	v31 =	vmul.f32 v47, v46;
	s29 =	sshll.u32 s8, $0x6;
	[tilespmem:v19+s20+$0x60 ss:$0x1] =	vst.idx.msk $0xffff, v25  }
0x185: {  	s23 =	sand.u32 $0x3FFFFF00, s19;
	v49 =	vshll.u32 v36, $0x10;
	s24 =	sand.u32 $0x3FFFFF00, s29;
	v23 =	vmul.f32 v48, v46;
	[tilespmem:v19+s20+$0x70 ss:$0x1] =	vst.idx.msk $0xffff, v30  }
0x186: {  	v50 =	vand.u32 $0xFFFF0000, v36;
	[tilespmem:v19+s23+$0x0 ss:$0x1] =	vst.idx.msk $0xffff, v31;
	v25 =	vmul.f32 v49, v46;
	v36 =	vld.idx.msk [tilespmem:v18+s24+$0x0 ss:$0x1], $0xffff  }
0x187: {  	s19 =	sor.u32 $0x1D, s16;
	v51 =	vshll.u32 v35, $0x10;
	v30 =	vmul.f32 v50, v46;
	[tilespmem:v19+s23+$0x10 ss:$0x1] =	vst.idx.msk $0xffff, v23;
	v37 =	vld.idx.msk [tilespmem:v18+s24+$0x10 ss:$0x1], $0xffff  }
0x188: {  	v52 =	vand.u32 $0xFFFF0000, v35;
	s25 =	sshll.u32 s19, $0x6;
	v54 =	vshll.u32 v34, $0x10;
	v53 =	vmul.f32 v51, v46;
	[tilespmem:v19+s23+$0x20 ss:$0x1] =	vst.idx.msk $0xffff, v25;
	v35 =	vld.idx.msk [tilespmem:v18+s24+$0x20 ss:$0x1], $0xffff  }
0x189: {  	v55 =	vperm.xlane v21, v11;
	s29 =	sand.u32 $0x3FFFFF40, s25;
	v23 =	vmul.f32 v52, v46;
	v31 =	vld.idx.msk [tilespmem:v18+s24+$0x30 ss:$0x1], $0xffff;
	[tilespmem:v19+s23+$0x30 ss:$0x1] =	vst.idx.msk $0xffff, v30  }
0x18a: {  	v34 =	vand.u32 $0xFFFF0000, v34;
	v56 =	vshll.u32 v42, $0x10;
	v25 =	vmul.f32 v54, v46;
	v32 =	vld.idx.msk [tilespmem:v18+s29+$0x0 ss:$0x1], $0xffff;
	[tilespmem:v19+s23+$0x40 ss:$0x1] =	vst.idx.msk $0xffff, v53  }
0x18b: {  	s21 =	sshll.u32 s21, $0x7;
	v58 =	vmul.f32 v56, v55;
	v20 =	vperm.xlane v20, v16;
	v30 =	vld.idx.msk [tilespmem:v18+s29+$0x10 ss:$0x1], $0xffff;
	[tilespmem:v19+s23+$0x50 ss:$0x1] =	vst.idx.msk $0xffff, v23  }
0x18c: {  	s22 =	sand.u32 $0x3FFFFD00, s21;
	v57 =	vand.u32 $0xFFFF0000, v42;
	v33 =	vmul.f32 v34, v46;
	v23 =	vld.idx.msk [tilespmem:v18+s29+$0x30 ss:$0x1], $0xffff;
	[tilespmem:v19+s23+$0x60 ss:$0x1] =	vst.idx.msk $0xffff, v25  }
0x18d: {  	v34 =	vmul.f32 v57, v55;
	v52 =	vshll.u32 v29, $0x10;
	v25 =	vld.idx.msk [tilespmem:v18+s29+$0x20 ss:$0x1], $0xffff;
	[tilespmem:v19+s22+$0x0 ss:$0x1] =	vst.idx.msk $0xffff, v58  }
0x18e: {  	s17 =	sshll.u32 s17, $0x7;
	v59 =	vshll.u32 v43, $0x10;
	v54 =	vmul.f32 v52, v20;
	[tilespmem:v19+s23+$0x70 ss:$0x1] =	vst.idx.msk $0xffff, v33  }
0x18f: {  	s17 =	sand.u32 $0x3FFFFF80, s17;
	v43 =	vand.u32 $0xFFFF0000, v43;
	v33 =	vmul.f32 v59, v55;
	[tilespmem:v19+s22+$0x10 ss:$0x1] =	vst.idx.msk $0xffff, v34  }
0x190: {  	v60 =	vshll.u32 v45, $0x10;
	v43 =	vmul.f32 v43, v55;
	[tilespmem:v19+s17+$0x0 ss:$0x1] =	vst.idx.msk $0xffff, v54  }
0x191: {  	v61 =	vand.u32 $0xFFFF0000, v45;
	v42 =	vmul.f32 v60, v55;
	[tilespmem:v19+s22+$0x20 ss:$0x1] =	vst.idx.msk $0xffff, v33  }
0x192: {  	v62 =	vshll.u32 v39, $0x10;
	v34 =	vmul.f32 v61, v55;
	[tilespmem:v19+s22+$0x30 ss:$0x1] =	vst.idx.msk $0xffff, v43  }
0x193: {  	v39 =	vand.u32 $0xFFFF0000, v39;
	v63 =	vperm.xlane v21, v12;
	v33 =	vmul.f32 v62, v55;
	[tilespmem:v19+s22+$0x40 ss:$0x1] =	vst.idx.msk $0xffff, v42  }
0x194: {  	v45 =	vshll.u32 v41, $0x10;
	v39 =	vmul.f32 v39, v55;
	[tilespmem:v19+s22+$0x50 ss:$0x1] =	vst.idx.msk $0xffff, v34  }
0x195: {  	s18 =	sshll.u32 s18, $0x7;
	v47 =	vmul.f32 v45, v63;
	v46 =	vand.u32 $0xFFFF0000, v41;
	[tilespmem:v19+s22+$0x60 ss:$0x1] =	vst.idx.msk $0xffff, v33  }
0x196: {  	v48 =	vshll.u32 v38, $0x10;
	s23 =	sand.u32 $0x3FFFFD80, s18;
	v34 =	vmul.f32 v46, v63;
	[tilespmem:v19+s22+$0x70 ss:$0x1] =	vst.idx.msk $0xffff, v39  }
0x197: {  	v38 =	vand.u32 $0xFFFF0000, v38;
	v33 =	vmul.f32 v48, v63;
	[tilespmem:v19+s23+$0x0 ss:$0x1] =	vst.idx.msk $0xffff, v47  }
0x198: {  	v49 =	vshll.u32 v24, $0x10;
	v38 =	vmul.f32 v38, v63;
	[tilespmem:v19+s23+$0x10 ss:$0x1] =	vst.idx.msk $0xffff, v34  }
0x199: {  	v24 =	vand.u32 $0xFFFF0000, v24;
	v50 =	vmul.f32 v49, v63;
	[tilespmem:v19+s23+$0x20 ss:$0x1] =	vst.idx.msk $0xffff, v33  }
0x19a: {  	v51 =	vshll.u32 v22, $0x10;
	v24 =	vmul.f32 v24, v63;
	[tilespmem:v19+s23+$0x30 ss:$0x1] =	vst.idx.msk $0xffff, v38  }
0x19b: {  	v22 =	vand.u32 $0xFFFF0000, v22;
	v33 =	vmul.f32 v51, v63;
	[tilespmem:v19+s23+$0x40 ss:$0x1] =	vst.idx.msk $0xffff, v50  }
0x19c: {  	v22 =	vmul.f32 v22, v63;
	v53 =	vand.u32 $0xFFFF0000, v29;
	s18 =	sor.u32 $0x1E, s16;
	[tilespmem:v19+s23+$0x50 ss:$0x1] =	vst.idx.msk $0xffff, v24  }
0x19d: {  	s24 =	sshll.u32 s18, $0x6;
	v55 =	vshll.u32 v28, $0x10;
	v24 =	vmul.f32 v53, v20;
	[tilespmem:v19+s23+$0x60 ss:$0x1] =	vst.idx.msk $0xffff, v33  }
0x19e: {  	v56 =	vand.u32 $0xFFFF0000, v28;
	s25 =	sand.u32 $0x3FFFFF80, s24;
	v57 =	vmul.f32 v55, v20;
	[tilespmem:v19+s23+$0x70 ss:$0x1] =	vst.idx.msk $0xffff, v22  }
0x19f: {  	v59 =	vshll.u32 v26, $0x10;
	v22 =	vmul.f32 v56, v20;
	[tilespmem:v19+s17+$0x10 ss:$0x1] =	vst.idx.msk $0xffff, v24;
	v58 =	vld.idx.msk [tilespmem:v18+s25+$0x0 ss:$0x1], $0xffff  }
0x1a0: {  	s16 =	sor.u32 $0x1F, s16;
	v26 =	vand.u32 $0xFFFF0000, v26;
	v33 =	vmul.f32 v59, v20;
	v60 =	vld.idx.msk [tilespmem:v18+s25+$0x10 ss:$0x1], $0xffff;
	[tilespmem:v19+s17+$0x20 ss:$0x1] =	vst.idx.msk $0xffff, v57  }
0x1a1: {  	s29 =	sshll.u32 s16, $0x6;
	v26 =	vmul.f32 v26, v20;
	v62 =	vshll.u32 v27, $0x10;
	v27 =	vand.u32 $0xFFFF0000, v27;
	v61 =	vld.idx.msk [tilespmem:v18+s25+$0x20 ss:$0x1], $0xffff;
	[tilespmem:v19+s17+$0x30 ss:$0x1] =	vst.idx.msk $0xffff, v22  }
0x1a2: {  	s21 =	sand.u32 $0x3FFFFFC0, s29;
	v42 =	vperm.xlane v21, v13;
	v34 =	vmul.f32 v62, v20;
	v63 =	vld.idx.msk [tilespmem:v18+s25+$0x30 ss:$0x1], $0xffff;
	[tilespmem:v19+s17+$0x40 ss:$0x1] =	vst.idx.msk $0xffff, v33  }
0x1a3: {  	v43 =	vshll.u32 v36, $0x10;
	v20 =	vmul.f32 v27, v20;
	v38 =	vld.idx.msk [tilespmem:v18+s21+$0x0 ss:$0x1], $0xffff;
	[tilespmem:v19+s17+$0x50 ss:$0x1] =	vst.idx.msk $0xffff, v26  }
0x1a4: {  	s8 =	sshll.u32 s8, $0x7;
	v45 =	vand.u32 $0xFFFF0000, v36;
	v44 =	vld.idx.msk [tilespmem:v18+s21+$0x10 ss:$0x1], $0xffff;
	v26 =	vmul.f32 v43, v42;
	[tilespmem:v19+s17+$0x60 ss:$0x1] =	vst.idx.msk $0xffff, v34  }
0x1a5: {  	s8 =	sand.u32 $0x3FFFFE00, s8;
	v46 =	vld.idx.msk [tilespmem:v18+s21+$0x20 ss:$0x1], $0xffff;
	v34 =	vmul.f32 v45, v42;
	[tilespmem:v19+s17+$0x70 ss:$0x1] =	vst.idx.msk $0xffff, v20;
	v20 =	vshll.u32 v37, $0x10  }
0x1a6: {  	v47 =	vld.idx.msk [tilespmem:v18+s21+$0x30 ss:$0x1], $0xffff;
	v37 =	vand.u32 $0xFFFF0000, v37;
	[tilespmem:v19+s8+$0x0 ss:$0x1] =	vst.idx.msk $0xffff, v26;
	v20 =	vmul.f32 v20, v42  }
0x1a7: {  	v48 =	vshll.u32 v35, $0x10;
	v37 =	vmul.f32 v37, v42;
	[tilespmem:v19+s8+$0x10 ss:$0x1] =	vst.idx.msk $0xffff, v34  }
0x1a8: {  	v49 =	vand.u32 $0xFFFF0000, v35;
	v26 =	vmul.f32 v48, v42;
	[tilespmem:v19+s8+$0x20 ss:$0x1] =	vst.idx.msk $0xffff, v20  }
0x1a9: {  	v34 =	vmul.f32 v49, v42;
	v20 =	vshll.u32 v31, $0x10;
	[tilespmem:v19+s8+$0x30 ss:$0x1] =	vst.idx.msk $0xffff, v37  }
0x1aa: {  	v50 =	vperm.xlane v21, v14;
	v31 =	vand.u32 $0xFFFF0000, v31;
	v20 =	vmul.f32 v20, v42;
	[tilespmem:v19+s8+$0x40 ss:$0x1] =	vst.idx.msk $0xffff, v26  }
0x1ab: {  	v51 =	vshll.u32 v32, $0x10;
	v31 =	vmul.f32 v31, v42;
	[tilespmem:v19+s8+$0x50 ss:$0x1] =	vst.idx.msk $0xffff, v34  }
0x1ac: {  	s22 =	sshll.u32 s19, $0x7;
	v32 =	vand.u32 $0xFFFF0000, v32;
	v26 =	vmul.f32 v51, v50;
	[tilespmem:v19+s8+$0x60 ss:$0x1] =	vst.idx.msk $0xffff, v20  }
0x1ad: {  	v32 =	vmul.f32 v32, v50;
	s23 =	sand.u32 $0x3FFFFE80, s22;
	v20 =	vshll.u32 v30, $0x10;
	[tilespmem:v19+s8+$0x70 ss:$0x1] =	vst.idx.msk $0xffff, v31  }
0x1ae: {  	v30 =	vand.u32 $0xFFFF0000, v30;
	v20 =	vmul.f32 v20, v50;
	[tilespmem:v19+s23+$0x0 ss:$0x1] =	vst.idx.msk $0xffff, v26  }
0x1af: {  	v52 =	vshll.u32 v25, $0x10;
	v30 =	vmul.f32 v30, v50;
	[tilespmem:v19+s23+$0x10 ss:$0x1] =	vst.idx.msk $0xffff, v32  }
0x1b0: {  	v25 =	vand.u32 $0xFFFF0000, v25;
	v26 =	vmul.f32 v52, v50;
	[tilespmem:v19+s23+$0x20 ss:$0x1] =	vst.idx.msk $0xffff, v20  }
0x1b1: {  	v25 =	vmul.f32 v25, v50;
	v20 =	vshll.u32 v23, $0x10;
	[tilespmem:v19+s23+$0x30 ss:$0x1] =	vst.idx.msk $0xffff, v30  }
0x1b2: {  	v53 =	vperm.xlane v21, v15;
	v23 =	vand.u32 $0xFFFF0000, v23;
	v20 =	vmul.f32 v20, v50;
	[tilespmem:v19+s23+$0x40 ss:$0x1] =	vst.idx.msk $0xffff, v26  }
0x1b3: {  	v54 =	vshll.u32 v58, $0x10;
	v23 =	vmul.f32 v23, v50;
	[tilespmem:v19+s23+$0x50 ss:$0x1] =	vst.idx.msk $0xffff, v25  }
0x1b4: {  	s24 =	sshll.u32 s18, $0x7;
	v25 =	vmul.f32 v54, v53;
	[tilespmem:v19+s23+$0x60 ss:$0x1] =	vst.idx.msk $0xffff, v20;
	v20 =	vand.u32 $0xFFFF0000, v58  }
0x1b5: {  	s25 =	sand.u32 $0x3FFFFF00, s24;
	v55 =	vshll.u32 v60, $0x10;
	[tilespmem:v19+s23+$0x70 ss:$0x1] =	vst.idx.msk $0xffff, v23;
	v20 =	vmul.f32 v20, v53  }
0x1b6: {  	v24 =	vand.u32 $0xFFFF0000, v60;
	v23 =	vmul.f32 v55, v53;
	[tilespmem:v19+s25+$0x0 ss:$0x1] =	vst.idx.msk $0xffff, v25  }
0x1b7: {  	v56 =	vshll.u32 v61, $0x10;
	v24 =	vmul.f32 v24, v53;
	[tilespmem:v19+s25+$0x10 ss:$0x1] =	vst.idx.msk $0xffff, v20  }
0x1b8: {  	v25 =	vmul.f32 v56, v53;
	v20 =	vand.u32 $0xFFFF0000, v61;
	[tilespmem:v19+s25+$0x20 ss:$0x1] =	vst.idx.msk $0xffff, v23  }
0x1b9: {  	v57 =	vshll.u32 v63, $0x10;
	v20 =	vmul.f32 v20, v53;
	[tilespmem:v19+s25+$0x30 ss:$0x1] =	vst.idx.msk $0xffff, v24  }
0x1ba: {  	v21 =	vperm.xlane v21, v16;
	v22 =	vand.u32 $0xFFFF0000, v63;
	v23 =	vmul.f32 v57, v53;
	[tilespmem:v19+s25+$0x40 ss:$0x1] =	vst.idx.msk $0xffff, v25  }
0x1bb: {  	v22 =	vmul.f32 v22, v53;
	v58 =	vshll.u32 v38, $0x10;
	[tilespmem:v19+s25+$0x50 ss:$0x1] =	vst.idx.msk $0xffff, v20  }
0x1bc: {  	s16 =	sshll.u32 s16, $0x7;
	v24 =	vmul.f32 v58, v21;
	v20 =	vand.u32 $0xFFFF0000, v38;
	[tilespmem:v19+s25+$0x60 ss:$0x1] =	vst.idx.msk $0xffff, v23  }
0x1bd: {  	s29 =	sand.u32 $0x3FFFFF80, s16;
	v59 =	vshll.u32 v44, $0x10;
	v20 =	vmul.f32 v20, v21;
	[tilespmem:v19+s25+$0x70 ss:$0x1] =	vst.idx.msk $0xffff, v22  }
0x1be: {  	v60 =	vand.u32 $0xFFFF0000, v44;
	v23 =	vmul.f32 v59, v21;
	[tilespmem:v19+s29+$0x0 ss:$0x1] =	vst.idx.msk $0xffff, v24  }
0x1bf: {  	v61 =	vshll.u32 v46, $0x10;
	v22 =	vmul.f32 v60, v21;
	[tilespmem:v19+s29+$0x10 ss:$0x1] =	vst.idx.msk $0xffff, v20  }
0x1c0: {  	p2 =	por p1, p1;
	v24 =	vmul.f32 v61, v21;
	v20 =	vand.u32 $0xFFFF0000, v46;
	[tilespmem:v19+s29+$0x20 ss:$0x1] =	vst.idx.msk $0xffff, v23  }
.Ltmp5:
0x1c1: {  	v62 =	vshll.u32 v47, $0x10;
	v20 =	vmul.f32 v20, v21;
	[tilespmem:v19+s29+$0x30 ss:$0x1] =	vst.idx.msk $0xffff, v22;
	(pc) =	sbr.rel @p2 .LBB2_5-.Ltmp5, $4  }
0x1c2: {  	v63 =	vand.u32 $0xFFFF0000, v47;
	v23 =	vmul.f32 v62, v21;
	[tilespmem:v19+s29+$0x40 ss:$0x1] =	vst.idx.msk $0xffff, v24  }
0x1c3: {  	v21 =	vmul.f32 v63, v21;
	[tilespmem:v19+s29+$0x50 ss:$0x1] =	vst.idx.msk $0xffff, v20  }
0x1c4: {  	[tilespmem:v19+s29+$0x60 ss:$0x1] =	vst.idx.msk $0xffff, v23  }
0x1c5: {  	p1 =	por $0x0, $0x0;
	s17 =	simm.s32 $0x2;
	[tilespmem:v19+s29+$0x70 ss:$0x1] =	vst.idx.msk $0xffff, v21  }
0x1c6: {  	v18 =	vld [tilespmem:s14+$0x1960]  }
0x1c7: {  	v19 =	vld [tilespmem:s14+$0x1970]  }
0x1c8: {  	v20 =	vld [tilespmem:s14+$0x1980]  }
0x1c9: {  	s8 =	smul.u32 $0x190, s15;
	v21 =	vld [tilespmem:s14+$0x1990]  }
0x1ca: {  	s29 =	smul.u32 $0x50, s12;
	v22 =	vld [tilespmem:s14+$0x19A0]  }
0x1cb: {  	v23 =	vld [tilespmem:s14+$0x19B0]  }
0x1cc: {  	v24 =	vld [tilespmem:s14+$0x19C0];
	s15 =	sadd.s32 s8, s29  }
0x1cd: {  	v17 =	vld [tilespmem:s15+$0x680]  }
0x1ce: {  	v25 =	vld [tilespmem:s14+$0x19D0]  }
0x1cf: {  	v26 =	vld [tilespmem:s14+$0x19E0]  }
0x1d0: {  	v27 =	vld [tilespmem:s14+$0x19F0]  }
0x1d1: {  	v28 =	vld [tilespmem:s14+$0x1A00]  }
0x1d2: {  	v29 =	vld [tilespmem:s14+$0x1A10];
	v30 =	vperm.xlane v17, v1  }
0x1d3: {  	v31 =	vld [tilespmem:s14+$0x1A20];
	v32 =	vshll.u32 v18, $0x10  }
0x1d4: {  	v33 =	vld [tilespmem:s14+$0x1A30];
	v18 =	vand.u32 $0xFFFF0000, v18;
	v32 =	vmul.f32 v32, v30  }
0x1d5: {  	v34 =	vld [tilespmem:s14+$0x1A40];
	v35 =	vshll.u32 v19, $0x10;
	v18 =	vmul.f32 v18, v30  }
0x1d6: {  	v36 =	vld [tilespmem:s14+$0x1A50];
	v19 =	vand.u32 $0xFFFF0000, v19;
	v35 =	vmul.f32 v35, v30;
	[tilespmem:s13+$0x6560] =	vst v32  }
0x1d7: {  	v54 =	vshll.u32 v20, $0x10;
	v19 =	vmul.f32 v19, v30;
	[tilespmem:s13+$0x6570] =	vst v18  }
0x1d8: {  	v56 =	vshll.u32 v21, $0x10;
	v21 =	vand.u32 $0xFFFF0000, v21;
	v55 =	vmul.f32 v54, v30;
	[tilespmem:s13+$0x6580] =	vst v35  }
0x1d9: {  	v21 =	vmul.f32 v21, v30;
	[tilespmem:s13+$0x6590] =	vst v19  }
0x1da: {  	v18 =	vand.u32 $0xFFFF0000, v20;
	v19 =	vperm.xlane v17, v2;
	v32 =	vmul.f32 v56, v30;
	[tilespmem:s13+$0x65A0] =	vst v55  }
0x1db: {  	v57 =	vshll.u32 v22, $0x10;
	[tilespmem:s13+$0x65D0] =	vst v21;
	v18 =	vmul.f32 v18, v30  }
0x1dc: {  	v59 =	vand.u32 $0xFFFF0000, v23;
	v20 =	vmul.f32 v57, v19;
	[tilespmem:s13+$0x65C0] =	vst v32  }
0x1dd: {  	v58 =	vshll.u32 v23, $0x10;
	v21 =	vmul.f32 v59, v19;
	[tilespmem:s13+$0x65B0] =	vst v18  }
0x1de: {  	v18 =	vand.u32 $0xFFFF0000, v22;
	v22 =	vmul.f32 v58, v19;
	[tilespmem:s13+$0x65E0] =	vst v20  }
0x1df: {  	v60 =	vshll.u32 v24, $0x10;
	v18 =	vmul.f32 v18, v19;
	[tilespmem:s13+$0x6610] =	vst v21  }
0x1e0: {  	v61 =	vshll.u32 v25, $0x10;
	v20 =	vmul.f32 v60, v19;
	[tilespmem:s13+$0x6600] =	vst v22  }
0x1e1: {  	v22 =	vmul.f32 v61, v19;
	[tilespmem:s13+$0x65F0] =	vst v18;
	v18 =	vand.u32 $0xFFFF0000, v24  }
0x1e2: {  	v62 =	vand.u32 $0xFFFF0000, v25;
	[tilespmem:s13+$0x6620] =	vst v20;
	v18 =	vmul.f32 v18, v19  }
0x1e3: {  	v19 =	vmul.f32 v62, v19;
	[tilespmem:s13+$0x6640] =	vst v22  }
0x1e4: {  	[tilespmem:s13+$0x6630] =	vst v18  }
0x1e5: {  	[tilespmem:s13+$0x6650] =	vst v19  }
0x1e6: {  	v18 =	vld [tilespmem:s14+$0x1A60]  }
0x1e7: {  	v19 =	vld [tilespmem:s14+$0x1A70]  }
0x1e8: {  	v20 =	vld [tilespmem:s14+$0x1A80]  }
0x1e9: {  	v38 =	vperm.xlane v17, v3;
	v63 =	vld [tilespmem:s14+$0x1A90]  }
0x1ea: {  	v39 =	vshll.u32 v26, $0x10;
	v23 =	vld [tilespmem:s14+$0x1AA0]  }
0x1eb: {  	v26 =	vand.u32 $0xFFFF0000, v26;
	v24 =	vmul.f32 v39, v38;
	v25 =	vld [tilespmem:s14+$0x1AB0]  }
0x1ec: {  	v40 =	vshll.u32 v27, $0x10;
	v26 =	vmul.f32 v26, v38;
	v30 =	vld [tilespmem:s14+$0x1AC0]  }
0x1ed: {  	v27 =	vand.u32 $0xFFFF0000, v27;
	v32 =	vmul.f32 v40, v38;
	v35 =	vld [tilespmem:s14+$0x1AD0];
	[tilespmem:s13+$0x6660] =	vst v24  }
0x1ee: {  	v41 =	vshll.u32 v28, $0x10;
	v43 =	vshll.u32 v29, $0x10;
	v27 =	vmul.f32 v27, v38;
	[tilespmem:s13+$0x6670] =	vst v26  }
0x1ef: {  	v42 =	vand.u32 $0xFFFF0000, v28;
	v29 =	vand.u32 $0xFFFF0000, v29;
	v28 =	vmul.f32 v43, v38;
	[tilespmem:s13+$0x6680] =	vst v32  }
0x1f0: {  	v22 =	vmul.f32 v29, v38;
	[tilespmem:s13+$0x6690] =	vst v27  }
0x1f1: {  	v44 =	vperm.xlane v17, v4;
	v24 =	vmul.f32 v41, v38;
	[tilespmem:s13+$0x66C0] =	vst v28  }
0x1f2: {  	v47 =	vshll.u32 v33, $0x10;
	v26 =	vmul.f32 v42, v38;
	[tilespmem:s13+$0x66D0] =	vst v22  }
0x1f3: {  	v48 =	vand.u32 $0xFFFF0000, v33;
	v28 =	vmul.f32 v47, v44;
	[tilespmem:s13+$0x66A0] =	vst v24  }
0x1f4: {  	v45 =	vshll.u32 v31, $0x10;
	v22 =	vmul.f32 v48, v44;
	[tilespmem:s13+$0x66B0] =	vst v26  }
0x1f5: {  	v46 =	vand.u32 $0xFFFF0000, v31;
	v24 =	vmul.f32 v45, v44;
	[tilespmem:s13+$0x6700] =	vst v28  }
0x1f6: {  	v51 =	vshll.u32 v36, $0x10;
	v26 =	vmul.f32 v46, v44;
	[tilespmem:s13+$0x6710] =	vst v22  }
0x1f7: {  	v52 =	vand.u32 $0xFFFF0000, v36;
	v28 =	vmul.f32 v51, v44;
	[tilespmem:s13+$0x66E0] =	vst v24  }
0x1f8: {  	v49 =	vshll.u32 v34, $0x10;
	v22 =	vmul.f32 v52, v44;
	[tilespmem:s13+$0x66F0] =	vst v26  }
0x1f9: {  	v50 =	vand.u32 $0xFFFF0000, v34;
	v24 =	vmul.f32 v49, v44;
	[tilespmem:s13+$0x6740] =	vst v28  }
0x1fa: {  	v26 =	vmul.f32 v50, v44;
	[tilespmem:s13+$0x6750] =	vst v22  }
0x1fb: {  	[tilespmem:s13+$0x6720] =	vst v24  }
0x1fc: {  	[tilespmem:s13+$0x6730] =	vst v26  }
0x1fd: {  	v22 =	vld [tilespmem:s14+$0x1AE0]  }
0x1fe: {  	v24 =	vld [tilespmem:s14+$0x1AF0]  }
0x1ff: {  	v26 =	vld [tilespmem:s14+$0x1B00]  }
0x200: {  	v54 =	vperm.xlane v17, v5;
	v53 =	vld [tilespmem:s14+$0x1B10]  }
0x201: {  	v56 =	vshll.u32 v18, $0x10;
	v55 =	vld [tilespmem:s14+$0x1B20]  }
0x202: {  	v18 =	vand.u32 $0xFFFF0000, v18;
	v31 =	vmul.f32 v56, v54;
	v32 =	vld [tilespmem:s14+$0x1B30]  }
0x203: {  	v58 =	vshll.u32 v19, $0x10;
	v18 =	vmul.f32 v18, v54;
	v57 =	vld [tilespmem:s14+$0x1B40]  }
0x204: {  	v19 =	vand.u32 $0xFFFF0000, v19;
	v34 =	vmul.f32 v58, v54;
	v59 =	vld [tilespmem:s14+$0x1B50];
	[tilespmem:s13+$0x6760] =	vst v31  }
0x205: {  	v60 =	vshll.u32 v20, $0x10;
	v19 =	vmul.f32 v19, v54;
	[tilespmem:s13+$0x6770] =	vst v18  }
0x206: {  	v21 =	vand.u32 $0xFFFF0000, v63;
	v61 =	vmul.f32 v60, v54;
	[tilespmem:s13+$0x6780] =	vst v34  }
0x207: {  	v62 =	vshll.u32 v63, $0x10;
	v21 =	vmul.f32 v21, v54;
	[tilespmem:s13+$0x6790] =	vst v19  }
0x208: {  	v18 =	vand.u32 $0xFFFF0000, v20;
	v19 =	vperm.xlane v17, v6;
	v31 =	vmul.f32 v62, v54;
	[tilespmem:s13+$0x67A0] =	vst v61  }
0x209: {  	v63 =	vshll.u32 v23, $0x10;
	[tilespmem:s13+$0x67D0] =	vst v21;
	v18 =	vmul.f32 v18, v54  }
0x20a: {  	v34 =	vand.u32 $0xFFFF0000, v25;
	v20 =	vmul.f32 v63, v19;
	[tilespmem:s13+$0x67C0] =	vst v31  }
0x20b: {  	v31 =	vshll.u32 v25, $0x10;
	v21 =	vmul.f32 v34, v19;
	[tilespmem:s13+$0x67B0] =	vst v18  }
0x20c: {  	v18 =	vand.u32 $0xFFFF0000, v23;
	v23 =	vmul.f32 v31, v19;
	[tilespmem:s13+$0x67E0] =	vst v20  }
0x20d: {  	v37 =	vshll.u32 v30, $0x10;
	v18 =	vmul.f32 v18, v19;
	[tilespmem:s13+$0x6810] =	vst v21  }
0x20e: {  	v38 =	vshll.u32 v35, $0x10;
	v20 =	vmul.f32 v37, v19;
	[tilespmem:s13+$0x6800] =	vst v23  }
0x20f: {  	v23 =	vmul.f32 v38, v19;
	[tilespmem:s13+$0x67F0] =	vst v18;
	v18 =	vand.u32 $0xFFFF0000, v30  }
0x210: {  	v39 =	vand.u32 $0xFFFF0000, v35;
	[tilespmem:s13+$0x6820] =	vst v20;
	v18 =	vmul.f32 v18, v19  }
0x211: {  	v19 =	vmul.f32 v39, v19;
	[tilespmem:s13+$0x6840] =	vst v23  }
0x212: {  	[tilespmem:s13+$0x6830] =	vst v18  }
0x213: {  	[tilespmem:s13+$0x6850] =	vst v19  }
0x214: {  	v18 =	vld [tilespmem:s14+$0x1B60]  }
0x215: {  	v19 =	vld [tilespmem:s14+$0x1B70]  }
0x216: {  	v20 =	vld [tilespmem:s14+$0x1B80]  }
0x217: {  	v40 =	vperm.xlane v17, v7;
	v21 =	vld [tilespmem:s14+$0x1B90]  }
0x218: {  	v41 =	vshll.u32 v22, $0x10;
	v25 =	vld [tilespmem:s14+$0x1BA0]  }
0x219: {  	v22 =	vand.u32 $0xFFFF0000, v22;
	v28 =	vmul.f32 v41, v40;
	v42 =	vld [tilespmem:s14+$0x1BB0]  }
0x21a: {  	v43 =	vshll.u32 v24, $0x10;
	v22 =	vmul.f32 v22, v40;
	v31 =	vld [tilespmem:s14+$0x1BC0]  }
0x21b: {  	v24 =	vand.u32 $0xFFFF0000, v24;
	v34 =	vmul.f32 v43, v40;
	v35 =	vld [tilespmem:s14+$0x1BD0];
	[tilespmem:s13+$0x6860] =	vst v28  }
0x21c: {  	v44 =	vshll.u32 v26, $0x10;
	v24 =	vmul.f32 v24, v40;
	[tilespmem:s13+$0x6870] =	vst v22  }
0x21d: {  	v48 =	vperm.xlane v17, v8;
	v27 =	vand.u32 $0xFFFF0000, v53;
	v46 =	vmul.f32 v44, v40;
	[tilespmem:s13+$0x6880] =	vst v34  }
0x21e: {  	v49 =	vshll.u32 v55, $0x10;
	v23 =	vmul.f32 v27, v40;
	[tilespmem:s13+$0x6890] =	vst v24  }
0x21f: {  	v45 =	vand.u32 $0xFFFF0000, v26;
	v51 =	vshll.u32 v32, $0x10;
	v26 =	vmul.f32 v49, v48;
	[tilespmem:s13+$0x68A0] =	vst v46  }
0x220: {  	v27 =	vmul.f32 v51, v48;
	[tilespmem:s13+$0x68D0] =	vst v23  }
0x221: {  	v47 =	vshll.u32 v53, $0x10;
	v22 =	vmul.f32 v45, v40;
	[tilespmem:s13+$0x68E0] =	vst v26  }
0x222: {  	v52 =	vand.u32 $0xFFFF0000, v32;
	v28 =	vmul.f32 v47, v40;
	[tilespmem:s13+$0x6900] =	vst v27  }
0x223: {  	v53 =	vshll.u32 v57, $0x10;
	v23 =	vmul.f32 v52, v48;
	[tilespmem:s13+$0x68B0] =	vst v22  }
0x224: {  	v50 =	vand.u32 $0xFFFF0000, v55;
	v55 =	vshll.u32 v59, $0x10;
	v26 =	vmul.f32 v53, v48;
	[tilespmem:s13+$0x68C0] =	vst v28  }
0x225: {  	v27 =	vmul.f32 v55, v48;
	[tilespmem:s13+$0x6910] =	vst v23  }
0x226: {  	v56 =	vand.u32 $0xFFFF0000, v59;
	v22 =	vmul.f32 v50, v48;
	[tilespmem:s13+$0x6920] =	vst v26  }
0x227: {  	v54 =	vand.u32 $0xFFFF0000, v57;
	v23 =	vmul.f32 v56, v48;
	[tilespmem:s13+$0x6940] =	vst v27  }
0x228: {  	[tilespmem:s13+$0x68F0] =	vst v22;
	v22 =	vmul.f32 v54, v48  }
0x229: {  	[tilespmem:s13+$0x6950] =	vst v23  }
0x22a: {  	[tilespmem:s13+$0x6930] =	vst v22  }
0x22b: {  	v22 =	vld [tilespmem:s14+$0x1BE0]  }
0x22c: {  	v23 =	vld [tilespmem:s14+$0x1BF0]  }
0x22d: {  	v57 =	vld [tilespmem:s14+$0x1C00]  }
0x22e: {  	v58 =	vperm.xlane v17, v9;
	v26 =	vld [tilespmem:s14+$0x1C10]  }
0x22f: {  	v59 =	vshll.u32 v18, $0x10;
	v28 =	vld [tilespmem:s14+$0x1C20]  }
0x230: {  	v18 =	vand.u32 $0xFFFF0000, v18;
	v29 =	vmul.f32 v59, v58;
	v60 =	vld [tilespmem:s14+$0x1C30]  }
0x231: {  	v62 =	vshll.u32 v19, $0x10;
	v18 =	vmul.f32 v18, v58;
	v61 =	vld [tilespmem:s14+$0x1C40]  }
0x232: {  	v19 =	vand.u32 $0xFFFF0000, v19;
	v34 =	vmul.f32 v62, v58;
	v63 =	vld [tilespmem:s14+$0x1C50];
	[tilespmem:s13+$0x6960] =	vst v29  }
0x233: {  	v37 =	vshll.u32 v20, $0x10;
	v19 =	vmul.f32 v19, v58;
	[tilespmem:s13+$0x6970] =	vst v18  }
0x234: {  	v39 =	vshll.u32 v21, $0x10;
	v21 =	vand.u32 $0xFFFF0000, v21;
	v38 =	vmul.f32 v37, v58;
	[tilespmem:s13+$0x6980] =	vst v34  }
0x235: {  	v21 =	vmul.f32 v21, v58;
	[tilespmem:s13+$0x6990] =	vst v19  }
0x236: {  	v18 =	vand.u32 $0xFFFF0000, v20;
	v19 =	vperm.xlane v17, v10;
	v29 =	vmul.f32 v39, v58;
	[tilespmem:s13+$0x69A0] =	vst v38  }
0x237: {  	v40 =	vshll.u32 v25, $0x10;
	[tilespmem:s13+$0x69D0] =	vst v21;
	v18 =	vmul.f32 v18, v58  }
0x238: {  	v41 =	vshll.u32 v42, $0x10;
	v42 =	vand.u32 $0xFFFF0000, v42;
	v20 =	vmul.f32 v40, v19;
	[tilespmem:s13+$0x69C0] =	vst v29  }
0x239: {  	v21 =	vmul.f32 v42, v19;
	[tilespmem:s13+$0x69B0] =	vst v18  }
0x23a: {  	v18 =	vand.u32 $0xFFFF0000, v25;
	v25 =	vmul.f32 v41, v19;
	[tilespmem:s13+$0x69E0] =	vst v20  }
0x23b: {  	v43 =	vshll.u32 v31, $0x10;
	v18 =	vmul.f32 v18, v19;
	[tilespmem:s13+$0x6A10] =	vst v21  }
0x23c: {  	v44 =	vshll.u32 v35, $0x10;
	v20 =	vmul.f32 v43, v19;
	[tilespmem:s13+$0x6A00] =	vst v25  }
0x23d: {  	v25 =	vmul.f32 v44, v19;
	[tilespmem:s13+$0x69F0] =	vst v18;
	v18 =	vand.u32 $0xFFFF0000, v31  }
0x23e: {  	v45 =	vand.u32 $0xFFFF0000, v35;
	[tilespmem:s13+$0x6A20] =	vst v20;
	v18 =	vmul.f32 v18, v19  }
0x23f: {  	v19 =	vmul.f32 v45, v19;
	[tilespmem:s13+$0x6A40] =	vst v25  }
0x240: {  	[tilespmem:s13+$0x6A30] =	vst v18  }
0x241: {  	[tilespmem:s13+$0x6A50] =	vst v19  }
0x242: {  	v18 =	vld [tilespmem:s14+$0x1C60]  }
0x243: {  	v19 =	vld [tilespmem:s14+$0x1C70]  }
0x244: {  	v20 =	vld [tilespmem:s14+$0x1C80]  }
0x245: {  	v46 =	vperm.xlane v17, v11;
	v21 =	vld [tilespmem:s14+$0x1C90]  }
0x246: {  	v47 =	vshll.u32 v22, $0x10;
	v27 =	vld [tilespmem:s14+$0x1CA0]  }
0x247: {  	v22 =	vand.u32 $0xFFFF0000, v22;
	v29 =	vmul.f32 v47, v46;
	v30 =	vld [tilespmem:s14+$0x1CB0]  }
0x248: {  	v48 =	vshll.u32 v23, $0x10;
	v22 =	vmul.f32 v22, v46;
	v31 =	vld [tilespmem:s14+$0x1CC0]  }
0x249: {  	v23 =	vand.u32 $0xFFFF0000, v23;
	v34 =	vmul.f32 v48, v46;
	v35 =	vld [tilespmem:s14+$0x1CD0];
	[tilespmem:s13+$0x6A60] =	vst v29  }
0x24a: {  	v53 =	vperm.xlane v17, v12;
	v49 =	vshll.u32 v57, $0x10;
	v23 =	vmul.f32 v23, v46;
	[tilespmem:s13+$0x6A70] =	vst v22  }
0x24b: {  	v52 =	vshll.u32 v26, $0x10;
	v26 =	vand.u32 $0xFFFF0000, v26;
	v51 =	vmul.f32 v49, v46;
	[tilespmem:s13+$0x6A80] =	vst v34  }
0x24c: {  	v54 =	vshll.u32 v28, $0x10;
	v25 =	vmul.f32 v26, v46;
	[tilespmem:s13+$0x6A90] =	vst v23  }
0x24d: {  	v56 =	vshll.u32 v60, $0x10;
	v24 =	vmul.f32 v54, v53;
	[tilespmem:s13+$0x6AA0] =	vst v51  }
0x24e: {  	v50 =	vand.u32 $0xFFFF0000, v57;
	v26 =	vmul.f32 v56, v53;
	[tilespmem:s13+$0x6AD0] =	vst v25  }
0x24f: {  	v22 =	vmul.f32 v50, v46;
	[tilespmem:s13+$0x6AE0] =	vst v24  }
0x250: {  	v57 =	vand.u32 $0xFFFF0000, v60;
	v29 =	vmul.f32 v52, v46;
	[tilespmem:s13+$0x6B00] =	vst v26  }
0x251: {  	v58 =	vshll.u32 v61, $0x10;
	v25 =	vmul.f32 v57, v53;
	[tilespmem:s13+$0x6AB0] =	vst v22  }
0x252: {  	v60 =	vshll.u32 v63, $0x10;
	v24 =	vmul.f32 v58, v53;
	[tilespmem:s13+$0x6AC0] =	vst v29  }
0x253: {  	v55 =	vand.u32 $0xFFFF0000, v28;
	v26 =	vmul.f32 v60, v53;
	[tilespmem:s13+$0x6B10] =	vst v25  }
0x254: {  	v59 =	vand.u32 $0xFFFF0000, v61;
	v61 =	vand.u32 $0xFFFF0000, v63;
	v22 =	vmul.f32 v55, v53;
	[tilespmem:s13+$0x6B20] =	vst v24  }
0x255: {  	v23 =	vmul.f32 v61, v53;
	[tilespmem:s13+$0x6B40] =	vst v26  }
0x256: {  	[tilespmem:s13+$0x6AF0] =	vst v22;
	v22 =	vmul.f32 v59, v53  }
0x257: {  	[tilespmem:s13+$0x6B50] =	vst v23  }
0x258: {  	[tilespmem:s13+$0x6B30] =	vst v22  }
0x259: {  	v22 =	vld [tilespmem:s14+$0x1CE0]  }
0x25a: {  	v23 =	vld [tilespmem:s14+$0x1CF0]  }
0x25b: {  	v24 =	vld [tilespmem:s14+$0x1D00]  }
0x25c: {  	v63 =	vperm.xlane v17, v13;
	v62 =	vld [tilespmem:s14+$0x1D10]  }
0x25d: {  	v41 =	vshll.u32 v18, $0x10;
	v40 =	vld [tilespmem:s14+$0x1D20]  }
0x25e: {  	v18 =	vand.u32 $0xFFFF0000, v18;
	v29 =	vmul.f32 v41, v63;
	v42 =	vld [tilespmem:s14+$0x1D30]  }
0x25f: {  	v44 =	vshll.u32 v19, $0x10;
	v18 =	vmul.f32 v18, v63;
	v43 =	vld [tilespmem:s14+$0x1D40]  }
0x260: {  	v19 =	vand.u32 $0xFFFF0000, v19;
	v34 =	vmul.f32 v44, v63;
	v45 =	vld [tilespmem:s14+$0x1D50];
	[tilespmem:s13+$0x6B60] =	vst v29  }
0x261: {  	v46 =	vshll.u32 v20, $0x10;
	v19 =	vmul.f32 v19, v63;
	[tilespmem:s13+$0x6B70] =	vst v18  }
0x262: {  	v48 =	vshll.u32 v21, $0x10;
	v21 =	vand.u32 $0xFFFF0000, v21;
	v47 =	vmul.f32 v46, v63;
	[tilespmem:s13+$0x6B80] =	vst v34  }
0x263: {  	v21 =	vmul.f32 v21, v63;
	[tilespmem:s13+$0x6B90] =	vst v19  }
0x264: {  	v18 =	vand.u32 $0xFFFF0000, v20;
	v19 =	vperm.xlane v17, v14;
	v29 =	vmul.f32 v48, v63;
	[tilespmem:s13+$0x6BA0] =	vst v47  }
0x265: {  	v49 =	vshll.u32 v27, $0x10;
	[tilespmem:s13+$0x6BD0] =	vst v21;
	v18 =	vmul.f32 v18, v63  }
0x266: {  	v50 =	vshll.u32 v30, $0x10;
	v20 =	vmul.f32 v49, v19;
	[tilespmem:s13+$0x6BC0] =	vst v29  }
0x267: {  	v51 =	vand.u32 $0xFFFF0000, v30;
	v26 =	vmul.f32 v50, v19;
	[tilespmem:s13+$0x6BB0] =	vst v18  }
0x268: {  	v21 =	vmul.f32 v51, v19;
	v18 =	vand.u32 $0xFFFF0000, v27;
	[tilespmem:s13+$0x6BE0] =	vst v20  }
0x269: {  	v52 =	vshll.u32 v31, $0x10;
	v18 =	vmul.f32 v18, v19;
	[tilespmem:s13+$0x6C00] =	vst v26  }
0x26a: {  	v55 =	vperm.xlane v17, v15;
	v53 =	vshll.u32 v35, $0x10;
	v20 =	vmul.f32 v52, v19;
	[tilespmem:s13+$0x6C10] =	vst v21  }
0x26b: {  	v26 =	vmul.f32 v53, v19;
	v56 =	vand.u32 $0xFFFF0000, v22;
	[tilespmem:s13+$0x6BF0] =	vst v18  }
0x26c: {  	v59 =	vand.u32 $0xFFFF0000, v62;
	v21 =	vmul.f32 v56, v55;
	[tilespmem:s13+$0x6C20] =	vst v20  }
0x26d: {  	v18 =	vand.u32 $0xFFFF0000, v31;
	[tilespmem:s13+$0x6C40] =	vst v26;
	v20 =	vmul.f32 v59, v55  }
0x26e: {  	v54 =	vand.u32 $0xFFFF0000, v35;
	v18 =	vmul.f32 v18, v19;
	[tilespmem:s13+$0x6C70] =	vst v21  }
0x26f: {  	v17 =	vperm.xlane v17, v16;
	v58 =	vand.u32 $0xFFFF0000, v24;
	v19 =	vmul.f32 v54, v19;
	[tilespmem:s13+$0x6CD0] =	vst v20  }
0x270: {  	v61 =	vand.u32 $0xFFFF0000, v42;
	v21 =	vmul.f32 v58, v55;
	[tilespmem:s13+$0x6C30] =	vst v18  }
0x271: {  	v20 =	vmul.f32 v61, v17;
	v18 =	vshll.u32 v22, $0x10;
	[tilespmem:s13+$0x6C50] =	vst v19  }
0x272: {  	v19 =	vshll.u32 v23, $0x10;
	[tilespmem:s13+$0x6CB0] =	vst v21;
	v18 =	vmul.f32 v18, v55  }
0x273: {  	v57 =	vand.u32 $0xFFFF0000, v23;
	v19 =	vmul.f32 v19, v55;
	[tilespmem:s13+$0x6D10] =	vst v20  }
0x274: {  	v22 =	vmul.f32 v57, v55;
	[tilespmem:s13+$0x6C60] =	vst v18;
	v18 =	vshll.u32 v24, $0x10  }
0x275: {  	[tilespmem:s13+$0x6C80] =	vst v19;
	v19 =	vshll.u32 v62, $0x10;
	v18 =	vmul.f32 v18, v55  }
0x276: {  	v60 =	vand.u32 $0xFFFF0000, v40;
	[tilespmem:s13+$0x6C90] =	vst v22;
	v19 =	vmul.f32 v19, v55  }
0x277: {  	v21 =	vmul.f32 v60, v17;
	[tilespmem:s13+$0x6CA0] =	vst v18;
	v18 =	vshll.u32 v40, $0x10  }
0x278: {  	[tilespmem:s13+$0x6CC0] =	vst v19;
	v19 =	vshll.u32 v42, $0x10;
	v18 =	vmul.f32 v18, v17  }
0x279: {  	[tilespmem:s13+$0x6CF0] =	vst v21;
	v62 =	vand.u32 $0xFFFF0000, v43;
	v19 =	vmul.f32 v19, v17  }
0x27a: {  	p1 =	seq.s32 s28, $0x0;
	v21 =	vmul.f32 v62, v17;
	[tilespmem:s13+$0x6CE0] =	vst v18;
	v18 =	vshll.u32 v43, $0x10  }
.Ltmp6:
0x27b: {  	[tilespmem:s13+$0x6D00] =	vst v19;
	v19 =	vshll.u32 v45, $0x10;
	v18 =	vmul.f32 v18, v17;
	(pc) =	sbr.rel @p1 .LBB2_7-.Ltmp6, $4  }
0x27c: {  	v63 =	vand.u32 $0xFFFF0000, v45;
	[tilespmem:s13+$0x6D30] =	vst v21;
	v19 =	vmul.f32 v19, v17  }
0x27d: {  	v17 =	vmul.f32 v63, v17;
	[tilespmem:s13+$0x6D20] =	vst v18  }
0x27e: {  	[tilespmem:s13+$0x6D40] =	vst v19  }
0x27f: {  	[tilespmem:s13+$0x6D50] =	vst v17  }
0x280: {  	p1 =	sgt.u32 s28, $0x77  }
0x281: {  	p2 =	sne.s32 @!p1 s12, $0x1  }
0x282: {  	p1 =	por p1, p2  }
.Ltmp7:
0x283: {  	s8 =	sxor.u32 $0x1, s5;
	(pc) =	sbr.rel @p1 .LBB2_10-.Ltmp7, $4  }
0x284: {  	s8 =	sor.u32 $0x4, s8  }
0x285: {  	_ =	swait.ge [sflag:s8], $0x2800  }
0x286: {  	[sflag:s8] =	ssyncset.done $0x0  }
0x287: {  	[sflag:s8] =	ssyncadd.s32 $0xFFFFD800  }
0x288: {  	s8 =	sadd.s32 $0x1, s11  }
0x289: {  	s11 =	smul.u32 $0x190, s8;
	_ =	sdelay $0x1  }
0x28a: {  	s8 =	sand.u32 $0x1, s8;
	s11 =	sadd.s32 s9, s11  }
0x28b: {  	p1 =	seq.s32 s8, $0x1;
	s8 =	simm.s32 $0x190;
	s11 =	sshrl.u32 s11, $0x3  }
0x28c: {  	s8 =	simm.s32 @!p1 $0x0;
	s12 =	sadd.s32 s7, s11  }
0x28d: {  	[tilespmem:s8], [sflag:$0x6] =	stream.linear.gather [hbm4b:s12+s6], $0x190, $0x38;
	[tilespmem:$0x1CDE0] =	vst v63  }
0x28e: {  	s29 =	sadd.s32 $0x320, s8;
	s13 =	sadd.s32 s2, s11  }
0x28f: {  	[tilespmem:s29], [sflag:$0x6] =	stream.linear.gather [hbm4b:s13+s6], $0x190, $0x38;
	[tilespmem:$0x1CDE0] =	vst v63  }
0x290: {  	s11 =	sadd.s32 s3, s11;
	s8 =	sor.u32 $0x640, s8  }
0x291: {  	[tilespmem:s8], [sflag:$0x6] =	stream.linear.gather [hbm4b:s11+s6], $0x190, $0x38;
	[tilespmem:$0x1CDE0] =	vst v63  }
.LBB2_11:
0x292: {  	s11 =	sadd.s32 $0x2, s28  }
0x293: {  	s8 =	smul.u32 $0xCD, s11;
	_ =	sdelay $0x1  }
0x294: {  	s8 =	sshrl.u32 s8, $0xA  }
0x295: {  	s8 =	sand.u32 $0x3F, s8  }
0x296: {  	s12 =	smul.u32 $0xFFFFFFFB, s8;
	_ =	sdelay $0x1  }
0x297: {  	p1 =	slt.u32 s28, $0x3;
	s13 =	sadd.s32 s11, s12  }
0x298: {  	p2 =	sne.s32 @!p1 s13, $0x0  }
0x299: {  	p3 =	por p2, p1  }
0x29a: {  	s14 =	simm.s32 @!p3 $0x6  }
0x29b: {  	_ =	swait.ge @!p3 [sflag:s14], $0x190  }
0x29c: {  	[sflag:s14] =	ssyncset.done @!p3 $0x0  }
0x29d: {  	[sflag:s14] =	ssyncadd.s32 @!p3 $0xFFFFFE70  }
0x29e: {  	_ =	swait.ge @!p3 [sflag:s14], $0x190  }
.Ltmp8:
0x29f: {  	[sflag:s14] =	ssyncset.done @!p3 $0x0;
	(pc) =	sbr.rel .LBB2_12-.Ltmp8, $4  }
0x2a0: {  	[sflag:s14] =	ssyncadd.s32 @!p3 $0xFFFFFE70  }
0x2a1: {  	s12 =	smov.u32 s13;
	p2 =	por !p2, p1;
	_ =	swait.ge @!p3 [sflag:s14], $0x190  }
0x2a2: {  	s12 =	simm.s32 @p2 $0x0;
	[sflag:s14] =	ssyncset.done @!p3 $0x0  }
0x2a3: {  	s12 =	smov.u32 @p1 s13;
	[sflag:s14] =	ssyncadd.s32 @!p3 $0xFFFFFE70  }
.LBB2_10:
0x2a4: {  	p1 =	sgt.u32 s28, $0x7A  }
.Ltmp9:
0x2a5: {  	_ = 	snop;
	(pc) =	sbr.rel @p1 .LBB2_13-.Ltmp9, $4  }
.Ltmp10:
0x2a6: {  	_ = 	snop;
	(pc) =	sbr.rel @!p1 .LBB2_11-.Ltmp10, $4  }
0x2a7: {  	_ = 	snop  }
0x2a8: {  	_ = 	snop  }
0x2a9: {  	_ = 	snop  }
0x2aa: {  	_ = 	snop  }
.LBB2_15:
0x2ab: {  	_ =	sfence.sel $0x180000  }
0x2ac: {  	[bflag:$0x0] =	sbarrier.arrive $0xFFFF  }
0x2ad: {  	_ =	strace $0x90000047  }
0x2ae: {  	s0 =	stileid.u32;
	[bflag:$0x2] =	sbarrier.arrive $0xFFFF  }
0x2af: {  	p0 =	sne.s32 s0, $0x0;
	s0 =	rddreg [dreg:$0x4]  }
0x2b0: {  	s0 =	sadd.s32 @!p0 $0x100000, s0  }
0x2b1: {  	[sflag:s0] =	ssyncadd.tile.s32 @!p0 $0x1;
	_ =	shalt  }
.Lfunc_end2:
_tile_overlayer_lowered:
.L_overlay_start_2:
0x2b2: {  	(tag) =	ssettag $0x2  }
0x2b3: {  	s0 =	rddreg [dreg:$0x0];
	s2 =	stileid.u32  }
0x2b4: {  	s1 =	rddreg [dreg:$0x1];
	p0 =	sne.s32 s2, $0x0  }
0x2b5: {  	s3 =	rddreg [dreg:$0x2];
	[bflag:$0x3] =	sbarrier.arrive $0xFFFF;
	s2 =	simm.s32 @!p0 $0x1C07  }
0x2b6: {  	[timem:s3], [sflag:s2] =	dma.local @!p0 [hbm:s0], s1  }
0x2b7: {  	s0 =	simm.s32 @!p0 $0x7  }
0x2b8: {  	_ =	swait.ge @!p0 [sflag:s0], s1  }
0x2b9: {  	s1 =	ssub.s32 @!p0 $0x0, s1;
	[sflag:s0] =	ssyncset.done @!p0 $0x0  }
0x2ba: {  	[sflag:s0] =	ssyncadd.s32 @!p0 s1  }
0x2bb: {  	[bflag:$0x3] =	sbarrier.arrive $0xFFFF  }
0x2bc: {  	_ =	shalt  }

</sc_bundles>
